<compile_context>
chip_gen: v7x
topology: tpu7x:2x2x1
jax: 0.10.2.dev20260603
libtpu: 0.0.44.dev20260713+nightly
codegen_flags: <defaults>
</compile_context>

<pallas_src>
import functools
import math

import jax
import jax.numpy as jnp
import numpy as np
from jax import lax
from jax.experimental import pallas as pl
from jax.experimental.pallas import tpu as pltpu
from jax.experimental.pallas import tpu_sc as plsc

N = 10000
E = 160000
D = 128
MUL = 32
NB = 20
CTR_W = 256
NBR_W = 384

NC = 2
NS = 16
CH = 128
NCHUNK = E // CH


def _const_mats():
    S = np.zeros((D, 64), np.float32)
    for m in range(MUL):
        S[m, m] = 1.0
        for t in range(3):
            S[MUL + 3 * m + t, MUL + m] = 1.0
    B32 = np.zeros((D, D), np.float32)
    for i in range(D):
        for j in range(D):
            if i // 32 == j // 32:
                B32[i, j] = 1.0
    P = np.zeros((D, 64), np.float32)
    for i in range(D):
        for j in range(64):
            if i // 64 == j // 32:
                P[i, j] = 1.0
    R = np.zeros((64, D), np.float32)
    for k in range(D):
        R[k if k < MUL else MUL + (k - MUL) // 3, k] = 1.0
    return S, B32, P, R


_S, _B32, _P, _R = _const_mats()


def _pack16(a, b):
    ua = lax.bitcast_convert_type(a, jnp.uint32)
    ub = lax.bitcast_convert_type(b, jnp.uint32)
    hi = (ua + jnp.uint32(0x8000)) & jnp.uint32(0xFFFF0000)
    lo = (ub + jnp.uint32(0x8000)) >> jnp.uint32(16)
    return lax.bitcast_convert_type(hi | lo, jnp.int32)


def _unpack_hi(p):
    u = lax.bitcast_convert_type(p, jnp.uint32)
    return lax.bitcast_convert_type(u & jnp.uint32(0xFFFF0000), jnp.float32)


def _unpack_lo(p):
    u = lax.bitcast_convert_type(p, jnp.uint32)
    return lax.bitcast_convert_type(u << jnp.uint32(16), jnp.float32)


def _proj_body(x_ref, wq_ref, wqs_ref, wk_ref, wv_ref, wks_ref, wvs_ref,
               ctr_ref, nbr_ref):
    x = x_ref[...]
    dn = (((1,), (1,)), ((), ()))
    dot = functools.partial(lax.dot_general, dimension_numbers=dn,
                            preferred_element_type=jnp.float32)
    ctr_ref[:, 0:D] = _pack16(x, dot(x, wq_ref[...]))
    ctr_ref[:, D:2 * D] = lax.bitcast_convert_type(dot(x, wqs_ref[...]),
                                                   jnp.int32)
    nbr_ref[:, 0:D] = _pack16(x, dot(x, wk_ref[...]))
    nbr_ref[:, D:2 * D] = _pack16(dot(x, wv_ref[...]), dot(x, wks_ref[...]))
    vs = lax.bitcast_convert_type(dot(x, wvs_ref[...]), jnp.int32)
    nbr_ref[:, 2 * D:2 * D + 64] = vs
    nbr_ref[:, 2 * D + 64:3 * D] = jnp.zeros_like(vs)


def _proj(x, wq, wqs, wk, wv, wks, wvs, *, interpret=False):
    bn = 1000
    grid = (N // bn,)
    full = lambda a: pl.BlockSpec(a.shape, lambda i: (0,) * a.ndim)
    return pl.pallas_call(
        _proj_body,
        grid=grid,
        in_specs=[pl.BlockSpec((bn, D), lambda i: (i, 0))] +
                 [full(w) for w in (wq, wqs, wk, wv, wks, wvs)],
        out_specs=[pl.BlockSpec((bn, CTR_W), lambda i: (i, 0)),
                   pl.BlockSpec((bn, NBR_W), lambda i: (i, 0))],
        out_shape=[jax.ShapeDtypeStruct((N, CTR_W), jnp.int32),
                   jax.ShapeDtypeStruct((N, NBR_W), jnp.int32)],
        interpret=interpret,
    )(x, wq, wqs, wk, wv, wks, wvs)


def _gather_body(nblocks, pw, ch, table_ref, idx2d_hbm, out_ref,
                 idxb, rows0, rows1, g0, g1, w0, w1):
    wid = lax.axis_index("c") * NS + lax.axis_index("s")
    c0 = wid * pw
    cnt = jnp.clip(nblocks - c0, 0, pw)

    pltpu.sync_copy(idx2d_hbm.at[pl.ds(c0, pw)], idxb)

    rows = (rows0, rows1)
    gs = (g0, g1)
    ws = (w0, w1)

    def step(i2, carry):
        for b in range(2):
            i = 2 * i2 + b

            @pl.when(i < cnt)
            def _(b=b, i=i):
                @pl.when(i2 > 0)
                def _():
                    pltpu.make_async_copy(
                        rows[b], out_ref.at[pl.ds(0, ch)], ws[b]).wait()

                pltpu.async_copy(table_ref.at[idxb.at[i]], rows[b], gs[b])

        for b in range(2):
            i = 2 * i2 + b

            @pl.when(i < cnt)
            def _(b=b, i=i):
                pltpu.make_async_copy(
                    table_ref.at[idxb.at[i]], rows[b], gs[b]).wait()
                pltpu.async_copy(rows[b], out_ref.at[pl.ds((c0 + i) * ch, ch)],
                                 ws[b])

        return carry

    lax.fori_loop(0, pw // 2, step, 0)

    for b in range(2):
        @pl.when(b < cnt)
        def _(b=b):
            pltpu.make_async_copy(rows[b], out_ref.at[pl.ds(0, ch)],
                                  ws[b]).wait()


def _gather(table, idx, width, ch):
    mesh = plsc.VectorSubcoreMesh(core_axis_name="c", subcore_axis_name="s")
    nblocks = idx.shape[0] // ch
    pw = -(-nblocks // (NC * NS))
    pw = -(-pw // 8) * 8
    call = pl.kernel(
        functools.partial(_gather_body, nblocks, pw, ch),
        out_type=jax.ShapeDtypeStruct((idx.shape[0], width), jnp.int32),
        mesh=mesh,
        scratch_types=[
            pltpu.VMEM((pw, ch), jnp.int32),
            pltpu.VMEM((ch, width), jnp.int32),
            pltpu.VMEM((ch, width), jnp.int32),
            pltpu.SemaphoreType.DMA,
            pltpu.SemaphoreType.DMA,
            pltpu.SemaphoreType.DMA,
            pltpu.SemaphoreType.DMA,
        ],
    )
    idx2d = jnp.pad(idx.reshape(nblocks, ch),
                    ((0, NC * NS * pw - nblocks), (0, 0)))
    return call(table, idx2d)


def _gather2_body(nblocks, pw, ch, ctab_ref, ntab_ref, idxc_hbm, idxn_hbm,
                  outc_ref, outn_ref, idxcb, idxnb,
                  c_r0, c_r1, n_r0, n_r1,
                  gc0, gc1, gn0, gn1, wc0, wc1, wn0, wn1):
    wid = lax.axis_index("c") * NS + lax.axis_index("s")
    c0 = wid * pw
    cnt = jnp.clip(nblocks - c0, 0, pw)

    pltpu.sync_copy(idxc_hbm.at[pl.ds(c0, pw)], idxcb)
    pltpu.sync_copy(idxn_hbm.at[pl.ds(c0, pw)], idxnb)

    cr = (c_r0, c_r1)
    nr = (n_r0, n_r1)
    gc = (gc0, gc1)
    gn = (gn0, gn1)
    wc = (wc0, wc1)
    wn = (wn0, wn1)

    def step(i2, carry):
        for b in range(2):
            i = 2 * i2 + b

            @pl.when(i < cnt)
            def _(b=b, i=i):
                @pl.when(i2 > 0)
                def _():
                    pltpu.make_async_copy(
                        cr[b], outc_ref.at[pl.ds(0, ch)], wc[b]).wait()
                    pltpu.make_async_copy(
                        nr[b], outn_ref.at[pl.ds(0, ch)], wn[b]).wait()

                pltpu.async_copy(ctab_ref.at[idxcb.at[i]], cr[b], gc[b])
                pltpu.async_copy(ntab_ref.at[idxnb.at[i]], nr[b], gn[b])

        for b in range(2):
            i = 2 * i2 + b

            @pl.when(i < cnt)
            def _(b=b, i=i):
                pltpu.make_async_copy(
                    ctab_ref.at[idxcb.at[i]], cr[b], gc[b]).wait()
                pltpu.async_copy(cr[b], outc_ref.at[pl.ds((c0 + i) * ch, ch)],
                                 wc[b])
                pltpu.make_async_copy(
                    ntab_ref.at[idxnb.at[i]], nr[b], gn[b]).wait()
                pltpu.async_copy(nr[b], outn_ref.at[pl.ds((c0 + i) * ch, ch)],
                                 wn[b])

        return carry

    lax.fori_loop(0, pw // 2, step, 0)

    for b in range(2):
        @pl.when(b < cnt)
        def _(b=b):
            pltpu.make_async_copy(cr[b], outc_ref.at[pl.ds(0, ch)],
                                  wc[b]).wait()
            pltpu.make_async_copy(nr[b], outn_ref.at[pl.ds(0, ch)],
                                  wn[b]).wait()


def _gather2(ctab, ntab, idxc, idxn, ch=64):
    mesh = plsc.VectorSubcoreMesh(core_axis_name="c", subcore_axis_name="s")
    ne = idxc.shape[0]
    nblocks = ne // ch
    pw = -(-nblocks // (NC * NS))
    pw = -(-pw // 8) * 8
    call = pl.kernel(
        functools.partial(_gather2_body, nblocks, pw, ch),
        out_type=[jax.ShapeDtypeStruct((ne, CTR_W), jnp.int32),
                  jax.ShapeDtypeStruct((ne, NBR_W), jnp.int32)],
        mesh=mesh,
        scratch_types=[
            pltpu.VMEM((pw, ch), jnp.int32),
            pltpu.VMEM((pw, ch), jnp.int32),
            pltpu.VMEM((ch, CTR_W), jnp.int32),
            pltpu.VMEM((ch, CTR_W), jnp.int32),
            pltpu.VMEM((ch, NBR_W), jnp.int32),
            pltpu.VMEM((ch, NBR_W), jnp.int32),
        ] + [pltpu.SemaphoreType.DMA] * 8,
    )
    pad = ((0, NC * NS * pw - nblocks), (0, 0))
    return call(ctab, ntab, jnp.pad(idxc.reshape(nblocks, ch), pad),
                jnp.pad(idxn.reshape(nblocks, ch), pad))


def _edge_body(ctr_ref, nbr_ref, rbf_ref, fcut_ref, rsh_ref,
               iw1_ref, ib1_ref, iw2_ref, ib2_ref,
               rw1_ref, rb1_ref, rw2_ref, rb2_ref,
               s_ref, b32_ref, p_ref, r_ref,
               msgs_ref, msge_ref):
    dn = (((1,), (1,)), ((), ()))
    dotT = functools.partial(lax.dot_general, dimension_numbers=dn,
                             preferred_element_type=jnp.float32)
    dot = functools.partial(lax.dot_general,
                            dimension_numbers=(((1,), (0,)), ((), ())),
                            preferred_element_type=jnp.float32)
    ctr = ctr_ref[...]
    nbr = nbr_ref[...]
    fcut = fcut_ref[...]
    x_i = _unpack_hi(ctr[:, 0:D])
    q_inv_c = _unpack_lo(ctr[:, 0:D])
    q_sph_c = lax.bitcast_convert_type(ctr[:, D:2 * D], jnp.float32)
    x_j = _unpack_hi(nbr[:, 0:D])
    k_inv_n = _unpack_lo(nbr[:, 0:D])
    v_inv_n = _unpack_hi(nbr[:, D:2 * D])
    k_sph_n = _unpack_lo(nbr[:, D:2 * D])
    v_sph_n = lax.bitcast_convert_type(nbr[:, 2 * D:2 * D + 64], jnp.float32)
    x_ij = x_j - x_i
    inv_x = dot(x_ij * x_ij, s_ref[...])
    h = dotT(inv_x, iw1_ref[...]) + ib1_ref[...]
    h = h * jax.nn.sigmoid(h)
    w_l = dotT(h, iw2_ref[...]) + ib2_ref[...]
    g = dotT(rbf_ref[...], rw1_ref[...]) + rb1_ref[...]
    g = g * jax.nn.sigmoid(g)
    w_r = dotT(g, rw2_ref[...]) + rb2_ref[...]
    w_ij = (w_l + w_r) * fcut
    t = (q_inv_c * w_ij) * k_inv_n
    attn_bc = dot(t, b32_ref[...]) * (1.0 / math.sqrt(D))
    msgs_ref[...] = attn_bc * v_inv_n
    t2 = (q_sph_c * w_ij) * k_sph_n
    gate = dot(t2, p_ref[...]) * (1.0 / math.sqrt(64)) * v_sph_n
    msge_ref[...] = dot(gate, r_ref[...]) * rsh_ref[...] * fcut


def _edge(ctr_rows, nbr_rows, rbf, fcut, rsh, weights, off=0, *,
          interpret=False):
    be = 2000
    ne = ctr_rows.shape[0]
    grid = (ne // be,)
    ob = off // be
    full = lambda a: pl.BlockSpec(a.shape, lambda i: (0,) * a.ndim)
    row = lambda w: pl.BlockSpec((be, w), lambda i: (i, 0))
    rowo = lambda w: pl.BlockSpec((be, w), lambda i: (i + ob, 0))
    return pl.pallas_call(
        _edge_body,
        grid=grid,
        in_specs=[row(CTR_W), row(NBR_W), rowo(NB), rowo(1), rowo(D)] +
                 [full(w) for w in weights],
        out_specs=[row(D), row(D)],
        out_shape=[jax.ShapeDtypeStruct((ne, D), jnp.float32),
                   jax.ShapeDtypeStruct((ne, D), jnp.float32)],
        interpret=interpret,
    )(ctr_rows, nbr_rows, rbf, fcut, rsh, *weights)


def _scatter_body(nblocks, pt, msgs_hbm, msge_hbm, bases_hbm, basee_hbm,
                  idx2d_hbm, outs_ref, oute_ref, msg0, msg1, idxb, acc,
                  m0, m1, s0, s1):
    cid = lax.axis_index("c")
    sid = lax.axis_index("s")
    rows = 632
    last_r0 = (NS - 1) * rows
    last_rows = N - last_r0
    c0 = sid * pt
    cnt = jnp.clip(nblocks - c0, 0, pt)
    msg = (msg0, msg1)
    ms = (m0, m1)
    ss = (s0, s1)

    def run(msg_hbm, base_hbm, out_ref):
        def slab_copy(src, dst):
            @pl.when(sid < NS - 1)
            def _():
                s = pl.ds(sid * rows, rows)
                pltpu.sync_copy(src.at[s], dst.at[s])

            @pl.when(sid == NS - 1)
            def _():
                s = pl.ds(last_r0, last_rows)
                pltpu.sync_copy(src.at[s], dst.at[s])

        pltpu.sync_copy(idx2d_hbm.at[pl.ds(c0, pt)], idxb)

        slab_copy(base_hbm, acc)
        plsc.subcore_barrier()

        def step(i2, carry):
            for b in range(2):
                i = 2 * i2 + b

                @pl.when(i < cnt)
                def _(b=b, i=i):
                    @pl.when(i2 > 0)
                    def _():
                        pltpu.make_async_copy(
                            msg[b], acc.at[idxb.at[0]], ss[b]).wait()

                    pltpu.async_copy(msg_hbm.at[pl.ds((c0 + i) * CH, CH)],
                                     msg[b], ms[b])

            for b in range(2):
                i = 2 * i2 + b

                @pl.when(i < cnt)
                def _(b=b, i=i):
                    pltpu.make_async_copy(
                        msg_hbm.at[pl.ds(0, CH)], msg[b], ms[b]).wait()
                    pltpu.async_copy(msg[b], acc.at[idxb.at[i]], ss[b],
                                     add=True)

            return carry

        lax.fori_loop(0, pt // 2, step, 0)

        for b in range(2):
            @pl.when(b < cnt)
            def _(b=b):
                pltpu.make_async_copy(msg[b], acc.at[idxb.at[0]], ss[b]).wait()

        plsc.subcore_barrier()
        slab_copy(acc, out_ref)

    @pl.when(cid == 0)
    def _():
        run(msgs_hbm, bases_hbm, outs_ref)

    @pl.when(cid == 1)
    def _():
        run(msge_hbm, basee_hbm, oute_ref)


def _scatter(msg_s, msg_e, base_s, base_e, idx):
    mesh = plsc.VectorSubcoreMesh(core_axis_name="c", subcore_axis_name="s")
    nblocks = idx.shape[0] // CH
    pt = -(-nblocks // NS)
    pt = -(-pt // 8) * 8
    call = pl.kernel(
        functools.partial(_scatter_body, nblocks, pt),
        out_type=[jax.ShapeDtypeStruct((N, D), jnp.float32),
                  jax.ShapeDtypeStruct((N, D), jnp.float32)],
        mesh=mesh,
        scratch_types=[
            pltpu.VMEM((CH, D), jnp.float32),
            pltpu.VMEM((CH, D), jnp.float32),
            pltpu.VMEM((pt, CH), jnp.int32),
            pltpu.VMEM_SHARED((N, D), jnp.float32),
            pltpu.SemaphoreType.DMA,
            pltpu.SemaphoreType.DMA,
            pltpu.SemaphoreType.DMA,
            pltpu.SemaphoreType.DMA,
        ],
    )
    idx2d = jnp.pad(idx.reshape(nblocks, CH), ((0, NS * pt - nblocks), (0, 0)))
    return call(msg_s, msg_e, base_s, base_e, idx2d)


def kernel(node_invariant, node_equivariant, rbf, fcut, rsh, edge_index,
           W_q, W_k, W_v, W_qs, W_ks, W_vs,
           rbf_w1, rbf_b1, rbf_w2, rbf_b2,
           inv_w1, inv_b1, inv_w2, inv_b2):
    center = edge_index[0]
    neighbor = edge_index[1]
    h = E // 2
    ctr_tab, nbr_tab = _proj(node_invariant, W_q, W_qs, W_k, W_v, W_ks, W_vs)
    weights = (inv_w1, inv_b1.reshape(1, D), inv_w2, inv_b2.reshape(1, D),
               rbf_w1, rbf_b1.reshape(1, D), rbf_w2, rbf_b2.reshape(1, D),
               jnp.asarray(_S), jnp.asarray(_B32), jnp.asarray(_P),
               jnp.asarray(_R))
    g1c, g1n = _gather2(ctr_tab, nbr_tab, center[:h], neighbor[:h])
    g2c, g2n = _gather2(ctr_tab, nbr_tab, center[h:], neighbor[h:])
    m1s, m1e = _edge(g1c, g1n, rbf, fcut, rsh, weights, 0)
    m2s, m2e = _edge(g2c, g2n, rbf, fcut, rsh, weights, h)
    s1, e1 = _scatter(m1s, m1e, node_invariant, node_equivariant, center[:h])
    s2, e2 = _scatter(m2s, m2e, s1, e1, center[h:])
    return s2, e2

# --- scband reference (transcript-rebuilt; emitter-appended) ---
"""Pipeline reference for scband-eculidean-attention-73899207295099 (READ-ONLY COPY).

The authoritative reference and input builder live on the scoring server;
editing this copy changes nothing except your own understanding.
"""

import math
import jax, jax.numpy as jnp
import numpy as np

N = 10000
E = 160000
D = 128          # node_dim
NH = 4           # num_heads
LMAX = 1
MUL = 32         # multiplicity per irrep (32x0e + 32x1o)
NUM_IRREPS = 64
NB = 20          # num_basis

def _param(key, shape, fan_in):
    return jax.random.normal(key, shape, jnp.float32) / math.sqrt(fan_in)

def setup_inputs(seed: int = 0):
    key = jax.random.key(seed)
    ks = jax.random.split(key, 24)
    inp = {}
    inp["node_invariant"] = jax.random.normal(ks[0], (N, D), jnp.float32)
    inp["node_equivariant"] = jax.random.normal(ks[1], (N, D), jnp.float32)
    inp["rbf"] = jax.random.normal(ks[2], (E, NB), jnp.float32)
    inp["fcut"] = jax.random.uniform(ks[3], (E, 1), jnp.float32)
    inp["rsh"] = jax.random.normal(ks[4], (E, D), jnp.float32)
    inp["edge_index"] = jax.random.randint(ks[5], (2, E), 0, N, jnp.int32)
    inp["W_q"] = _param(ks[6], (D, D), D)
    inp["W_k"] = _param(ks[7], (D, D), D)
    inp["W_v"] = _param(ks[8], (D, D), D)
    inp["W_qs"] = _param(ks[9], (D, D), D)
    inp["W_ks"] = _param(ks[10], (D, D), D)
    inp["W_vs"] = _param(ks[11], (NUM_IRREPS, D), D)
    inp["rbf_w1"] = _param(ks[12], (D, NB), NB)
    inp["rbf_b1"] = jnp.zeros((D,), jnp.float32)
    inp["rbf_w2"] = _param(ks[13], (D, D), D)
    inp["rbf_b2"] = jnp.zeros((D,), jnp.float32)
    inp["inv_w1"] = _param(ks[14], (D, NUM_IRREPS), NUM_IRREPS)
    inp["inv_b1"] = jnp.zeros((D,), jnp.float32)
    inp["inv_w2"] = _param(ks[15], (D, D), D)
    inp["inv_b2"] = jnp.zeros((D,), jnp.float32)
    return inp

def _equi_dot(x, y):
    # per-irrep dot product for irreps 32x0e + 32x1o over dim-128 features
    s = x[:, :MUL] * y[:, :MUL]
    xv = x[:, MUL:].reshape(-1, MUL, 3)
    yv = y[:, MUL:].reshape(-1, MUL, 3)
    v = (xv * yv).sum(-1)
    return jnp.concatenate([s, v], axis=1)

def _silu(x):
    return x * jax.nn.sigmoid(x)

def _forward(node_invariant, node_equivariant, rbf, fcut, rsh,
             W_q, W_k, W_v, W_qs, W_ks, W_vs,
             rbf_w1, rbf_b1, rbf_w2, rbf_b2,
             inv_w1, inv_b1, inv_w2, inv_b2, edge_index):
    e = edge_index.shape[1]
    center = edge_index[0]
    neighbor = edge_index[1]
    node_scalar = node_invariant        # layer_norm=False -> nn.Identity
    q_inv = node_scalar @ W_q.T
    k_inv = node_scalar @ W_k.T
    v_inv = node_scalar @ W_v.T
    q_sph = node_scalar @ W_qs.T
    k_sph = node_scalar @ W_ks.T
    v_sph = node_scalar @ W_vs.T
    # EquiFilter
    x_i = node_scalar[center]
    x_j = node_scalar[neighbor]
    x_ij = x_j - x_i
    inv_x = _equi_dot(x_ij, x_ij)
    w_l = _silu(inv_x @ inv_w1.T + inv_b1) @ inv_w2.T + inv_b2
    w_r = _silu(rbf @ rbf_w1.T + rbf_b1) @ rbf_w2.T + rbf_b2
    w_ij = (w_l + w_r) * fcut
    # scalar attention branch
    dh = D // NH
    query_scalar = (q_inv[center] * w_ij).reshape(e, NH, dh)
    key_scalar = k_inv[neighbor].reshape(e, NH, dh)
    value_scalar = v_inv[neighbor].reshape(e, NH, dh)
    attn_scalar = (query_scalar * key_scalar).sum(-1)[..., None] * (1.0 / math.sqrt(D))
    attn_msg_scalar = (attn_scalar * value_scalar).reshape(e, D)
    # equivariant attention branch
    de = D // (LMAX + 1)
    query_equi = (q_sph[center] * w_ij).reshape(e, LMAX + 1, de)
    key_equi = k_sph[neighbor].reshape(e, LMAX + 1, de)
    value_equi = v_sph[neighbor]
    attn_prim = (query_equi * key_equi).sum(-1) * (1.0 / math.sqrt(NUM_IRREPS))
    # repeat_interleave with repeat_scheme [32, 32]
    attn_equi = jnp.concatenate(
        [jnp.repeat(attn_prim[:, 0:1], MUL, axis=1),
         jnp.repeat(attn_prim[:, 1:2], MUL, axis=1)], axis=1)
    attn_gate = attn_equi * value_equi
    # rsh_conv: ElementwiseTensorProduct(32x0e+32x1o, 64x0e)
    s = rsh[:, :MUL] * attn_gate[:, :MUL]
    v = rsh[:, MUL:].reshape(e, MUL, 3) * attn_gate[:, MUL:][:, :, None]
    attn_msg_equi = jnp.concatenate([s, v.reshape(e, MUL * 3)], axis=1) * fcut
    out_scalar = node_invariant.at[center].add(attn_msg_scalar)
    out_equi = node_equivariant.at[center].add(attn_msg_equi)
    return out_scalar, out_equi

def reference(node_invariant, node_equivariant, rbf, fcut, rsh, edge_index,
              W_q, W_k, W_v, W_qs, W_ks, W_vs,
              rbf_w1, rbf_b1, rbf_w2, rbf_b2,
              inv_w1, inv_b1, inv_w2, inv_b2):
    return _forward(node_invariant, node_equivariant, rbf, fcut, rsh,
                    W_q, W_k, W_v, W_qs, W_ks, W_vs,
                    rbf_w1, rbf_b1, rbf_w2, rbf_b2,
                    inv_w1, inv_b1, inv_w2, inv_b2, edge_index)

if __name__ == "__main__":
    import jax
    _d = setup_inputs()
    print(jax.jit(kernel)(*tuple(_d.values())))

</pallas_src>

<mosaic_0001>
#map = affine_map<(d0, d1) -> (0, 0)>
module attributes {stable_mosaic.version = 14 : i64} {
  func.func @_gather2_body(%arg0: i32, %arg1: i32, %arg2: memref<10000x256xi32, #tpu.memory_space<hbm>>, %arg3: memref<10000x384xi32, #tpu.memory_space<hbm>>, %arg4: memref<1280x64xi32, #tpu.memory_space<hbm>>, %arg5: memref<1280x64xi32, #tpu.memory_space<hbm>>, %arg6: memref<80000x256xi32, #tpu.memory_space<hbm>>, %arg7: memref<80000x384xi32, #tpu.memory_space<hbm>>, %arg8: memref<40x64xi32, #tpu.memory_space<vmem>>, %arg9: memref<40x64xi32, #tpu.memory_space<vmem>>, %arg10: memref<64x256xi32, #tpu.memory_space<vmem>>, %arg11: memref<64x256xi32, #tpu.memory_space<vmem>>, %arg12: memref<64x384xi32, #tpu.memory_space<vmem>>, %arg13: memref<64x384xi32, #tpu.memory_space<vmem>>, %arg14: memref<!tpu.dma_semaphore, #tpu.memory_space<semaphore_mem>>, %arg15: memref<!tpu.dma_semaphore, #tpu.memory_space<semaphore_mem>>, %arg16: memref<!tpu.dma_semaphore, #tpu.memory_space<semaphore_mem>>, %arg17: memref<!tpu.dma_semaphore, #tpu.memory_space<semaphore_mem>>, %arg18: memref<!tpu.dma_semaphore, #tpu.memory_space<semaphore_mem>>, %arg19: memref<!tpu.dma_semaphore, #tpu.memory_space<semaphore_mem>>, %arg20: memref<!tpu.dma_semaphore, #tpu.memory_space<semaphore_mem>>, %arg21: memref<!tpu.dma_semaphore, #tpu.memory_space<semaphore_mem>>) attributes {dimension_semantics = [#tpu.dimension_semantics<core_parallel>, #tpu.dimension_semantics<subcore_parallel>], iteration_bounds = array<i64: 2, 16>, scalar_prefetch = 0 : i64, scratch_operands = 14 : i64, tpu.core_type = #tpu.core_type<sc_vector_subcore>, window_params = [{transform_indices = #map}, {transform_indices = #map}, {transform_indices = #map}, {transform_indices = #map}, {transform_indices = #map}, {transform_indices = #map}]} {
    %mul3A = arith.constant 16 : i32
    %mul3A_0 = arith.muli %arg0, %mul3A : i32
    %add3A = arith.addi %mul3A_0, %arg1 : i32
    %mul3A_1 = arith.constant 40 : i32
    %mul3A_2 = arith.muli %add3A, %mul3A_1 : i32
    %sub3A = arith.constant 1250 : i32
    %sub3A_3 = arith.subi %sub3A, %mul3A_2 : i32
    %jit3A = arith.constant 0 : i32
    %jit3A_4 = arith.constant 40 : i32
    %max3A = arith.maxsi %jit3A, %sub3A_3 : i32
    %min3A = arith.minsi %jit3A_4, %max3A : i32
    "tpu.region"() ({
      %run_scoped3A = tpu.sem_alloc : memref<!tpu.dma_semaphore, #tpu.memory_space<semaphore_mem>>
      %dma_start3A = arith.constant 0 : i32
      %dma_start3A_17 = tpu.memref_slice %arg4[%mul3A_2, %dma_start3A] : memref<1280x64xi32, #tpu.memory_space<hbm>> -> memref<40x64xi32, #tpu.memory_space<hbm>>
      %dma_start3A_18 = arith.constant 0 : i32
      %dma_start3A_19 = tpu.memref_slice %arg4[%mul3A_2, %dma_start3A_18] : memref<1280x64xi32, #tpu.memory_space<hbm>> -> memref<40x64xi32, #tpu.memory_space<hbm>>
      tpu.enqueue_dma source(%dma_start3A_19 : memref<40x64xi32, #tpu.memory_space<hbm>>) target(%arg8 : memref<40x64xi32, #tpu.memory_space<vmem>>) target_semaphore(%run_scoped3A : memref<!tpu.dma_semaphore, #tpu.memory_space<semaphore_mem>>)
      %dma_wait3A = arith.constant 0 : i32
      %dma_wait3A_20 = tpu.memref_slice %arg4[%mul3A_2, %dma_wait3A] : memref<1280x64xi32, #tpu.memory_space<hbm>> -> memref<40x64xi32, #tpu.memory_space<hbm>>
      %dma_wait3A_21 = arith.constant 0 : i32
      %dma_wait3A_22 = tpu.memref_slice %arg4[%mul3A_2, %dma_wait3A_21] : memref<1280x64xi32, #tpu.memory_space<hbm>> -> memref<40x64xi32, #tpu.memory_space<hbm>>
      tpu.wait_dma2 semaphore(%run_scoped3A : memref<!tpu.dma_semaphore, #tpu.memory_space<semaphore_mem>>) src(%dma_wait3A_22 : memref<40x64xi32, #tpu.memory_space<hbm>>) dst(%arg8 : memref<40x64xi32, #tpu.memory_space<vmem>>)
      tpu.yield
    }) : () -> ()
    "tpu.region"() ({
      %run_scoped3A = tpu.sem_alloc : memref<!tpu.dma_semaphore, #tpu.memory_space<semaphore_mem>>
      %dma_start3A = arith.constant 0 : i32
      %dma_start3A_17 = tpu.memref_slice %arg5[%mul3A_2, %dma_start3A] : memref<1280x64xi32, #tpu.memory_space<hbm>> -> memref<40x64xi32, #tpu.memory_space<hbm>>
      %dma_start3A_18 = arith.constant 0 : i32
      %dma_start3A_19 = tpu.memref_slice %arg5[%mul3A_2, %dma_start3A_18] : memref<1280x64xi32, #tpu.memory_space<hbm>> -> memref<40x64xi32, #tpu.memory_space<hbm>>
      tpu.enqueue_dma source(%dma_start3A_19 : memref<40x64xi32, #tpu.memory_space<hbm>>) target(%arg9 : memref<40x64xi32, #tpu.memory_space<vmem>>) target_semaphore(%run_scoped3A : memref<!tpu.dma_semaphore, #tpu.memory_space<semaphore_mem>>)
      %dma_wait3A = arith.constant 0 : i32
      %dma_wait3A_20 = tpu.memref_slice %arg5[%mul3A_2, %dma_wait3A] : memref<1280x64xi32, #tpu.memory_space<hbm>> -> memref<40x64xi32, #tpu.memory_space<hbm>>
      %dma_wait3A_21 = arith.constant 0 : i32
      %dma_wait3A_22 = tpu.memref_slice %arg5[%mul3A_2, %dma_wait3A_21] : memref<1280x64xi32, #tpu.memory_space<hbm>> -> memref<40x64xi32, #tpu.memory_space<hbm>>
      tpu.wait_dma2 semaphore(%run_scoped3A : memref<!tpu.dma_semaphore, #tpu.memory_space<semaphore_mem>>) src(%dma_wait3A_22 : memref<40x64xi32, #tpu.memory_space<hbm>>) dst(%arg9 : memref<40x64xi32, #tpu.memory_space<vmem>>)
      tpu.yield
    }) : () -> ()
    %scan3A = arith.constant 0 : i32
    %scan3A_5 = arith.constant 0 : i32
    %scan3A_6 = arith.constant 20 : i32
    %scan3A_7 = arith.addi %scan3A_5, %scan3A_6 : i32
    %scan3A_8 = arith.constant 1 : i32
    scf.for %scan3A_17 = %scan3A_5 to %scan3A_7 step %scan3A_8  : i32 {
      %mul3A_18 = arith.constant 2 : i32
      %mul3A_19 = arith.muli %mul3A_18, %scan3A_17 : i32
      %add3A_20 = arith.constant 0 : i32
      %add3A_21 = arith.addi %mul3A_19, %add3A_20 : i32
      %lt3A = arith.cmpi slt, %add3A_21, %min3A : i32
      %convert_element_type3A_22 = arith.extui %lt3A : i1 to i32
      %cond3A_23 = arith.constant 0 : i32
      %cond3A_24 = arith.cmpi ne, %convert_element_type3A_22, %cond3A_23 : i32
      scf.if %cond3A_24 {
        %gt3A_49 = arith.constant 0 : i32
        %gt3A_50 = arith.cmpi sgt, %scan3A_17, %gt3A_49 : i32
        %convert_element_type3A_51 = arith.extui %gt3A_50 : i1 to i32
        %cond3A_52 = arith.constant 0 : i32
        %cond3A_53 = arith.cmpi ne, %convert_element_type3A_51, %cond3A_52 : i32
        scf.if %cond3A_53 {
          %dma_wait3A = arith.constant 0 : i32
          %dma_wait3A_65 = arith.constant 0 : i32
          %dma_wait3A_66 = tpu.memref_slice %arg6[%dma_wait3A, %dma_wait3A_65] : memref<80000x256xi32, #tpu.memory_space<hbm>> -> memref<64x256xi32, #tpu.memory_space<hbm>>
          %dma_wait3A_67 = arith.constant 0 : i32
          %dma_wait3A_68 = arith.constant 0 : i32
          %dma_wait3A_69 = tpu.memref_slice %arg6[%dma_wait3A_67, %dma_wait3A_68] : memref<80000x256xi32, #tpu.memory_space<hbm>> -> memref<64x256xi32, #tpu.memory_space<hbm>>
          tpu.wait_dma2 semaphore(%arg18 : memref<!tpu.dma_semaphore, #tpu.memory_space<semaphore_mem>>) src(%arg10 : memref<64x256xi32, #tpu.memory_space<vmem>>) dst(%dma_wait3A_69 : memref<64x256xi32, #tpu.memory_space<hbm>>)
          %dma_wait3A_70 = arith.constant 0 : i32
          %dma_wait3A_71 = arith.constant 0 : i32
          %dma_wait3A_72 = tpu.memref_slice %arg7[%dma_wait3A_70, %dma_wait3A_71] : memref<80000x384xi32, #tpu.memory_space<hbm>> -> memref<64x384xi32, #tpu.memory_space<hbm>>
          %dma_wait3A_73 = arith.constant 0 : i32
          %dma_wait3A_74 = arith.constant 0 : i32
          %dma_wait3A_75 = tpu.memref_slice %arg7[%dma_wait3A_73, %dma_wait3A_74] : memref<80000x384xi32, #tpu.memory_space<hbm>> -> memref<64x384xi32, #tpu.memory_space<hbm>>
          tpu.wait_dma2 semaphore(%arg20 : memref<!tpu.dma_semaphore, #tpu.memory_space<semaphore_mem>>) src(%arg12 : memref<64x384xi32, #tpu.memory_space<vmem>>) dst(%dma_wait3A_75 : memref<64x384xi32, #tpu.memory_space<hbm>>)
        } else {
        }
        %dma_start3A = arith.constant 0 : i32
        %dma_start3A_54 = tpu.memref_slice %arg8[%add3A_21, %dma_start3A] : memref<40x64xi32, #tpu.memory_space<vmem>> -> memref<1x64xi32, #tpu.memory_space<vmem>>
        %dma_start3A_55 = tpu.memref_squeeze %dma_start3A_54 : memref<1x64xi32, #tpu.memory_space<vmem>> -> memref<64xi32, #tpu.memory_space<vmem>>
        %dma_start3A_56 = arith.constant 0 : i32
        %dma_start3A_57 = arith.constant 0 : i32
        %dma_start3A_58 = tpu.memref_slice %arg2[%dma_start3A_56, %dma_start3A_57] : memref<10000x256xi32, #tpu.memory_space<hbm>> -> memref<10000x256xi32, #tpu.memory_space<hbm>>
        tpu.enqueue_indirect_dma source(%dma_start3A_58 : memref<10000x256xi32, #tpu.memory_space<hbm>>) target(%arg10 : memref<64x256xi32, #tpu.memory_space<vmem>>) offsets(%dma_start3A_55 : memref<64xi32, #tpu.memory_space<vmem>>) semaphore(%arg14 : memref<!tpu.dma_semaphore, #tpu.memory_space<semaphore_mem>>)
        %dma_start3A_59 = arith.constant 0 : i32
        %dma_start3A_60 = tpu.memref_slice %arg9[%add3A_21, %dma_start3A_59] : memref<40x64xi32, #tpu.memory_space<vmem>> -> memref<1x64xi32, #tpu.memory_space<vmem>>
        %dma_start3A_61 = tpu.memref_squeeze %dma_start3A_60 : memref<1x64xi32, #tpu.memory_space<vmem>> -> memref<64xi32, #tpu.memory_space<vmem>>
        %dma_start3A_62 = arith.constant 0 : i32
        %dma_start3A_63 = arith.constant 0 : i32
        %dma_start3A_64 = tpu.memref_slice %arg3[%dma_start3A_62, %dma_start3A_63] : memref<10000x384xi32, #tpu.memory_space<hbm>> -> memref<10000x384xi32, #tpu.memory_space<hbm>>
        tpu.enqueue_indirect_dma source(%dma_start3A_64 : memref<10000x384xi32, #tpu.memory_space<hbm>>) target(%arg12 : memref<64x384xi32, #tpu.memory_space<vmem>>) offsets(%dma_start3A_61 : memref<64xi32, #tpu.memory_space<vmem>>) semaphore(%arg16 : memref<!tpu.dma_semaphore, #tpu.memory_space<semaphore_mem>>)
      } else {
      }
      %mul3A_25 = arith.constant 2 : i32
      %mul3A_26 = arith.muli %mul3A_25, %scan3A_17 : i32
      %add3A_27 = arith.constant 1 : i32
      %add3A_28 = arith.addi %mul3A_26, %add3A_27 : i32
      %lt3A_29 = arith.cmpi slt, %add3A_28, %min3A : i32
      %convert_element_type3A_30 = arith.extui %lt3A_29 : i1 to i32
      %cond3A_31 = arith.constant 0 : i32
      %cond3A_32 = arith.cmpi ne, %convert_element_type3A_30, %cond3A_31 : i32
      scf.if %cond3A_32 {
        %gt3A_49 = arith.constant 0 : i32
        %gt3A_50 = arith.cmpi sgt, %scan3A_17, %gt3A_49 : i32
        %convert_element_type3A_51 = arith.extui %gt3A_50 : i1 to i32
        %cond3A_52 = arith.constant 0 : i32
        %cond3A_53 = arith.cmpi ne, %convert_element_type3A_51, %cond3A_52 : i32
        scf.if %cond3A_53 {
          %dma_wait3A = arith.constant 0 : i32
          %dma_wait3A_65 = arith.constant 0 : i32
          %dma_wait3A_66 = tpu.memref_slice %arg6[%dma_wait3A, %dma_wait3A_65] : memref<80000x256xi32, #tpu.memory_space<hbm>> -> memref<64x256xi32, #tpu.memory_space<hbm>>
          %dma_wait3A_67 = arith.constant 0 : i32
          %dma_wait3A_68 = arith.constant 0 : i32
          %dma_wait3A_69 = tpu.memref_slice %arg6[%dma_wait3A_67, %dma_wait3A_68] : memref<80000x256xi32, #tpu.memory_space<hbm>> -> memref<64x256xi32, #tpu.memory_space<hbm>>
          tpu.wait_dma2 semaphore(%arg19 : memref<!tpu.dma_semaphore, #tpu.memory_space<semaphore_mem>>) src(%arg11 : memref<64x256xi32, #tpu.memory_space<vmem>>) dst(%dma_wait3A_69 : memref<64x256xi32, #tpu.memory_space<hbm>>)
          %dma_wait3A_70 = arith.constant 0 : i32
          %dma_wait3A_71 = arith.constant 0 : i32
          %dma_wait3A_72 = tpu.memref_slice %arg7[%dma_wait3A_70, %dma_wait3A_71] : memref<80000x384xi32, #tpu.memory_space<hbm>> -> memref<64x384xi32, #tpu.memory_space<hbm>>
          %dma_wait3A_73 = arith.constant 0 : i32
          %dma_wait3A_74 = arith.constant 0 : i32
          %dma_wait3A_75 = tpu.memref_slice %arg7[%dma_wait3A_73, %dma_wait3A_74] : memref<80000x384xi32, #tpu.memory_space<hbm>> -> memref<64x384xi32, #tpu.memory_space<hbm>>
          tpu.wait_dma2 semaphore(%arg21 : memref<!tpu.dma_semaphore, #tpu.memory_space<semaphore_mem>>) src(%arg13 : memref<64x384xi32, #tpu.memory_space<vmem>>) dst(%dma_wait3A_75 : memref<64x384xi32, #tpu.memory_space<hbm>>)
        } else {
        }
        %dma_start3A = arith.constant 0 : i32
        %dma_start3A_54 = tpu.memref_slice %arg8[%add3A_28, %dma_start3A] : memref<40x64xi32, #tpu.memory_space<vmem>> -> memref<1x64xi32, #tpu.memory_space<vmem>>
        %dma_start3A_55 = tpu.memref_squeeze %dma_start3A_54 : memref<1x64xi32, #tpu.memory_space<vmem>> -> memref<64xi32, #tpu.memory_space<vmem>>
        %dma_start3A_56 = arith.constant 0 : i32
        %dma_start3A_57 = arith.constant 0 : i32
        %dma_start3A_58 = tpu.memref_slice %arg2[%dma_start3A_56, %dma_start3A_57] : memref<10000x256xi32, #tpu.memory_space<hbm>> -> memref<10000x256xi32, #tpu.memory_space<hbm>>
        tpu.enqueue_indirect_dma source(%dma_start3A_58 : memref<10000x256xi32, #tpu.memory_space<hbm>>) target(%arg11 : memref<64x256xi32, #tpu.memory_space<vmem>>) offsets(%dma_start3A_55 : memref<64xi32, #tpu.memory_space<vmem>>) semaphore(%arg15 : memref<!tpu.dma_semaphore, #tpu.memory_space<semaphore_mem>>)
        %dma_start3A_59 = arith.constant 0 : i32
        %dma_start3A_60 = tpu.memref_slice %arg9[%add3A_28, %dma_start3A_59] : memref<40x64xi32, #tpu.memory_space<vmem>> -> memref<1x64xi32, #tpu.memory_space<vmem>>
        %dma_start3A_61 = tpu.memref_squeeze %dma_start3A_60 : memref<1x64xi32, #tpu.memory_space<vmem>> -> memref<64xi32, #tpu.memory_space<vmem>>
        %dma_start3A_62 = arith.constant 0 : i32
        %dma_start3A_63 = arith.constant 0 : i32
        %dma_start3A_64 = tpu.memref_slice %arg3[%dma_start3A_62, %dma_start3A_63] : memref<10000x384xi32, #tpu.memory_space<hbm>> -> memref<10000x384xi32, #tpu.memory_space<hbm>>
        tpu.enqueue_indirect_dma source(%dma_start3A_64 : memref<10000x384xi32, #tpu.memory_space<hbm>>) target(%arg13 : memref<64x384xi32, #tpu.memory_space<vmem>>) offsets(%dma_start3A_61 : memref<64xi32, #tpu.memory_space<vmem>>) semaphore(%arg17 : memref<!tpu.dma_semaphore, #tpu.memory_space<semaphore_mem>>)
      } else {
      }
      %mul3A_33 = arith.constant 2 : i32
      %mul3A_34 = arith.muli %mul3A_33, %scan3A_17 : i32
      %add3A_35 = arith.constant 0 : i32
      %add3A_36 = arith.addi %mul3A_34, %add3A_35 : i32
      %lt3A_37 = arith.cmpi slt, %add3A_36, %min3A : i32
      %convert_element_type3A_38 = arith.extui %lt3A_37 : i1 to i32
      %cond3A_39 = arith.constant 0 : i32
      %cond3A_40 = arith.cmpi ne, %convert_element_type3A_38, %cond3A_39 : i32
      scf.if %cond3A_40 {
        %dma_wait3A = arith.constant 0 : i32
        %dma_wait3A_49 = tpu.memref_slice %arg8[%add3A_36, %dma_wait3A] : memref<40x64xi32, #tpu.memory_space<vmem>> -> memref<1x64xi32, #tpu.memory_space<vmem>>
        %dma_wait3A_50 = tpu.memref_squeeze %dma_wait3A_49 : memref<1x64xi32, #tpu.memory_space<vmem>> -> memref<64xi32, #tpu.memory_space<vmem>>
        %dma_wait3A_51 = arith.constant 0 : i32
        %dma_wait3A_52 = arith.constant 0 : i32
        %dma_wait3A_53 = tpu.memref_slice %arg2[%dma_wait3A_51, %dma_wait3A_52] : memref<10000x256xi32, #tpu.memory_space<hbm>> -> memref<10000x256xi32, #tpu.memory_space<hbm>>
        tpu.wait_indirect_dma semaphore(%arg14 : memref<!tpu.dma_semaphore, #tpu.memory_space<semaphore_mem>>) src(%dma_wait3A_53 : memref<10000x256xi32, #tpu.memory_space<hbm>>) dst(%arg10 : memref<64x256xi32, #tpu.memory_space<vmem>>)
        %add3A_54 = arith.addi %mul3A_2, %add3A_36 : i32
        %mul3A_55 = arith.constant 64 : i32
        %mul3A_56 = arith.muli %add3A_54, %mul3A_55 : i32
        %dma_start3A = arith.constant 0 : i32
        %dma_start3A_57 = tpu.memref_slice %arg6[%mul3A_56, %dma_start3A] : memref<80000x256xi32, #tpu.memory_space<hbm>> -> memref<64x256xi32, #tpu.memory_space<hbm>>
        %dma_start3A_58 = arith.constant 0 : i32
        %dma_start3A_59 = tpu.memref_slice %arg6[%mul3A_56, %dma_start3A_58] : memref<80000x256xi32, #tpu.memory_space<hbm>> -> memref<64x256xi32, #tpu.memory_space<hbm>>
        tpu.enqueue_dma source(%arg10 : memref<64x256xi32, #tpu.memory_space<vmem>>) target(%dma_start3A_59 : memref<64x256xi32, #tpu.memory_space<hbm>>) target_semaphore(%arg18 : memref<!tpu.dma_semaphore, #tpu.memory_space<semaphore_mem>>)
        %dma_wait3A_60 = arith.constant 0 : i32
        %dma_wait3A_61 = tpu.memref_slice %arg9[%add3A_36, %dma_wait3A_60] : memref<40x64xi32, #tpu.memory_space<vmem>> -> memref<1x64xi32, #tpu.memory_space<vmem>>
        %dma_wait3A_62 = tpu.memref_squeeze %dma_wait3A_61 : memref<1x64xi32, #tpu.memory_space<vmem>> -> memref<64xi32, #tpu.memory_space<vmem>>
        %dma_wait3A_63 = arith.constant 0 : i32
        %dma_wait3A_64 = arith.constant 0 : i32
        %dma_wait3A_65 = tpu.memref_slice %arg3[%dma_wait3A_63, %dma_wait3A_64] : memref<10000x384xi32, #tpu.memory_space<hbm>> -> memref<10000x384xi32, #tpu.memory_space<hbm>>
        tpu.wait_indirect_dma semaphore(%arg16 : memref<!tpu.dma_semaphore, #tpu.memory_space<semaphore_mem>>) src(%dma_wait3A_65 : memref<10000x384xi32, #tpu.memory_space<hbm>>) dst(%arg12 : memref<64x384xi32, #tpu.memory_space<vmem>>)
        %add3A_66 = arith.addi %mul3A_2, %add3A_36 : i32
        %mul3A_67 = arith.constant 64 : i32
        %mul3A_68 = arith.muli %add3A_66, %mul3A_67 : i32
        %dma_start3A_69 = arith.constant 0 : i32
        %dma_start3A_70 = tpu.memref_slice %arg7[%mul3A_68, %dma_start3A_69] : memref<80000x384xi32, #tpu.memory_space<hbm>> -> memref<64x384xi32, #tpu.memory_space<hbm>>
        %dma_start3A_71 = arith.constant 0 : i32
        %dma_start3A_72 = tpu.memref_slice %arg7[%mul3A_68, %dma_start3A_71] : memref<80000x384xi32, #tpu.memory_space<hbm>> -> memref<64x384xi32, #tpu.memory_space<hbm>>
        tpu.enqueue_dma source(%arg12 : memref<64x384xi32, #tpu.memory_space<vmem>>) target(%dma_start3A_72 : memref<64x384xi32, #tpu.memory_space<hbm>>) target_semaphore(%arg20 : memref<!tpu.dma_semaphore, #tpu.memory_space<semaphore_mem>>)
      } else {
      }
      %mul3A_41 = arith.constant 2 : i32
      %mul3A_42 = arith.muli %mul3A_41, %scan3A_17 : i32
      %add3A_43 = arith.constant 1 : i32
      %add3A_44 = arith.addi %mul3A_42, %add3A_43 : i32
      %lt3A_45 = arith.cmpi slt, %add3A_44, %min3A : i32
      %convert_element_type3A_46 = arith.extui %lt3A_45 : i1 to i32
      %cond3A_47 = arith.constant 0 : i32
      %cond3A_48 = arith.cmpi ne, %convert_element_type3A_46, %cond3A_47 : i32
      scf.if %cond3A_48 {
        %dma_wait3A = arith.constant 0 : i32
        %dma_wait3A_49 = tpu.memref_slice %arg8[%add3A_44, %dma_wait3A] : memref<40x64xi32, #tpu.memory_space<vmem>> -> memref<1x64xi32, #tpu.memory_space<vmem>>
        %dma_wait3A_50 = tpu.memref_squeeze %dma_wait3A_49 : memref<1x64xi32, #tpu.memory_space<vmem>> -> memref<64xi32, #tpu.memory_space<vmem>>
        %dma_wait3A_51 = arith.constant 0 : i32
        %dma_wait3A_52 = arith.constant 0 : i32
        %dma_wait3A_53 = tpu.memref_slice %arg2[%dma_wait3A_51, %dma_wait3A_52] : memref<10000x256xi32, #tpu.memory_space<hbm>> -> memref<10000x256xi32, #tpu.memory_space<hbm>>
        tpu.wait_indirect_dma semaphore(%arg15 : memref<!tpu.dma_semaphore, #tpu.memory_space<semaphore_mem>>) src(%dma_wait3A_53 : memref<10000x256xi32, #tpu.memory_space<hbm>>) dst(%arg11 : memref<64x256xi32, #tpu.memory_space<vmem>>)
        %add3A_54 = arith.addi %mul3A_2, %add3A_44 : i32
        %mul3A_55 = arith.constant 64 : i32
        %mul3A_56 = arith.muli %add3A_54, %mul3A_55 : i32
        %dma_start3A = arith.constant 0 : i32
        %dma_start3A_57 = tpu.memref_slice %arg6[%mul3A_56, %dma_start3A] : memref<80000x256xi32, #tpu.memory_space<hbm>> -> memref<64x256xi32, #tpu.memory_space<hbm>>
        %dma_start3A_58 = arith.constant 0 : i32
        %dma_start3A_59 = tpu.memref_slice %arg6[%mul3A_56, %dma_start3A_58] : memref<80000x256xi32, #tpu.memory_space<hbm>> -> memref<64x256xi32, #tpu.memory_space<hbm>>
        tpu.enqueue_dma source(%arg11 : memref<64x256xi32, #tpu.memory_space<vmem>>) target(%dma_start3A_59 : memref<64x256xi32, #tpu.memory_space<hbm>>) target_semaphore(%arg19 : memref<!tpu.dma_semaphore, #tpu.memory_space<semaphore_mem>>)
        %dma_wait3A_60 = arith.constant 0 : i32
        %dma_wait3A_61 = tpu.memref_slice %arg9[%add3A_44, %dma_wait3A_60] : memref<40x64xi32, #tpu.memory_space<vmem>> -> memref<1x64xi32, #tpu.memory_space<vmem>>
        %dma_wait3A_62 = tpu.memref_squeeze %dma_wait3A_61 : memref<1x64xi32, #tpu.memory_space<vmem>> -> memref<64xi32, #tpu.memory_space<vmem>>
        %dma_wait3A_63 = arith.constant 0 : i32
        %dma_wait3A_64 = arith.constant 0 : i32
        %dma_wait3A_65 = tpu.memref_slice %arg3[%dma_wait3A_63, %dma_wait3A_64] : memref<10000x384xi32, #tpu.memory_space<hbm>> -> memref<10000x384xi32, #tpu.memory_space<hbm>>
        tpu.wait_indirect_dma semaphore(%arg17 : memref<!tpu.dma_semaphore, #tpu.memory_space<semaphore_mem>>) src(%dma_wait3A_65 : memref<10000x384xi32, #tpu.memory_space<hbm>>) dst(%arg13 : memref<64x384xi32, #tpu.memory_space<vmem>>)
        %add3A_66 = arith.addi %mul3A_2, %add3A_44 : i32
        %mul3A_67 = arith.constant 64 : i32
        %mul3A_68 = arith.muli %add3A_66, %mul3A_67 : i32
        %dma_start3A_69 = arith.constant 0 : i32
        %dma_start3A_70 = tpu.memref_slice %arg7[%mul3A_68, %dma_start3A_69] : memref<80000x384xi32, #tpu.memory_space<hbm>> -> memref<64x384xi32, #tpu.memory_space<hbm>>
        %dma_start3A_71 = arith.constant 0 : i32
        %dma_start3A_72 = tpu.memref_slice %arg7[%mul3A_68, %dma_start3A_71] : memref<80000x384xi32, #tpu.memory_space<hbm>> -> memref<64x384xi32, #tpu.memory_space<hbm>>
        tpu.enqueue_dma source(%arg13 : memref<64x384xi32, #tpu.memory_space<vmem>>) target(%dma_start3A_72 : memref<64x384xi32, #tpu.memory_space<hbm>>) target_semaphore(%arg21 : memref<!tpu.dma_semaphore, #tpu.memory_space<semaphore_mem>>)
      } else {
      }
    }
    %scan3A_9 = arith.constant 20 : i32
    %gt3A = arith.constant 0 : i32
    %gt3A_10 = arith.cmpi sgt, %min3A, %gt3A : i32
    %convert_element_type3A = arith.extui %gt3A_10 : i1 to i32
    %cond3A = arith.constant 0 : i32
    %cond3A_11 = arith.cmpi ne, %convert_element_type3A, %cond3A : i32
    scf.if %cond3A_11 {
      %dma_wait3A = arith.constant 0 : i32
      %dma_wait3A_17 = arith.constant 0 : i32
      %dma_wait3A_18 = tpu.memref_slice %arg6[%dma_wait3A, %dma_wait3A_17] : memref<80000x256xi32, #tpu.memory_space<hbm>> -> memref<64x256xi32, #tpu.memory_space<hbm>>
      %dma_wait3A_19 = arith.constant 0 : i32
      %dma_wait3A_20 = arith.constant 0 : i32
      %dma_wait3A_21 = tpu.memref_slice %arg6[%dma_wait3A_19, %dma_wait3A_20] : memref<80000x256xi32, #tpu.memory_space<hbm>> -> memref<64x256xi32, #tpu.memory_space<hbm>>
      tpu.wait_dma2 semaphore(%arg18 : memref<!tpu.dma_semaphore, #tpu.memory_space<semaphore_mem>>) src(%arg10 : memref<64x256xi32, #tpu.memory_space<vmem>>) dst(%dma_wait3A_21 : memref<64x256xi32, #tpu.memory_space<hbm>>)
      %dma_wait3A_22 = arith.constant 0 : i32
      %dma_wait3A_23 = arith.constant 0 : i32
      %dma_wait3A_24 = tpu.memref_slice %arg7[%dma_wait3A_22, %dma_wait3A_23] : memref<80000x384xi32, #tpu.memory_space<hbm>> -> memref<64x384xi32, #tpu.memory_space<hbm>>
      %dma_wait3A_25 = arith.constant 0 : i32
      %dma_wait3A_26 = arith.constant 0 : i32
      %dma_wait3A_27 = tpu.memref_slice %arg7[%dma_wait3A_25, %dma_wait3A_26] : memref<80000x384xi32, #tpu.memory_space<hbm>> -> memref<64x384xi32, #tpu.memory_space<hbm>>
      tpu.wait_dma2 semaphore(%arg20 : memref<!tpu.dma_semaphore, #tpu.memory_space<semaphore_mem>>) src(%arg12 : memref<64x384xi32, #tpu.memory_space<vmem>>) dst(%dma_wait3A_27 : memref<64x384xi32, #tpu.memory_space<hbm>>)
    } else {
    }
    %gt3A_12 = arith.constant 1 : i32
    %gt3A_13 = arith.cmpi sgt, %min3A, %gt3A_12 : i32
    %convert_element_type3A_14 = arith.extui %gt3A_13 : i1 to i32
    %cond3A_15 = arith.constant 0 : i32
    %cond3A_16 = arith.cmpi ne, %convert_element_type3A_14, %cond3A_15 : i32
    scf.if %cond3A_16 {
      %dma_wait3A = arith.constant 0 : i32
      %dma_wait3A_17 = arith.constant 0 : i32
      %dma_wait3A_18 = tpu.memref_slice %arg6[%dma_wait3A, %dma_wait3A_17] : memref<80000x256xi32, #tpu.memory_space<hbm>> -> memref<64x256xi32, #tpu.memory_space<hbm>>
      %dma_wait3A_19 = arith.constant 0 : i32
      %dma_wait3A_20 = arith.constant 0 : i32
      %dma_wait3A_21 = tpu.memref_slice %arg6[%dma_wait3A_19, %dma_wait3A_20] : memref<80000x256xi32, #tpu.memory_space<hbm>> -> memref<64x256xi32, #tpu.memory_space<hbm>>
      tpu.wait_dma2 semaphore(%arg19 : memref<!tpu.dma_semaphore, #tpu.memory_space<semaphore_mem>>) src(%arg11 : memref<64x256xi32, #tpu.memory_space<vmem>>) dst(%dma_wait3A_21 : memref<64x256xi32, #tpu.memory_space<hbm>>)
      %dma_wait3A_22 = arith.constant 0 : i32
      %dma_wait3A_23 = arith.constant 0 : i32
      %dma_wait3A_24 = tpu.memref_slice %arg7[%dma_wait3A_22, %dma_wait3A_23] : memref<80000x384xi32, #tpu.memory_space<hbm>> -> memref<64x384xi32, #tpu.memory_space<hbm>>
      %dma_wait3A_25 = arith.constant 0 : i32
      %dma_wait3A_26 = arith.constant 0 : i32
      %dma_wait3A_27 = tpu.memref_slice %arg7[%dma_wait3A_25, %dma_wait3A_26] : memref<80000x384xi32, #tpu.memory_space<hbm>> -> memref<64x384xi32, #tpu.memory_space<hbm>>
      tpu.wait_dma2 semaphore(%arg21 : memref<!tpu.dma_semaphore, #tpu.memory_space<semaphore_mem>>) src(%arg13 : memref<64x384xi32, #tpu.memory_space<vmem>>) dst(%dma_wait3A_27 : memref<64x384xi32, #tpu.memory_space<hbm>>)
    } else {
    }
    return
  }
}

#map = affine_map<(d0, d1) -> (0, 0)>
module attributes {stable_mosaic.version = 14 : i64} {
  func.func @_scatter_body(%arg0: i32, %arg1: i32, %arg2: memref<80000x128xf32, #tpu.memory_space<hbm>>, %arg3: memref<80000x128xf32, #tpu.memory_space<hbm>>, %arg4: memref<10000x128xf32, #tpu.memory_space<hbm>>, %arg5: memref<10000x128xf32, #tpu.memory_space<hbm>>, %arg6: memref<640x128xi32, #tpu.memory_space<hbm>>, %arg7: memref<10000x128xf32, #tpu.memory_space<hbm>>, %arg8: memref<10000x128xf32, #tpu.memory_space<hbm>>, %arg9: memref<128x128xf32, #tpu.memory_space<vmem>>, %arg10: memref<128x128xf32, #tpu.memory_space<vmem>>, %arg11: memref<40x128xi32, #tpu.memory_space<vmem>>, %arg12: memref<10000x128xf32, #tpu.memory_space<vmem_shared>>, %arg13: memref<!tpu.dma_semaphore, #tpu.memory_space<semaphore_mem>>, %arg14: memref<!tpu.dma_semaphore, #tpu.memory_space<semaphore_mem>>, %arg15: memref<!tpu.dma_semaphore, #tpu.memory_space<semaphore_mem>>, %arg16: memref<!tpu.dma_semaphore, #tpu.memory_space<semaphore_mem>>) attributes {dimension_semantics = [#tpu.dimension_semantics<core_parallel>, #tpu.dimension_semantics<subcore_parallel>], iteration_bounds = array<i64: 2, 16>, scalar_prefetch = 0 : i64, scratch_operands = 8 : i64, tpu.core_type = #tpu.core_type<sc_vector_subcore>, window_params = [{transform_indices = #map}, {transform_indices = #map}, {transform_indices = #map}, {transform_indices = #map}, {transform_indices = #map}, {transform_indices = #map}, {transform_indices = #map}]} {
    %mul3A = arith.constant 40 : i32
    %mul3A_0 = arith.muli %arg1, %mul3A : i32
    %sub3A = arith.constant 625 : i32
    %sub3A_1 = arith.subi %sub3A, %mul3A_0 : i32
    %jit3A = arith.constant 0 : i32
    %jit3A_2 = arith.constant 40 : i32
    %max3A = arith.maxsi %jit3A, %sub3A_1 : i32
    %min3A = arith.minsi %jit3A_2, %max3A : i32
    %eq3A = arith.constant 0 : i32
    %eq3A_3 = arith.cmpi eq, %arg0, %eq3A : i32
    %convert_element_type3A = arith.extui %eq3A_3 : i1 to i32
    %cond3A = arith.constant 0 : i32
    %cond3A_4 = arith.cmpi ne, %convert_element_type3A, %cond3A : i32
    scf.if %cond3A_4 {
      "tpu.region"() ({
        %run_scoped3A = tpu.sem_alloc : memref<!tpu.dma_semaphore, #tpu.memory_space<semaphore_mem>>
        %dma_start3A = arith.constant 0 : i32
        %dma_start3A_44 = tpu.memref_slice %arg6[%mul3A_0, %dma_start3A] : memref<640x128xi32, #tpu.memory_space<hbm>> -> memref<40x128xi32, #tpu.memory_space<hbm>>
        %dma_start3A_45 = arith.constant 0 : i32
        %dma_start3A_46 = tpu.memref_slice %arg6[%mul3A_0, %dma_start3A_45] : memref<640x128xi32, #tpu.memory_space<hbm>> -> memref<40x128xi32, #tpu.memory_space<hbm>>
        tpu.enqueue_dma source(%dma_start3A_46 : memref<40x128xi32, #tpu.memory_space<hbm>>) target(%arg11 : memref<40x128xi32, #tpu.memory_space<vmem>>) target_semaphore(%run_scoped3A : memref<!tpu.dma_semaphore, #tpu.memory_space<semaphore_mem>>)
        %dma_wait3A = arith.constant 0 : i32
        %dma_wait3A_47 = tpu.memref_slice %arg6[%mul3A_0, %dma_wait3A] : memref<640x128xi32, #tpu.memory_space<hbm>> -> memref<40x128xi32, #tpu.memory_space<hbm>>
        %dma_wait3A_48 = arith.constant 0 : i32
        %dma_wait3A_49 = tpu.memref_slice %arg6[%mul3A_0, %dma_wait3A_48] : memref<640x128xi32, #tpu.memory_space<hbm>> -> memref<40x128xi32, #tpu.memory_space<hbm>>
        tpu.wait_dma2 semaphore(%run_scoped3A : memref<!tpu.dma_semaphore, #tpu.memory_space<semaphore_mem>>) src(%dma_wait3A_49 : memref<40x128xi32, #tpu.memory_space<hbm>>) dst(%arg11 : memref<40x128xi32, #tpu.memory_space<vmem>>)
        tpu.yield
      }) : () -> ()
      %lt3A = arith.constant 15 : i32
      %lt3A_10 = arith.cmpi slt, %arg1, %lt3A : i32
      %convert_element_type3A_11 = arith.extui %lt3A_10 : i1 to i32
      %cond3A_12 = arith.constant 0 : i32
      %cond3A_13 = arith.cmpi ne, %convert_element_type3A_11, %cond3A_12 : i32
      scf.if %cond3A_13 {
        %mul3A_44 = arith.constant 632 : i32
        %mul3A_45 = arith.muli %arg1, %mul3A_44 : i32
        "tpu.region"() ({
          %run_scoped3A = tpu.sem_alloc : memref<!tpu.dma_semaphore, #tpu.memory_space<semaphore_mem>>
          %dma_start3A = arith.constant 0 : i32
          %dma_start3A_46 = tpu.memref_slice %arg12[%mul3A_45, %dma_start3A] : memref<10000x128xf32, #tpu.memory_space<vmem_shared>> -> memref<632x128xf32, #tpu.memory_space<vmem_shared>>
          %dma_start3A_47 = arith.constant 0 : i32
          %dma_start3A_48 = tpu.memref_slice %arg4[%mul3A_45, %dma_start3A_47] : memref<10000x128xf32, #tpu.memory_space<hbm>> -> memref<632x128xf32, #tpu.memory_space<hbm>>
          tpu.enqueue_dma source(%dma_start3A_48 : memref<632x128xf32, #tpu.memory_space<hbm>>) target(%dma_start3A_46 : memref<632x128xf32, #tpu.memory_space<vmem_shared>>) target_semaphore(%run_scoped3A : memref<!tpu.dma_semaphore, #tpu.memory_space<semaphore_mem>>)
          %dma_wait3A = arith.constant 0 : i32
          %dma_wait3A_49 = tpu.memref_slice %arg12[%mul3A_45, %dma_wait3A] : memref<10000x128xf32, #tpu.memory_space<vmem_shared>> -> memref<632x128xf32, #tpu.memory_space<vmem_shared>>
          %dma_wait3A_50 = arith.constant 0 : i32
          %dma_wait3A_51 = tpu.memref_slice %arg4[%mul3A_45, %dma_wait3A_50] : memref<10000x128xf32, #tpu.memory_space<hbm>> -> memref<632x128xf32, #tpu.memory_space<hbm>>
          tpu.wait_dma2 semaphore(%run_scoped3A : memref<!tpu.dma_semaphore, #tpu.memory_space<semaphore_mem>>) src(%dma_wait3A_51 : memref<632x128xf32, #tpu.memory_space<hbm>>) dst(%dma_wait3A_49 : memref<632x128xf32, #tpu.memory_space<vmem_shared>>)
          tpu.yield
        }) : () -> ()
      } else {
      }
      %eq3A_14 = arith.constant 15 : i32
      %eq3A_15 = arith.cmpi eq, %arg1, %eq3A_14 : i32
      %convert_element_type3A_16 = arith.extui %eq3A_15 : i1 to i32
      %cond3A_17 = arith.constant 0 : i32
      %cond3A_18 = arith.cmpi ne, %convert_element_type3A_16, %cond3A_17 : i32
      scf.if %cond3A_18 {
        "tpu.region"() ({
          %run_scoped3A = tpu.sem_alloc : memref<!tpu.dma_semaphore, #tpu.memory_space<semaphore_mem>>
          %dma_start3A = arith.constant 9480 : i32
          %dma_start3A_44 = arith.constant 0 : i32
          %dma_start3A_45 = tpu.memref_slice %arg12[%dma_start3A, %dma_start3A_44] : memref<10000x128xf32, #tpu.memory_space<vmem_shared>> -> memref<520x128xf32, #tpu.memory_space<vmem_shared>>
          %dma_start3A_46 = arith.constant 9480 : i32
          %dma_start3A_47 = arith.constant 0 : i32
          %dma_start3A_48 = tpu.memref_slice %arg4[%dma_start3A_46, %dma_start3A_47] : memref<10000x128xf32, #tpu.memory_space<hbm>> -> memref<520x128xf32, #tpu.memory_space<hbm>>
          tpu.enqueue_dma source(%dma_start3A_48 : memref<520x128xf32, #tpu.memory_space<hbm>>) target(%dma_start3A_45 : memref<520x128xf32, #tpu.memory_space<vmem_shared>>) target_semaphore(%run_scoped3A : memref<!tpu.dma_semaphore, #tpu.memory_space<semaphore_mem>>)
          %dma_wait3A = arith.constant 9480 : i32
          %dma_wait3A_49 = arith.constant 0 : i32
          %dma_wait3A_50 = tpu.memref_slice %arg12[%dma_wait3A, %dma_wait3A_49] : memref<10000x128xf32, #tpu.memory_space<vmem_shared>> -> memref<520x128xf32, #tpu.memory_space<vmem_shared>>
          %dma_wait3A_51 = arith.constant 9480 : i32
          %dma_wait3A_52 = arith.constant 0 : i32
          %dma_wait3A_53 = tpu.memref_slice %arg4[%dma_wait3A_51, %dma_wait3A_52] : memref<10000x128xf32, #tpu.memory_space<hbm>> -> memref<520x128xf32, #tpu.memory_space<hbm>>
          tpu.wait_dma2 semaphore(%run_scoped3A : memref<!tpu.dma_semaphore, #tpu.memory_space<semaphore_mem>>) src(%dma_wait3A_53 : memref<520x128xf32, #tpu.memory_space<hbm>>) dst(%dma_wait3A_50 : memref<520x128xf32, #tpu.memory_space<vmem_shared>>)
          tpu.yield
        }) : () -> ()
      } else {
      }
      %barrier3A = arith.constant 0 : index
      tpu.barrier barrier_id(%barrier3A)
      %scan3A = arith.constant 0 : i32
      %scan3A_19 = arith.constant 0 : i32
      %scan3A_20 = arith.constant 20 : i32
      %scan3A_21 = arith.addi %scan3A_19, %scan3A_20 : i32
      %scan3A_22 = arith.constant 1 : i32
      scf.for %scan3A_44 = %scan3A_19 to %scan3A_21 step %scan3A_22  : i32 {
        %mul3A_45 = arith.constant 2 : i32
        %mul3A_46 = arith.muli %mul3A_45, %scan3A_44 : i32
        %add3A = arith.constant 0 : i32
        %add3A_47 = arith.addi %mul3A_46, %add3A : i32
        %lt3A_48 = arith.cmpi slt, %add3A_47, %min3A : i32
        %convert_element_type3A_49 = arith.extui %lt3A_48 : i1 to i32
        %cond3A_50 = arith.constant 0 : i32
        %cond3A_51 = arith.cmpi ne, %convert_element_type3A_49, %cond3A_50 : i32
        scf.if %cond3A_51 {
          %gt3A_76 = arith.constant 0 : i32
          %gt3A_77 = arith.cmpi sgt, %scan3A_44, %gt3A_76 : i32
          %convert_element_type3A_78 = arith.extui %gt3A_77 : i1 to i32
          %cond3A_79 = arith.constant 0 : i32
          %cond3A_80 = arith.cmpi ne, %convert_element_type3A_78, %cond3A_79 : i32
          scf.if %cond3A_80 {
            %dma_wait3A = arith.constant 0 : i32
            %dma_wait3A_87 = arith.constant 0 : i32
            %dma_wait3A_88 = tpu.memref_slice %arg11[%dma_wait3A, %dma_wait3A_87] : memref<40x128xi32, #tpu.memory_space<vmem>> -> memref<1x128xi32, #tpu.memory_space<vmem>>
            %dma_wait3A_89 = tpu.memref_squeeze %dma_wait3A_88 : memref<1x128xi32, #tpu.memory_space<vmem>> -> memref<128xi32, #tpu.memory_space<vmem>>
            %dma_wait3A_90 = arith.constant 0 : i32
            %dma_wait3A_91 = arith.constant 0 : i32
            %dma_wait3A_92 = tpu.memref_slice %arg12[%dma_wait3A_90, %dma_wait3A_91] : memref<10000x128xf32, #tpu.memory_space<vmem_shared>> -> memref<10000x128xf32, #tpu.memory_space<vmem_shared>>
            tpu.wait_indirect_dma semaphore(%arg15 : memref<!tpu.dma_semaphore, #tpu.memory_space<semaphore_mem>>) src(%arg9 : memref<128x128xf32, #tpu.memory_space<vmem>>) dst(%dma_wait3A_92 : memref<10000x128xf32, #tpu.memory_space<vmem_shared>>)
          } else {
          }
          %add3A_81 = arith.addi %mul3A_0, %add3A_47 : i32
          %mul3A_82 = arith.constant 128 : i32
          %mul3A_83 = arith.muli %add3A_81, %mul3A_82 : i32
          %dma_start3A = arith.constant 0 : i32
          %dma_start3A_84 = tpu.memref_slice %arg2[%mul3A_83, %dma_start3A] : memref<80000x128xf32, #tpu.memory_space<hbm>> -> memref<128x128xf32, #tpu.memory_space<hbm>>
          %dma_start3A_85 = arith.constant 0 : i32
          %dma_start3A_86 = tpu.memref_slice %arg2[%mul3A_83, %dma_start3A_85] : memref<80000x128xf32, #tpu.memory_space<hbm>> -> memref<128x128xf32, #tpu.memory_space<hbm>>
          tpu.enqueue_dma source(%dma_start3A_86 : memref<128x128xf32, #tpu.memory_space<hbm>>) target(%arg9 : memref<128x128xf32, #tpu.memory_space<vmem>>) target_semaphore(%arg13 : memref<!tpu.dma_semaphore, #tpu.memory_space<semaphore_mem>>)
        } else {
        }
        %mul3A_52 = arith.constant 2 : i32
        %mul3A_53 = arith.muli %mul3A_52, %scan3A_44 : i32
        %add3A_54 = arith.constant 1 : i32
        %add3A_55 = arith.addi %mul3A_53, %add3A_54 : i32
        %lt3A_56 = arith.cmpi slt, %add3A_55, %min3A : i32
        %convert_element_type3A_57 = arith.extui %lt3A_56 : i1 to i32
        %cond3A_58 = arith.constant 0 : i32
        %cond3A_59 = arith.cmpi ne, %convert_element_type3A_57, %cond3A_58 : i32
        scf.if %cond3A_59 {
          %gt3A_76 = arith.constant 0 : i32
          %gt3A_77 = arith.cmpi sgt, %scan3A_44, %gt3A_76 : i32
          %convert_element_type3A_78 = arith.extui %gt3A_77 : i1 to i32
          %cond3A_79 = arith.constant 0 : i32
          %cond3A_80 = arith.cmpi ne, %convert_element_type3A_78, %cond3A_79 : i32
          scf.if %cond3A_80 {
            %dma_wait3A = arith.constant 0 : i32
            %dma_wait3A_87 = arith.constant 0 : i32
            %dma_wait3A_88 = tpu.memref_slice %arg11[%dma_wait3A, %dma_wait3A_87] : memref<40x128xi32, #tpu.memory_space<vmem>> -> memref<1x128xi32, #tpu.memory_space<vmem>>
            %dma_wait3A_89 = tpu.memref_squeeze %dma_wait3A_88 : memref<1x128xi32, #tpu.memory_space<vmem>> -> memref<128xi32, #tpu.memory_space<vmem>>
            %dma_wait3A_90 = arith.constant 0 : i32
            %dma_wait3A_91 = arith.constant 0 : i32
            %dma_wait3A_92 = tpu.memref_slice %arg12[%dma_wait3A_90, %dma_wait3A_91] : memref<10000x128xf32, #tpu.memory_space<vmem_shared>> -> memref<10000x128xf32, #tpu.memory_space<vmem_shared>>
            tpu.wait_indirect_dma semaphore(%arg16 : memref<!tpu.dma_semaphore, #tpu.memory_space<semaphore_mem>>) src(%arg10 : memref<128x128xf32, #tpu.memory_space<vmem>>) dst(%dma_wait3A_92 : memref<10000x128xf32, #tpu.memory_space<vmem_shared>>)
          } else {
          }
          %add3A_81 = arith.addi %mul3A_0, %add3A_55 : i32
          %mul3A_82 = arith.constant 128 : i32
          %mul3A_83 = arith.muli %add3A_81, %mul3A_82 : i32
          %dma_start3A = arith.constant 0 : i32
          %dma_start3A_84 = tpu.memref_slice %arg2[%mul3A_83, %dma_start3A] : memref<80000x128xf32, #tpu.memory_space<hbm>> -> memref<128x128xf32, #tpu.memory_space<hbm>>
          %dma_start3A_85 = arith.constant 0 : i32
          %dma_start3A_86 = tpu.memref_slice %arg2[%mul3A_83, %dma_start3A_85] : memref<80000x128xf32, #tpu.memory_space<hbm>> -> memref<128x128xf32, #tpu.memory_space<hbm>>
          tpu.enqueue_dma source(%dma_start3A_86 : memref<128x128xf32, #tpu.memory_space<hbm>>) target(%arg10 : memref<128x128xf32, #tpu.memory_space<vmem>>) target_semaphore(%arg14 : memref<!tpu.dma_semaphore, #tpu.memory_space<semaphore_mem>>)
        } else {
        }
        %mul3A_60 = arith.constant 2 : i32
        %mul3A_61 = arith.muli %mul3A_60, %scan3A_44 : i32
        %add3A_62 = arith.constant 0 : i32
        %add3A_63 = arith.addi %mul3A_61, %add3A_62 : i32
        %lt3A_64 = arith.cmpi slt, %add3A_63, %min3A : i32
        %convert_element_type3A_65 = arith.extui %lt3A_64 : i1 to i32
        %cond3A_66 = arith.constant 0 : i32
        %cond3A_67 = arith.cmpi ne, %convert_element_type3A_65, %cond3A_66 : i32
        scf.if %cond3A_67 {
          %dma_wait3A = arith.constant 0 : i32
          %dma_wait3A_76 = arith.constant 0 : i32
          %dma_wait3A_77 = tpu.memref_slice %arg2[%dma_wait3A, %dma_wait3A_76] : memref<80000x128xf32, #tpu.memory_space<hbm>> -> memref<128x128xf32, #tpu.memory_space<hbm>>
          %dma_wait3A_78 = arith.constant 0 : i32
          %dma_wait3A_79 = arith.constant 0 : i32
          %dma_wait3A_80 = tpu.memref_slice %arg2[%dma_wait3A_78, %dma_wait3A_79] : memref<80000x128xf32, #tpu.memory_space<hbm>> -> memref<128x128xf32, #tpu.memory_space<hbm>>
          tpu.wait_dma2 semaphore(%arg13 : memref<!tpu.dma_semaphore, #tpu.memory_space<semaphore_mem>>) src(%dma_wait3A_80 : memref<128x128xf32, #tpu.memory_space<hbm>>) dst(%arg9 : memref<128x128xf32, #tpu.memory_space<vmem>>)
          %dma_start3A = arith.constant 0 : i32
          %dma_start3A_81 = tpu.memref_slice %arg11[%add3A_63, %dma_start3A] : memref<40x128xi32, #tpu.memory_space<vmem>> -> memref<1x128xi32, #tpu.memory_space<vmem>>
          %dma_start3A_82 = tpu.memref_squeeze %dma_start3A_81 : memref<1x128xi32, #tpu.memory_space<vmem>> -> memref<128xi32, #tpu.memory_space<vmem>>
          %dma_start3A_83 = arith.constant 0 : i32
          %dma_start3A_84 = arith.constant 0 : i32
          %dma_start3A_85 = tpu.memref_slice %arg12[%dma_start3A_83, %dma_start3A_84] : memref<10000x128xf32, #tpu.memory_space<vmem_shared>> -> memref<10000x128xf32, #tpu.memory_space<vmem_shared>>
          tpu.enqueue_indirect_dma source(%arg9 : memref<128x128xf32, #tpu.memory_space<vmem>>) target(%dma_start3A_85 : memref<10000x128xf32, #tpu.memory_space<vmem_shared>>) offsets(%dma_start3A_82 : memref<128xi32, #tpu.memory_space<vmem>>) semaphore(%arg15 : memref<!tpu.dma_semaphore, #tpu.memory_space<semaphore_mem>>) {add = true}
        } else {
        }
        %mul3A_68 = arith.constant 2 : i32
        %mul3A_69 = arith.muli %mul3A_68, %scan3A_44 : i32
        %add3A_70 = arith.constant 1 : i32
        %add3A_71 = arith.addi %mul3A_69, %add3A_70 : i32
        %lt3A_72 = arith.cmpi slt, %add3A_71, %min3A : i32
        %convert_element_type3A_73 = arith.extui %lt3A_72 : i1 to i32
        %cond3A_74 = arith.constant 0 : i32
        %cond3A_75 = arith.cmpi ne, %convert_element_type3A_73, %cond3A_74 : i32
        scf.if %cond3A_75 {
          %dma_wait3A = arith.constant 0 : i32
          %dma_wait3A_76 = arith.constant 0 : i32
          %dma_wait3A_77 = tpu.memref_slice %arg2[%dma_wait3A, %dma_wait3A_76] : memref<80000x128xf32, #tpu.memory_space<hbm>> -> memref<128x128xf32, #tpu.memory_space<hbm>>
          %dma_wait3A_78 = arith.constant 0 : i32
          %dma_wait3A_79 = arith.constant 0 : i32
          %dma_wait3A_80 = tpu.memref_slice %arg2[%dma_wait3A_78, %dma_wait3A_79] : memref<80000x128xf32, #tpu.memory_space<hbm>> -> memref<128x128xf32, #tpu.memory_space<hbm>>
          tpu.wait_dma2 semaphore(%arg14 : memref<!tpu.dma_semaphore, #tpu.memory_space<semaphore_mem>>) src(%dma_wait3A_80 : memref<128x128xf32, #tpu.memory_space<hbm>>) dst(%arg10 : memref<128x128xf32, #tpu.memory_space<vmem>>)
          %dma_start3A = arith.constant 0 : i32
          %dma_start3A_81 = tpu.memref_slice %arg11[%add3A_71, %dma_start3A] : memref<40x128xi32, #tpu.memory_space<vmem>> -> memref<1x128xi32, #tpu.memory_space<vmem>>
          %dma_start3A_82 = tpu.memref_squeeze %dma_start3A_81 : memref<1x128xi32, #tpu.memory_space<vmem>> -> memref<128xi32, #tpu.memory_space<vmem>>
          %dma_start3A_83 = arith.constant 0 : i32
          %dma_start3A_84 = arith.constant 0 : i32
          %dma_start3A_85 = tpu.memref_slice %arg12[%dma_start3A_83, %dma_start3A_84] : memref<10000x128xf32, #tpu.memory_space<vmem_shared>> -> memref<10000x128xf32, #tpu.memory_space<vmem_shared>>
          tpu.enqueue_indirect_dma source(%arg10 : memref<128x128xf32, #tpu.memory_space<vmem>>) target(%dma_start3A_85 : memref<10000x128xf32, #tpu.memory_space<vmem_shared>>) offsets(%dma_start3A_82 : memref<128xi32, #tpu.memory_space<vmem>>) semaphore(%arg16 : memref<!tpu.dma_semaphore, #tpu.memory_space<semaphore_mem>>) {add = true}
        } else {
        }
      }
      %scan3A_23 = arith.constant 20 : i32
      %gt3A = arith.constant 0 : i32
      %gt3A_24 = arith.cmpi sgt, %min3A, %gt3A : i32
      %convert_element_type3A_25 = arith.extui %gt3A_24 : i1 to i32
      %cond3A_26 = arith.constant 0 : i32
      %cond3A_27 = arith.cmpi ne, %convert_element_type3A_25, %cond3A_26 : i32
      scf.if %cond3A_27 {
        %dma_wait3A = arith.constant 0 : i32
        %dma_wait3A_44 = arith.constant 0 : i32
        %dma_wait3A_45 = tpu.memref_slice %arg11[%dma_wait3A, %dma_wait3A_44] : memref<40x128xi32, #tpu.memory_space<vmem>> -> memref<1x128xi32, #tpu.memory_space<vmem>>
        %dma_wait3A_46 = tpu.memref_squeeze %dma_wait3A_45 : memref<1x128xi32, #tpu.memory_space<vmem>> -> memref<128xi32, #tpu.memory_space<vmem>>
        %dma_wait3A_47 = arith.constant 0 : i32
        %dma_wait3A_48 = arith.constant 0 : i32
        %dma_wait3A_49 = tpu.memref_slice %arg12[%dma_wait3A_47, %dma_wait3A_48] : memref<10000x128xf32, #tpu.memory_space<vmem_shared>> -> memref<10000x128xf32, #tpu.memory_space<vmem_shared>>
        tpu.wait_indirect_dma semaphore(%arg15 : memref<!tpu.dma_semaphore, #tpu.memory_space<semaphore_mem>>) src(%arg9 : memref<128x128xf32, #tpu.memory_space<vmem>>) dst(%dma_wait3A_49 : memref<10000x128xf32, #tpu.memory_space<vmem_shared>>)
      } else {
      }
      %gt3A_28 = arith.constant 1 : i32
      %gt3A_29 = arith.cmpi sgt, %min3A, %gt3A_28 : i32
      %convert_element_type3A_30 = arith.extui %gt3A_29 : i1 to i32
      %cond3A_31 = arith.constant 0 : i32
      %cond3A_32 = arith.cmpi ne, %convert_element_type3A_30, %cond3A_31 : i32
      scf.if %cond3A_32 {
        %dma_wait3A = arith.constant 0 : i32
        %dma_wait3A_44 = arith.constant 0 : i32
        %dma_wait3A_45 = tpu.memref_slice %arg11[%dma_wait3A, %dma_wait3A_44] : memref<40x128xi32, #tpu.memory_space<vmem>> -> memref<1x128xi32, #tpu.memory_space<vmem>>
        %dma_wait3A_46 = tpu.memref_squeeze %dma_wait3A_45 : memref<1x128xi32, #tpu.memory_space<vmem>> -> memref<128xi32, #tpu.memory_space<vmem>>
        %dma_wait3A_47 = arith.constant 0 : i32
        %dma_wait3A_48 = arith.constant 0 : i32
        %dma_wait3A_49 = tpu.memref_slice %arg12[%dma_wait3A_47, %dma_wait3A_48] : memref<10000x128xf32, #tpu.memory_space<vmem_shared>> -> memref<10000x128xf32, #tpu.memory_space<vmem_shared>>
        tpu.wait_indirect_dma semaphore(%arg16 : memref<!tpu.dma_semaphore, #tpu.memory_space<semaphore_mem>>) src(%arg10 : memref<128x128xf32, #tpu.memory_space<vmem>>) dst(%dma_wait3A_49 : memref<10000x128xf32, #tpu.memory_space<vmem_shared>>)
      } else {
      }
      %barrier3A_33 = arith.constant 0 : index
      tpu.barrier barrier_id(%barrier3A_33)
      %lt3A_34 = arith.constant 15 : i32
      %lt3A_35 = arith.cmpi slt, %arg1, %lt3A_34 : i32
      %convert_element_type3A_36 = arith.extui %lt3A_35 : i1 to i32
      %cond3A_37 = arith.constant 0 : i32
      %cond3A_38 = arith.cmpi ne, %convert_element_type3A_36, %cond3A_37 : i32
      scf.if %cond3A_38 {
        %mul3A_44 = arith.constant 632 : i32
        %mul3A_45 = arith.muli %arg1, %mul3A_44 : i32
        "tpu.region"() ({
          %run_scoped3A = tpu.sem_alloc : memref<!tpu.dma_semaphore, #tpu.memory_space<semaphore_mem>>
          %dma_start3A = arith.constant 0 : i32
          %dma_start3A_46 = tpu.memref_slice %arg7[%mul3A_45, %dma_start3A] : memref<10000x128xf32, #tpu.memory_space<hbm>> -> memref<632x128xf32, #tpu.memory_space<hbm>>
          %dma_start3A_47 = arith.constant 0 : i32
          %dma_start3A_48 = tpu.memref_slice %arg12[%mul3A_45, %dma_start3A_47] : memref<10000x128xf32, #tpu.memory_space<vmem_shared>> -> memref<632x128xf32, #tpu.memory_space<vmem_shared>>
          tpu.enqueue_dma source(%dma_start3A_48 : memref<632x128xf32, #tpu.memory_space<vmem_shared>>) target(%dma_start3A_46 : memref<632x128xf32, #tpu.memory_space<hbm>>) target_semaphore(%run_scoped3A : memref<!tpu.dma_semaphore, #tpu.memory_space<semaphore_mem>>)
          %dma_wait3A = arith.constant 0 : i32
          %dma_wait3A_49 = tpu.memref_slice %arg7[%mul3A_45, %dma_wait3A] : memref<10000x128xf32, #tpu.memory_space<hbm>> -> memref<632x128xf32, #tpu.memory_space<hbm>>
          %dma_wait3A_50 = arith.constant 0 : i32
          %dma_wait3A_51 = tpu.memref_slice %arg12[%mul3A_45, %dma_wait3A_50] : memref<10000x128xf32, #tpu.memory_space<vmem_shared>> -> memref<632x128xf32, #tpu.memory_space<vmem_shared>>
          tpu.wait_dma2 semaphore(%run_scoped3A : memref<!tpu.dma_semaphore, #tpu.memory_space<semaphore_mem>>) src(%dma_wait3A_51 : memref<632x128xf32, #tpu.memory_space<vmem_shared>>) dst(%dma_wait3A_49 : memref<632x128xf32, #tpu.memory_space<hbm>>)
          tpu.yield
        }) : () -> ()
      } else {
      }
      %eq3A_39 = arith.constant 15 : i32
      %eq3A_40 = arith.cmpi eq, %arg1, %eq3A_39 : i32
      %convert_element_type3A_41 = arith.extui %eq3A_40 : i1 to i32
      %cond3A_42 = arith.constant 0 : i32
      %cond3A_43 = arith.cmpi ne, %convert_element_type3A_41, %cond3A_42 : i32
      scf.if %cond3A_43 {
        "tpu.region"() ({
          %run_scoped3A = tpu.sem_alloc : memref<!tpu.dma_semaphore, #tpu.memory_space<semaphore_mem>>
          %dma_start3A = arith.constant 9480 : i32
          %dma_start3A_44 = arith.constant 0 : i32
          %dma_start3A_45 = tpu.memref_slice %arg7[%dma_start3A, %dma_start3A_44] : memref<10000x128xf32, #tpu.memory_space<hbm>> -> memref<520x128xf32, #tpu.memory_space<hbm>>
          %dma_start3A_46 = arith.constant 9480 : i32
          %dma_start3A_47 = arith.constant 0 : i32
          %dma_start3A_48 = tpu.memref_slice %arg12[%dma_start3A_46, %dma_start3A_47] : memref<10000x128xf32, #tpu.memory_space<vmem_shared>> -> memref<520x128xf32, #tpu.memory_space<vmem_shared>>
          tpu.enqueue_dma source(%dma_start3A_48 : memref<520x128xf32, #tpu.memory_space<vmem_shared>>) target(%dma_start3A_45 : memref<520x128xf32, #tpu.memory_space<hbm>>) target_semaphore(%run_scoped3A : memref<!tpu.dma_semaphore, #tpu.memory_space<semaphore_mem>>)
          %dma_wait3A = arith.constant 9480 : i32
          %dma_wait3A_49 = arith.constant 0 : i32
          %dma_wait3A_50 = tpu.memref_slice %arg7[%dma_wait3A, %dma_wait3A_49] : memref<10000x128xf32, #tpu.memory_space<hbm>> -> memref<520x128xf32, #tpu.memory_space<hbm>>
          %dma_wait3A_51 = arith.constant 9480 : i32
          %dma_wait3A_52 = arith.constant 0 : i32
          %dma_wait3A_53 = tpu.memref_slice %arg12[%dma_wait3A_51, %dma_wait3A_52] : memref<10000x128xf32, #tpu.memory_space<vmem_shared>> -> memref<520x128xf32, #tpu.memory_space<vmem_shared>>
          tpu.wait_dma2 semaphore(%run_scoped3A : memref<!tpu.dma_semaphore, #tpu.memory_space<semaphore_mem>>) src(%dma_wait3A_53 : memref<520x128xf32, #tpu.memory_space<vmem_shared>>) dst(%dma_wait3A_50 : memref<520x128xf32, #tpu.memory_space<hbm>>)
          tpu.yield
        }) : () -> ()
      } else {
      }
    } else {
    }
    %eq3A_5 = arith.constant 1 : i32
    %eq3A_6 = arith.cmpi eq, %arg0, %eq3A_5 : i32
    %convert_element_type3A_7 = arith.extui %eq3A_6 : i1 to i32
    %cond3A_8 = arith.constant 0 : i32
    %cond3A_9 = arith.cmpi ne, %convert_element_type3A_7, %cond3A_8 : i32
    scf.if %cond3A_9 {
      "tpu.region"() ({
        %run_scoped3A = tpu.sem_alloc : memref<!tpu.dma_semaphore, #tpu.memory_space<semaphore_mem>>
        %dma_start3A = arith.constant 0 : i32
        %dma_start3A_44 = tpu.memref_slice %arg6[%mul3A_0, %dma_start3A] : memref<640x128xi32, #tpu.memory_space<hbm>> -> memref<40x128xi32, #tpu.memory_space<hbm>>
        %dma_start3A_45 = arith.constant 0 : i32
        %dma_start3A_46 = tpu.memref_slice %arg6[%mul3A_0, %dma_start3A_45] : memref<640x128xi32, #tpu.memory_space<hbm>> -> memref<40x128xi32, #tpu.memory_space<hbm>>
        tpu.enqueue_dma source(%dma_start3A_46 : memref<40x128xi32, #tpu.memory_space<hbm>>) target(%arg11 : memref<40x128xi32, #tpu.memory_space<vmem>>) target_semaphore(%run_scoped3A : memref<!tpu.dma_semaphore, #tpu.memory_space<semaphore_mem>>)
        %dma_wait3A = arith.constant 0 : i32
        %dma_wait3A_47 = tpu.memref_slice %arg6[%mul3A_0, %dma_wait3A] : memref<640x128xi32, #tpu.memory_space<hbm>> -> memref<40x128xi32, #tpu.memory_space<hbm>>
        %dma_wait3A_48 = arith.constant 0 : i32
        %dma_wait3A_49 = tpu.memref_slice %arg6[%mul3A_0, %dma_wait3A_48] : memref<640x128xi32, #tpu.memory_space<hbm>> -> memref<40x128xi32, #tpu.memory_space<hbm>>
        tpu.wait_dma2 semaphore(%run_scoped3A : memref<!tpu.dma_semaphore, #tpu.memory_space<semaphore_mem>>) src(%dma_wait3A_49 : memref<40x128xi32, #tpu.memory_space<hbm>>) dst(%arg11 : memref<40x128xi32, #tpu.memory_space<vmem>>)
        tpu.yield
      }) : () -> ()
      %lt3A = arith.constant 15 : i32
      %lt3A_10 = arith.cmpi slt, %arg1, %lt3A : i32
      %convert_element_type3A_11 = arith.extui %lt3A_10 : i1 to i32
      %cond3A_12 = arith.constant 0 : i32
      %cond3A_13 = arith.cmpi ne, %convert_element_type3A_11, %cond3A_12 : i32
      scf.if %cond3A_13 {
        %mul3A_44 = arith.constant 632 : i32
        %mul3A_45 = arith.muli %arg1, %mul3A_44 : i32
        "tpu.region"() ({
          %run_scoped3A = tpu.sem_alloc : memref<!tpu.dma_semaphore, #tpu.memory_space<semaphore_mem>>
          %dma_start3A = arith.constant 0 : i32
          %dma_start3A_46 = tpu.memref_slice %arg12[%mul3A_45, %dma_start3A] : memref<10000x128xf32, #tpu.memory_space<vmem_shared>> -> memref<632x128xf32, #tpu.memory_space<vmem_shared>>
          %dma_start3A_47 = arith.constant 0 : i32
          %dma_start3A_48 = tpu.memref_slice %arg5[%mul3A_45, %dma_start3A_47] : memref<10000x128xf32, #tpu.memory_space<hbm>> -> memref<632x128xf32, #tpu.memory_space<hbm>>
          tpu.enqueue_dma source(%dma_start3A_48 : memref<632x128xf32, #tpu.memory_space<hbm>>) target(%dma_start3A_46 : memref<632x128xf32, #tpu.memory_space<vmem_shared>>) target_semaphore(%run_scoped3A : memref<!tpu.dma_semaphore, #tpu.memory_space<semaphore_mem>>)
          %dma_wait3A = arith.constant 0 : i32
          %dma_wait3A_49 = tpu.memref_slice %arg12[%mul3A_45, %dma_wait3A] : memref<10000x128xf32, #tpu.memory_space<vmem_shared>> -> memref<632x128xf32, #tpu.memory_space<vmem_shared>>
          %dma_wait3A_50 = arith.constant 0 : i32
          %dma_wait3A_51 = tpu.memref_slice %arg5[%mul3A_45, %dma_wait3A_50] : memref<10000x128xf32, #tpu.memory_space<hbm>> -> memref<632x128xf32, #tpu.memory_space<hbm>>
          tpu.wait_dma2 semaphore(%run_scoped3A : memref<!tpu.dma_semaphore, #tpu.memory_space<semaphore_mem>>) src(%dma_wait3A_51 : memref<632x128xf32, #tpu.memory_space<hbm>>) dst(%dma_wait3A_49 : memref<632x128xf32, #tpu.memory_space<vmem_shared>>)
          tpu.yield
        }) : () -> ()
      } else {
      }
      %eq3A_14 = arith.constant 15 : i32
      %eq3A_15 = arith.cmpi eq, %arg1, %eq3A_14 : i32
      %convert_element_type3A_16 = arith.extui %eq3A_15 : i1 to i32
      %cond3A_17 = arith.constant 0 : i32
      %cond3A_18 = arith.cmpi ne, %convert_element_type3A_16, %cond3A_17 : i32
      scf.if %cond3A_18 {
        "tpu.region"() ({
          %run_scoped3A = tpu.sem_alloc : memref<!tpu.dma_semaphore, #tpu.memory_space<semaphore_mem>>
          %dma_start3A = arith.constant 9480 : i32
          %dma_start3A_44 = arith.constant 0 : i32
          %dma_start3A_45 = tpu.memref_slice %arg12[%dma_start3A, %dma_start3A_44] : memref<10000x128xf32, #tpu.memory_space<vmem_shared>> -> memref<520x128xf32, #tpu.memory_space<vmem_shared>>
          %dma_start3A_46 = arith.constant 9480 : i32
          %dma_start3A_47 = arith.constant 0 : i32
          %dma_start3A_48 = tpu.memref_slice %arg5[%dma_start3A_46, %dma_start3A_47] : memref<10000x128xf32, #tpu.memory_space<hbm>> -> memref<520x128xf32, #tpu.memory_space<hbm>>
          tpu.enqueue_dma source(%dma_start3A_48 : memref<520x128xf32, #tpu.memory_space<hbm>>) target(%dma_start3A_45 : memref<520x128xf32, #tpu.memory_space<vmem_shared>>) target_semaphore(%run_scoped3A : memref<!tpu.dma_semaphore, #tpu.memory_space<semaphore_mem>>)
          %dma_wait3A = arith.constant 9480 : i32
          %dma_wait3A_49 = arith.constant 0 : i32
          %dma_wait3A_50 = tpu.memref_slice %arg12[%dma_wait3A, %dma_wait3A_49] : memref<10000x128xf32, #tpu.memory_space<vmem_shared>> -> memref<520x128xf32, #tpu.memory_space<vmem_shared>>
          %dma_wait3A_51 = arith.constant 9480 : i32
          %dma_wait3A_52 = arith.constant 0 : i32
          %dma_wait3A_53 = tpu.memref_slice %arg5[%dma_wait3A_51, %dma_wait3A_52] : memref<10000x128xf32, #tpu.memory_space<hbm>> -> memref<520x128xf32, #tpu.memory_space<hbm>>
          tpu.wait_dma2 semaphore(%run_scoped3A : memref<!tpu.dma_semaphore, #tpu.memory_space<semaphore_mem>>) src(%dma_wait3A_53 : memref<520x128xf32, #tpu.memory_space<hbm>>) dst(%dma_wait3A_50 : memref<520x128xf32, #tpu.memory_space<vmem_shared>>)
          tpu.yield
        }) : () -> ()
      } else {
      }
      %barrier3A = arith.constant 0 : index
      tpu.barrier barrier_id(%barrier3A)
      %scan3A = arith.constant 0 : i32
      %scan3A_19 = arith.constant 0 : i32
      %scan3A_20 = arith.constant 20 : i32
      %scan3A_21 = arith.addi %scan3A_19, %scan3A_20 : i32
      %scan3A_22 = arith.constant 1 : i32
      scf.for %scan3A_44 = %scan3A_19 to %scan3A_21 step %scan3A_22  : i32 {
        %mul3A_45 = arith.constant 2 : i32
        %mul3A_46 = arith.muli %mul3A_45, %scan3A_44 : i32
        %add3A = arith.constant 0 : i32
        %add3A_47 = arith.addi %mul3A_46, %add3A : i32
        %lt3A_48 = arith.cmpi slt, %add3A_47, %min3A : i32
        %convert_element_type3A_49 = arith.extui %lt3A_48 : i1 to i32
        %cond3A_50 = arith.constant 0 : i32
        %cond3A_51 = arith.cmpi ne, %convert_element_type3A_49, %cond3A_50 : i32
        scf.if %cond3A_51 {
          %gt3A_76 = arith.constant 0 : i32
          %gt3A_77 = arith.cmpi sgt, %scan3A_44, %gt3A_76 : i32
          %convert_element_type3A_78 = arith.extui %gt3A_77 : i1 to i32
          %cond3A_79 = arith.constant 0 : i32
          %cond3A_80 = arith.cmpi ne, %convert_element_type3A_78, %cond3A_79 : i32
          scf.if %cond3A_80 {
            %dma_wait3A = arith.constant 0 : i32
            %dma_wait3A_87 = arith.constant 0 : i32
            %dma_wait3A_88 = tpu.memref_slice %arg11[%dma_wait3A, %dma_wait3A_87] : memref<40x128xi32, #tpu.memory_space<vmem>> -> memref<1x128xi32, #tpu.memory_space<vmem>>
            %dma_wait3A_89 = tpu.memref_squeeze %dma_wait3A_88 : memref<1x128xi32, #tpu.memory_space<vmem>> -> memref<128xi32, #tpu.memory_space<vmem>>
            %dma_wait3A_90 = arith.constant 0 : i32
            %dma_wait3A_91 = arith.constant 0 : i32
            %dma_wait3A_92 = tpu.memref_slice %arg12[%dma_wait3A_90, %dma_wait3A_91] : memref<10000x128xf32, #tpu.memory_space<vmem_shared>> -> memref<10000x128xf32, #tpu.memory_space<vmem_shared>>
            tpu.wait_indirect_dma semaphore(%arg15 : memref<!tpu.dma_semaphore, #tpu.memory_space<semaphore_mem>>) src(%arg9 : memref<128x128xf32, #tpu.memory_space<vmem>>) dst(%dma_wait3A_92 : memref<10000x128xf32, #tpu.memory_space<vmem_shared>>)
          } else {
          }
          %add3A_81 = arith.addi %mul3A_0, %add3A_47 : i32
          %mul3A_82 = arith.constant 128 : i32
          %mul3A_83 = arith.muli %add3A_81, %mul3A_82 : i32
          %dma_start3A = arith.constant 0 : i32
          %dma_start3A_84 = tpu.memref_slice %arg3[%mul3A_83, %dma_start3A] : memref<80000x128xf32, #tpu.memory_space<hbm>> -> memref<128x128xf32, #tpu.memory_space<hbm>>
          %dma_start3A_85 = arith.constant 0 : i32
          %dma_start3A_86 = tpu.memref_slice %arg3[%mul3A_83, %dma_start3A_85] : memref<80000x128xf32, #tpu.memory_space<hbm>> -> memref<128x128xf32, #tpu.memory_space<hbm>>
          tpu.enqueue_dma source(%dma_start3A_86 : memref<128x128xf32, #tpu.memory_space<hbm>>) target(%arg9 : memref<128x128xf32, #tpu.memory_space<vmem>>) target_semaphore(%arg13 : memref<!tpu.dma_semaphore, #tpu.memory_space<semaphore_mem>>)
        } else {
        }
        %mul3A_52 = arith.constant 2 : i32
        %mul3A_53 = arith.muli %mul3A_52, %scan3A_44 : i32
        %add3A_54 = arith.constant 1 : i32
        %add3A_55 = arith.addi %mul3A_53, %add3A_54 : i32
        %lt3A_56 = arith.cmpi slt, %add3A_55, %min3A : i32
        %convert_element_type3A_57 = arith.extui %lt3A_56 : i1 to i32
        %cond3A_58 = arith.constant 0 : i32
        %cond3A_59 = arith.cmpi ne, %convert_element_type3A_57, %cond3A_58 : i32
        scf.if %cond3A_59 {
          %gt3A_76 = arith.constant 0 : i32
          %gt3A_77 = arith.cmpi sgt, %scan3A_44, %gt3A_76 : i32
          %convert_element_type3A_78 = arith.extui %gt3A_77 : i1 to i32
          %cond3A_79 = arith.constant 0 : i32
          %cond3A_80 = arith.cmpi ne, %convert_element_type3A_78, %cond3A_79 : i32
          scf.if %cond3A_80 {
            %dma_wait3A = arith.constant 0 : i32
            %dma_wait3A_87 = arith.constant 0 : i32
            %dma_wait3A_88 = tpu.memref_slice %arg11[%dma_wait3A, %dma_wait3A_87] : memref<40x128xi32, #tpu.memory_space<vmem>> -> memref<1x128xi32, #tpu.memory_space<vmem>>
            %dma_wait3A_89 = tpu.memref_squeeze %dma_wait3A_88 : memref<1x128xi32, #tpu.memory_space<vmem>> -> memref<128xi32, #tpu.memory_space<vmem>>
            %dma_wait3A_90 = arith.constant 0 : i32
            %dma_wait3A_91 = arith.constant 0 : i32
            %dma_wait3A_92 = tpu.memref_slice %arg12[%dma_wait3A_90, %dma_wait3A_91] : memref<10000x128xf32, #tpu.memory_space<vmem_shared>> -> memref<10000x128xf32, #tpu.memory_space<vmem_shared>>
            tpu.wait_indirect_dma semaphore(%arg16 : memref<!tpu.dma_semaphore, #tpu.memory_space<semaphore_mem>>) src(%arg10 : memref<128x128xf32, #tpu.memory_space<vmem>>) dst(%dma_wait3A_92 : memref<10000x128xf32, #tpu.memory_space<vmem_shared>>)
          } else {
          }
          %add3A_81 = arith.addi %mul3A_0, %add3A_55 : i32
          %mul3A_82 = arith.constant 128 : i32
          %mul3A_83 = arith.muli %add3A_81, %mul3A_82 : i32
          %dma_start3A = arith.constant 0 : i32
          %dma_start3A_84 = tpu.memref_slice %arg3[%mul3A_83, %dma_start3A] : memref<80000x128xf32, #tpu.memory_space<hbm>> -> memref<128x128xf32, #tpu.memory_space<hbm>>
          %dma_start3A_85 = arith.constant 0 : i32
          %dma_start3A_86 = tpu.memref_slice %arg3[%mul3A_83, %dma_start3A_85] : memref<80000x128xf32, #tpu.memory_space<hbm>> -> memref<128x128xf32, #tpu.memory_space<hbm>>
          tpu.enqueue_dma source(%dma_start3A_86 : memref<128x128xf32, #tpu.memory_space<hbm>>) target(%arg10 : memref<128x128xf32, #tpu.memory_space<vmem>>) target_semaphore(%arg14 : memref<!tpu.dma_semaphore, #tpu.memory_space<semaphore_mem>>)
        } else {
        }
        %mul3A_60 = arith.constant 2 : i32
        %mul3A_61 = arith.muli %mul3A_60, %scan3A_44 : i32
        %add3A_62 = arith.constant 0 : i32
        %add3A_63 = arith.addi %mul3A_61, %add3A_62 : i32
        %lt3A_64 = arith.cmpi slt, %add3A_63, %min3A : i32
        %convert_element_type3A_65 = arith.extui %lt3A_64 : i1 to i32
        %cond3A_66 = arith.constant 0 : i32
        %cond3A_67 = arith.cmpi ne, %convert_element_type3A_65, %cond3A_66 : i32
        scf.if %cond3A_67 {
          %dma_wait3A = arith.constant 0 : i32
          %dma_wait3A_76 = arith.constant 0 : i32
          %dma_wait3A_77 = tpu.memref_slice %arg3[%dma_wait3A, %dma_wait3A_76] : memref<80000x128xf32, #tpu.memory_space<hbm>> -> memref<128x128xf32, #tpu.memory_space<hbm>>
          %dma_wait3A_78 = arith.constant 0 : i32
          %dma_wait3A_79 = arith.constant 0 : i32
          %dma_wait3A_80 = tpu.memref_slice %arg3[%dma_wait3A_78, %dma_wait3A_79] : memref<80000x128xf32, #tpu.memory_space<hbm>> -> memref<128x128xf32, #tpu.memory_space<hbm>>
          tpu.wait_dma2 semaphore(%arg13 : memref<!tpu.dma_semaphore, #tpu.memory_space<semaphore_mem>>) src(%dma_wait3A_80 : memref<128x128xf32, #tpu.memory_space<hbm>>) dst(%arg9 : memref<128x128xf32, #tpu.memory_space<vmem>>)
          %dma_start3A = arith.constant 0 : i32
          %dma_start3A_81 = tpu.memref_slice %arg11[%add3A_63, %dma_start3A] : memref<40x128xi32, #tpu.memory_space<vmem>> -> memref<1x128xi32, #tpu.memory_space<vmem>>
          %dma_start3A_82 = tpu.memref_squeeze %dma_start3A_81 : memref<1x128xi32, #tpu.memory_space<vmem>> -> memref<128xi32, #tpu.memory_space<vmem>>
          %dma_start3A_83 = arith.constant 0 : i32
          %dma_start3A_84 = arith.constant 0 : i32
          %dma_start3A_85 = tpu.memref_slice %arg12[%dma_start3A_83, %dma_start3A_84] : memref<10000x128xf32, #tpu.memory_space<vmem_shared>> -> memref<10000x128xf32, #tpu.memory_space<vmem_shared>>
          tpu.enqueue_indirect_dma source(%arg9 : memref<128x128xf32, #tpu.memory_space<vmem>>) target(%dma_start3A_85 : memref<10000x128xf32, #tpu.memory_space<vmem_shared>>) offsets(%dma_start3A_82 : memref<128xi32, #tpu.memory_space<vmem>>) semaphore(%arg15 : memref<!tpu.dma_semaphore, #tpu.memory_space<semaphore_mem>>) {add = true}
        } else {
        }
        %mul3A_68 = arith.constant 2 : i32
        %mul3A_69 = arith.muli %mul3A_68, %scan3A_44 : i32
        %add3A_70 = arith.constant 1 : i32
        %add3A_71 = arith.addi %mul3A_69, %add3A_70 : i32
        %lt3A_72 = arith.cmpi slt, %add3A_71, %min3A : i32
        %convert_element_type3A_73 = arith.extui %lt3A_72 : i1 to i32
        %cond3A_74 = arith.constant 0 : i32
        %cond3A_75 = arith.cmpi ne, %convert_element_type3A_73, %cond3A_74 : i32
        scf.if %cond3A_75 {
          %dma_wait3A = arith.constant 0 : i32
          %dma_wait3A_76 = arith.constant 0 : i32
          %dma_wait3A_77 = tpu.memref_slice %arg3[%dma_wait3A, %dma_wait3A_76] : memref<80000x128xf32, #tpu.memory_space<hbm>> -> memref<128x128xf32, #tpu.memory_space<hbm>>
          %dma_wait3A_78 = arith.constant 0 : i32
          %dma_wait3A_79 = arith.constant 0 : i32
          %dma_wait3A_80 = tpu.memref_slice %arg3[%dma_wait3A_78, %dma_wait3A_79] : memref<80000x128xf32, #tpu.memory_space<hbm>> -> memref<128x128xf32, #tpu.memory_space<hbm>>
          tpu.wait_dma2 semaphore(%arg14 : memref<!tpu.dma_semaphore, #tpu.memory_space<semaphore_mem>>) src(%dma_wait3A_80 : memref<128x128xf32, #tpu.memory_space<hbm>>) dst(%arg10 : memref<128x128xf32, #tpu.memory_space<vmem>>)
          %dma_start3A = arith.constant 0 : i32
          %dma_start3A_81 = tpu.memref_slice %arg11[%add3A_71, %dma_start3A] : memref<40x128xi32, #tpu.memory_space<vmem>> -> memref<1x128xi32, #tpu.memory_space<vmem>>
          %dma_start3A_82 = tpu.memref_squeeze %dma_start3A_81 : memref<1x128xi32, #tpu.memory_space<vmem>> -> memref<128xi32, #tpu.memory_space<vmem>>
          %dma_start3A_83 = arith.constant 0 : i32
          %dma_start3A_84 = arith.constant 0 : i32
          %dma_start3A_85 = tpu.memref_slice %arg12[%dma_start3A_83, %dma_start3A_84] : memref<10000x128xf32, #tpu.memory_space<vmem_shared>> -> memref<10000x128xf32, #tpu.memory_space<vmem_shared>>
          tpu.enqueue_indirect_dma source(%arg10 : memref<128x128xf32, #tpu.memory_space<vmem>>) target(%dma_start3A_85 : memref<10000x128xf32, #tpu.memory_space<vmem_shared>>) offsets(%dma_start3A_82 : memref<128xi32, #tpu.memory_space<vmem>>) semaphore(%arg16 : memref<!tpu.dma_semaphore, #tpu.memory_space<semaphore_mem>>) {add = true}
        } else {
        }
      }
      %scan3A_23 = arith.constant 20 : i32
      %gt3A = arith.constant 0 : i32
      %gt3A_24 = arith.cmpi sgt, %min3A, %gt3A : i32
      %convert_element_type3A_25 = arith.extui %gt3A_24 : i1 to i32
      %cond3A_26 = arith.constant 0 : i32
      %cond3A_27 = arith.cmpi ne, %convert_element_type3A_25, %cond3A_26 : i32
      scf.if %cond3A_27 {
        %dma_wait3A = arith.constant 0 : i32
        %dma_wait3A_44 = arith.constant 0 : i32
        %dma_wait3A_45 = tpu.memref_slice %arg11[%dma_wait3A, %dma_wait3A_44] : memref<40x128xi32, #tpu.memory_space<vmem>> -> memref<1x128xi32, #tpu.memory_space<vmem>>
        %dma_wait3A_46 = tpu.memref_squeeze %dma_wait3A_45 : memref<1x128xi32, #tpu.memory_space<vmem>> -> memref<128xi32, #tpu.memory_space<vmem>>
        %dma_wait3A_47 = arith.constant 0 : i32
        %dma_wait3A_48 = arith.constant 0 : i32
        %dma_wait3A_49 = tpu.memref_slice %arg12[%dma_wait3A_47, %dma_wait3A_48] : memref<10000x128xf32, #tpu.memory_space<vmem_shared>> -> memref<10000x128xf32, #tpu.memory_space<vmem_shared>>
        tpu.wait_indirect_dma semaphore(%arg15 : memref<!tpu.dma_semaphore, #tpu.memory_space<semaphore_mem>>) src(%arg9 : memref<128x128xf32, #tpu.memory_space<vmem>>) dst(%dma_wait3A_49 : memref<10000x128xf32, #tpu.memory_space<vmem_shared>>)
      } else {
      }
      %gt3A_28 = arith.constant 1 : i32
      %gt3A_29 = arith.cmpi sgt, %min3A, %gt3A_28 : i32
      %convert_element_type3A_30 = arith.extui %gt3A_29 : i1 to i32
      %cond3A_31 = arith.constant 0 : i32
      %cond3A_32 = arith.cmpi ne, %convert_element_type3A_30, %cond3A_31 : i32
      scf.if %cond3A_32 {
        %dma_wait3A = arith.constant 0 : i32
        %dma_wait3A_44 = arith.constant 0 : i32
        %dma_wait3A_45 = tpu.memref_slice %arg11[%dma_wait3A, %dma_wait3A_44] : memref<40x128xi32, #tpu.memory_space<vmem>> -> memref<1x128xi32, #tpu.memory_space<vmem>>
        %dma_wait3A_46 = tpu.memref_squeeze %dma_wait3A_45 : memref<1x128xi32, #tpu.memory_space<vmem>> -> memref<128xi32, #tpu.memory_space<vmem>>
        %dma_wait3A_47 = arith.constant 0 : i32
        %dma_wait3A_48 = arith.constant 0 : i32
        %dma_wait3A_49 = tpu.memref_slice %arg12[%dma_wait3A_47, %dma_wait3A_48] : memref<10000x128xf32, #tpu.memory_space<vmem_shared>> -> memref<10000x128xf32, #tpu.memory_space<vmem_shared>>
        tpu.wait_indirect_dma semaphore(%arg16 : memref<!tpu.dma_semaphore, #tpu.memory_space<semaphore_mem>>) src(%arg10 : memref<128x128xf32, #tpu.memory_space<vmem>>) dst(%dma_wait3A_49 : memref<10000x128xf32, #tpu.memory_space<vmem_shared>>)
      } else {
      }
      %barrier3A_33 = arith.constant 0 : index
      tpu.barrier barrier_id(%barrier3A_33)
      %lt3A_34 = arith.constant 15 : i32
      %lt3A_35 = arith.cmpi slt, %arg1, %lt3A_34 : i32
      %convert_element_type3A_36 = arith.extui %lt3A_35 : i1 to i32
      %cond3A_37 = arith.constant 0 : i32
      %cond3A_38 = arith.cmpi ne, %convert_element_type3A_36, %cond3A_37 : i32
      scf.if %cond3A_38 {
        %mul3A_44 = arith.constant 632 : i32
        %mul3A_45 = arith.muli %arg1, %mul3A_44 : i32
        "tpu.region"() ({
          %run_scoped3A = tpu.sem_alloc : memref<!tpu.dma_semaphore, #tpu.memory_space<semaphore_mem>>
          %dma_start3A = arith.constant 0 : i32
          %dma_start3A_46 = tpu.memref_slice %arg8[%mul3A_45, %dma_start3A] : memref<10000x128xf32, #tpu.memory_space<hbm>> -> memref<632x128xf32, #tpu.memory_space<hbm>>
          %dma_start3A_47 = arith.constant 0 : i32
          %dma_start3A_48 = tpu.memref_slice %arg12[%mul3A_45, %dma_start3A_47] : memref<10000x128xf32, #tpu.memory_space<vmem_shared>> -> memref<632x128xf32, #tpu.memory_space<vmem_shared>>
          tpu.enqueue_dma source(%dma_start3A_48 : memref<632x128xf32, #tpu.memory_space<vmem_shared>>) target(%dma_start3A_46 : memref<632x128xf32, #tpu.memory_space<hbm>>) target_semaphore(%run_scoped3A : memref<!tpu.dma_semaphore, #tpu.memory_space<semaphore_mem>>)
          %dma_wait3A = arith.constant 0 : i32
          %dma_wait3A_49 = tpu.memref_slice %arg8[%mul3A_45, %dma_wait3A] : memref<10000x128xf32, #tpu.memory_space<hbm>> -> memref<632x128xf32, #tpu.memory_space<hbm>>
          %dma_wait3A_50 = arith.constant 0 : i32
          %dma_wait3A_51 = tpu.memref_slice %arg12[%mul3A_45, %dma_wait3A_50] : memref<10000x128xf32, #tpu.memory_space<vmem_shared>> -> memref<632x128xf32, #tpu.memory_space<vmem_shared>>
          tpu.wait_dma2 semaphore(%run_scoped3A : memref<!tpu.dma_semaphore, #tpu.memory_space<semaphore_mem>>) src(%dma_wait3A_51 : memref<632x128xf32, #tpu.memory_space<vmem_shared>>) dst(%dma_wait3A_49 : memref<632x128xf32, #tpu.memory_space<hbm>>)
          tpu.yield
        }) : () -> ()
      } else {
      }
      %eq3A_39 = arith.constant 15 : i32
      %eq3A_40 = arith.cmpi eq, %arg1, %eq3A_39 : i32
      %convert_element_type3A_41 = arith.extui %eq3A_40 : i1 to i32
      %cond3A_42 = arith.constant 0 : i32
      %cond3A_43 = arith.cmpi ne, %convert_element_type3A_41, %cond3A_42 : i32
      scf.if %cond3A_43 {
        "tpu.region"() ({
          %run_scoped3A = tpu.sem_alloc : memref<!tpu.dma_semaphore, #tpu.memory_space<semaphore_mem>>
          %dma_start3A = arith.constant 9480 : i32
          %dma_start3A_44 = arith.constant 0 : i32
          %dma_start3A_45 = tpu.memref_slice %arg8[%dma_start3A, %dma_start3A_44] : memref<10000x128xf32, #tpu.memory_space<hbm>> -> memref<520x128xf32, #tpu.memory_space<hbm>>
          %dma_start3A_46 = arith.constant 9480 : i32
          %dma_start3A_47 = arith.constant 0 : i32
          %dma_start3A_48 = tpu.memref_slice %arg12[%dma_start3A_46, %dma_start3A_47] : memref<10000x128xf32, #tpu.memory_space<vmem_shared>> -> memref<520x128xf32, #tpu.memory_space<vmem_shared>>
          tpu.enqueue_dma source(%dma_start3A_48 : memref<520x128xf32, #tpu.memory_space<vmem_shared>>) target(%dma_start3A_45 : memref<520x128xf32, #tpu.memory_space<hbm>>) target_semaphore(%run_scoped3A : memref<!tpu.dma_semaphore, #tpu.memory_space<semaphore_mem>>)
          %dma_wait3A = arith.constant 9480 : i32
          %dma_wait3A_49 = arith.constant 0 : i32
          %dma_wait3A_50 = tpu.memref_slice %arg8[%dma_wait3A, %dma_wait3A_49] : memref<10000x128xf32, #tpu.memory_space<hbm>> -> memref<520x128xf32, #tpu.memory_space<hbm>>
          %dma_wait3A_51 = arith.constant 9480 : i32
          %dma_wait3A_52 = arith.constant 0 : i32
          %dma_wait3A_53 = tpu.memref_slice %arg12[%dma_wait3A_51, %dma_wait3A_52] : memref<10000x128xf32, #tpu.memory_space<vmem_shared>> -> memref<520x128xf32, #tpu.memory_space<vmem_shared>>
          tpu.wait_dma2 semaphore(%run_scoped3A : memref<!tpu.dma_semaphore, #tpu.memory_space<semaphore_mem>>) src(%dma_wait3A_53 : memref<520x128xf32, #tpu.memory_space<vmem_shared>>) dst(%dma_wait3A_50 : memref<520x128xf32, #tpu.memory_space<hbm>>)
          tpu.yield
        }) : () -> ()
      } else {
      }
    } else {
    }
    return
  }
}

#map = affine_map<(d0, d1) -> (0, 0)>
module attributes {stable_mosaic.version = 14 : i64} {
  func.func @_gather2_body(%arg0: i32, %arg1: i32, %arg2: memref<10000x256xi32, #tpu.memory_space<hbm>>, %arg3: memref<10000x384xi32, #tpu.memory_space<hbm>>, %arg4: memref<1280x64xi32, #tpu.memory_space<hbm>>, %arg5: memref<1280x64xi32, #tpu.memory_space<hbm>>, %arg6: memref<80000x256xi32, #tpu.memory_space<hbm>>, %arg7: memref<80000x384xi32, #tpu.memory_space<hbm>>, %arg8: memref<40x64xi32, #tpu.memory_space<vmem>>, %arg9: memref<40x64xi32, #tpu.memory_space<vmem>>, %arg10: memref<64x256xi32, #tpu.memory_space<vmem>>, %arg11: memref<64x256xi32, #tpu.memory_space<vmem>>, %arg12: memref<64x384xi32, #tpu.memory_space<vmem>>, %arg13: memref<64x384xi32, #tpu.memory_space<vmem>>, %arg14: memref<!tpu.dma_semaphore, #tpu.memory_space<semaphore_mem>>, %arg15: memref<!tpu.dma_semaphore, #tpu.memory_space<semaphore_mem>>, %arg16: memref<!tpu.dma_semaphore, #tpu.memory_space<semaphore_mem>>, %arg17: memref<!tpu.dma_semaphore, #tpu.memory_space<semaphore_mem>>, %arg18: memref<!tpu.dma_semaphore, #tpu.memory_space<semaphore_mem>>, %arg19: memref<!tpu.dma_semaphore, #tpu.memory_space<semaphore_mem>>, %arg20: memref<!tpu.dma_semaphore, #tpu.memory_space<semaphore_mem>>, %arg21: memref<!tpu.dma_semaphore, #tpu.memory_space<semaphore_mem>>) attributes {dimension_semantics = [#tpu.dimension_semantics<core_parallel>, #tpu.dimension_semantics<subcore_parallel>], iteration_bounds = array<i64: 2, 16>, scalar_prefetch = 0 : i64, scratch_operands = 14 : i64, tpu.core_type = #tpu.core_type<sc_vector_subcore>, window_params = [{transform_indices = #map}, {transform_indices = #map}, {transform_indices = #map}, {transform_indices = #map}, {transform_indices = #map}, {transform_indices = #map}]} {
    %mul3A = arith.constant 16 : i32
    %mul3A_0 = arith.muli %arg0, %mul3A : i32
    %add3A = arith.addi %mul3A_0, %arg1 : i32
    %mul3A_1 = arith.constant 40 : i32
    %mul3A_2 = arith.muli %add3A, %mul3A_1 : i32
    %sub3A = arith.constant 1250 : i32
    %sub3A_3 = arith.subi %sub3A, %mul3A_2 : i32
    %jit3A = arith.constant 0 : i32
    %jit3A_4 = arith.constant 40 : i32
    %max3A = arith.maxsi %jit3A, %sub3A_3 : i32
    %min3A = arith.minsi %jit3A_4, %max3A : i32
    "tpu.region"() ({
      %run_scoped3A = tpu.sem_alloc : memref<!tpu.dma_semaphore, #tpu.memory_space<semaphore_mem>>
      %dma_start3A = arith.constant 0 : i32
      %dma_start3A_17 = tpu.memref_slice %arg4[%mul3A_2, %dma_start3A] : memref<1280x64xi32, #tpu.memory_space<hbm>> -> memref<40x64xi32, #tpu.memory_space<hbm>>
      %dma_start3A_18 = arith.constant 0 : i32
      %dma_start3A_19 = tpu.memref_slice %arg4[%mul3A_2, %dma_start3A_18] : memref<1280x64xi32, #tpu.memory_space<hbm>> -> memref<40x64xi32, #tpu.memory_space<hbm>>
      tpu.enqueue_dma source(%dma_start3A_19 : memref<40x64xi32, #tpu.memory_space<hbm>>) target(%arg8 : memref<40x64xi32, #tpu.memory_space<vmem>>) target_semaphore(%run_scoped3A : memref<!tpu.dma_semaphore, #tpu.memory_space<semaphore_mem>>)
      %dma_wait3A = arith.constant 0 : i32
      %dma_wait3A_20 = tpu.memref_slice %arg4[%mul3A_2, %dma_wait3A] : memref<1280x64xi32, #tpu.memory_space<hbm>> -> memref<40x64xi32, #tpu.memory_space<hbm>>
      %dma_wait3A_21 = arith.constant 0 : i32
      %dma_wait3A_22 = tpu.memref_slice %arg4[%mul3A_2, %dma_wait3A_21] : memref<1280x64xi32, #tpu.memory_space<hbm>> -> memref<40x64xi32, #tpu.memory_space<hbm>>
      tpu.wait_dma2 semaphore(%run_scoped3A : memref<!tpu.dma_semaphore, #tpu.memory_space<semaphore_mem>>) src(%dma_wait3A_22 : memref<40x64xi32, #tpu.memory_space<hbm>>) dst(%arg8 : memref<40x64xi32, #tpu.memory_space<vmem>>)
      tpu.yield
    }) : () -> ()
    "tpu.region"() ({
      %run_scoped3A = tpu.sem_alloc : memref<!tpu.dma_semaphore, #tpu.memory_space<semaphore_mem>>
      %dma_start3A = arith.constant 0 : i32
      %dma_start3A_17 = tpu.memref_slice %arg5[%mul3A_2, %dma_start3A] : memref<1280x64xi32, #tpu.memory_space<hbm>> -> memref<40x64xi32, #tpu.memory_space<hbm>>
      %dma_start3A_18 = arith.constant 0 : i32
      %dma_start3A_19 = tpu.memref_slice %arg5[%mul3A_2, %dma_start3A_18] : memref<1280x64xi32, #tpu.memory_space<hbm>> -> memref<40x64xi32, #tpu.memory_space<hbm>>
      tpu.enqueue_dma source(%dma_start3A_19 : memref<40x64xi32, #tpu.memory_space<hbm>>) target(%arg9 : memref<40x64xi32, #tpu.memory_space<vmem>>) target_semaphore(%run_scoped3A : memref<!tpu.dma_semaphore, #tpu.memory_space<semaphore_mem>>)
      %dma_wait3A = arith.constant 0 : i32
      %dma_wait3A_20 = tpu.memref_slice %arg5[%mul3A_2, %dma_wait3A] : memref<1280x64xi32, #tpu.memory_space<hbm>> -> memref<40x64xi32, #tpu.memory_space<hbm>>
      %dma_wait3A_21 = arith.constant 0 : i32
      %dma_wait3A_22 = tpu.memref_slice %arg5[%mul3A_2, %dma_wait3A_21] : memref<1280x64xi32, #tpu.memory_space<hbm>> -> memref<40x64xi32, #tpu.memory_space<hbm>>
      tpu.wait_dma2 semaphore(%run_scoped3A : memref<!tpu.dma_semaphore, #tpu.memory_space<semaphore_mem>>) src(%dma_wait3A_22 : memref<40x64xi32, #tpu.memory_space<hbm>>) dst(%arg9 : memref<40x64xi32, #tpu.memory_space<vmem>>)
      tpu.yield
    }) : () -> ()
    %scan3A = arith.constant 0 : i32
    %scan3A_5 = arith.constant 0 : i32
    %scan3A_6 = arith.constant 20 : i32
    %scan3A_7 = arith.addi %scan3A_5, %scan3A_6 : i32
    %scan3A_8 = arith.constant 1 : i32
    scf.for %scan3A_17 = %scan3A_5 to %scan3A_7 step %scan3A_8  : i32 {
      %mul3A_18 = arith.constant 2 : i32
      %mul3A_19 = arith.muli %mul3A_18, %scan3A_17 : i32
      %add3A_20 = arith.constant 0 : i32
      %add3A_21 = arith.addi %mul3A_19, %add3A_20 : i32
      %lt3A = arith.cmpi slt, %add3A_21, %min3A : i32
      %convert_element_type3A_22 = arith.extui %lt3A : i1 to i32
      %cond3A_23 = arith.constant 0 : i32
      %cond3A_24 = arith.cmpi ne, %convert_element_type3A_22, %cond3A_23 : i32
      scf.if %cond3A_24 {
        %gt3A_49 = arith.constant 0 : i32
        %gt3A_50 = arith.cmpi sgt, %scan3A_17, %gt3A_49 : i32
        %convert_element_type3A_51 = arith.extui %gt3A_50 : i1 to i32
        %cond3A_52 = arith.constant 0 : i32
        %cond3A_53 = arith.cmpi ne, %convert_element_type3A_51, %cond3A_52 : i32
        scf.if %cond3A_53 {
          %dma_wait3A = arith.constant 0 : i32
          %dma_wait3A_65 = arith.constant 0 : i32
          %dma_wait3A_66 = tpu.memref_slice %arg6[%dma_wait3A, %dma_wait3A_65] : memref<80000x256xi32, #tpu.memory_space<hbm>> -> memref<64x256xi32, #tpu.memory_space<hbm>>
          %dma_wait3A_67 = arith.constant 0 : i32
          %dma_wait3A_68 = arith.constant 0 : i32
          %dma_wait3A_69 = tpu.memref_slice %arg6[%dma_wait3A_67, %dma_wait3A_68] : memref<80000x256xi32, #tpu.memory_space<hbm>> -> memref<64x256xi32, #tpu.memory_space<hbm>>
          tpu.wait_dma2 semaphore(%arg18 : memref<!tpu.dma_semaphore, #tpu.memory_space<semaphore_mem>>) src(%arg10 : memref<64x256xi32, #tpu.memory_space<vmem>>) dst(%dma_wait3A_69 : memref<64x256xi32, #tpu.memory_space<hbm>>)
          %dma_wait3A_70 = arith.constant 0 : i32
          %dma_wait3A_71 = arith.constant 0 : i32
          %dma_wait3A_72 = tpu.memref_slice %arg7[%dma_wait3A_70, %dma_wait3A_71] : memref<80000x384xi32, #tpu.memory_space<hbm>> -> memref<64x384xi32, #tpu.memory_space<hbm>>
          %dma_wait3A_73 = arith.constant 0 : i32
          %dma_wait3A_74 = arith.constant 0 : i32
          %dma_wait3A_75 = tpu.memref_slice %arg7[%dma_wait3A_73, %dma_wait3A_74] : memref<80000x384xi32, #tpu.memory_space<hbm>> -> memref<64x384xi32, #tpu.memory_space<hbm>>
          tpu.wait_dma2 semaphore(%arg20 : memref<!tpu.dma_semaphore, #tpu.memory_space<semaphore_mem>>) src(%arg12 : memref<64x384xi32, #tpu.memory_space<vmem>>) dst(%dma_wait3A_75 : memref<64x384xi32, #tpu.memory_space<hbm>>)
        } else {
        }
        %dma_start3A = arith.constant 0 : i32
        %dma_start3A_54 = tpu.memref_slice %arg8[%add3A_21, %dma_start3A] : memref<40x64xi32, #tpu.memory_space<vmem>> -> memref<1x64xi32, #tpu.memory_space<vmem>>
        %dma_start3A_55 = tpu.memref_squeeze %dma_start3A_54 : memref<1x64xi32, #tpu.memory_space<vmem>> -> memref<64xi32, #tpu.memory_space<vmem>>
        %dma_start3A_56 = arith.constant 0 : i32
        %dma_start3A_57 = arith.constant 0 : i32
        %dma_start3A_58 = tpu.memref_slice %arg2[%dma_start3A_56, %dma_start3A_57] : memref<10000x256xi32, #tpu.memory_space<hbm>> -> memref<10000x256xi32, #tpu.memory_space<hbm>>
        tpu.enqueue_indirect_dma source(%dma_start3A_58 : memref<10000x256xi32, #tpu.memory_space<hbm>>) target(%arg10 : memref<64x256xi32, #tpu.memory_space<vmem>>) offsets(%dma_start3A_55 : memref<64xi32, #tpu.memory_space<vmem>>) semaphore(%arg14 : memref<!tpu.dma_semaphore, #tpu.memory_space<semaphore_mem>>)
        %dma_start3A_59 = arith.constant 0 : i32
        %dma_start3A_60 = tpu.memref_slice %arg9[%add3A_21, %dma_start3A_59] : memref<40x64xi32, #tpu.memory_space<vmem>> -> memref<1x64xi32, #tpu.memory_space<vmem>>
        %dma_start3A_61 = tpu.memref_squeeze %dma_start3A_60 : memref<1x64xi32, #tpu.memory_space<vmem>> -> memref<64xi32, #tpu.memory_space<vmem>>
        %dma_start3A_62 = arith.constant 0 : i32
        %dma_start3A_63 = arith.constant 0 : i32
        %dma_start3A_64 = tpu.memref_slice %arg3[%dma_start3A_62, %dma_start3A_63] : memref<10000x384xi32, #tpu.memory_space<hbm>> -> memref<10000x384xi32, #tpu.memory_space<hbm>>
        tpu.enqueue_indirect_dma source(%dma_start3A_64 : memref<10000x384xi32, #tpu.memory_space<hbm>>) target(%arg12 : memref<64x384xi32, #tpu.memory_space<vmem>>) offsets(%dma_start3A_61 : memref<64xi32, #tpu.memory_space<vmem>>) semaphore(%arg16 : memref<!tpu.dma_semaphore, #tpu.memory_space<semaphore_mem>>)
      } else {
      }
      %mul3A_25 = arith.constant 2 : i32
      %mul3A_26 = arith.muli %mul3A_25, %scan3A_17 : i32
      %add3A_27 = arith.constant 1 : i32
      %add3A_28 = arith.addi %mul3A_26, %add3A_27 : i32
      %lt3A_29 = arith.cmpi slt, %add3A_28, %min3A : i32
      %convert_element_type3A_30 = arith.extui %lt3A_29 : i1 to i32
      %cond3A_31 = arith.constant 0 : i32
      %cond3A_32 = arith.cmpi ne, %convert_element_type3A_30, %cond3A_31 : i32
      scf.if %cond3A_32 {
        %gt3A_49 = arith.constant 0 : i32
        %gt3A_50 = arith.cmpi sgt, %scan3A_17, %gt3A_49 : i32
        %convert_element_type3A_51 = arith.extui %gt3A_50 : i1 to i32
        %cond3A_52 = arith.constant 0 : i32
        %cond3A_53 = arith.cmpi ne, %convert_element_type3A_51, %cond3A_52 : i32
        scf.if %cond3A_53 {
          %dma_wait3A = arith.constant 0 : i32
          %dma_wait3A_65 = arith.constant 0 : i32
          %dma_wait3A_66 = tpu.memref_slice %arg6[%dma_wait3A, %dma_wait3A_65] : memref<80000x256xi32, #tpu.memory_space<hbm>> -> memref<64x256xi32, #tpu.memory_space<hbm>>
          %dma_wait3A_67 = arith.constant 0 : i32
          %dma_wait3A_68 = arith.constant 0 : i32
          %dma_wait3A_69 = tpu.memref_slice %arg6[%dma_wait3A_67, %dma_wait3A_68] : memref<80000x256xi32, #tpu.memory_space<hbm>> -> memref<64x256xi32, #tpu.memory_space<hbm>>
          tpu.wait_dma2 semaphore(%arg19 : memref<!tpu.dma_semaphore, #tpu.memory_space<semaphore_mem>>) src(%arg11 : memref<64x256xi32, #tpu.memory_space<vmem>>) dst(%dma_wait3A_69 : memref<64x256xi32, #tpu.memory_space<hbm>>)
          %dma_wait3A_70 = arith.constant 0 : i32
          %dma_wait3A_71 = arith.constant 0 : i32
          %dma_wait3A_72 = tpu.memref_slice %arg7[%dma_wait3A_70, %dma_wait3A_71] : memref<80000x384xi32, #tpu.memory_space<hbm>> -> memref<64x384xi32, #tpu.memory_space<hbm>>
          %dma_wait3A_73 = arith.constant 0 : i32
          %dma_wait3A_74 = arith.constant 0 : i32
          %dma_wait3A_75 = tpu.memref_slice %arg7[%dma_wait3A_73, %dma_wait3A_74] : memref<80000x384xi32, #tpu.memory_space<hbm>> -> memref<64x384xi32, #tpu.memory_space<hbm>>
          tpu.wait_dma2 semaphore(%arg21 : memref<!tpu.dma_semaphore, #tpu.memory_space<semaphore_mem>>) src(%arg13 : memref<64x384xi32, #tpu.memory_space<vmem>>) dst(%dma_wait3A_75 : memref<64x384xi32, #tpu.memory_space<hbm>>)
        } else {
        }
        %dma_start3A = arith.constant 0 : i32
        %dma_start3A_54 = tpu.memref_slice %arg8[%add3A_28, %dma_start3A] : memref<40x64xi32, #tpu.memory_space<vmem>> -> memref<1x64xi32, #tpu.memory_space<vmem>>
        %dma_start3A_55 = tpu.memref_squeeze %dma_start3A_54 : memref<1x64xi32, #tpu.memory_space<vmem>> -> memref<64xi32, #tpu.memory_space<vmem>>
        %dma_start3A_56 = arith.constant 0 : i32
        %dma_start3A_57 = arith.constant 0 : i32
        %dma_start3A_58 = tpu.memref_slice %arg2[%dma_start3A_56, %dma_start3A_57] : memref<10000x256xi32, #tpu.memory_space<hbm>> -> memref<10000x256xi32, #tpu.memory_space<hbm>>
        tpu.enqueue_indirect_dma source(%dma_start3A_58 : memref<10000x256xi32, #tpu.memory_space<hbm>>) target(%arg11 : memref<64x256xi32, #tpu.memory_space<vmem>>) offsets(%dma_start3A_55 : memref<64xi32, #tpu.memory_space<vmem>>) semaphore(%arg15 : memref<!tpu.dma_semaphore, #tpu.memory_space<semaphore_mem>>)
        %dma_start3A_59 = arith.constant 0 : i32
        %dma_start3A_60 = tpu.memref_slice %arg9[%add3A_28, %dma_start3A_59] : memref<40x64xi32, #tpu.memory_space<vmem>> -> memref<1x64xi32, #tpu.memory_space<vmem>>
        %dma_start3A_61 = tpu.memref_squeeze %dma_start3A_60 : memref<1x64xi32, #tpu.memory_space<vmem>> -> memref<64xi32, #tpu.memory_space<vmem>>
        %dma_start3A_62 = arith.constant 0 : i32
        %dma_start3A_63 = arith.constant 0 : i32
        %dma_start3A_64 = tpu.memref_slice %arg3[%dma_start3A_62, %dma_start3A_63] : memref<10000x384xi32, #tpu.memory_space<hbm>> -> memref<10000x384xi32, #tpu.memory_space<hbm>>
        tpu.enqueue_indirect_dma source(%dma_start3A_64 : memref<10000x384xi32, #tpu.memory_space<hbm>>) target(%arg13 : memref<64x384xi32, #tpu.memory_space<vmem>>) offsets(%dma_start3A_61 : memref<64xi32, #tpu.memory_space<vmem>>) semaphore(%arg17 : memref<!tpu.dma_semaphore, #tpu.memory_space<semaphore_mem>>)
      } else {
      }
      %mul3A_33 = arith.constant 2 : i32
      %mul3A_34 = arith.muli %mul3A_33, %scan3A_17 : i32
      %add3A_35 = arith.constant 0 : i32
      %add3A_36 = arith.addi %mul3A_34, %add3A_35 : i32
      %lt3A_37 = arith.cmpi slt, %add3A_36, %min3A : i32
      %convert_element_type3A_38 = arith.extui %lt3A_37 : i1 to i32
      %cond3A_39 = arith.constant 0 : i32
      %cond3A_40 = arith.cmpi ne, %convert_element_type3A_38, %cond3A_39 : i32
      scf.if %cond3A_40 {
        %dma_wait3A = arith.constant 0 : i32
        %dma_wait3A_49 = tpu.memref_slice %arg8[%add3A_36, %dma_wait3A] : memref<40x64xi32, #tpu.memory_space<vmem>> -> memref<1x64xi32, #tpu.memory_space<vmem>>
        %dma_wait3A_50 = tpu.memref_squeeze %dma_wait3A_49 : memref<1x64xi32, #tpu.memory_space<vmem>> -> memref<64xi32, #tpu.memory_space<vmem>>
        %dma_wait3A_51 = arith.constant 0 : i32
        %dma_wait3A_52 = arith.constant 0 : i32
        %dma_wait3A_53 = tpu.memref_slice %arg2[%dma_wait3A_51, %dma_wait3A_52] : memref<10000x256xi32, #tpu.memory_space<hbm>> -> memref<10000x256xi32, #tpu.memory_space<hbm>>
        tpu.wait_indirect_dma semaphore(%arg14 : memref<!tpu.dma_semaphore, #tpu.memory_space<semaphore_mem>>) src(%dma_wait3A_53 : memref<10000x256xi32, #tpu.memory_space<hbm>>) dst(%arg10 : memref<64x256xi32, #tpu.memory_space<vmem>>)
        %add3A_54 = arith.addi %mul3A_2, %add3A_36 : i32
        %mul3A_55 = arith.constant 64 : i32
        %mul3A_56 = arith.muli %add3A_54, %mul3A_55 : i32
        %dma_start3A = arith.constant 0 : i32
        %dma_start3A_57 = tpu.memref_slice %arg6[%mul3A_56, %dma_start3A] : memref<80000x256xi32, #tpu.memory_space<hbm>> -> memref<64x256xi32, #tpu.memory_space<hbm>>
        %dma_start3A_58 = arith.constant 0 : i32
        %dma_start3A_59 = tpu.memref_slice %arg6[%mul3A_56, %dma_start3A_58] : memref<80000x256xi32, #tpu.memory_space<hbm>> -> memref<64x256xi32, #tpu.memory_space<hbm>>
        tpu.enqueue_dma source(%arg10 : memref<64x256xi32, #tpu.memory_space<vmem>>) target(%dma_start3A_59 : memref<64x256xi32, #tpu.memory_space<hbm>>) target_semaphore(%arg18 : memref<!tpu.dma_semaphore, #tpu.memory_space<semaphore_mem>>)
        %dma_wait3A_60 = arith.constant 0 : i32
        %dma_wait3A_61 = tpu.memref_slice %arg9[%add3A_36, %dma_wait3A_60] : memref<40x64xi32, #tpu.memory_space<vmem>> -> memref<1x64xi32, #tpu.memory_space<vmem>>
        %dma_wait3A_62 = tpu.memref_squeeze %dma_wait3A_61 : memref<1x64xi32, #tpu.memory_space<vmem>> -> memref<64xi32, #tpu.memory_space<vmem>>
        %dma_wait3A_63 = arith.constant 0 : i32
        %dma_wait3A_64 = arith.constant 0 : i32
        %dma_wait3A_65 = tpu.memref_slice %arg3[%dma_wait3A_63, %dma_wait3A_64] : memref<10000x384xi32, #tpu.memory_space<hbm>> -> memref<10000x384xi32, #tpu.memory_space<hbm>>
        tpu.wait_indirect_dma semaphore(%arg16 : memref<!tpu.dma_semaphore, #tpu.memory_space<semaphore_mem>>) src(%dma_wait3A_65 : memref<10000x384xi32, #tpu.memory_space<hbm>>) dst(%arg12 : memref<64x384xi32, #tpu.memory_space<vmem>>)
        %add3A_66 = arith.addi %mul3A_2, %add3A_36 : i32
        %mul3A_67 = arith.constant 64 : i32
        %mul3A_68 = arith.muli %add3A_66, %mul3A_67 : i32
        %dma_start3A_69 = arith.constant 0 : i32
        %dma_start3A_70 = tpu.memref_slice %arg7[%mul3A_68, %dma_start3A_69] : memref<80000x384xi32, #tpu.memory_space<hbm>> -> memref<64x384xi32, #tpu.memory_space<hbm>>
        %dma_start3A_71 = arith.constant 0 : i32
        %dma_start3A_72 = tpu.memref_slice %arg7[%mul3A_68, %dma_start3A_71] : memref<80000x384xi32, #tpu.memory_space<hbm>> -> memref<64x384xi32, #tpu.memory_space<hbm>>
        tpu.enqueue_dma source(%arg12 : memref<64x384xi32, #tpu.memory_space<vmem>>) target(%dma_start3A_72 : memref<64x384xi32, #tpu.memory_space<hbm>>) target_semaphore(%arg20 : memref<!tpu.dma_semaphore, #tpu.memory_space<semaphore_mem>>)
      } else {
      }
      %mul3A_41 = arith.constant 2 : i32
      %mul3A_42 = arith.muli %mul3A_41, %scan3A_17 : i32
      %add3A_43 = arith.constant 1 : i32
      %add3A_44 = arith.addi %mul3A_42, %add3A_43 : i32
      %lt3A_45 = arith.cmpi slt, %add3A_44, %min3A : i32
      %convert_element_type3A_46 = arith.extui %lt3A_45 : i1 to i32
      %cond3A_47 = arith.constant 0 : i32
      %cond3A_48 = arith.cmpi ne, %convert_element_type3A_46, %cond3A_47 : i32
      scf.if %cond3A_48 {
        %dma_wait3A = arith.constant 0 : i32
        %dma_wait3A_49 = tpu.memref_slice %arg8[%add3A_44, %dma_wait3A] : memref<40x64xi32, #tpu.memory_space<vmem>> -> memref<1x64xi32, #tpu.memory_space<vmem>>
        %dma_wait3A_50 = tpu.memref_squeeze %dma_wait3A_49 : memref<1x64xi32, #tpu.memory_space<vmem>> -> memref<64xi32, #tpu.memory_space<vmem>>
        %dma_wait3A_51 = arith.constant 0 : i32
        %dma_wait3A_52 = arith.constant 0 : i32
        %dma_wait3A_53 = tpu.memref_slice %arg2[%dma_wait3A_51, %dma_wait3A_52] : memref<10000x256xi32, #tpu.memory_space<hbm>> -> memref<10000x256xi32, #tpu.memory_space<hbm>>
        tpu.wait_indirect_dma semaphore(%arg15 : memref<!tpu.dma_semaphore, #tpu.memory_space<semaphore_mem>>) src(%dma_wait3A_53 : memref<10000x256xi32, #tpu.memory_space<hbm>>) dst(%arg11 : memref<64x256xi32, #tpu.memory_space<vmem>>)
        %add3A_54 = arith.addi %mul3A_2, %add3A_44 : i32
        %mul3A_55 = arith.constant 64 : i32
        %mul3A_56 = arith.muli %add3A_54, %mul3A_55 : i32
        %dma_start3A = arith.constant 0 : i32
        %dma_start3A_57 = tpu.memref_slice %arg6[%mul3A_56, %dma_start3A] : memref<80000x256xi32, #tpu.memory_space<hbm>> -> memref<64x256xi32, #tpu.memory_space<hbm>>
        %dma_start3A_58 = arith.constant 0 : i32
        %dma_start3A_59 = tpu.memref_slice %arg6[%mul3A_56, %dma_start3A_58] : memref<80000x256xi32, #tpu.memory_space<hbm>> -> memref<64x256xi32, #tpu.memory_space<hbm>>
        tpu.enqueue_dma source(%arg11 : memref<64x256xi32, #tpu.memory_space<vmem>>) target(%dma_start3A_59 : memref<64x256xi32, #tpu.memory_space<hbm>>) target_semaphore(%arg19 : memref<!tpu.dma_semaphore, #tpu.memory_space<semaphore_mem>>)
        %dma_wait3A_60 = arith.constant 0 : i32
        %dma_wait3A_61 = tpu.memref_slice %arg9[%add3A_44, %dma_wait3A_60] : memref<40x64xi32, #tpu.memory_space<vmem>> -> memref<1x64xi32, #tpu.memory_space<vmem>>
        %dma_wait3A_62 = tpu.memref_squeeze %dma_wait3A_61 : memref<1x64xi32, #tpu.memory_space<vmem>> -> memref<64xi32, #tpu.memory_space<vmem>>
        %dma_wait3A_63 = arith.constant 0 : i32
        %dma_wait3A_64 = arith.constant 0 : i32
        %dma_wait3A_65 = tpu.memref_slice %arg3[%dma_wait3A_63, %dma_wait3A_64] : memref<10000x384xi32, #tpu.memory_space<hbm>> -> memref<10000x384xi32, #tpu.memory_space<hbm>>
        tpu.wait_indirect_dma semaphore(%arg17 : memref<!tpu.dma_semaphore, #tpu.memory_space<semaphore_mem>>) src(%dma_wait3A_65 : memref<10000x384xi32, #tpu.memory_space<hbm>>) dst(%arg13 : memref<64x384xi32, #tpu.memory_space<vmem>>)
        %add3A_66 = arith.addi %mul3A_2, %add3A_44 : i32
        %mul3A_67 = arith.constant 64 : i32
        %mul3A_68 = arith.muli %add3A_66, %mul3A_67 : i32
        %dma_start3A_69 = arith.constant 0 : i32
        %dma_start3A_70 = tpu.memref_slice %arg7[%mul3A_68, %dma_start3A_69] : memref<80000x384xi32, #tpu.memory_space<hbm>> -> memref<64x384xi32, #tpu.memory_space<hbm>>
        %dma_start3A_71 = arith.constant 0 : i32
        %dma_start3A_72 = tpu.memref_slice %arg7[%mul3A_68, %dma_start3A_71] : memref<80000x384xi32, #tpu.memory_space<hbm>> -> memref<64x384xi32, #tpu.memory_space<hbm>>
        tpu.enqueue_dma source(%arg13 : memref<64x384xi32, #tpu.memory_space<vmem>>) target(%dma_start3A_72 : memref<64x384xi32, #tpu.memory_space<hbm>>) target_semaphore(%arg21 : memref<!tpu.dma_semaphore, #tpu.memory_space<semaphore_mem>>)
      } else {
      }
    }
    %scan3A_9 = arith.constant 20 : i32
    %gt3A = arith.constant 0 : i32
    %gt3A_10 = arith.cmpi sgt, %min3A, %gt3A : i32
    %convert_element_type3A = arith.extui %gt3A_10 : i1 to i32
    %cond3A = arith.constant 0 : i32
    %cond3A_11 = arith.cmpi ne, %convert_element_type3A, %cond3A : i32
    scf.if %cond3A_11 {
      %dma_wait3A = arith.constant 0 : i32
      %dma_wait3A_17 = arith.constant 0 : i32
      %dma_wait3A_18 = tpu.memref_slice %arg6[%dma_wait3A, %dma_wait3A_17] : memref<80000x256xi32, #tpu.memory_space<hbm>> -> memref<64x256xi32, #tpu.memory_space<hbm>>
      %dma_wait3A_19 = arith.constant 0 : i32
      %dma_wait3A_20 = arith.constant 0 : i32
      %dma_wait3A_21 = tpu.memref_slice %arg6[%dma_wait3A_19, %dma_wait3A_20] : memref<80000x256xi32, #tpu.memory_space<hbm>> -> memref<64x256xi32, #tpu.memory_space<hbm>>
      tpu.wait_dma2 semaphore(%arg18 : memref<!tpu.dma_semaphore, #tpu.memory_space<semaphore_mem>>) src(%arg10 : memref<64x256xi32, #tpu.memory_space<vmem>>) dst(%dma_wait3A_21 : memref<64x256xi32, #tpu.memory_space<hbm>>)
      %dma_wait3A_22 = arith.constant 0 : i32
      %dma_wait3A_23 = arith.constant 0 : i32
      %dma_wait3A_24 = tpu.memref_slice %arg7[%dma_wait3A_22, %dma_wait3A_23] : memref<80000x384xi32, #tpu.memory_space<hbm>> -> memref<64x384xi32, #tpu.memory_space<hbm>>
      %dma_wait3A_25 = arith.constant 0 : i32
      %dma_wait3A_26 = arith.constant 0 : i32
      %dma_wait3A_27 = tpu.memref_slice %arg7[%dma_wait3A_25, %dma_wait3A_26] : memref<80000x384xi32, #tpu.memory_space<hbm>> -> memref<64x384xi32, #tpu.memory_space<hbm>>
      tpu.wait_dma2 semaphore(%arg20 : memref<!tpu.dma_semaphore, #tpu.memory_space<semaphore_mem>>) src(%arg12 : memref<64x384xi32, #tpu.memory_space<vmem>>) dst(%dma_wait3A_27 : memref<64x384xi32, #tpu.memory_space<hbm>>)
    } else {
    }
    %gt3A_12 = arith.constant 1 : i32
    %gt3A_13 = arith.cmpi sgt, %min3A, %gt3A_12 : i32
    %convert_element_type3A_14 = arith.extui %gt3A_13 : i1 to i32
    %cond3A_15 = arith.constant 0 : i32
    %cond3A_16 = arith.cmpi ne, %convert_element_type3A_14, %cond3A_15 : i32
    scf.if %cond3A_16 {
      %dma_wait3A = arith.constant 0 : i32
      %dma_wait3A_17 = arith.constant 0 : i32
      %dma_wait3A_18 = tpu.memref_slice %arg6[%dma_wait3A, %dma_wait3A_17] : memref<80000x256xi32, #tpu.memory_space<hbm>> -> memref<64x256xi32, #tpu.memory_space<hbm>>
      %dma_wait3A_19 = arith.constant 0 : i32
      %dma_wait3A_20 = arith.constant 0 : i32
      %dma_wait3A_21 = tpu.memref_slice %arg6[%dma_wait3A_19, %dma_wait3A_20] : memref<80000x256xi32, #tpu.memory_space<hbm>> -> memref<64x256xi32, #tpu.memory_space<hbm>>
      tpu.wait_dma2 semaphore(%arg19 : memref<!tpu.dma_semaphore, #tpu.memory_space<semaphore_mem>>) src(%arg11 : memref<64x256xi32, #tpu.memory_space<vmem>>) dst(%dma_wait3A_21 : memref<64x256xi32, #tpu.memory_space<hbm>>)
      %dma_wait3A_22 = arith.constant 0 : i32
      %dma_wait3A_23 = arith.constant 0 : i32
      %dma_wait3A_24 = tpu.memref_slice %arg7[%dma_wait3A_22, %dma_wait3A_23] : memref<80000x384xi32, #tpu.memory_space<hbm>> -> memref<64x384xi32, #tpu.memory_space<hbm>>
      %dma_wait3A_25 = arith.constant 0 : i32
      %dma_wait3A_26 = arith.constant 0 : i32
      %dma_wait3A_27 = tpu.memref_slice %arg7[%dma_wait3A_25, %dma_wait3A_26] : memref<80000x384xi32, #tpu.memory_space<hbm>> -> memref<64x384xi32, #tpu.memory_space<hbm>>
      tpu.wait_dma2 semaphore(%arg21 : memref<!tpu.dma_semaphore, #tpu.memory_space<semaphore_mem>>) src(%arg13 : memref<64x384xi32, #tpu.memory_space<vmem>>) dst(%dma_wait3A_27 : memref<64x384xi32, #tpu.memory_space<hbm>>)
    } else {
    }
    return
  }
}

#map = affine_map<(d0, d1) -> (0, 0)>
module attributes {stable_mosaic.version = 14 : i64} {
  func.func @_scatter_body(%arg0: i32, %arg1: i32, %arg2: memref<80000x128xf32, #tpu.memory_space<hbm>>, %arg3: memref<80000x128xf32, #tpu.memory_space<hbm>>, %arg4: memref<10000x128xf32, #tpu.memory_space<hbm>>, %arg5: memref<10000x128xf32, #tpu.memory_space<hbm>>, %arg6: memref<640x128xi32, #tpu.memory_space<hbm>>, %arg7: memref<10000x128xf32, #tpu.memory_space<hbm>>, %arg8: memref<10000x128xf32, #tpu.memory_space<hbm>>, %arg9: memref<128x128xf32, #tpu.memory_space<vmem>>, %arg10: memref<128x128xf32, #tpu.memory_space<vmem>>, %arg11: memref<40x128xi32, #tpu.memory_space<vmem>>, %arg12: memref<10000x128xf32, #tpu.memory_space<vmem_shared>>, %arg13: memref<!tpu.dma_semaphore, #tpu.memory_space<semaphore_mem>>, %arg14: memref<!tpu.dma_semaphore, #tpu.memory_space<semaphore_mem>>, %arg15: memref<!tpu.dma_semaphore, #tpu.memory_space<semaphore_mem>>, %arg16: memref<!tpu.dma_semaphore, #tpu.memory_space<semaphore_mem>>) attributes {dimension_semantics = [#tpu.dimension_semantics<core_parallel>, #tpu.dimension_semantics<subcore_parallel>], iteration_bounds = array<i64: 2, 16>, scalar_prefetch = 0 : i64, scratch_operands = 8 : i64, tpu.core_type = #tpu.core_type<sc_vector_subcore>, window_params = [{transform_indices = #map}, {transform_indices = #map}, {transform_indices = #map}, {transform_indices = #map}, {transform_indices = #map}, {transform_indices = #map}, {transform_indices = #map}]} {
    %mul3A = arith.constant 40 : i32
    %mul3A_0 = arith.muli %arg1, %mul3A : i32
    %sub3A = arith.constant 625 : i32
    %sub3A_1 = arith.subi %sub3A, %mul3A_0 : i32
    %jit3A = arith.constant 0 : i32
    %jit3A_2 = arith.constant 40 : i32
    %max3A = arith.maxsi %jit3A, %sub3A_1 : i32
    %min3A = arith.minsi %jit3A_2, %max3A : i32
    %eq3A = arith.constant 0 : i32
    %eq3A_3 = arith.cmpi eq, %arg0, %eq3A : i32
    %convert_element_type3A = arith.extui %eq3A_3 : i1 to i32
    %cond3A = arith.constant 0 : i32
    %cond3A_4 = arith.cmpi ne, %convert_element_type3A, %cond3A : i32
    scf.if %cond3A_4 {
      "tpu.region"() ({
        %run_scoped3A = tpu.sem_alloc : memref<!tpu.dma_semaphore, #tpu.memory_space<semaphore_mem>>
        %dma_start3A = arith.constant 0 : i32
        %dma_start3A_44 = tpu.memref_slice %arg6[%mul3A_0, %dma_start3A] : memref<640x128xi32, #tpu.memory_space<hbm>> -> memref<40x128xi32, #tpu.memory_space<hbm>>
        %dma_start3A_45 = arith.constant 0 : i32
        %dma_start3A_46 = tpu.memref_slice %arg6[%mul3A_0, %dma_start3A_45] : memref<640x128xi32, #tpu.memory_space<hbm>> -> memref<40x128xi32, #tpu.memory_space<hbm>>
        tpu.enqueue_dma source(%dma_start3A_46 : memref<40x128xi32, #tpu.memory_space<hbm>>) target(%arg11 : memref<40x128xi32, #tpu.memory_space<vmem>>) target_semaphore(%run_scoped3A : memref<!tpu.dma_semaphore, #tpu.memory_space<semaphore_mem>>)
        %dma_wait3A = arith.constant 0 : i32
        %dma_wait3A_47 = tpu.memref_slice %arg6[%mul3A_0, %dma_wait3A] : memref<640x128xi32, #tpu.memory_space<hbm>> -> memref<40x128xi32, #tpu.memory_space<hbm>>
        %dma_wait3A_48 = arith.constant 0 : i32
        %dma_wait3A_49 = tpu.memref_slice %arg6[%mul3A_0, %dma_wait3A_48] : memref<640x128xi32, #tpu.memory_space<hbm>> -> memref<40x128xi32, #tpu.memory_space<hbm>>
        tpu.wait_dma2 semaphore(%run_scoped3A : memref<!tpu.dma_semaphore, #tpu.memory_space<semaphore_mem>>) src(%dma_wait3A_49 : memref<40x128xi32, #tpu.memory_space<hbm>>) dst(%arg11 : memref<40x128xi32, #tpu.memory_space<vmem>>)
        tpu.yield
      }) : () -> ()
      %lt3A = arith.constant 15 : i32
      %lt3A_10 = arith.cmpi slt, %arg1, %lt3A : i32
      %convert_element_type3A_11 = arith.extui %lt3A_10 : i1 to i32
      %cond3A_12 = arith.constant 0 : i32
      %cond3A_13 = arith.cmpi ne, %convert_element_type3A_11, %cond3A_12 : i32
      scf.if %cond3A_13 {
        %mul3A_44 = arith.constant 632 : i32
        %mul3A_45 = arith.muli %arg1, %mul3A_44 : i32
        "tpu.region"() ({
          %run_scoped3A = tpu.sem_alloc : memref<!tpu.dma_semaphore, #tpu.memory_space<semaphore_mem>>
          %dma_start3A = arith.constant 0 : i32
          %dma_start3A_46 = tpu.memref_slice %arg12[%mul3A_45, %dma_start3A] : memref<10000x128xf32, #tpu.memory_space<vmem_shared>> -> memref<632x128xf32, #tpu.memory_space<vmem_shared>>
          %dma_start3A_47 = arith.constant 0 : i32
          %dma_start3A_48 = tpu.memref_slice %arg4[%mul3A_45, %dma_start3A_47] : memref<10000x128xf32, #tpu.memory_space<hbm>> -> memref<632x128xf32, #tpu.memory_space<hbm>>
          tpu.enqueue_dma source(%dma_start3A_48 : memref<632x128xf32, #tpu.memory_space<hbm>>) target(%dma_start3A_46 : memref<632x128xf32, #tpu.memory_space<vmem_shared>>) target_semaphore(%run_scoped3A : memref<!tpu.dma_semaphore, #tpu.memory_space<semaphore_mem>>)
          %dma_wait3A = arith.constant 0 : i32
          %dma_wait3A_49 = tpu.memref_slice %arg12[%mul3A_45, %dma_wait3A] : memref<10000x128xf32, #tpu.memory_space<vmem_shared>> -> memref<632x128xf32, #tpu.memory_space<vmem_shared>>
          %dma_wait3A_50 = arith.constant 0 : i32
          %dma_wait3A_51 = tpu.memref_slice %arg4[%mul3A_45, %dma_wait3A_50] : memref<10000x128xf32, #tpu.memory_space<hbm>> -> memref<632x128xf32, #tpu.memory_space<hbm>>
          tpu.wait_dma2 semaphore(%run_scoped3A : memref<!tpu.dma_semaphore, #tpu.memory_space<semaphore_mem>>) src(%dma_wait3A_51 : memref<632x128xf32, #tpu.memory_space<hbm>>) dst(%dma_wait3A_49 : memref<632x128xf32, #tpu.memory_space<vmem_shared>>)
          tpu.yield
        }) : () -> ()
      } else {
      }
      %eq3A_14 = arith.constant 15 : i32
      %eq3A_15 = arith.cmpi eq, %arg1, %eq3A_14 : i32
      %convert_element_type3A_16 = arith.extui %eq3A_15 : i1 to i32
      %cond3A_17 = arith.constant 0 : i32
      %cond3A_18 = arith.cmpi ne, %convert_element_type3A_16, %cond3A_17 : i32
      scf.if %cond3A_18 {
        "tpu.region"() ({
          %run_scoped3A = tpu.sem_alloc : memref<!tpu.dma_semaphore, #tpu.memory_space<semaphore_mem>>
          %dma_start3A = arith.constant 9480 : i32
          %dma_start3A_44 = arith.constant 0 : i32
          %dma_start3A_45 = tpu.memref_slice %arg12[%dma_start3A, %dma_start3A_44] : memref<10000x128xf32, #tpu.memory_space<vmem_shared>> -> memref<520x128xf32, #tpu.memory_space<vmem_shared>>
          %dma_start3A_46 = arith.constant 9480 : i32
          %dma_start3A_47 = arith.constant 0 : i32
          %dma_start3A_48 = tpu.memref_slice %arg4[%dma_start3A_46, %dma_start3A_47] : memref<10000x128xf32, #tpu.memory_space<hbm>> -> memref<520x128xf32, #tpu.memory_space<hbm>>
          tpu.enqueue_dma source(%dma_start3A_48 : memref<520x128xf32, #tpu.memory_space<hbm>>) target(%dma_start3A_45 : memref<520x128xf32, #tpu.memory_space<vmem_shared>>) target_semaphore(%run_scoped3A : memref<!tpu.dma_semaphore, #tpu.memory_space<semaphore_mem>>)
          %dma_wait3A = arith.constant 9480 : i32
          %dma_wait3A_49 = arith.constant 0 : i32
          %dma_wait3A_50 = tpu.memref_slice %arg12[%dma_wait3A, %dma_wait3A_49] : memref<10000x128xf32, #tpu.memory_space<vmem_shared>> -> memref<520x128xf32, #tpu.memory_space<vmem_shared>>
          %dma_wait3A_51 = arith.constant 9480 : i32
          %dma_wait3A_52 = arith.constant 0 : i32
          %dma_wait3A_53 = tpu.memref_slice %arg4[%dma_wait3A_51, %dma_wait3A_52] : memref<10000x128xf32, #tpu.memory_space<hbm>> -> memref<520x128xf32, #tpu.memory_space<hbm>>
          tpu.wait_dma2 semaphore(%run_scoped3A : memref<!tpu.dma_semaphore, #tpu.memory_space<semaphore_mem>>) src(%dma_wait3A_53 : memref<520x128xf32, #tpu.memory_space<hbm>>) dst(%dma_wait3A_50 : memref<520x128xf32, #tpu.memory_space<vmem_shared>>)
          tpu.yield
        }) : () -> ()
      } else {
      }
      %barrier3A = arith.constant 0 : index
      tpu.barrier barrier_id(%barrier3A)
      %scan3A = arith.constant 0 : i32
      %scan3A_19 = arith.constant 0 : i32
      %scan3A_20 = arith.constant 20 : i32
      %scan3A_21 = arith.addi %scan3A_19, %scan3A_20 : i32
      %scan3A_22 = arith.constant 1 : i32
      scf.for %scan3A_44 = %scan3A_19 to %scan3A_21 step %scan3A_22  : i32 {
        %mul3A_45 = arith.constant 2 : i32
        %mul3A_46 = arith.muli %mul3A_45, %scan3A_44 : i32
        %add3A = arith.constant 0 : i32
        %add3A_47 = arith.addi %mul3A_46, %add3A : i32
        %lt3A_48 = arith.cmpi slt, %add3A_47, %min3A : i32
        %convert_element_type3A_49 = arith.extui %lt3A_48 : i1 to i32
        %cond3A_50 = arith.constant 0 : i32
        %cond3A_51 = arith.cmpi ne, %convert_element_type3A_49, %cond3A_50 : i32
        scf.if %cond3A_51 {
          %gt3A_76 = arith.constant 0 : i32
          %gt3A_77 = arith.cmpi sgt, %scan3A_44, %gt3A_76 : i32
          %convert_element_type3A_78 = arith.extui %gt3A_77 : i1 to i32
          %cond3A_79 = arith.constant 0 : i32
          %cond3A_80 = arith.cmpi ne, %convert_element_type3A_78, %cond3A_79 : i32
          scf.if %cond3A_80 {
            %dma_wait3A = arith.constant 0 : i32
            %dma_wait3A_87 = arith.constant 0 : i32
            %dma_wait3A_88 = tpu.memref_slice %arg11[%dma_wait3A, %dma_wait3A_87] : memref<40x128xi32, #tpu.memory_space<vmem>> -> memref<1x128xi32, #tpu.memory_space<vmem>>
            %dma_wait3A_89 = tpu.memref_squeeze %dma_wait3A_88 : memref<1x128xi32, #tpu.memory_space<vmem>> -> memref<128xi32, #tpu.memory_space<vmem>>
            %dma_wait3A_90 = arith.constant 0 : i32
            %dma_wait3A_91 = arith.constant 0 : i32
            %dma_wait3A_92 = tpu.memref_slice %arg12[%dma_wait3A_90, %dma_wait3A_91] : memref<10000x128xf32, #tpu.memory_space<vmem_shared>> -> memref<10000x128xf32, #tpu.memory_space<vmem_shared>>
            tpu.wait_indirect_dma semaphore(%arg15 : memref<!tpu.dma_semaphore, #tpu.memory_space<semaphore_mem>>) src(%arg9 : memref<128x128xf32, #tpu.memory_space<vmem>>) dst(%dma_wait3A_92 : memref<10000x128xf32, #tpu.memory_space<vmem_shared>>)
          } else {
          }
          %add3A_81 = arith.addi %mul3A_0, %add3A_47 : i32
          %mul3A_82 = arith.constant 128 : i32
          %mul3A_83 = arith.muli %add3A_81, %mul3A_82 : i32
          %dma_start3A = arith.constant 0 : i32
          %dma_start3A_84 = tpu.memref_slice %arg2[%mul3A_83, %dma_start3A] : memref<80000x128xf32, #tpu.memory_space<hbm>> -> memref<128x128xf32, #tpu.memory_space<hbm>>
          %dma_start3A_85 = arith.constant 0 : i32
          %dma_start3A_86 = tpu.memref_slice %arg2[%mul3A_83, %dma_start3A_85] : memref<80000x128xf32, #tpu.memory_space<hbm>> -> memref<128x128xf32, #tpu.memory_space<hbm>>
          tpu.enqueue_dma source(%dma_start3A_86 : memref<128x128xf32, #tpu.memory_space<hbm>>) target(%arg9 : memref<128x128xf32, #tpu.memory_space<vmem>>) target_semaphore(%arg13 : memref<!tpu.dma_semaphore, #tpu.memory_space<semaphore_mem>>)
        } else {
        }
        %mul3A_52 = arith.constant 2 : i32
        %mul3A_53 = arith.muli %mul3A_52, %scan3A_44 : i32
        %add3A_54 = arith.constant 1 : i32
        %add3A_55 = arith.addi %mul3A_53, %add3A_54 : i32
        %lt3A_56 = arith.cmpi slt, %add3A_55, %min3A : i32
        %convert_element_type3A_57 = arith.extui %lt3A_56 : i1 to i32
        %cond3A_58 = arith.constant 0 : i32
        %cond3A_59 = arith.cmpi ne, %convert_element_type3A_57, %cond3A_58 : i32
        scf.if %cond3A_59 {
          %gt3A_76 = arith.constant 0 : i32
          %gt3A_77 = arith.cmpi sgt, %scan3A_44, %gt3A_76 : i32
          %convert_element_type3A_78 = arith.extui %gt3A_77 : i1 to i32
          %cond3A_79 = arith.constant 0 : i32
          %cond3A_80 = arith.cmpi ne, %convert_element_type3A_78, %cond3A_79 : i32
          scf.if %cond3A_80 {
            %dma_wait3A = arith.constant 0 : i32
            %dma_wait3A_87 = arith.constant 0 : i32
            %dma_wait3A_88 = tpu.memref_slice %arg11[%dma_wait3A, %dma_wait3A_87] : memref<40x128xi32, #tpu.memory_space<vmem>> -> memref<1x128xi32, #tpu.memory_space<vmem>>
            %dma_wait3A_89 = tpu.memref_squeeze %dma_wait3A_88 : memref<1x128xi32, #tpu.memory_space<vmem>> -> memref<128xi32, #tpu.memory_space<vmem>>
            %dma_wait3A_90 = arith.constant 0 : i32
            %dma_wait3A_91 = arith.constant 0 : i32
            %dma_wait3A_92 = tpu.memref_slice %arg12[%dma_wait3A_90, %dma_wait3A_91] : memref<10000x128xf32, #tpu.memory_space<vmem_shared>> -> memref<10000x128xf32, #tpu.memory_space<vmem_shared>>
            tpu.wait_indirect_dma semaphore(%arg16 : memref<!tpu.dma_semaphore, #tpu.memory_space<semaphore_mem>>) src(%arg10 : memref<128x128xf32, #tpu.memory_space<vmem>>) dst(%dma_wait3A_92 : memref<10000x128xf32, #tpu.memory_space<vmem_shared>>)
          } else {
          }
          %add3A_81 = arith.addi %mul3A_0, %add3A_55 : i32
          %mul3A_82 = arith.constant 128 : i32
          %mul3A_83 = arith.muli %add3A_81, %mul3A_82 : i32
          %dma_start3A = arith.constant 0 : i32
          %dma_start3A_84 = tpu.memref_slice %arg2[%mul3A_83, %dma_start3A] : memref<80000x128xf32, #tpu.memory_space<hbm>> -> memref<128x128xf32, #tpu.memory_space<hbm>>
          %dma_start3A_85 = arith.constant 0 : i32
          %dma_start3A_86 = tpu.memref_slice %arg2[%mul3A_83, %dma_start3A_85] : memref<80000x128xf32, #tpu.memory_space<hbm>> -> memref<128x128xf32, #tpu.memory_space<hbm>>
          tpu.enqueue_dma source(%dma_start3A_86 : memref<128x128xf32, #tpu.memory_space<hbm>>) target(%arg10 : memref<128x128xf32, #tpu.memory_space<vmem>>) target_semaphore(%arg14 : memref<!tpu.dma_semaphore, #tpu.memory_space<semaphore_mem>>)
        } else {
        }
        %mul3A_60 = arith.constant 2 : i32
        %mul3A_61 = arith.muli %mul3A_60, %scan3A_44 : i32
        %add3A_62 = arith.constant 0 : i32
        %add3A_63 = arith.addi %mul3A_61, %add3A_62 : i32
        %lt3A_64 = arith.cmpi slt, %add3A_63, %min3A : i32
        %convert_element_type3A_65 = arith.extui %lt3A_64 : i1 to i32
        %cond3A_66 = arith.constant 0 : i32
        %cond3A_67 = arith.cmpi ne, %convert_element_type3A_65, %cond3A_66 : i32
        scf.if %cond3A_67 {
          %dma_wait3A = arith.constant 0 : i32
          %dma_wait3A_76 = arith.constant 0 : i32
          %dma_wait3A_77 = tpu.memref_slice %arg2[%dma_wait3A, %dma_wait3A_76] : memref<80000x128xf32, #tpu.memory_space<hbm>> -> memref<128x128xf32, #tpu.memory_space<hbm>>
          %dma_wait3A_78 = arith.constant 0 : i32
          %dma_wait3A_79 = arith.constant 0 : i32
          %dma_wait3A_80 = tpu.memref_slice %arg2[%dma_wait3A_78, %dma_wait3A_79] : memref<80000x128xf32, #tpu.memory_space<hbm>> -> memref<128x128xf32, #tpu.memory_space<hbm>>
          tpu.wait_dma2 semaphore(%arg13 : memref<!tpu.dma_semaphore, #tpu.memory_space<semaphore_mem>>) src(%dma_wait3A_80 : memref<128x128xf32, #tpu.memory_space<hbm>>) dst(%arg9 : memref<128x128xf32, #tpu.memory_space<vmem>>)
          %dma_start3A = arith.constant 0 : i32
          %dma_start3A_81 = tpu.memref_slice %arg11[%add3A_63, %dma_start3A] : memref<40x128xi32, #tpu.memory_space<vmem>> -> memref<1x128xi32, #tpu.memory_space<vmem>>
          %dma_start3A_82 = tpu.memref_squeeze %dma_start3A_81 : memref<1x128xi32, #tpu.memory_space<vmem>> -> memref<128xi32, #tpu.memory_space<vmem>>
          %dma_start3A_83 = arith.constant 0 : i32
          %dma_start3A_84 = arith.constant 0 : i32
          %dma_start3A_85 = tpu.memref_slice %arg12[%dma_start3A_83, %dma_start3A_84] : memref<10000x128xf32, #tpu.memory_space<vmem_shared>> -> memref<10000x128xf32, #tpu.memory_space<vmem_shared>>
          tpu.enqueue_indirect_dma source(%arg9 : memref<128x128xf32, #tpu.memory_space<vmem>>) target(%dma_start3A_85 : memref<10000x128xf32, #tpu.memory_space<vmem_shared>>) offsets(%dma_start3A_82 : memref<128xi32, #tpu.memory_space<vmem>>) semaphore(%arg15 : memref<!tpu.dma_semaphore, #tpu.memory_space<semaphore_mem>>) {add = true}
        } else {
        }
        %mul3A_68 = arith.constant 2 : i32
        %mul3A_69 = arith.muli %mul3A_68, %scan3A_44 : i32
        %add3A_70 = arith.constant 1 : i32
        %add3A_71 = arith.addi %mul3A_69, %add3A_70 : i32
        %lt3A_72 = arith.cmpi slt, %add3A_71, %min3A : i32
        %convert_element_type3A_73 = arith.extui %lt3A_72 : i1 to i32
        %cond3A_74 = arith.constant 0 : i32
        %cond3A_75 = arith.cmpi ne, %convert_element_type3A_73, %cond3A_74 : i32
        scf.if %cond3A_75 {
          %dma_wait3A = arith.constant 0 : i32
          %dma_wait3A_76 = arith.constant 0 : i32
          %dma_wait3A_77 = tpu.memref_slice %arg2[%dma_wait3A, %dma_wait3A_76] : memref<80000x128xf32, #tpu.memory_space<hbm>> -> memref<128x128xf32, #tpu.memory_space<hbm>>
          %dma_wait3A_78 = arith.constant 0 : i32
          %dma_wait3A_79 = arith.constant 0 : i32
          %dma_wait3A_80 = tpu.memref_slice %arg2[%dma_wait3A_78, %dma_wait3A_79] : memref<80000x128xf32, #tpu.memory_space<hbm>> -> memref<128x128xf32, #tpu.memory_space<hbm>>
          tpu.wait_dma2 semaphore(%arg14 : memref<!tpu.dma_semaphore, #tpu.memory_space<semaphore_mem>>) src(%dma_wait3A_80 : memref<128x128xf32, #tpu.memory_space<hbm>>) dst(%arg10 : memref<128x128xf32, #tpu.memory_space<vmem>>)
          %dma_start3A = arith.constant 0 : i32
          %dma_start3A_81 = tpu.memref_slice %arg11[%add3A_71, %dma_start3A] : memref<40x128xi32, #tpu.memory_space<vmem>> -> memref<1x128xi32, #tpu.memory_space<vmem>>
          %dma_start3A_82 = tpu.memref_squeeze %dma_start3A_81 : memref<1x128xi32, #tpu.memory_space<vmem>> -> memref<128xi32, #tpu.memory_space<vmem>>
          %dma_start3A_83 = arith.constant 0 : i32
          %dma_start3A_84 = arith.constant 0 : i32
          %dma_start3A_85 = tpu.memref_slice %arg12[%dma_start3A_83, %dma_start3A_84] : memref<10000x128xf32, #tpu.memory_space<vmem_shared>> -> memref<10000x128xf32, #tpu.memory_space<vmem_shared>>
          tpu.enqueue_indirect_dma source(%arg10 : memref<128x128xf32, #tpu.memory_space<vmem>>) target(%dma_start3A_85 : memref<10000x128xf32, #tpu.memory_space<vmem_shared>>) offsets(%dma_start3A_82 : memref<128xi32, #tpu.memory_space<vmem>>) semaphore(%arg16 : memref<!tpu.dma_semaphore, #tpu.memory_space<semaphore_mem>>) {add = true}
        } else {
        }
      }
      %scan3A_23 = arith.constant 20 : i32
      %gt3A = arith.constant 0 : i32
      %gt3A_24 = arith.cmpi sgt, %min3A, %gt3A : i32
      %convert_element_type3A_25 = arith.extui %gt3A_24 : i1 to i32
      %cond3A_26 = arith.constant 0 : i32
      %cond3A_27 = arith.cmpi ne, %convert_element_type3A_25, %cond3A_26 : i32
      scf.if %cond3A_27 {
        %dma_wait3A = arith.constant 0 : i32
        %dma_wait3A_44 = arith.constant 0 : i32
        %dma_wait3A_45 = tpu.memref_slice %arg11[%dma_wait3A, %dma_wait3A_44] : memref<40x128xi32, #tpu.memory_space<vmem>> -> memref<1x128xi32, #tpu.memory_space<vmem>>
        %dma_wait3A_46 = tpu.memref_squeeze %dma_wait3A_45 : memref<1x128xi32, #tpu.memory_space<vmem>> -> memref<128xi32, #tpu.memory_space<vmem>>
        %dma_wait3A_47 = arith.constant 0 : i32
        %dma_wait3A_48 = arith.constant 0 : i32
        %dma_wait3A_49 = tpu.memref_slice %arg12[%dma_wait3A_47, %dma_wait3A_48] : memref<10000x128xf32, #tpu.memory_space<vmem_shared>> -> memref<10000x128xf32, #tpu.memory_space<vmem_shared>>
        tpu.wait_indirect_dma semaphore(%arg15 : memref<!tpu.dma_semaphore, #tpu.memory_space<semaphore_mem>>) src(%arg9 : memref<128x128xf32, #tpu.memory_space<vmem>>) dst(%dma_wait3A_49 : memref<10000x128xf32, #tpu.memory_space<vmem_shared>>)
      } else {
      }
      %gt3A_28 = arith.constant 1 : i32
      %gt3A_29 = arith.cmpi sgt, %min3A, %gt3A_28 : i32
      %convert_element_type3A_30 = arith.extui %gt3A_29 : i1 to i32
      %cond3A_31 = arith.constant 0 : i32
      %cond3A_32 = arith.cmpi ne, %convert_element_type3A_30, %cond3A_31 : i32
      scf.if %cond3A_32 {
        %dma_wait3A = arith.constant 0 : i32
        %dma_wait3A_44 = arith.constant 0 : i32
        %dma_wait3A_45 = tpu.memref_slice %arg11[%dma_wait3A, %dma_wait3A_44] : memref<40x128xi32, #tpu.memory_space<vmem>> -> memref<1x128xi32, #tpu.memory_space<vmem>>
        %dma_wait3A_46 = tpu.memref_squeeze %dma_wait3A_45 : memref<1x128xi32, #tpu.memory_space<vmem>> -> memref<128xi32, #tpu.memory_space<vmem>>
        %dma_wait3A_47 = arith.constant 0 : i32
        %dma_wait3A_48 = arith.constant 0 : i32
        %dma_wait3A_49 = tpu.memref_slice %arg12[%dma_wait3A_47, %dma_wait3A_48] : memref<10000x128xf32, #tpu.memory_space<vmem_shared>> -> memref<10000x128xf32, #tpu.memory_space<vmem_shared>>
        tpu.wait_indirect_dma semaphore(%arg16 : memref<!tpu.dma_semaphore, #tpu.memory_space<semaphore_mem>>) src(%arg10 : memref<128x128xf32, #tpu.memory_space<vmem>>) dst(%dma_wait3A_49 : memref<10000x128xf32, #tpu.memory_space<vmem_shared>>)
      } else {
      }
      %barrier3A_33 = arith.constant 0 : index
      tpu.barrier barrier_id(%barrier3A_33)
      %lt3A_34 = arith.constant 15 : i32
      %lt3A_35 = arith.cmpi slt, %arg1, %lt3A_34 : i32
      %convert_element_type3A_36 = arith.extui %lt3A_35 : i1 to i32
      %cond3A_37 = arith.constant 0 : i32
      %cond3A_38 = arith.cmpi ne, %convert_element_type3A_36, %cond3A_37 : i32
      scf.if %cond3A_38 {
        %mul3A_44 = arith.constant 632 : i32
        %mul3A_45 = arith.muli %arg1, %mul3A_44 : i32
        "tpu.region"() ({
          %run_scoped3A = tpu.sem_alloc : memref<!tpu.dma_semaphore, #tpu.memory_space<semaphore_mem>>
          %dma_start3A = arith.constant 0 : i32
          %dma_start3A_46 = tpu.memref_slice %arg7[%mul3A_45, %dma_start3A] : memref<10000x128xf32, #tpu.memory_space<hbm>> -> memref<632x128xf32, #tpu.memory_space<hbm>>
          %dma_start3A_47 = arith.constant 0 : i32
          %dma_start3A_48 = tpu.memref_slice %arg12[%mul3A_45, %dma_start3A_47] : memref<10000x128xf32, #tpu.memory_space<vmem_shared>> -> memref<632x128xf32, #tpu.memory_space<vmem_shared>>
          tpu.enqueue_dma source(%dma_start3A_48 : memref<632x128xf32, #tpu.memory_space<vmem_shared>>) target(%dma_start3A_46 : memref<632x128xf32, #tpu.memory_space<hbm>>) target_semaphore(%run_scoped3A : memref<!tpu.dma_semaphore, #tpu.memory_space<semaphore_mem>>)
          %dma_wait3A = arith.constant 0 : i32
          %dma_wait3A_49 = tpu.memref_slice %arg7[%mul3A_45, %dma_wait3A] : memref<10000x128xf32, #tpu.memory_space<hbm>> -> memref<632x128xf32, #tpu.memory_space<hbm>>
          %dma_wait3A_50 = arith.constant 0 : i32
          %dma_wait3A_51 = tpu.memref_slice %arg12[%mul3A_45, %dma_wait3A_50] : memref<10000x128xf32, #tpu.memory_space<vmem_shared>> -> memref<632x128xf32, #tpu.memory_space<vmem_shared>>
          tpu.wait_dma2 semaphore(%run_scoped3A : memref<!tpu.dma_semaphore, #tpu.memory_space<semaphore_mem>>) src(%dma_wait3A_51 : memref<632x128xf32, #tpu.memory_space<vmem_shared>>) dst(%dma_wait3A_49 : memref<632x128xf32, #tpu.memory_space<hbm>>)
          tpu.yield
        }) : () -> ()
      } else {
      }
      %eq3A_39 = arith.constant 15 : i32
      %eq3A_40 = arith.cmpi eq, %arg1, %eq3A_39 : i32
      %convert_element_type3A_41 = arith.extui %eq3A_40 : i1 to i32
      %cond3A_42 = arith.constant 0 : i32
      %cond3A_43 = arith.cmpi ne, %convert_element_type3A_41, %cond3A_42 : i32
      scf.if %cond3A_43 {
        "tpu.region"() ({
          %run_scoped3A = tpu.sem_alloc : memref<!tpu.dma_semaphore, #tpu.memory_space<semaphore_mem>>
          %dma_start3A = arith.constant 9480 : i32
          %dma_start3A_44 = arith.constant 0 : i32
          %dma_start3A_45 = tpu.memref_slice %arg7[%dma_start3A, %dma_start3A_44] : memref<10000x128xf32, #tpu.memory_space<hbm>> -> memref<520x128xf32, #tpu.memory_space<hbm>>
          %dma_start3A_46 = arith.constant 9480 : i32
          %dma_start3A_47 = arith.constant 0 : i32
          %dma_start3A_48 = tpu.memref_slice %arg12[%dma_start3A_46, %dma_start3A_47] : memref<10000x128xf32, #tpu.memory_space<vmem_shared>> -> memref<520x128xf32, #tpu.memory_space<vmem_shared>>
          tpu.enqueue_dma source(%dma_start3A_48 : memref<520x128xf32, #tpu.memory_space<vmem_shared>>) target(%dma_start3A_45 : memref<520x128xf32, #tpu.memory_space<hbm>>) target_semaphore(%run_scoped3A : memref<!tpu.dma_semaphore, #tpu.memory_space<semaphore_mem>>)
          %dma_wait3A = arith.constant 9480 : i32
          %dma_wait3A_49 = arith.constant 0 : i32
          %dma_wait3A_50 = tpu.memref_slice %arg7[%dma_wait3A, %dma_wait3A_49] : memref<10000x128xf32, #tpu.memory_space<hbm>> -> memref<520x128xf32, #tpu.memory_space<hbm>>
          %dma_wait3A_51 = arith.constant 9480 : i32
          %dma_wait3A_52 = arith.constant 0 : i32
          %dma_wait3A_53 = tpu.memref_slice %arg12[%dma_wait3A_51, %dma_wait3A_52] : memref<10000x128xf32, #tpu.memory_space<vmem_shared>> -> memref<520x128xf32, #tpu.memory_space<vmem_shared>>
          tpu.wait_dma2 semaphore(%run_scoped3A : memref<!tpu.dma_semaphore, #tpu.memory_space<semaphore_mem>>) src(%dma_wait3A_53 : memref<520x128xf32, #tpu.memory_space<vmem_shared>>) dst(%dma_wait3A_50 : memref<520x128xf32, #tpu.memory_space<hbm>>)
          tpu.yield
        }) : () -> ()
      } else {
      }
    } else {
    }
    %eq3A_5 = arith.constant 1 : i32
    %eq3A_6 = arith.cmpi eq, %arg0, %eq3A_5 : i32
    %convert_element_type3A_7 = arith.extui %eq3A_6 : i1 to i32
    %cond3A_8 = arith.constant 0 : i32
    %cond3A_9 = arith.cmpi ne, %convert_element_type3A_7, %cond3A_8 : i32
    scf.if %cond3A_9 {
      "tpu.region"() ({
        %run_scoped3A = tpu.sem_alloc : memref<!tpu.dma_semaphore, #tpu.memory_space<semaphore_mem>>
        %dma_start3A = arith.constant 0 : i32
        %dma_start3A_44 = tpu.memref_slice %arg6[%mul3A_0, %dma_start3A] : memref<640x128xi32, #tpu.memory_space<hbm>> -> memref<40x128xi32, #tpu.memory_space<hbm>>
        %dma_start3A_45 = arith.constant 0 : i32
        %dma_start3A_46 = tpu.memref_slice %arg6[%mul3A_0, %dma_start3A_45] : memref<640x128xi32, #tpu.memory_space<hbm>> -> memref<40x128xi32, #tpu.memory_space<hbm>>
        tpu.enqueue_dma source(%dma_start3A_46 : memref<40x128xi32, #tpu.memory_space<hbm>>) target(%arg11 : memref<40x128xi32, #tpu.memory_space<vmem>>) target_semaphore(%run_scoped3A : memref<!tpu.dma_semaphore, #tpu.memory_space<semaphore_mem>>)
        %dma_wait3A = arith.constant 0 : i32
        %dma_wait3A_47 = tpu.memref_slice %arg6[%mul3A_0, %dma_wait3A] : memref<640x128xi32, #tpu.memory_space<hbm>> -> memref<40x128xi32, #tpu.memory_space<hbm>>
        %dma_wait3A_48 = arith.constant 0 : i32
        %dma_wait3A_49 = tpu.memref_slice %arg6[%mul3A_0, %dma_wait3A_48] : memref<640x128xi32, #tpu.memory_space<hbm>> -> memref<40x128xi32, #tpu.memory_space<hbm>>
        tpu.wait_dma2 semaphore(%run_scoped3A : memref<!tpu.dma_semaphore, #tpu.memory_space<semaphore_mem>>) src(%dma_wait3A_49 : memref<40x128xi32, #tpu.memory_space<hbm>>) dst(%arg11 : memref<40x128xi32, #tpu.memory_space<vmem>>)
        tpu.yield
      }) : () -> ()
      %lt3A = arith.constant 15 : i32
      %lt3A_10 = arith.cmpi slt, %arg1, %lt3A : i32
      %convert_element_type3A_11 = arith.extui %lt3A_10 : i1 to i32
      %cond3A_12 = arith.constant 0 : i32
      %cond3A_13 = arith.cmpi ne, %convert_element_type3A_11, %cond3A_12 : i32
      scf.if %cond3A_13 {
        %mul3A_44 = arith.constant 632 : i32
        %mul3A_45 = arith.muli %arg1, %mul3A_44 : i32
        "tpu.region"() ({
          %run_scoped3A = tpu.sem_alloc : memref<!tpu.dma_semaphore, #tpu.memory_space<semaphore_mem>>
          %dma_start3A = arith.constant 0 : i32
          %dma_start3A_46 = tpu.memref_slice %arg12[%mul3A_45, %dma_start3A] : memref<10000x128xf32, #tpu.memory_space<vmem_shared>> -> memref<632x128xf32, #tpu.memory_space<vmem_shared>>
          %dma_start3A_47 = arith.constant 0 : i32
          %dma_start3A_48 = tpu.memref_slice %arg5[%mul3A_45, %dma_start3A_47] : memref<10000x128xf32, #tpu.memory_space<hbm>> -> memref<632x128xf32, #tpu.memory_space<hbm>>
          tpu.enqueue_dma source(%dma_start3A_48 : memref<632x128xf32, #tpu.memory_space<hbm>>) target(%dma_start3A_46 : memref<632x128xf32, #tpu.memory_space<vmem_shared>>) target_semaphore(%run_scoped3A : memref<!tpu.dma_semaphore, #tpu.memory_space<semaphore_mem>>)
          %dma_wait3A = arith.constant 0 : i32
          %dma_wait3A_49 = tpu.memref_slice %arg12[%mul3A_45, %dma_wait3A] : memref<10000x128xf32, #tpu.memory_space<vmem_shared>> -> memref<632x128xf32, #tpu.memory_space<vmem_shared>>
          %dma_wait3A_50 = arith.constant 0 : i32
          %dma_wait3A_51 = tpu.memref_slice %arg5[%mul3A_45, %dma_wait3A_50] : memref<10000x128xf32, #tpu.memory_space<hbm>> -> memref<632x128xf32, #tpu.memory_space<hbm>>
          tpu.wait_dma2 semaphore(%run_scoped3A : memref<!tpu.dma_semaphore, #tpu.memory_space<semaphore_mem>>) src(%dma_wait3A_51 : memref<632x128xf32, #tpu.memory_space<hbm>>) dst(%dma_wait3A_49 : memref<632x128xf32, #tpu.memory_space<vmem_shared>>)
          tpu.yield
        }) : () -> ()
      } else {
      }
      %eq3A_14 = arith.constant 15 : i32
      %eq3A_15 = arith.cmpi eq, %arg1, %eq3A_14 : i32
      %convert_element_type3A_16 = arith.extui %eq3A_15 : i1 to i32
      %cond3A_17 = arith.constant 0 : i32
      %cond3A_18 = arith.cmpi ne, %convert_element_type3A_16, %cond3A_17 : i32
      scf.if %cond3A_18 {
        "tpu.region"() ({
          %run_scoped3A = tpu.sem_alloc : memref<!tpu.dma_semaphore, #tpu.memory_space<semaphore_mem>>
          %dma_start3A = arith.constant 9480 : i32
          %dma_start3A_44 = arith.constant 0 : i32
          %dma_start3A_45 = tpu.memref_slice %arg12[%dma_start3A, %dma_start3A_44] : memref<10000x128xf32, #tpu.memory_space<vmem_shared>> -> memref<520x128xf32, #tpu.memory_space<vmem_shared>>
          %dma_start3A_46 = arith.constant 9480 : i32
          %dma_start3A_47 = arith.constant 0 : i32
          %dma_start3A_48 = tpu.memref_slice %arg5[%dma_start3A_46, %dma_start3A_47] : memref<10000x128xf32, #tpu.memory_space<hbm>> -> memref<520x128xf32, #tpu.memory_space<hbm>>
          tpu.enqueue_dma source(%dma_start3A_48 : memref<520x128xf32, #tpu.memory_space<hbm>>) target(%dma_start3A_45 : memref<520x128xf32, #tpu.memory_space<vmem_shared>>) target_semaphore(%run_scoped3A : memref<!tpu.dma_semaphore, #tpu.memory_space<semaphore_mem>>)
          %dma_wait3A = arith.constant 9480 : i32
          %dma_wait3A_49 = arith.constant 0 : i32
          %dma_wait3A_50 = tpu.memref_slice %arg12[%dma_wait3A, %dma_wait3A_49] : memref<10000x128xf32, #tpu.memory_space<vmem_shared>> -> memref<520x128xf32, #tpu.memory_space<vmem_shared>>
          %dma_wait3A_51 = arith.constant 9480 : i32
          %dma_wait3A_52 = arith.constant 0 : i32
          %dma_wait3A_53 = tpu.memref_slice %arg5[%dma_wait3A_51, %dma_wait3A_52] : memref<10000x128xf32, #tpu.memory_space<hbm>> -> memref<520x128xf32, #tpu.memory_space<hbm>>
          tpu.wait_dma2 semaphore(%run_scoped3A : memref<!tpu.dma_semaphore, #tpu.memory_space<semaphore_mem>>) src(%dma_wait3A_53 : memref<520x128xf32, #tpu.memory_space<hbm>>) dst(%dma_wait3A_50 : memref<520x128xf32, #tpu.memory_space<vmem_shared>>)
          tpu.yield
        }) : () -> ()
      } else {
      }
      %barrier3A = arith.constant 0 : index
      tpu.barrier barrier_id(%barrier3A)
      %scan3A = arith.constant 0 : i32
      %scan3A_19 = arith.constant 0 : i32
      %scan3A_20 = arith.constant 20 : i32
      %scan3A_21 = arith.addi %scan3A_19, %scan3A_20 : i32
      %scan3A_22 = arith.constant 1 : i32
      scf.for %scan3A_44 = %scan3A_19 to %scan3A_21 step %scan3A_22  : i32 {
        %mul3A_45 = arith.constant 2 : i32
        %mul3A_46 = arith.muli %mul3A_45, %scan3A_44 : i32
        %add3A = arith.constant 0 : i32
        %add3A_47 = arith.addi %mul3A_46, %add3A : i32
        %lt3A_48 = arith.cmpi slt, %add3A_47, %min3A : i32
        %convert_element_type3A_49 = arith.extui %lt3A_48 : i1 to i32
        %cond3A_50 = arith.constant 0 : i32
        %cond3A_51 = arith.cmpi ne, %convert_element_type3A_49, %cond3A_50 : i32
        scf.if %cond3A_51 {
          %gt3A_76 = arith.constant 0 : i32
          %gt3A_77 = arith.cmpi sgt, %scan3A_44, %gt3A_76 : i32
          %convert_element_type3A_78 = arith.extui %gt3A_77 : i1 to i32
          %cond3A_79 = arith.constant 0 : i32
          %cond3A_80 = arith.cmpi ne, %convert_element_type3A_78, %cond3A_79 : i32
          scf.if %cond3A_80 {
            %dma_wait3A = arith.constant 0 : i32
            %dma_wait3A_87 = arith.constant 0 : i32
            %dma_wait3A_88 = tpu.memref_slice %arg11[%dma_wait3A, %dma_wait3A_87] : memref<40x128xi32, #tpu.memory_space<vmem>> -> memref<1x128xi32, #tpu.memory_space<vmem>>
            %dma_wait3A_89 = tpu.memref_squeeze %dma_wait3A_88 : memref<1x128xi32, #tpu.memory_space<vmem>> -> memref<128xi32, #tpu.memory_space<vmem>>
            %dma_wait3A_90 = arith.constant 0 : i32
            %dma_wait3A_91 = arith.constant 0 : i32
            %dma_wait3A_92 = tpu.memref_slice %arg12[%dma_wait3A_90, %dma_wait3A_91] : memref<10000x128xf32, #tpu.memory_space<vmem_shared>> -> memref<10000x128xf32, #tpu.memory_space<vmem_shared>>
            tpu.wait_indirect_dma semaphore(%arg15 : memref<!tpu.dma_semaphore, #tpu.memory_space<semaphore_mem>>) src(%arg9 : memref<128x128xf32, #tpu.memory_space<vmem>>) dst(%dma_wait3A_92 : memref<10000x128xf32, #tpu.memory_space<vmem_shared>>)
          } else {
          }
          %add3A_81 = arith.addi %mul3A_0, %add3A_47 : i32
          %mul3A_82 = arith.constant 128 : i32
          %mul3A_83 = arith.muli %add3A_81, %mul3A_82 : i32
          %dma_start3A = arith.constant 0 : i32
          %dma_start3A_84 = tpu.memref_slice %arg3[%mul3A_83, %dma_start3A] : memref<80000x128xf32, #tpu.memory_space<hbm>> -> memref<128x128xf32, #tpu.memory_space<hbm>>
          %dma_start3A_85 = arith.constant 0 : i32
          %dma_start3A_86 = tpu.memref_slice %arg3[%mul3A_83, %dma_start3A_85] : memref<80000x128xf32, #tpu.memory_space<hbm>> -> memref<128x128xf32, #tpu.memory_space<hbm>>
          tpu.enqueue_dma source(%dma_start3A_86 : memref<128x128xf32, #tpu.memory_space<hbm>>) target(%arg9 : memref<128x128xf32, #tpu.memory_space<vmem>>) target_semaphore(%arg13 : memref<!tpu.dma_semaphore, #tpu.memory_space<semaphore_mem>>)
        } else {
        }
        %mul3A_52 = arith.constant 2 : i32
        %mul3A_53 = arith.muli %mul3A_52, %scan3A_44 : i32
        %add3A_54 = arith.constant 1 : i32
        %add3A_55 = arith.addi %mul3A_53, %add3A_54 : i32
        %lt3A_56 = arith.cmpi slt, %add3A_55, %min3A : i32
        %convert_element_type3A_57 = arith.extui %lt3A_56 : i1 to i32
        %cond3A_58 = arith.constant 0 : i32
        %cond3A_59 = arith.cmpi ne, %convert_element_type3A_57, %cond3A_58 : i32
        scf.if %cond3A_59 {
          %gt3A_76 = arith.constant 0 : i32
          %gt3A_77 = arith.cmpi sgt, %scan3A_44, %gt3A_76 : i32
          %convert_element_type3A_78 = arith.extui %gt3A_77 : i1 to i32
          %cond3A_79 = arith.constant 0 : i32
          %cond3A_80 = arith.cmpi ne, %convert_element_type3A_78, %cond3A_79 : i32
          scf.if %cond3A_80 {
            %dma_wait3A = arith.constant 0 : i32
            %dma_wait3A_87 = arith.constant 0 : i32
            %dma_wait3A_88 = tpu.memref_slice %arg11[%dma_wait3A, %dma_wait3A_87] : memref<40x128xi32, #tpu.memory_space<vmem>> -> memref<1x128xi32, #tpu.memory_space<vmem>>
            %dma_wait3A_89 = tpu.memref_squeeze %dma_wait3A_88 : memref<1x128xi32, #tpu.memory_space<vmem>> -> memref<128xi32, #tpu.memory_space<vmem>>
            %dma_wait3A_90 = arith.constant 0 : i32
            %dma_wait3A_91 = arith.constant 0 : i32
            %dma_wait3A_92 = tpu.memref_slice %arg12[%dma_wait3A_90, %dma_wait3A_91] : memref<10000x128xf32, #tpu.memory_space<vmem_shared>> -> memref<10000x128xf32, #tpu.memory_space<vmem_shared>>
            tpu.wait_indirect_dma semaphore(%arg16 : memref<!tpu.dma_semaphore, #tpu.memory_space<semaphore_mem>>) src(%arg10 : memref<128x128xf32, #tpu.memory_space<vmem>>) dst(%dma_wait3A_92 : memref<10000x128xf32, #tpu.memory_space<vmem_shared>>)
          } else {
          }
          %add3A_81 = arith.addi %mul3A_0, %add3A_55 : i32
          %mul3A_82 = arith.constant 128 : i32
          %mul3A_83 = arith.muli %add3A_81, %mul3A_82 : i32
          %dma_start3A = arith.constant 0 : i32
          %dma_start3A_84 = tpu.memref_slice %arg3[%mul3A_83, %dma_start3A] : memref<80000x128xf32, #tpu.memory_space<hbm>> -> memref<128x128xf32, #tpu.memory_space<hbm>>
          %dma_start3A_85 = arith.constant 0 : i32
          %dma_start3A_86 = tpu.memref_slice %arg3[%mul3A_83, %dma_start3A_85] : memref<80000x128xf32, #tpu.memory_space<hbm>> -> memref<128x128xf32, #tpu.memory_space<hbm>>
          tpu.enqueue_dma source(%dma_start3A_86 : memref<128x128xf32, #tpu.memory_space<hbm>>) target(%arg10 : memref<128x128xf32, #tpu.memory_space<vmem>>) target_semaphore(%arg14 : memref<!tpu.dma_semaphore, #tpu.memory_space<semaphore_mem>>)
        } else {
        }
        %mul3A_60 = arith.constant 2 : i32
        %mul3A_61 = arith.muli %mul3A_60, %scan3A_44 : i32
        %add3A_62 = arith.constant 0 : i32
        %add3A_63 = arith.addi %mul3A_61, %add3A_62 : i32
        %lt3A_64 = arith.cmpi slt, %add3A_63, %min3A : i32
        %convert_element_type3A_65 = arith.extui %lt3A_64 : i1 to i32
        %cond3A_66 = arith.constant 0 : i32
        %cond3A_67 = arith.cmpi ne, %convert_element_type3A_65, %cond3A_66 : i32
        scf.if %cond3A_67 {
          %dma_wait3A = arith.constant 0 : i32
          %dma_wait3A_76 = arith.constant 0 : i32
          %dma_wait3A_77 = tpu.memref_slice %arg3[%dma_wait3A, %dma_wait3A_76] : memref<80000x128xf32, #tpu.memory_space<hbm>> -> memref<128x128xf32, #tpu.memory_space<hbm>>
          %dma_wait3A_78 = arith.constant 0 : i32
          %dma_wait3A_79 = arith.constant 0 : i32
          %dma_wait3A_80 = tpu.memref_slice %arg3[%dma_wait3A_78, %dma_wait3A_79] : memref<80000x128xf32, #tpu.memory_space<hbm>> -> memref<128x128xf32, #tpu.memory_space<hbm>>
          tpu.wait_dma2 semaphore(%arg13 : memref<!tpu.dma_semaphore, #tpu.memory_space<semaphore_mem>>) src(%dma_wait3A_80 : memref<128x128xf32, #tpu.memory_space<hbm>>) dst(%arg9 : memref<128x128xf32, #tpu.memory_space<vmem>>)
          %dma_start3A = arith.constant 0 : i32
          %dma_start3A_81 = tpu.memref_slice %arg11[%add3A_63, %dma_start3A] : memref<40x128xi32, #tpu.memory_space<vmem>> -> memref<1x128xi32, #tpu.memory_space<vmem>>
          %dma_start3A_82 = tpu.memref_squeeze %dma_start3A_81 : memref<1x128xi32, #tpu.memory_space<vmem>> -> memref<128xi32, #tpu.memory_space<vmem>>
          %dma_start3A_83 = arith.constant 0 : i32
          %dma_start3A_84 = arith.constant 0 : i32
          %dma_start3A_85 = tpu.memref_slice %arg12[%dma_start3A_83, %dma_start3A_84] : memref<10000x128xf32, #tpu.memory_space<vmem_shared>> -> memref<10000x128xf32, #tpu.memory_space<vmem_shared>>
          tpu.enqueue_indirect_dma source(%arg9 : memref<128x128xf32, #tpu.memory_space<vmem>>) target(%dma_start3A_85 : memref<10000x128xf32, #tpu.memory_space<vmem_shared>>) offsets(%dma_start3A_82 : memref<128xi32, #tpu.memory_space<vmem>>) semaphore(%arg15 : memref<!tpu.dma_semaphore, #tpu.memory_space<semaphore_mem>>) {add = true}
        } else {
        }
        %mul3A_68 = arith.constant 2 : i32
        %mul3A_69 = arith.muli %mul3A_68, %scan3A_44 : i32
        %add3A_70 = arith.constant 1 : i32
        %add3A_71 = arith.addi %mul3A_69, %add3A_70 : i32
        %lt3A_72 = arith.cmpi slt, %add3A_71, %min3A : i32
        %convert_element_type3A_73 = arith.extui %lt3A_72 : i1 to i32
        %cond3A_74 = arith.constant 0 : i32
        %cond3A_75 = arith.cmpi ne, %convert_element_type3A_73, %cond3A_74 : i32
        scf.if %cond3A_75 {
          %dma_wait3A = arith.constant 0 : i32
          %dma_wait3A_76 = arith.constant 0 : i32
          %dma_wait3A_77 = tpu.memref_slice %arg3[%dma_wait3A, %dma_wait3A_76] : memref<80000x128xf32, #tpu.memory_space<hbm>> -> memref<128x128xf32, #tpu.memory_space<hbm>>
          %dma_wait3A_78 = arith.constant 0 : i32
          %dma_wait3A_79 = arith.constant 0 : i32
          %dma_wait3A_80 = tpu.memref_slice %arg3[%dma_wait3A_78, %dma_wait3A_79] : memref<80000x128xf32, #tpu.memory_space<hbm>> -> memref<128x128xf32, #tpu.memory_space<hbm>>
          tpu.wait_dma2 semaphore(%arg14 : memref<!tpu.dma_semaphore, #tpu.memory_space<semaphore_mem>>) src(%dma_wait3A_80 : memref<128x128xf32, #tpu.memory_space<hbm>>) dst(%arg10 : memref<128x128xf32, #tpu.memory_space<vmem>>)
          %dma_start3A = arith.constant 0 : i32
          %dma_start3A_81 = tpu.memref_slice %arg11[%add3A_71, %dma_start3A] : memref<40x128xi32, #tpu.memory_space<vmem>> -> memref<1x128xi32, #tpu.memory_space<vmem>>
          %dma_start3A_82 = tpu.memref_squeeze %dma_start3A_81 : memref<1x128xi32, #tpu.memory_space<vmem>> -> memref<128xi32, #tpu.memory_space<vmem>>
          %dma_start3A_83 = arith.constant 0 : i32
          %dma_start3A_84 = arith.constant 0 : i32
          %dma_start3A_85 = tpu.memref_slice %arg12[%dma_start3A_83, %dma_start3A_84] : memref<10000x128xf32, #tpu.memory_space<vmem_shared>> -> memref<10000x128xf32, #tpu.memory_space<vmem_shared>>
          tpu.enqueue_indirect_dma source(%arg10 : memref<128x128xf32, #tpu.memory_space<vmem>>) target(%dma_start3A_85 : memref<10000x128xf32, #tpu.memory_space<vmem_shared>>) offsets(%dma_start3A_82 : memref<128xi32, #tpu.memory_space<vmem>>) semaphore(%arg16 : memref<!tpu.dma_semaphore, #tpu.memory_space<semaphore_mem>>) {add = true}
        } else {
        }
      }
      %scan3A_23 = arith.constant 20 : i32
      %gt3A = arith.constant 0 : i32
      %gt3A_24 = arith.cmpi sgt, %min3A, %gt3A : i32
      %convert_element_type3A_25 = arith.extui %gt3A_24 : i1 to i32
      %cond3A_26 = arith.constant 0 : i32
      %cond3A_27 = arith.cmpi ne, %convert_element_type3A_25, %cond3A_26 : i32
      scf.if %cond3A_27 {
        %dma_wait3A = arith.constant 0 : i32
        %dma_wait3A_44 = arith.constant 0 : i32
        %dma_wait3A_45 = tpu.memref_slice %arg11[%dma_wait3A, %dma_wait3A_44] : memref<40x128xi32, #tpu.memory_space<vmem>> -> memref<1x128xi32, #tpu.memory_space<vmem>>
        %dma_wait3A_46 = tpu.memref_squeeze %dma_wait3A_45 : memref<1x128xi32, #tpu.memory_space<vmem>> -> memref<128xi32, #tpu.memory_space<vmem>>
        %dma_wait3A_47 = arith.constant 0 : i32
        %dma_wait3A_48 = arith.constant 0 : i32
        %dma_wait3A_49 = tpu.memref_slice %arg12[%dma_wait3A_47, %dma_wait3A_48] : memref<10000x128xf32, #tpu.memory_space<vmem_shared>> -> memref<10000x128xf32, #tpu.memory_space<vmem_shared>>
        tpu.wait_indirect_dma semaphore(%arg15 : memref<!tpu.dma_semaphore, #tpu.memory_space<semaphore_mem>>) src(%arg9 : memref<128x128xf32, #tpu.memory_space<vmem>>) dst(%dma_wait3A_49 : memref<10000x128xf32, #tpu.memory_space<vmem_shared>>)
      } else {
      }
      %gt3A_28 = arith.constant 1 : i32
      %gt3A_29 = arith.cmpi sgt, %min3A, %gt3A_28 : i32
      %convert_element_type3A_30 = arith.extui %gt3A_29 : i1 to i32
      %cond3A_31 = arith.constant 0 : i32
      %cond3A_32 = arith.cmpi ne, %convert_element_type3A_30, %cond3A_31 : i32
      scf.if %cond3A_32 {
        %dma_wait3A = arith.constant 0 : i32
        %dma_wait3A_44 = arith.constant 0 : i32
        %dma_wait3A_45 = tpu.memref_slice %arg11[%dma_wait3A, %dma_wait3A_44] : memref<40x128xi32, #tpu.memory_space<vmem>> -> memref<1x128xi32, #tpu.memory_space<vmem>>
        %dma_wait3A_46 = tpu.memref_squeeze %dma_wait3A_45 : memref<1x128xi32, #tpu.memory_space<vmem>> -> memref<128xi32, #tpu.memory_space<vmem>>
        %dma_wait3A_47 = arith.constant 0 : i32
        %dma_wait3A_48 = arith.constant 0 : i32
        %dma_wait3A_49 = tpu.memref_slice %arg12[%dma_wait3A_47, %dma_wait3A_48] : memref<10000x128xf32, #tpu.memory_space<vmem_shared>> -> memref<10000x128xf32, #tpu.memory_space<vmem_shared>>
        tpu.wait_indirect_dma semaphore(%arg16 : memref<!tpu.dma_semaphore, #tpu.memory_space<semaphore_mem>>) src(%arg10 : memref<128x128xf32, #tpu.memory_space<vmem>>) dst(%dma_wait3A_49 : memref<10000x128xf32, #tpu.memory_space<vmem_shared>>)
      } else {
      }
      %barrier3A_33 = arith.constant 0 : index
      tpu.barrier barrier_id(%barrier3A_33)
      %lt3A_34 = arith.constant 15 : i32
      %lt3A_35 = arith.cmpi slt, %arg1, %lt3A_34 : i32
      %convert_element_type3A_36 = arith.extui %lt3A_35 : i1 to i32
      %cond3A_37 = arith.constant 0 : i32
      %cond3A_38 = arith.cmpi ne, %convert_element_type3A_36, %cond3A_37 : i32
      scf.if %cond3A_38 {
        %mul3A_44 = arith.constant 632 : i32
        %mul3A_45 = arith.muli %arg1, %mul3A_44 : i32
        "tpu.region"() ({
          %run_scoped3A = tpu.sem_alloc : memref<!tpu.dma_semaphore, #tpu.memory_space<semaphore_mem>>
          %dma_start3A = arith.constant 0 : i32
          %dma_start3A_46 = tpu.memref_slice %arg8[%mul3A_45, %dma_start3A] : memref<10000x128xf32, #tpu.memory_space<hbm>> -> memref<632x128xf32, #tpu.memory_space<hbm>>
          %dma_start3A_47 = arith.constant 0 : i32
          %dma_start3A_48 = tpu.memref_slice %arg12[%mul3A_45, %dma_start3A_47] : memref<10000x128xf32, #tpu.memory_space<vmem_shared>> -> memref<632x128xf32, #tpu.memory_space<vmem_shared>>
          tpu.enqueue_dma source(%dma_start3A_48 : memref<632x128xf32, #tpu.memory_space<vmem_shared>>) target(%dma_start3A_46 : memref<632x128xf32, #tpu.memory_space<hbm>>) target_semaphore(%run_scoped3A : memref<!tpu.dma_semaphore, #tpu.memory_space<semaphore_mem>>)
          %dma_wait3A = arith.constant 0 : i32
          %dma_wait3A_49 = tpu.memref_slice %arg8[%mul3A_45, %dma_wait3A] : memref<10000x128xf32, #tpu.memory_space<hbm>> -> memref<632x128xf32, #tpu.memory_space<hbm>>
          %dma_wait3A_50 = arith.constant 0 : i32
          %dma_wait3A_51 = tpu.memref_slice %arg12[%mul3A_45, %dma_wait3A_50] : memref<10000x128xf32, #tpu.memory_space<vmem_shared>> -> memref<632x128xf32, #tpu.memory_space<vmem_shared>>
          tpu.wait_dma2 semaphore(%run_scoped3A : memref<!tpu.dma_semaphore, #tpu.memory_space<semaphore_mem>>) src(%dma_wait3A_51 : memref<632x128xf32, #tpu.memory_space<vmem_shared>>) dst(%dma_wait3A_49 : memref<632x128xf32, #tpu.memory_space<hbm>>)
          tpu.yield
        }) : () -> ()
      } else {
      }
      %eq3A_39 = arith.constant 15 : i32
      %eq3A_40 = arith.cmpi eq, %arg1, %eq3A_39 : i32
      %convert_element_type3A_41 = arith.extui %eq3A_40 : i1 to i32
      %cond3A_42 = arith.constant 0 : i32
      %cond3A_43 = arith.cmpi ne, %convert_element_type3A_41, %cond3A_42 : i32
      scf.if %cond3A_43 {
        "tpu.region"() ({
          %run_scoped3A = tpu.sem_alloc : memref<!tpu.dma_semaphore, #tpu.memory_space<semaphore_mem>>
          %dma_start3A = arith.constant 9480 : i32
          %dma_start3A_44 = arith.constant 0 : i32
          %dma_start3A_45 = tpu.memref_slice %arg8[%dma_start3A, %dma_start3A_44] : memref<10000x128xf32, #tpu.memory_space<hbm>> -> memref<520x128xf32, #tpu.memory_space<hbm>>
          %dma_start3A_46 = arith.constant 9480 : i32
          %dma_start3A_47 = arith.constant 0 : i32
          %dma_start3A_48 = tpu.memref_slice %arg12[%dma_start3A_46, %dma_start3A_47] : memref<10000x128xf32, #tpu.memory_space<vmem_shared>> -> memref<520x128xf32, #tpu.memory_space<vmem_shared>>
          tpu.enqueue_dma source(%dma_start3A_48 : memref<520x128xf32, #tpu.memory_space<vmem_shared>>) target(%dma_start3A_45 : memref<520x128xf32, #tpu.memory_space<hbm>>) target_semaphore(%run_scoped3A : memref<!tpu.dma_semaphore, #tpu.memory_space<semaphore_mem>>)
          %dma_wait3A = arith.constant 9480 : i32
          %dma_wait3A_49 = arith.constant 0 : i32
          %dma_wait3A_50 = tpu.memref_slice %arg8[%dma_wait3A, %dma_wait3A_49] : memref<10000x128xf32, #tpu.memory_space<hbm>> -> memref<520x128xf32, #tpu.memory_space<hbm>>
          %dma_wait3A_51 = arith.constant 9480 : i32
          %dma_wait3A_52 = arith.constant 0 : i32
          %dma_wait3A_53 = tpu.memref_slice %arg12[%dma_wait3A_51, %dma_wait3A_52] : memref<10000x128xf32, #tpu.memory_space<vmem_shared>> -> memref<520x128xf32, #tpu.memory_space<vmem_shared>>
          tpu.wait_dma2 semaphore(%run_scoped3A : memref<!tpu.dma_semaphore, #tpu.memory_space<semaphore_mem>>) src(%dma_wait3A_53 : memref<520x128xf32, #tpu.memory_space<vmem_shared>>) dst(%dma_wait3A_50 : memref<520x128xf32, #tpu.memory_space<hbm>>)
          tpu.yield
        }) : () -> ()
      } else {
      }
    } else {
    }
    return
  }
}

module attributes {stable_mosaic.version = 14 : i64} {
  func.func @_proj_body(%arg0: i32, %arg1: memref<1000x128xf32, #tpu.memory_space<vmem>>, %arg2: memref<128x128xf32, #tpu.memory_space<vmem>>, %arg3: memref<128x128xf32, #tpu.memory_space<vmem>>, %arg4: memref<128x128xf32, #tpu.memory_space<vmem>>, %arg5: memref<128x128xf32, #tpu.memory_space<vmem>>, %arg6: memref<128x128xf32, #tpu.memory_space<vmem>>, %arg7: memref<64x128xf32, #tpu.memory_space<vmem>>, %arg8: memref<1000x256xi32, #tpu.memory_space<vmem>>, %arg9: memref<1000x384xi32, #tpu.memory_space<vmem>>) attributes {dimension_semantics = [#tpu.dimension_semantics<arbitrary>], iteration_bounds = array<i64: 10>, scalar_prefetch = 0 : i64, scratch_operands = 0 : i64, tpu.core_type = #tpu.core_type<tc>, window_params = [{transform_indices = @transform_0, window_bounds = array<i64: 1000, 128>}, {pipeline_mode = #tpu.pipeline_mode<synchronous>, transform_indices = @transform_1, window_bounds = array<i64: 128, 128>}, {pipeline_mode = #tpu.pipeline_mode<synchronous>, transform_indices = @transform_2, window_bounds = array<i64: 128, 128>}, {pipeline_mode = #tpu.pipeline_mode<synchronous>, transform_indices = @transform_3, window_bounds = array<i64: 128, 128>}, {pipeline_mode = #tpu.pipeline_mode<synchronous>, transform_indices = @transform_4, window_bounds = array<i64: 128, 128>}, {pipeline_mode = #tpu.pipeline_mode<synchronous>, transform_indices = @transform_5, window_bounds = array<i64: 128, 128>}, {pipeline_mode = #tpu.pipeline_mode<synchronous>, transform_indices = @transform_6, window_bounds = array<i64: 64, 128>}, {transform_indices = @transform_7, window_bounds = array<i64: 1000, 256>}, {transform_indices = @transform_8, window_bounds = array<i64: 1000, 384>}]} {
    %get3A = arith.constant 0 : index
    %get3A_0 = arith.constant 0 : index
    %get3A_1 = vector.load %arg1[%get3A, %get3A_0] : memref<1000x128xf32, #tpu.memory_space<vmem>>, vector<1000x128xf32>
    %get3A_2 = arith.constant 0 : index
    %get3A_3 = arith.constant 0 : index
    %get3A_4 = vector.load %arg2[%get3A_2, %get3A_3] : memref<128x128xf32, #tpu.memory_space<vmem>>, vector<128x128xf32>
    %dot_general3A = arith.constant dense<0.000000e+00> : vector<1000x128xf32>
    %dot_general3A_5 = tpu.matmul %get3A_1, %get3A_4, %dot_general3A {dimension_numbers = #tpu.dot_dimension_numbers<[1], [1], [0], [0], [0, 0, 1, 0], [], []>, transpose_lhs_hint = false} : vector<1000x128xf32>, vector<128x128xf32>, vector<1000x128xf32> -> vector<1000x128xf32>
    %bitcast_convert_type3A = tpu.bitcast %get3A_1 : vector<1000x128xf32> -> vector<1000x128xi32>
    %bitcast_convert_type3A_6 = tpu.bitcast %dot_general3A_5 : vector<1000x128xf32> -> vector<1000x128xi32>
    %add3A = arith.constant 32768 : i32
    %add3A_7 = vector.broadcast %add3A : i32 to vector<1000x128xi32>
    %add3A_8 = arith.addi %bitcast_convert_type3A, %add3A_7 : vector<1000x128xi32>
    %and3A = arith.constant -65536 : i32
    %and3A_9 = vector.broadcast %and3A : i32 to vector<1000x128xi32>
    %and3A_10 = arith.andi %add3A_8, %and3A_9 : vector<1000x128xi32>
    %add3A_11 = arith.constant 32768 : i32
    %add3A_12 = vector.broadcast %add3A_11 : i32 to vector<1000x128xi32>
    %add3A_13 = arith.addi %bitcast_convert_type3A_6, %add3A_12 : vector<1000x128xi32>
    %shift_right_logical3A = arith.constant 16 : i32
    %shift_right_logical3A_14 = vector.broadcast %shift_right_logical3A : i32 to vector<1000x128xi32>
    %shift_right_logical3A_15 = arith.shrui %add3A_13, %shift_right_logical3A_14 : vector<1000x128xi32>
    %or3A = arith.ori %and3A_10, %shift_right_logical3A_15 : vector<1000x128xi32>
    %bitcast_convert_type3A_16 = tpu.bitcast %or3A : vector<1000x128xi32> -> vector<1000x128xi32>
    %swap3A = arith.constant 0 : index
    %swap3A_17 = arith.constant 0 : index
    %swap3A_18 = vector.load %arg8[%swap3A, %swap3A_17] : memref<1000x256xi32, #tpu.memory_space<vmem>>, vector<1000x128xi32>
    tpu.vector_store %arg8[%swap3A, %swap3A_17], %bitcast_convert_type3A_16 {strides = array<i32>} : memref<1000x256xi32, #tpu.memory_space<vmem>>, vector<1000x128xi32>,
    %get3A_19 = arith.constant 0 : index
    %get3A_20 = arith.constant 0 : index
    %get3A_21 = vector.load %arg3[%get3A_19, %get3A_20] : memref<128x128xf32, #tpu.memory_space<vmem>>, vector<128x128xf32>
    %dot_general3A_22 = arith.constant dense<0.000000e+00> : vector<1000x128xf32>
    %dot_general3A_23 = tpu.matmul %get3A_1, %get3A_21, %dot_general3A_22 {dimension_numbers = #tpu.dot_dimension_numbers<[1], [1], [0], [0], [0, 0, 1, 0], [], []>, transpose_lhs_hint = false} : vector<1000x128xf32>, vector<128x128xf32>, vector<1000x128xf32> -> vector<1000x128xf32>
    %bitcast_convert_type3A_24 = tpu.bitcast %dot_general3A_23 : vector<1000x128xf32> -> vector<1000x128xi32>
    %swap3A_25 = arith.constant 0 : index
    %swap3A_26 = arith.constant 128 : index
    %swap3A_27 = vector.load %arg8[%swap3A_25, %swap3A_26] : memref<1000x256xi32, #tpu.memory_space<vmem>>, vector<1000x128xi32>
    tpu.vector_store %arg8[%swap3A_25, %swap3A_26], %bitcast_convert_type3A_24 {strides = array<i32>} : memref<1000x256xi32, #tpu.memory_space<vmem>>, vector<1000x128xi32>,
    %get3A_28 = arith.constant 0 : index
    %get3A_29 = arith.constant 0 : index
    %get3A_30 = vector.load %arg4[%get3A_28, %get3A_29] : memref<128x128xf32, #tpu.memory_space<vmem>>, vector<128x128xf32>
    %dot_general3A_31 = arith.constant dense<0.000000e+00> : vector<1000x128xf32>
    %dot_general3A_32 = tpu.matmul %get3A_1, %get3A_30, %dot_general3A_31 {dimension_numbers = #tpu.dot_dimension_numbers<[1], [1], [0], [0], [0, 0, 1, 0], [], []>, transpose_lhs_hint = false} : vector<1000x128xf32>, vector<128x128xf32>, vector<1000x128xf32> -> vector<1000x128xf32>
    %bitcast_convert_type3A_33 = tpu.bitcast %get3A_1 : vector<1000x128xf32> -> vector<1000x128xi32>
    %bitcast_convert_type3A_34 = tpu.bitcast %dot_general3A_32 : vector<1000x128xf32> -> vector<1000x128xi32>
    %add3A_35 = arith.constant 32768 : i32
    %add3A_36 = vector.broadcast %add3A_35 : i32 to vector<1000x128xi32>
    %add3A_37 = arith.addi %bitcast_convert_type3A_33, %add3A_36 : vector<1000x128xi32>
    %and3A_38 = arith.constant -65536 : i32
    %and3A_39 = vector.broadcast %and3A_38 : i32 to vector<1000x128xi32>
    %and3A_40 = arith.andi %add3A_37, %and3A_39 : vector<1000x128xi32>
    %add3A_41 = arith.constant 32768 : i32
    %add3A_42 = vector.broadcast %add3A_41 : i32 to vector<1000x128xi32>
    %add3A_43 = arith.addi %bitcast_convert_type3A_34, %add3A_42 : vector<1000x128xi32>
    %shift_right_logical3A_44 = arith.constant 16 : i32
    %shift_right_logical3A_45 = vector.broadcast %shift_right_logical3A_44 : i32 to vector<1000x128xi32>
    %shift_right_logical3A_46 = arith.shrui %add3A_43, %shift_right_logical3A_45 : vector<1000x128xi32>
    %or3A_47 = arith.ori %and3A_40, %shift_right_logical3A_46 : vector<1000x128xi32>
    %bitcast_convert_type3A_48 = tpu.bitcast %or3A_47 : vector<1000x128xi32> -> vector<1000x128xi32>
    %swap3A_49 = arith.constant 0 : index
    %swap3A_50 = arith.constant 0 : index
    %swap3A_51 = vector.load %arg9[%swap3A_49, %swap3A_50] : memref<1000x384xi32, #tpu.memory_space<vmem>>, vector<1000x128xi32>
    tpu.vector_store %arg9[%swap3A_49, %swap3A_50], %bitcast_convert_type3A_48 {strides = array<i32>} : memref<1000x384xi32, #tpu.memory_space<vmem>>, vector<1000x128xi32>,
    %get3A_52 = arith.constant 0 : index
    %get3A_53 = arith.constant 0 : index
    %get3A_54 = vector.load %arg5[%get3A_52, %get3A_53] : memref<128x128xf32, #tpu.memory_space<vmem>>, vector<128x128xf32>
    %dot_general3A_55 = arith.constant dense<0.000000e+00> : vector<1000x128xf32>
    %dot_general3A_56 = tpu.matmul %get3A_1, %get3A_54, %dot_general3A_55 {dimension_numbers = #tpu.dot_dimension_numbers<[1], [1], [0], [0], [0, 0, 1, 0], [], []>, transpose_lhs_hint = false} : vector<1000x128xf32>, vector<128x128xf32>, vector<1000x128xf32> -> vector<1000x128xf32>
    %get3A_57 = arith.constant 0 : index
    %get3A_58 = arith.constant 0 : index
    %get3A_59 = vector.load %arg6[%get3A_57, %get3A_58] : memref<128x128xf32, #tpu.memory_space<vmem>>, vector<128x128xf32>
    %dot_general3A_60 = arith.constant dense<0.000000e+00> : vector<1000x128xf32>
    %dot_general3A_61 = tpu.matmul %get3A_1, %get3A_59, %dot_general3A_60 {dimension_numbers = #tpu.dot_dimension_numbers<[1], [1], [0], [0], [0, 0, 1, 0], [], []>, transpose_lhs_hint = false} : vector<1000x128xf32>, vector<128x128xf32>, vector<1000x128xf32> -> vector<1000x128xf32>
    %bitcast_convert_type3A_62 = tpu.bitcast %dot_general3A_56 : vector<1000x128xf32> -> vector<1000x128xi32>
    %bitcast_convert_type3A_63 = tpu.bitcast %dot_general3A_61 : vector<1000x128xf32> -> vector<1000x128xi32>
    %add3A_64 = arith.constant 32768 : i32
    %add3A_65 = vector.broadcast %add3A_64 : i32 to vector<1000x128xi32>
    %add3A_66 = arith.addi %bitcast_convert_type3A_62, %add3A_65 : vector<1000x128xi32>
    %and3A_67 = arith.constant -65536 : i32
    %and3A_68 = vector.broadcast %and3A_67 : i32 to vector<1000x128xi32>
    %and3A_69 = arith.andi %add3A_66, %and3A_68 : vector<1000x128xi32>
    %add3A_70 = arith.constant 32768 : i32
    %add3A_71 = vector.broadcast %add3A_70 : i32 to vector<1000x128xi32>
    %add3A_72 = arith.addi %bitcast_convert_type3A_63, %add3A_71 : vector<1000x128xi32>
    %shift_right_logical3A_73 = arith.constant 16 : i32
    %shift_right_logical3A_74 = vector.broadcast %shift_right_logical3A_73 : i32 to vector<1000x128xi32>
    %shift_right_logical3A_75 = arith.shrui %add3A_72, %shift_right_logical3A_74 : vector<1000x128xi32>
    %or3A_76 = arith.ori %and3A_69, %shift_right_logical3A_75 : vector<1000x128xi32>
    %bitcast_convert_type3A_77 = tpu.bitcast %or3A_76 : vector<1000x128xi32> -> vector<1000x128xi32>
    %swap3A_78 = arith.constant 0 : index
    %swap3A_79 = arith.constant 128 : index
    %swap3A_80 = vector.load %arg9[%swap3A_78, %swap3A_79] : memref<1000x384xi32, #tpu.memory_space<vmem>>, vector<1000x128xi32>
    tpu.vector_store %arg9[%swap3A_78, %swap3A_79], %bitcast_convert_type3A_77 {strides = array<i32>} : memref<1000x384xi32, #tpu.memory_space<vmem>>, vector<1000x128xi32>,
    %get3A_81 = arith.constant 0 : index
    %get3A_82 = arith.constant 0 : index
    %get3A_83 = vector.load %arg7[%get3A_81, %get3A_82] : memref<64x128xf32, #tpu.memory_space<vmem>>, vector<64x128xf32>
    %dot_general3A_84 = arith.constant dense<0.000000e+00> : vector<1000x64xf32>
    %dot_general3A_85 = tpu.matmul %get3A_1, %get3A_83, %dot_general3A_84 {dimension_numbers = #tpu.dot_dimension_numbers<[1], [1], [0], [0], [0, 0, 1, 0], [], []>, transpose_lhs_hint = false} : vector<1000x128xf32>, vector<64x128xf32>, vector<1000x64xf32> -> vector<1000x64xf32>
    %bitcast_convert_type3A_86 = tpu.bitcast %dot_general3A_85 : vector<1000x64xf32> -> vector<1000x64xi32>
    %swap3A_87 = arith.constant 0 : index
    %swap3A_88 = arith.constant 256 : index
    %swap3A_89 = vector.load %arg9[%swap3A_87, %swap3A_88] : memref<1000x384xi32, #tpu.memory_space<vmem>>, vector<1000x64xi32>
    tpu.vector_store %arg9[%swap3A_87, %swap3A_88], %bitcast_convert_type3A_86 {strides = array<i32>} : memref<1000x384xi32, #tpu.memory_space<vmem>>, vector<1000x64xi32>,
    %broadcast_in_dim3A = arith.constant 0 : i32
    %broadcast_in_dim3A_90 = vector.broadcast %broadcast_in_dim3A : i32 to vector<1000x64xi32>
    %swap3A_91 = arith.constant 0 : index
    %swap3A_92 = arith.constant 320 : index
    %swap3A_93 = vector.load %arg9[%swap3A_91, %swap3A_92] : memref<1000x384xi32, #tpu.memory_space<vmem>>, vector<1000x64xi32>
    tpu.vector_store %arg9[%swap3A_91, %swap3A_92], %broadcast_in_dim3A_90 {strides = array<i32>} : memref<1000x384xi32, #tpu.memory_space<vmem>>, vector<1000x64xi32>,
    return
  }
  func.func @transform_0(%arg0: i32) -> (i32, i32) {
    %c0_i32 = arith.constant 0 : i32
    %c0_i32_0 = arith.constant 0 : i32
    return %arg0, %c0_i32 : i32, i32
  }
  func.func @transform_1(%arg0: i32) -> (i32, i32) {
    %c0_i32 = arith.constant 0 : i32
    %c0_i32_0 = arith.constant 0 : i32
    %c0_i32_1 = arith.constant 0 : i32
    return %c0_i32, %c0_i32_0 : i32, i32
  }
  func.func @transform_2(%arg0: i32) -> (i32, i32) {
    %c0_i32 = arith.constant 0 : i32
    %c0_i32_0 = arith.constant 0 : i32
    %c0_i32_1 = arith.constant 0 : i32
    return %c0_i32, %c0_i32_0 : i32, i32
  }
  func.func @transform_3(%arg0: i32) -> (i32, i32) {
    %c0_i32 = arith.constant 0 : i32
    %c0_i32_0 = arith.constant 0 : i32
    %c0_i32_1 = arith.constant 0 : i32
    return %c0_i32, %c0_i32_0 : i32, i32
  }
  func.func @transform_4(%arg0: i32) -> (i32, i32) {
    %c0_i32 = arith.constant 0 : i32
    %c0_i32_0 = arith.constant 0 : i32
    %c0_i32_1 = arith.constant 0 : i32
    return %c0_i32, %c0_i32_0 : i32, i32
  }
  func.func @transform_5(%arg0: i32) -> (i32, i32) {
    %c0_i32 = arith.constant 0 : i32
    %c0_i32_0 = arith.constant 0 : i32
    %c0_i32_1 = arith.constant 0 : i32
    return %c0_i32, %c0_i32_0 : i32, i32
  }
  func.func @transform_6(%arg0: i32) -> (i32, i32) {
    %c0_i32 = arith.constant 0 : i32
    %c0_i32_0 = arith.constant 0 : i32
    %c0_i32_1 = arith.constant 0 : i32
    return %c0_i32, %c0_i32_0 : i32, i32
  }
  func.func @transform_7(%arg0: i32) -> (i32, i32) {
    %c0_i32 = arith.constant 0 : i32
    %c0_i32_0 = arith.constant 0 : i32
    return %arg0, %c0_i32 : i32, i32
  }
  func.func @transform_8(%arg0: i32) -> (i32, i32) {
    %c0_i32 = arith.constant 0 : i32
    %c0_i32_0 = arith.constant 0 : i32
    return %arg0, %c0_i32 : i32, i32
  }
}

module attributes {stable_mosaic.version = 14 : i64} {
  func.func @_edge_body(%arg0: i32, %arg1: memref<2000x256xi32, #tpu.memory_space<vmem>>, %arg2: memref<2000x384xi32, #tpu.memory_space<vmem>>, %arg3: memref<2000x20xf32, #tpu.memory_space<vmem>>, %arg4: memref<2000x1xf32, #tpu.memory_space<vmem>>, %arg5: memref<2000x128xf32, #tpu.memory_space<vmem>>, %arg6: memref<128x64xf32, #tpu.memory_space<vmem>>, %arg7: memref<1x128xf32, #tpu.memory_space<vmem>>, %arg8: memref<128x128xf32, #tpu.memory_space<vmem>>, %arg9: memref<1x128xf32, #tpu.memory_space<vmem>>, %arg10: memref<128x20xf32, #tpu.memory_space<vmem>>, %arg11: memref<1x128xf32, #tpu.memory_space<vmem>>, %arg12: memref<128x128xf32, #tpu.memory_space<vmem>>, %arg13: memref<1x128xf32, #tpu.memory_space<vmem>>, %arg14: memref<128x64xf32, #tpu.memory_space<vmem>>, %arg15: memref<128x128xf32, #tpu.memory_space<vmem>>, %arg16: memref<128x64xf32, #tpu.memory_space<vmem>>, %arg17: memref<64x128xf32, #tpu.memory_space<vmem>>, %arg18: memref<2000x128xf32, #tpu.memory_space<vmem>>, %arg19: memref<2000x128xf32, #tpu.memory_space<vmem>>) attributes {dimension_semantics = [#tpu.dimension_semantics<arbitrary>], iteration_bounds = array<i64: 40>, scalar_prefetch = 0 : i64, scratch_operands = 0 : i64, tpu.core_type = #tpu.core_type<tc>, window_params = [{transform_indices = @transform_0, window_bounds = array<i64: 2000, 256>}, {transform_indices = @transform_1, window_bounds = array<i64: 2000, 384>}, {transform_indices = @transform_2, window_bounds = array<i64: 2000, 20>}, {transform_indices = @transform_3, window_bounds = array<i64: 2000, 1>}, {transform_indices = @transform_4, window_bounds = array<i64: 2000, 128>}, {pipeline_mode = #tpu.pipeline_mode<synchronous>, transform_indices = @transform_5, window_bounds = array<i64: 128, 64>}, {pipeline_mode = #tpu.pipeline_mode<synchronous>, transform_indices = @transform_6, window_bounds = array<i64: 1, 128>}, {pipeline_mode = #tpu.pipeline_mode<synchronous>, transform_indices = @transform_7, window_bounds = array<i64: 128, 128>}, {pipeline_mode = #tpu.pipeline_mode<synchronous>, transform_indices = @transform_8, window_bounds = array<i64: 1, 128>}, {pipeline_mode = #tpu.pipeline_mode<synchronous>, transform_indices = @transform_9, window_bounds = array<i64: 128, 20>}, {pipeline_mode = #tpu.pipeline_mode<synchronous>, transform_indices = @transform_10, window_bounds = array<i64: 1, 128>}, {pipeline_mode = #tpu.pipeline_mode<synchronous>, transform_indices = @transform_11, window_bounds = array<i64: 128, 128>}, {pipeline_mode = #tpu.pipeline_mode<synchronous>, transform_indices = @transform_12, window_bounds = array<i64: 1, 128>}, {pipeline_mode = #tpu.pipeline_mode<synchronous>, transform_indices = @transform_13, window_bounds = array<i64: 128, 64>}, {pipeline_mode = #tpu.pipeline_mode<synchronous>, transform_indices = @transform_14, window_bounds = array<i64: 128, 128>}, {pipeline_mode = #tpu.pipeline_mode<synchronous>, transform_indices = @transform_15, window_bounds = array<i64: 128, 64>}, {pipeline_mode = #tpu.pipeline_mode<synchronous>, transform_indices = @transform_16, window_bounds = array<i64: 64, 128>}, {transform_indices = @transform_17, window_bounds = array<i64: 2000, 128>}, {transform_indices = @transform_18, window_bounds = array<i64: 2000, 128>}]} {
    %get3A = arith.constant 0 : index
    %get3A_0 = arith.constant 0 : index
    %get3A_1 = vector.load %arg1[%get3A, %get3A_0] : memref<2000x256xi32, #tpu.memory_space<vmem>>, vector<2000x256xi32>
    %get3A_2 = arith.constant 0 : index
    %get3A_3 = arith.constant 0 : index
    %get3A_4 = vector.load %arg2[%get3A_2, %get3A_3] : memref<2000x384xi32, #tpu.memory_space<vmem>>, vector<2000x384xi32>
    %get3A_5 = arith.constant 0 : index
    %get3A_6 = arith.constant 0 : index
    %get3A_7 = vector.load %arg4[%get3A_5, %get3A_6] : memref<2000x1xf32, #tpu.memory_space<vmem>>, vector<2000x1xf32>
    %slice3A = vector.extract_strided_slice %get3A_1 {offsets = [0, 0], sizes = [2000, 128], strides = [1, 1]} : vector<2000x256xi32> to vector<2000x128xi32>
    %bitcast_convert_type3A = tpu.bitcast %slice3A : vector<2000x128xi32> -> vector<2000x128xi32>
    %and3A = arith.constant -65536 : i32
    %and3A_8 = vector.broadcast %and3A : i32 to vector<2000x128xi32>
    %and3A_9 = arith.andi %bitcast_convert_type3A, %and3A_8 : vector<2000x128xi32>
    %bitcast_convert_type3A_10 = tpu.bitcast %and3A_9 : vector<2000x128xi32> -> vector<2000x128xf32>
    %slice3A_11 = vector.extract_strided_slice %get3A_1 {offsets = [0, 0], sizes = [2000, 128], strides = [1, 1]} : vector<2000x256xi32> to vector<2000x128xi32>
    %bitcast_convert_type3A_12 = tpu.bitcast %slice3A_11 : vector<2000x128xi32> -> vector<2000x128xi32>
    %shift_left3A = arith.constant 16 : i32
    %shift_left3A_13 = vector.broadcast %shift_left3A : i32 to vector<2000x128xi32>
    %shift_left3A_14 = arith.shli %bitcast_convert_type3A_12, %shift_left3A_13 : vector<2000x128xi32>
    %bitcast_convert_type3A_15 = tpu.bitcast %shift_left3A_14 : vector<2000x128xi32> -> vector<2000x128xf32>
    %slice3A_16 = vector.extract_strided_slice %get3A_1 {offsets = [0, 128], sizes = [2000, 128], strides = [1, 1]} : vector<2000x256xi32> to vector<2000x128xi32>
    %bitcast_convert_type3A_17 = tpu.bitcast %slice3A_16 : vector<2000x128xi32> -> vector<2000x128xf32>
    %slice3A_18 = vector.extract_strided_slice %get3A_4 {offsets = [0, 0], sizes = [2000, 128], strides = [1, 1]} : vector<2000x384xi32> to vector<2000x128xi32>
    %bitcast_convert_type3A_19 = tpu.bitcast %slice3A_18 : vector<2000x128xi32> -> vector<2000x128xi32>
    %and3A_20 = arith.constant -65536 : i32
    %and3A_21 = vector.broadcast %and3A_20 : i32 to vector<2000x128xi32>
    %and3A_22 = arith.andi %bitcast_convert_type3A_19, %and3A_21 : vector<2000x128xi32>
    %bitcast_convert_type3A_23 = tpu.bitcast %and3A_22 : vector<2000x128xi32> -> vector<2000x128xf32>
    %slice3A_24 = vector.extract_strided_slice %get3A_4 {offsets = [0, 0], sizes = [2000, 128], strides = [1, 1]} : vector<2000x384xi32> to vector<2000x128xi32>
    %bitcast_convert_type3A_25 = tpu.bitcast %slice3A_24 : vector<2000x128xi32> -> vector<2000x128xi32>
    %shift_left3A_26 = arith.constant 16 : i32
    %shift_left3A_27 = vector.broadcast %shift_left3A_26 : i32 to vector<2000x128xi32>
    %shift_left3A_28 = arith.shli %bitcast_convert_type3A_25, %shift_left3A_27 : vector<2000x128xi32>
    %bitcast_convert_type3A_29 = tpu.bitcast %shift_left3A_28 : vector<2000x128xi32> -> vector<2000x128xf32>
    %slice3A_30 = vector.extract_strided_slice %get3A_4 {offsets = [0, 128], sizes = [2000, 128], strides = [1, 1]} : vector<2000x384xi32> to vector<2000x128xi32>
    %bitcast_convert_type3A_31 = tpu.bitcast %slice3A_30 : vector<2000x128xi32> -> vector<2000x128xi32>
    %and3A_32 = arith.constant -65536 : i32
    %and3A_33 = vector.broadcast %and3A_32 : i32 to vector<2000x128xi32>
    %and3A_34 = arith.andi %bitcast_convert_type3A_31, %and3A_33 : vector<2000x128xi32>
    %bitcast_convert_type3A_35 = tpu.bitcast %and3A_34 : vector<2000x128xi32> -> vector<2000x128xf32>
    %slice3A_36 = vector.extract_strided_slice %get3A_4 {offsets = [0, 128], sizes = [2000, 128], strides = [1, 1]} : vector<2000x384xi32> to vector<2000x128xi32>
    %bitcast_convert_type3A_37 = tpu.bitcast %slice3A_36 : vector<2000x128xi32> -> vector<2000x128xi32>
    %shift_left3A_38 = arith.constant 16 : i32
    %shift_left3A_39 = vector.broadcast %shift_left3A_38 : i32 to vector<2000x128xi32>
    %shift_left3A_40 = arith.shli %bitcast_convert_type3A_37, %shift_left3A_39 : vector<2000x128xi32>
    %bitcast_convert_type3A_41 = tpu.bitcast %shift_left3A_40 : vector<2000x128xi32> -> vector<2000x128xf32>
    %slice3A_42 = vector.extract_strided_slice %get3A_4 {offsets = [0, 256], sizes = [2000, 64], strides = [1, 1]} : vector<2000x384xi32> to vector<2000x64xi32>
    %bitcast_convert_type3A_43 = tpu.bitcast %slice3A_42 : vector<2000x64xi32> -> vector<2000x64xf32>
    %sub3A = arith.subf %bitcast_convert_type3A_23, %bitcast_convert_type3A_10 : vector<2000x128xf32>
    %mul3A = arith.mulf %sub3A, %sub3A : vector<2000x128xf32>
    %get3A_44 = arith.constant 0 : index
    %get3A_45 = arith.constant 0 : index
    %get3A_46 = vector.load %arg14[%get3A_44, %get3A_45] : memref<128x64xf32, #tpu.memory_space<vmem>>, vector<128x64xf32>
    %dot_general3A = arith.constant dense<0.000000e+00> : vector<2000x64xf32>
    %dot_general3A_47 = tpu.matmul %mul3A, %get3A_46, %dot_general3A {dimension_numbers = #tpu.dot_dimension_numbers<[1], [0], [0], [1], [0, 0, 1, 1], [], []>, transpose_lhs_hint = false} : vector<2000x128xf32>, vector<128x64xf32>, vector<2000x64xf32> -> vector<2000x64xf32>
    %get3A_48 = arith.constant 0 : index
    %get3A_49 = arith.constant 0 : index
    %get3A_50 = vector.load %arg6[%get3A_48, %get3A_49] : memref<128x64xf32, #tpu.memory_space<vmem>>, vector<128x64xf32>
    %dot_general3A_51 = arith.constant dense<0.000000e+00> : vector<2000x128xf32>
    %dot_general3A_52 = tpu.matmul %dot_general3A_47, %get3A_50, %dot_general3A_51 {dimension_numbers = #tpu.dot_dimension_numbers<[1], [1], [0], [0], [0, 0, 1, 0], [], []>, transpose_lhs_hint = false} : vector<2000x64xf32>, vector<128x64xf32>, vector<2000x128xf32> -> vector<2000x128xf32>
    %get3A_53 = arith.constant 0 : index
    %get3A_54 = arith.constant 0 : index
    %get3A_55 = vector.load %arg7[%get3A_53, %get3A_54] : memref<1x128xf32, #tpu.memory_space<vmem>>, vector<1x128xf32>
    %add3A = vector.broadcast %get3A_55 : vector<1x128xf32> to vector<2000x128xf32>
    %add3A_56 = arith.addf %dot_general3A_52, %add3A : vector<2000x128xf32>
    %logistic3A = arith.negf %add3A_56 : vector<2000x128xf32>
    %logistic3A_57 = math.exp %logistic3A : vector<2000x128xf32>
    %logistic3A_58 = arith.constant 1.000000e+00 : f32
    %logistic3A_59 = vector.broadcast %logistic3A_58 : f32 to vector<2000x128xf32>
    %logistic3A_60 = arith.addf %logistic3A_59, %logistic3A_57 : vector<2000x128xf32>
    %logistic3A_61 = arith.divf %logistic3A_59, %logistic3A_60 : vector<2000x128xf32>
    %mul3A_62 = arith.mulf %add3A_56, %logistic3A_61 : vector<2000x128xf32>
    %get3A_63 = arith.constant 0 : index
    %get3A_64 = arith.constant 0 : index
    %get3A_65 = vector.load %arg8[%get3A_63, %get3A_64] : memref<128x128xf32, #tpu.memory_space<vmem>>, vector<128x128xf32>
    %dot_general3A_66 = arith.constant dense<0.000000e+00> : vector<2000x128xf32>
    %dot_general3A_67 = tpu.matmul %mul3A_62, %get3A_65, %dot_general3A_66 {dimension_numbers = #tpu.dot_dimension_numbers<[1], [1], [0], [0], [0, 0, 1, 0], [], []>, transpose_lhs_hint = false} : vector<2000x128xf32>, vector<128x128xf32>, vector<2000x128xf32> -> vector<2000x128xf32>
    %get3A_68 = arith.constant 0 : index
    %get3A_69 = arith.constant 0 : index
    %get3A_70 = vector.load %arg9[%get3A_68, %get3A_69] : memref<1x128xf32, #tpu.memory_space<vmem>>, vector<1x128xf32>
    %add3A_71 = vector.broadcast %get3A_70 : vector<1x128xf32> to vector<2000x128xf32>
    %add3A_72 = arith.addf %dot_general3A_67, %add3A_71 : vector<2000x128xf32>
    %get3A_73 = arith.constant 0 : index
    %get3A_74 = arith.constant 0 : index
    %get3A_75 = vector.load %arg3[%get3A_73, %get3A_74] : memref<2000x20xf32, #tpu.memory_space<vmem>>, vector<2000x20xf32>
    %get3A_76 = arith.constant 0 : index
    %get3A_77 = arith.constant 0 : index
    %get3A_78 = vector.load %arg10[%get3A_76, %get3A_77] : memref<128x20xf32, #tpu.memory_space<vmem>>, vector<128x20xf32>
    %dot_general3A_79 = arith.constant dense<0.000000e+00> : vector<2000x128xf32>
    %dot_general3A_80 = tpu.matmul %get3A_75, %get3A_78, %dot_general3A_79 {dimension_numbers = #tpu.dot_dimension_numbers<[1], [1], [0], [0], [0, 0, 1, 0], [], []>, transpose_lhs_hint = false} : vector<2000x20xf32>, vector<128x20xf32>, vector<2000x128xf32> -> vector<2000x128xf32>
    %get3A_81 = arith.constant 0 : index
    %get3A_82 = arith.constant 0 : index
    %get3A_83 = vector.load %arg11[%get3A_81, %get3A_82] : memref<1x128xf32, #tpu.memory_space<vmem>>, vector<1x128xf32>
    %add3A_84 = vector.broadcast %get3A_83 : vector<1x128xf32> to vector<2000x128xf32>
    %add3A_85 = arith.addf %dot_general3A_80, %add3A_84 : vector<2000x128xf32>
    %logistic3A_86 = arith.negf %add3A_85 : vector<2000x128xf32>
    %logistic3A_87 = math.exp %logistic3A_86 : vector<2000x128xf32>
    %logistic3A_88 = arith.constant 1.000000e+00 : f32
    %logistic3A_89 = vector.broadcast %logistic3A_88 : f32 to vector<2000x128xf32>
    %logistic3A_90 = arith.addf %logistic3A_89, %logistic3A_87 : vector<2000x128xf32>
    %logistic3A_91 = arith.divf %logistic3A_89, %logistic3A_90 : vector<2000x128xf32>
    %mul3A_92 = arith.mulf %add3A_85, %logistic3A_91 : vector<2000x128xf32>
    %get3A_93 = arith.constant 0 : index
    %get3A_94 = arith.constant 0 : index
    %get3A_95 = vector.load %arg12[%get3A_93, %get3A_94] : memref<128x128xf32, #tpu.memory_space<vmem>>, vector<128x128xf32>
    %dot_general3A_96 = arith.constant dense<0.000000e+00> : vector<2000x128xf32>
    %dot_general3A_97 = tpu.matmul %mul3A_92, %get3A_95, %dot_general3A_96 {dimension_numbers = #tpu.dot_dimension_numbers<[1], [1], [0], [0], [0, 0, 1, 0], [], []>, transpose_lhs_hint = false} : vector<2000x128xf32>, vector<128x128xf32>, vector<2000x128xf32> -> vector<2000x128xf32>
    %get3A_98 = arith.constant 0 : index
    %get3A_99 = arith.constant 0 : index
    %get3A_100 = vector.load %arg13[%get3A_98, %get3A_99] : memref<1x128xf32, #tpu.memory_space<vmem>>, vector<1x128xf32>
    %add3A_101 = vector.broadcast %get3A_100 : vector<1x128xf32> to vector<2000x128xf32>
    %add3A_102 = arith.addf %dot_general3A_97, %add3A_101 : vector<2000x128xf32>
    %add3A_103 = arith.addf %add3A_72, %add3A_102 : vector<2000x128xf32>
    %mul3A_104 = vector.broadcast %get3A_7 : vector<2000x1xf32> to vector<2000x128xf32>
    %mul3A_105 = arith.mulf %add3A_103, %mul3A_104 : vector<2000x128xf32>
    %mul3A_106 = arith.mulf %bitcast_convert_type3A_15, %mul3A_105 : vector<2000x128xf32>
    %mul3A_107 = arith.mulf %mul3A_106, %bitcast_convert_type3A_29 : vector<2000x128xf32>
    %get3A_108 = arith.constant 0 : index
    %get3A_109 = arith.constant 0 : index
    %get3A_110 = vector.load %arg15[%get3A_108, %get3A_109] : memref<128x128xf32, #tpu.memory_space<vmem>>, vector<128x128xf32>
    %dot_general3A_111 = arith.constant dense<0.000000e+00> : vector<2000x128xf32>
    %dot_general3A_112 = tpu.matmul %mul3A_107, %get3A_110, %dot_general3A_111 {dimension_numbers = #tpu.dot_dimension_numbers<[1], [0], [0], [1], [0, 0, 1, 1], [], []>, transpose_lhs_hint = false} : vector<2000x128xf32>, vector<128x128xf32>, vector<2000x128xf32> -> vector<2000x128xf32>
    %mul3A_113 = arith.constant 0.0883883461 : f32
    %mul3A_114 = vector.broadcast %mul3A_113 : f32 to vector<2000x128xf32>
    %mul3A_115 = arith.mulf %dot_general3A_112, %mul3A_114 : vector<2000x128xf32>
    %mul3A_116 = arith.mulf %mul3A_115, %bitcast_convert_type3A_35 : vector<2000x128xf32>
    %swap3A = arith.constant 0 : index
    %swap3A_117 = arith.constant 0 : index
    %swap3A_118 = vector.load %arg18[%swap3A, %swap3A_117] : memref<2000x128xf32, #tpu.memory_space<vmem>>, vector<2000x128xf32>
    tpu.vector_store %arg18[%swap3A, %swap3A_117], %mul3A_116 {strides = array<i32>} : memref<2000x128xf32, #tpu.memory_space<vmem>>, vector<2000x128xf32>,
    %mul3A_119 = arith.mulf %bitcast_convert_type3A_17, %mul3A_105 : vector<2000x128xf32>
    %mul3A_120 = arith.mulf %mul3A_119, %bitcast_convert_type3A_41 : vector<2000x128xf32>
    %get3A_121 = arith.constant 0 : index
    %get3A_122 = arith.constant 0 : index
    %get3A_123 = vector.load %arg16[%get3A_121, %get3A_122] : memref<128x64xf32, #tpu.memory_space<vmem>>, vector<128x64xf32>
    %dot_general3A_124 = arith.constant dense<0.000000e+00> : vector<2000x64xf32>
    %dot_general3A_125 = tpu.matmul %mul3A_120, %get3A_123, %dot_general3A_124 {dimension_numbers = #tpu.dot_dimension_numbers<[1], [0], [0], [1], [0, 0, 1, 1], [], []>, transpose_lhs_hint = false} : vector<2000x128xf32>, vector<128x64xf32>, vector<2000x64xf32> -> vector<2000x64xf32>
    %mul3A_126 = arith.constant 1.250000e-01 : f32
    %mul3A_127 = vector.broadcast %mul3A_126 : f32 to vector<2000x64xf32>
    %mul3A_128 = arith.mulf %dot_general3A_125, %mul3A_127 : vector<2000x64xf32>
    %mul3A_129 = arith.mulf %mul3A_128, %bitcast_convert_type3A_43 : vector<2000x64xf32>
    %get3A_130 = arith.constant 0 : index
    %get3A_131 = arith.constant 0 : index
    %get3A_132 = vector.load %arg17[%get3A_130, %get3A_131] : memref<64x128xf32, #tpu.memory_space<vmem>>, vector<64x128xf32>
    %dot_general3A_133 = arith.constant dense<0.000000e+00> : vector<2000x128xf32>
    %dot_general3A_134 = tpu.matmul %mul3A_129, %get3A_132, %dot_general3A_133 {dimension_numbers = #tpu.dot_dimension_numbers<[1], [0], [0], [1], [0, 0, 1, 1], [], []>, transpose_lhs_hint = false} : vector<2000x64xf32>, vector<64x128xf32>, vector<2000x128xf32> -> vector<2000x128xf32>
    %get3A_135 = arith.constant 0 : index
    %get3A_136 = arith.constant 0 : index
    %get3A_137 = vector.load %arg5[%get3A_135, %get3A_136] : memref<2000x128xf32, #tpu.memory_space<vmem>>, vector<2000x128xf32>
    %mul3A_138 = arith.mulf %dot_general3A_134, %get3A_137 : vector<2000x128xf32>
    %mul3A_139 = vector.broadcast %get3A_7 : vector<2000x1xf32> to vector<2000x128xf32>
    %mul3A_140 = arith.mulf %mul3A_138, %mul3A_139 : vector<2000x128xf32>
    %swap3A_141 = arith.constant 0 : index
    %swap3A_142 = arith.constant 0 : index
    %swap3A_143 = vector.load %arg19[%swap3A_141, %swap3A_142] : memref<2000x128xf32, #tpu.memory_space<vmem>>, vector<2000x128xf32>
    tpu.vector_store %arg19[%swap3A_141, %swap3A_142], %mul3A_140 {strides = array<i32>} : memref<2000x128xf32, #tpu.memory_space<vmem>>, vector<2000x128xf32>,
    return
  }
  func.func @transform_0(%arg0: i32) -> (i32, i32) {
    %c0_i32 = arith.constant 0 : i32
    %c0_i32_0 = arith.constant 0 : i32
    return %arg0, %c0_i32 : i32, i32
  }
  func.func @transform_1(%arg0: i32) -> (i32, i32) {
    %c0_i32 = arith.constant 0 : i32
    %c0_i32_0 = arith.constant 0 : i32
    return %arg0, %c0_i32 : i32, i32
  }
  func.func @transform_2(%arg0: i32) -> (i32, i32) {
    %add3A = arith.constant 0 : i32
    %add3A_0 = arith.addi %arg0, %add3A : i32
    %c0_i32 = arith.constant 0 : i32
    %c0_i32_1 = arith.constant 0 : i32
    return %add3A_0, %c0_i32 : i32, i32
  }
  func.func @transform_3(%arg0: i32) -> (i32, i32) {
    %add3A = arith.constant 0 : i32
    %add3A_0 = arith.addi %arg0, %add3A : i32
    %c0_i32 = arith.constant 0 : i32
    %c0_i32_1 = arith.constant 0 : i32
    return %add3A_0, %c0_i32 : i32, i32
  }
  func.func @transform_4(%arg0: i32) -> (i32, i32) {
    %add3A = arith.constant 0 : i32
    %add3A_0 = arith.addi %arg0, %add3A : i32
    %c0_i32 = arith.constant 0 : i32
    %c0_i32_1 = arith.constant 0 : i32
    return %add3A_0, %c0_i32 : i32, i32
  }
  func.func @transform_5(%arg0: i32) -> (i32, i32) {
    %c0_i32 = arith.constant 0 : i32
    %c0_i32_0 = arith.constant 0 : i32
    %c0_i32_1 = arith.constant 0 : i32
    return %c0_i32, %c0_i32_0 : i32, i32
  }
  func.func @transform_6(%arg0: i32) -> (i32, i32) {
    %c0_i32 = arith.constant 0 : i32
    %c0_i32_0 = arith.constant 0 : i32
    %c0_i32_1 = arith.constant 0 : i32
    return %c0_i32, %c0_i32_0 : i32, i32
  }
  func.func @transform_7(%arg0: i32) -> (i32, i32) {
    %c0_i32 = arith.constant 0 : i32
    %c0_i32_0 = arith.constant 0 : i32
    %c0_i32_1 = arith.constant 0 : i32
    return %c0_i32, %c0_i32_0 : i32, i32
  }
  func.func @transform_8(%arg0: i32) -> (i32, i32) {
    %c0_i32 = arith.constant 0 : i32
    %c0_i32_0 = arith.constant 0 : i32
    %c0_i32_1 = arith.constant 0 : i32
    return %c0_i32, %c0_i32_0 : i32, i32
  }
  func.func @transform_9(%arg0: i32) -> (i32, i32) {
    %c0_i32 = arith.constant 0 : i32
    %c0_i32_0 = arith.constant 0 : i32
    %c0_i32_1 = arith.constant 0 : i32
    return %c0_i32, %c0_i32_0 : i32, i32
  }
  func.func @transform_10(%arg0: i32) -> (i32, i32) {
    %c0_i32 = arith.constant 0 : i32
    %c0_i32_0 = arith.constant 0 : i32
    %c0_i32_1 = arith.constant 0 : i32
    return %c0_i32, %c0_i32_0 : i32, i32
  }
  func.func @transform_11(%arg0: i32) -> (i32, i32) {
    %c0_i32 = arith.constant 0 : i32
    %c0_i32_0 = arith.constant 0 : i32
    %c0_i32_1 = arith.constant 0 : i32
    return %c0_i32, %c0_i32_0 : i32, i32
  }
  func.func @transform_12(%arg0: i32) -> (i32, i32) {
    %c0_i32 = arith.constant 0 : i32
    %c0_i32_0 = arith.constant 0 : i32
    %c0_i32_1 = arith.constant 0 : i32
    return %c0_i32, %c0_i32_0 : i32, i32
  }
  func.func @transform_13(%arg0: i32) -> (i32, i32) {
    %c0_i32 = arith.constant 0 : i32
    %c0_i32_0 = arith.constant 0 : i32
    %c0_i32_1 = arith.constant 0 : i32
    return %c0_i32, %c0_i32_0 : i32, i32
  }
  func.func @transform_14(%arg0: i32) -> (i32, i32) {
    %c0_i32 = arith.constant 0 : i32
    %c0_i32_0 = arith.constant 0 : i32
    %c0_i32_1 = arith.constant 0 : i32
    return %c0_i32, %c0_i32_0 : i32, i32
  }
  func.func @transform_15(%arg0: i32) -> (i32, i32) {
    %c0_i32 = arith.constant 0 : i32
    %c0_i32_0 = arith.constant 0 : i32
    %c0_i32_1 = arith.constant 0 : i32
    return %c0_i32, %c0_i32_0 : i32, i32
  }
  func.func @transform_16(%arg0: i32) -> (i32, i32) {
    %c0_i32 = arith.constant 0 : i32
    %c0_i32_0 = arith.constant 0 : i32
    %c0_i32_1 = arith.constant 0 : i32
    return %c0_i32, %c0_i32_0 : i32, i32
  }
  func.func @transform_17(%arg0: i32) -> (i32, i32) {
    %c0_i32 = arith.constant 0 : i32
    %c0_i32_0 = arith.constant 0 : i32
    return %arg0, %c0_i32 : i32, i32
  }
  func.func @transform_18(%arg0: i32) -> (i32, i32) {
    %c0_i32 = arith.constant 0 : i32
    %c0_i32_0 = arith.constant 0 : i32
    return %arg0, %c0_i32 : i32, i32
  }
}

module attributes {stable_mosaic.version = 14 : i64} {
  func.func @_edge_body(%arg0: i32, %arg1: memref<2000x256xi32, #tpu.memory_space<vmem>>, %arg2: memref<2000x384xi32, #tpu.memory_space<vmem>>, %arg3: memref<2000x20xf32, #tpu.memory_space<vmem>>, %arg4: memref<2000x1xf32, #tpu.memory_space<vmem>>, %arg5: memref<2000x128xf32, #tpu.memory_space<vmem>>, %arg6: memref<128x64xf32, #tpu.memory_space<vmem>>, %arg7: memref<1x128xf32, #tpu.memory_space<vmem>>, %arg8: memref<128x128xf32, #tpu.memory_space<vmem>>, %arg9: memref<1x128xf32, #tpu.memory_space<vmem>>, %arg10: memref<128x20xf32, #tpu.memory_space<vmem>>, %arg11: memref<1x128xf32, #tpu.memory_space<vmem>>, %arg12: memref<128x128xf32, #tpu.memory_space<vmem>>, %arg13: memref<1x128xf32, #tpu.memory_space<vmem>>, %arg14: memref<128x64xf32, #tpu.memory_space<vmem>>, %arg15: memref<128x128xf32, #tpu.memory_space<vmem>>, %arg16: memref<128x64xf32, #tpu.memory_space<vmem>>, %arg17: memref<64x128xf32, #tpu.memory_space<vmem>>, %arg18: memref<2000x128xf32, #tpu.memory_space<vmem>>, %arg19: memref<2000x128xf32, #tpu.memory_space<vmem>>) attributes {dimension_semantics = [#tpu.dimension_semantics<arbitrary>], iteration_bounds = array<i64: 40>, scalar_prefetch = 0 : i64, scratch_operands = 0 : i64, tpu.core_type = #tpu.core_type<tc>, window_params = [{transform_indices = @transform_0, window_bounds = array<i64: 2000, 256>}, {transform_indices = @transform_1, window_bounds = array<i64: 2000, 384>}, {transform_indices = @transform_2, window_bounds = array<i64: 2000, 20>}, {transform_indices = @transform_3, window_bounds = array<i64: 2000, 1>}, {transform_indices = @transform_4, window_bounds = array<i64: 2000, 128>}, {pipeline_mode = #tpu.pipeline_mode<synchronous>, transform_indices = @transform_5, window_bounds = array<i64: 128, 64>}, {pipeline_mode = #tpu.pipeline_mode<synchronous>, transform_indices = @transform_6, window_bounds = array<i64: 1, 128>}, {pipeline_mode = #tpu.pipeline_mode<synchronous>, transform_indices = @transform_7, window_bounds = array<i64: 128, 128>}, {pipeline_mode = #tpu.pipeline_mode<synchronous>, transform_indices = @transform_8, window_bounds = array<i64: 1, 128>}, {pipeline_mode = #tpu.pipeline_mode<synchronous>, transform_indices = @transform_9, window_bounds = array<i64: 128, 20>}, {pipeline_mode = #tpu.pipeline_mode<synchronous>, transform_indices = @transform_10, window_bounds = array<i64: 1, 128>}, {pipeline_mode = #tpu.pipeline_mode<synchronous>, transform_indices = @transform_11, window_bounds = array<i64: 128, 128>}, {pipeline_mode = #tpu.pipeline_mode<synchronous>, transform_indices = @transform_12, window_bounds = array<i64: 1, 128>}, {pipeline_mode = #tpu.pipeline_mode<synchronous>, transform_indices = @transform_13, window_bounds = array<i64: 128, 64>}, {pipeline_mode = #tpu.pipeline_mode<synchronous>, transform_indices = @transform_14, window_bounds = array<i64: 128, 128>}, {pipeline_mode = #tpu.pipeline_mode<synchronous>, transform_indices = @transform_15, window_bounds = array<i64: 128, 64>}, {pipeline_mode = #tpu.pipeline_mode<synchronous>, transform_indices = @transform_16, window_bounds = array<i64: 64, 128>}, {transform_indices = @transform_17, window_bounds = array<i64: 2000, 128>}, {transform_indices = @transform_18, window_bounds = array<i64: 2000, 128>}]} {
    %get3A = arith.constant 0 : index
    %get3A_0 = arith.constant 0 : index
    %get3A_1 = vector.load %arg1[%get3A, %get3A_0] : memref<2000x256xi32, #tpu.memory_space<vmem>>, vector<2000x256xi32>
    %get3A_2 = arith.constant 0 : index
    %get3A_3 = arith.constant 0 : index
    %get3A_4 = vector.load %arg2[%get3A_2, %get3A_3] : memref<2000x384xi32, #tpu.memory_space<vmem>>, vector<2000x384xi32>
    %get3A_5 = arith.constant 0 : index
    %get3A_6 = arith.constant 0 : index
    %get3A_7 = vector.load %arg4[%get3A_5, %get3A_6] : memref<2000x1xf32, #tpu.memory_space<vmem>>, vector<2000x1xf32>
    %slice3A = vector.extract_strided_slice %get3A_1 {offsets = [0, 0], sizes = [2000, 128], strides = [1, 1]} : vector<2000x256xi32> to vector<2000x128xi32>
    %bitcast_convert_type3A = tpu.bitcast %slice3A : vector<2000x128xi32> -> vector<2000x128xi32>
    %and3A = arith.constant -65536 : i32
    %and3A_8 = vector.broadcast %and3A : i32 to vector<2000x128xi32>
    %and3A_9 = arith.andi %bitcast_convert_type3A, %and3A_8 : vector<2000x128xi32>
    %bitcast_convert_type3A_10 = tpu.bitcast %and3A_9 : vector<2000x128xi32> -> vector<2000x128xf32>
    %slice3A_11 = vector.extract_strided_slice %get3A_1 {offsets = [0, 0], sizes = [2000, 128], strides = [1, 1]} : vector<2000x256xi32> to vector<2000x128xi32>
    %bitcast_convert_type3A_12 = tpu.bitcast %slice3A_11 : vector<2000x128xi32> -> vector<2000x128xi32>
    %shift_left3A = arith.constant 16 : i32
    %shift_left3A_13 = vector.broadcast %shift_left3A : i32 to vector<2000x128xi32>
    %shift_left3A_14 = arith.shli %bitcast_convert_type3A_12, %shift_left3A_13 : vector<2000x128xi32>
    %bitcast_convert_type3A_15 = tpu.bitcast %shift_left3A_14 : vector<2000x128xi32> -> vector<2000x128xf32>
    %slice3A_16 = vector.extract_strided_slice %get3A_1 {offsets = [0, 128], sizes = [2000, 128], strides = [1, 1]} : vector<2000x256xi32> to vector<2000x128xi32>
    %bitcast_convert_type3A_17 = tpu.bitcast %slice3A_16 : vector<2000x128xi32> -> vector<2000x128xf32>
    %slice3A_18 = vector.extract_strided_slice %get3A_4 {offsets = [0, 0], sizes = [2000, 128], strides = [1, 1]} : vector<2000x384xi32> to vector<2000x128xi32>
    %bitcast_convert_type3A_19 = tpu.bitcast %slice3A_18 : vector<2000x128xi32> -> vector<2000x128xi32>
    %and3A_20 = arith.constant -65536 : i32
    %and3A_21 = vector.broadcast %and3A_20 : i32 to vector<2000x128xi32>
    %and3A_22 = arith.andi %bitcast_convert_type3A_19, %and3A_21 : vector<2000x128xi32>
    %bitcast_convert_type3A_23 = tpu.bitcast %and3A_22 : vector<2000x128xi32> -> vector<2000x128xf32>
    %slice3A_24 = vector.extract_strided_slice %get3A_4 {offsets = [0, 0], sizes = [2000, 128], strides = [1, 1]} : vector<2000x384xi32> to vector<2000x128xi32>
    %bitcast_convert_type3A_25 = tpu.bitcast %slice3A_24 : vector<2000x128xi32> -> vector<2000x128xi32>
    %shift_left3A_26 = arith.constant 16 : i32
    %shift_left3A_27 = vector.broadcast %shift_left3A_26 : i32 to vector<2000x128xi32>
    %shift_left3A_28 = arith.shli %bitcast_convert_type3A_25, %shift_left3A_27 : vector<2000x128xi32>
    %bitcast_convert_type3A_29 = tpu.bitcast %shift_left3A_28 : vector<2000x128xi32> -> vector<2000x128xf32>
    %slice3A_30 = vector.extract_strided_slice %get3A_4 {offsets = [0, 128], sizes = [2000, 128], strides = [1, 1]} : vector<2000x384xi32> to vector<2000x128xi32>
    %bitcast_convert_type3A_31 = tpu.bitcast %slice3A_30 : vector<2000x128xi32> -> vector<2000x128xi32>
    %and3A_32 = arith.constant -65536 : i32
    %and3A_33 = vector.broadcast %and3A_32 : i32 to vector<2000x128xi32>
    %and3A_34 = arith.andi %bitcast_convert_type3A_31, %and3A_33 : vector<2000x128xi32>
    %bitcast_convert_type3A_35 = tpu.bitcast %and3A_34 : vector<2000x128xi32> -> vector<2000x128xf32>
    %slice3A_36 = vector.extract_strided_slice %get3A_4 {offsets = [0, 128], sizes = [2000, 128], strides = [1, 1]} : vector<2000x384xi32> to vector<2000x128xi32>
    %bitcast_convert_type3A_37 = tpu.bitcast %slice3A_36 : vector<2000x128xi32> -> vector<2000x128xi32>
    %shift_left3A_38 = arith.constant 16 : i32
    %shift_left3A_39 = vector.broadcast %shift_left3A_38 : i32 to vector<2000x128xi32>
    %shift_left3A_40 = arith.shli %bitcast_convert_type3A_37, %shift_left3A_39 : vector<2000x128xi32>
    %bitcast_convert_type3A_41 = tpu.bitcast %shift_left3A_40 : vector<2000x128xi32> -> vector<2000x128xf32>
    %slice3A_42 = vector.extract_strided_slice %get3A_4 {offsets = [0, 256], sizes = [2000, 64], strides = [1, 1]} : vector<2000x384xi32> to vector<2000x64xi32>
    %bitcast_convert_type3A_43 = tpu.bitcast %slice3A_42 : vector<2000x64xi32> -> vector<2000x64xf32>
    %sub3A = arith.subf %bitcast_convert_type3A_23, %bitcast_convert_type3A_10 : vector<2000x128xf32>
    %mul3A = arith.mulf %sub3A, %sub3A : vector<2000x128xf32>
    %get3A_44 = arith.constant 0 : index
    %get3A_45 = arith.constant 0 : index
    %get3A_46 = vector.load %arg14[%get3A_44, %get3A_45] : memref<128x64xf32, #tpu.memory_space<vmem>>, vector<128x64xf32>
    %dot_general3A = arith.constant dense<0.000000e+00> : vector<2000x64xf32>
    %dot_general3A_47 = tpu.matmul %mul3A, %get3A_46, %dot_general3A {dimension_numbers = #tpu.dot_dimension_numbers<[1], [0], [0], [1], [0, 0, 1, 1], [], []>, transpose_lhs_hint = false} : vector<2000x128xf32>, vector<128x64xf32>, vector<2000x64xf32> -> vector<2000x64xf32>
    %get3A_48 = arith.constant 0 : index
    %get3A_49 = arith.constant 0 : index
    %get3A_50 = vector.load %arg6[%get3A_48, %get3A_49] : memref<128x64xf32, #tpu.memory_space<vmem>>, vector<128x64xf32>
    %dot_general3A_51 = arith.constant dense<0.000000e+00> : vector<2000x128xf32>
    %dot_general3A_52 = tpu.matmul %dot_general3A_47, %get3A_50, %dot_general3A_51 {dimension_numbers = #tpu.dot_dimension_numbers<[1], [1], [0], [0], [0, 0, 1, 0], [], []>, transpose_lhs_hint = false} : vector<2000x64xf32>, vector<128x64xf32>, vector<2000x128xf32> -> vector<2000x128xf32>
    %get3A_53 = arith.constant 0 : index
    %get3A_54 = arith.constant 0 : index
    %get3A_55 = vector.load %arg7[%get3A_53, %get3A_54] : memref<1x128xf32, #tpu.memory_space<vmem>>, vector<1x128xf32>
    %add3A = vector.broadcast %get3A_55 : vector<1x128xf32> to vector<2000x128xf32>
    %add3A_56 = arith.addf %dot_general3A_52, %add3A : vector<2000x128xf32>
    %logistic3A = arith.negf %add3A_56 : vector<2000x128xf32>
    %logistic3A_57 = math.exp %logistic3A : vector<2000x128xf32>
    %logistic3A_58 = arith.constant 1.000000e+00 : f32
    %logistic3A_59 = vector.broadcast %logistic3A_58 : f32 to vector<2000x128xf32>
    %logistic3A_60 = arith.addf %logistic3A_59, %logistic3A_57 : vector<2000x128xf32>
    %logistic3A_61 = arith.divf %logistic3A_59, %logistic3A_60 : vector<2000x128xf32>
    %mul3A_62 = arith.mulf %add3A_56, %logistic3A_61 : vector<2000x128xf32>
    %get3A_63 = arith.constant 0 : index
    %get3A_64 = arith.constant 0 : index
    %get3A_65 = vector.load %arg8[%get3A_63, %get3A_64] : memref<128x128xf32, #tpu.memory_space<vmem>>, vector<128x128xf32>
    %dot_general3A_66 = arith.constant dense<0.000000e+00> : vector<2000x128xf32>
    %dot_general3A_67 = tpu.matmul %mul3A_62, %get3A_65, %dot_general3A_66 {dimension_numbers = #tpu.dot_dimension_numbers<[1], [1], [0], [0], [0, 0, 1, 0], [], []>, transpose_lhs_hint = false} : vector<2000x128xf32>, vector<128x128xf32>, vector<2000x128xf32> -> vector<2000x128xf32>
    %get3A_68 = arith.constant 0 : index
    %get3A_69 = arith.constant 0 : index
    %get3A_70 = vector.load %arg9[%get3A_68, %get3A_69] : memref<1x128xf32, #tpu.memory_space<vmem>>, vector<1x128xf32>
    %add3A_71 = vector.broadcast %get3A_70 : vector<1x128xf32> to vector<2000x128xf32>
    %add3A_72 = arith.addf %dot_general3A_67, %add3A_71 : vector<2000x128xf32>
    %get3A_73 = arith.constant 0 : index
    %get3A_74 = arith.constant 0 : index
    %get3A_75 = vector.load %arg3[%get3A_73, %get3A_74] : memref<2000x20xf32, #tpu.memory_space<vmem>>, vector<2000x20xf32>
    %get3A_76 = arith.constant 0 : index
    %get3A_77 = arith.constant 0 : index
    %get3A_78 = vector.load %arg10[%get3A_76, %get3A_77] : memref<128x20xf32, #tpu.memory_space<vmem>>, vector<128x20xf32>
    %dot_general3A_79 = arith.constant dense<0.000000e+00> : vector<2000x128xf32>
    %dot_general3A_80 = tpu.matmul %get3A_75, %get3A_78, %dot_general3A_79 {dimension_numbers = #tpu.dot_dimension_numbers<[1], [1], [0], [0], [0, 0, 1, 0], [], []>, transpose_lhs_hint = false} : vector<2000x20xf32>, vector<128x20xf32>, vector<2000x128xf32> -> vector<2000x128xf32>
    %get3A_81 = arith.constant 0 : index
    %get3A_82 = arith.constant 0 : index
    %get3A_83 = vector.load %arg11[%get3A_81, %get3A_82] : memref<1x128xf32, #tpu.memory_space<vmem>>, vector<1x128xf32>
    %add3A_84 = vector.broadcast %get3A_83 : vector<1x128xf32> to vector<2000x128xf32>
    %add3A_85 = arith.addf %dot_general3A_80, %add3A_84 : vector<2000x128xf32>
    %logistic3A_86 = arith.negf %add3A_85 : vector<2000x128xf32>
    %logistic3A_87 = math.exp %logistic3A_86 : vector<2000x128xf32>
    %logistic3A_88 = arith.constant 1.000000e+00 : f32
    %logistic3A_89 = vector.broadcast %logistic3A_88 : f32 to vector<2000x128xf32>
    %logistic3A_90 = arith.addf %logistic3A_89, %logistic3A_87 : vector<2000x128xf32>
    %logistic3A_91 = arith.divf %logistic3A_89, %logistic3A_90 : vector<2000x128xf32>
    %mul3A_92 = arith.mulf %add3A_85, %logistic3A_91 : vector<2000x128xf32>
    %get3A_93 = arith.constant 0 : index
    %get3A_94 = arith.constant 0 : index
    %get3A_95 = vector.load %arg12[%get3A_93, %get3A_94] : memref<128x128xf32, #tpu.memory_space<vmem>>, vector<128x128xf32>
    %dot_general3A_96 = arith.constant dense<0.000000e+00> : vector<2000x128xf32>
    %dot_general3A_97 = tpu.matmul %mul3A_92, %get3A_95, %dot_general3A_96 {dimension_numbers = #tpu.dot_dimension_numbers<[1], [1], [0], [0], [0, 0, 1, 0], [], []>, transpose_lhs_hint = false} : vector<2000x128xf32>, vector<128x128xf32>, vector<2000x128xf32> -> vector<2000x128xf32>
    %get3A_98 = arith.constant 0 : index
    %get3A_99 = arith.constant 0 : index
    %get3A_100 = vector.load %arg13[%get3A_98, %get3A_99] : memref<1x128xf32, #tpu.memory_space<vmem>>, vector<1x128xf32>
    %add3A_101 = vector.broadcast %get3A_100 : vector<1x128xf32> to vector<2000x128xf32>
    %add3A_102 = arith.addf %dot_general3A_97, %add3A_101 : vector<2000x128xf32>
    %add3A_103 = arith.addf %add3A_72, %add3A_102 : vector<2000x128xf32>
    %mul3A_104 = vector.broadcast %get3A_7 : vector<2000x1xf32> to vector<2000x128xf32>
    %mul3A_105 = arith.mulf %add3A_103, %mul3A_104 : vector<2000x128xf32>
    %mul3A_106 = arith.mulf %bitcast_convert_type3A_15, %mul3A_105 : vector<2000x128xf32>
    %mul3A_107 = arith.mulf %mul3A_106, %bitcast_convert_type3A_29 : vector<2000x128xf32>
    %get3A_108 = arith.constant 0 : index
    %get3A_109 = arith.constant 0 : index
    %get3A_110 = vector.load %arg15[%get3A_108, %get3A_109] : memref<128x128xf32, #tpu.memory_space<vmem>>, vector<128x128xf32>
    %dot_general3A_111 = arith.constant dense<0.000000e+00> : vector<2000x128xf32>
    %dot_general3A_112 = tpu.matmul %mul3A_107, %get3A_110, %dot_general3A_111 {dimension_numbers = #tpu.dot_dimension_numbers<[1], [0], [0], [1], [0, 0, 1, 1], [], []>, transpose_lhs_hint = false} : vector<2000x128xf32>, vector<128x128xf32>, vector<2000x128xf32> -> vector<2000x128xf32>
    %mul3A_113 = arith.constant 0.0883883461 : f32
    %mul3A_114 = vector.broadcast %mul3A_113 : f32 to vector<2000x128xf32>
    %mul3A_115 = arith.mulf %dot_general3A_112, %mul3A_114 : vector<2000x128xf32>
    %mul3A_116 = arith.mulf %mul3A_115, %bitcast_convert_type3A_35 : vector<2000x128xf32>
    %swap3A = arith.constant 0 : index
    %swap3A_117 = arith.constant 0 : index
    %swap3A_118 = vector.load %arg18[%swap3A, %swap3A_117] : memref<2000x128xf32, #tpu.memory_space<vmem>>, vector<2000x128xf32>
    tpu.vector_store %arg18[%swap3A, %swap3A_117], %mul3A_116 {strides = array<i32>} : memref<2000x128xf32, #tpu.memory_space<vmem>>, vector<2000x128xf32>,
    %mul3A_119 = arith.mulf %bitcast_convert_type3A_17, %mul3A_105 : vector<2000x128xf32>
    %mul3A_120 = arith.mulf %mul3A_119, %bitcast_convert_type3A_41 : vector<2000x128xf32>
    %get3A_121 = arith.constant 0 : index
    %get3A_122 = arith.constant 0 : index
    %get3A_123 = vector.load %arg16[%get3A_121, %get3A_122] : memref<128x64xf32, #tpu.memory_space<vmem>>, vector<128x64xf32>
    %dot_general3A_124 = arith.constant dense<0.000000e+00> : vector<2000x64xf32>
    %dot_general3A_125 = tpu.matmul %mul3A_120, %get3A_123, %dot_general3A_124 {dimension_numbers = #tpu.dot_dimension_numbers<[1], [0], [0], [1], [0, 0, 1, 1], [], []>, transpose_lhs_hint = false} : vector<2000x128xf32>, vector<128x64xf32>, vector<2000x64xf32> -> vector<2000x64xf32>
    %mul3A_126 = arith.constant 1.250000e-01 : f32
    %mul3A_127 = vector.broadcast %mul3A_126 : f32 to vector<2000x64xf32>
    %mul3A_128 = arith.mulf %dot_general3A_125, %mul3A_127 : vector<2000x64xf32>
    %mul3A_129 = arith.mulf %mul3A_128, %bitcast_convert_type3A_43 : vector<2000x64xf32>
    %get3A_130 = arith.constant 0 : index
    %get3A_131 = arith.constant 0 : index
    %get3A_132 = vector.load %arg17[%get3A_130, %get3A_131] : memref<64x128xf32, #tpu.memory_space<vmem>>, vector<64x128xf32>
    %dot_general3A_133 = arith.constant dense<0.000000e+00> : vector<2000x128xf32>
    %dot_general3A_134 = tpu.matmul %mul3A_129, %get3A_132, %dot_general3A_133 {dimension_numbers = #tpu.dot_dimension_numbers<[1], [0], [0], [1], [0, 0, 1, 1], [], []>, transpose_lhs_hint = false} : vector<2000x64xf32>, vector<64x128xf32>, vector<2000x128xf32> -> vector<2000x128xf32>
    %get3A_135 = arith.constant 0 : index
    %get3A_136 = arith.constant 0 : index
    %get3A_137 = vector.load %arg5[%get3A_135, %get3A_136] : memref<2000x128xf32, #tpu.memory_space<vmem>>, vector<2000x128xf32>
    %mul3A_138 = arith.mulf %dot_general3A_134, %get3A_137 : vector<2000x128xf32>
    %mul3A_139 = vector.broadcast %get3A_7 : vector<2000x1xf32> to vector<2000x128xf32>
    %mul3A_140 = arith.mulf %mul3A_138, %mul3A_139 : vector<2000x128xf32>
    %swap3A_141 = arith.constant 0 : index
    %swap3A_142 = arith.constant 0 : index
    %swap3A_143 = vector.load %arg19[%swap3A_141, %swap3A_142] : memref<2000x128xf32, #tpu.memory_space<vmem>>, vector<2000x128xf32>
    tpu.vector_store %arg19[%swap3A_141, %swap3A_142], %mul3A_140 {strides = array<i32>} : memref<2000x128xf32, #tpu.memory_space<vmem>>, vector<2000x128xf32>,
    return
  }
  func.func @transform_0(%arg0: i32) -> (i32, i32) {
    %c0_i32 = arith.constant 0 : i32
    %c0_i32_0 = arith.constant 0 : i32
    return %arg0, %c0_i32 : i32, i32
  }
  func.func @transform_1(%arg0: i32) -> (i32, i32) {
    %c0_i32 = arith.constant 0 : i32
    %c0_i32_0 = arith.constant 0 : i32
    return %arg0, %c0_i32 : i32, i32
  }
  func.func @transform_2(%arg0: i32) -> (i32, i32) {
    %add3A = arith.constant 40 : i32
    %add3A_0 = arith.addi %arg0, %add3A : i32
    %c0_i32 = arith.constant 0 : i32
    %c0_i32_1 = arith.constant 0 : i32
    return %add3A_0, %c0_i32 : i32, i32
  }
  func.func @transform_3(%arg0: i32) -> (i32, i32) {
    %add3A = arith.constant 40 : i32
    %add3A_0 = arith.addi %arg0, %add3A : i32
    %c0_i32 = arith.constant 0 : i32
    %c0_i32_1 = arith.constant 0 : i32
    return %add3A_0, %c0_i32 : i32, i32
  }
  func.func @transform_4(%arg0: i32) -> (i32, i32) {
    %add3A = arith.constant 40 : i32
    %add3A_0 = arith.addi %arg0, %add3A : i32
    %c0_i32 = arith.constant 0 : i32
    %c0_i32_1 = arith.constant 0 : i32
    return %add3A_0, %c0_i32 : i32, i32
  }
  func.func @transform_5(%arg0: i32) -> (i32, i32) {
    %c0_i32 = arith.constant 0 : i32
    %c0_i32_0 = arith.constant 0 : i32
    %c0_i32_1 = arith.constant 0 : i32
    return %c0_i32, %c0_i32_0 : i32, i32
  }
  func.func @transform_6(%arg0: i32) -> (i32, i32) {
    %c0_i32 = arith.constant 0 : i32
    %c0_i32_0 = arith.constant 0 : i32
    %c0_i32_1 = arith.constant 0 : i32
    return %c0_i32, %c0_i32_0 : i32, i32
  }
  func.func @transform_7(%arg0: i32) -> (i32, i32) {
    %c0_i32 = arith.constant 0 : i32
    %c0_i32_0 = arith.constant 0 : i32
    %c0_i32_1 = arith.constant 0 : i32
    return %c0_i32, %c0_i32_0 : i32, i32
  }
  func.func @transform_8(%arg0: i32) -> (i32, i32) {
    %c0_i32 = arith.constant 0 : i32
    %c0_i32_0 = arith.constant 0 : i32
    %c0_i32_1 = arith.constant 0 : i32
    return %c0_i32, %c0_i32_0 : i32, i32
  }
  func.func @transform_9(%arg0: i32) -> (i32, i32) {
    %c0_i32 = arith.constant 0 : i32
    %c0_i32_0 = arith.constant 0 : i32
    %c0_i32_1 = arith.constant 0 : i32
    return %c0_i32, %c0_i32_0 : i32, i32
  }
  func.func @transform_10(%arg0: i32) -> (i32, i32) {
    %c0_i32 = arith.constant 0 : i32
    %c0_i32_0 = arith.constant 0 : i32
    %c0_i32_1 = arith.constant 0 : i32
    return %c0_i32, %c0_i32_0 : i32, i32
  }
  func.func @transform_11(%arg0: i32) -> (i32, i32) {
    %c0_i32 = arith.constant 0 : i32
    %c0_i32_0 = arith.constant 0 : i32
    %c0_i32_1 = arith.constant 0 : i32
    return %c0_i32, %c0_i32_0 : i32, i32
  }
  func.func @transform_12(%arg0: i32) -> (i32, i32) {
    %c0_i32 = arith.constant 0 : i32
    %c0_i32_0 = arith.constant 0 : i32
    %c0_i32_1 = arith.constant 0 : i32
    return %c0_i32, %c0_i32_0 : i32, i32
  }
  func.func @transform_13(%arg0: i32) -> (i32, i32) {
    %c0_i32 = arith.constant 0 : i32
    %c0_i32_0 = arith.constant 0 : i32
    %c0_i32_1 = arith.constant 0 : i32
    return %c0_i32, %c0_i32_0 : i32, i32
  }
  func.func @transform_14(%arg0: i32) -> (i32, i32) {
    %c0_i32 = arith.constant 0 : i32
    %c0_i32_0 = arith.constant 0 : i32
    %c0_i32_1 = arith.constant 0 : i32
    return %c0_i32, %c0_i32_0 : i32, i32
  }
  func.func @transform_15(%arg0: i32) -> (i32, i32) {
    %c0_i32 = arith.constant 0 : i32
    %c0_i32_0 = arith.constant 0 : i32
    %c0_i32_1 = arith.constant 0 : i32
    return %c0_i32, %c0_i32_0 : i32, i32
  }
  func.func @transform_16(%arg0: i32) -> (i32, i32) {
    %c0_i32 = arith.constant 0 : i32
    %c0_i32_0 = arith.constant 0 : i32
    %c0_i32_1 = arith.constant 0 : i32
    return %c0_i32, %c0_i32_0 : i32, i32
  }
  func.func @transform_17(%arg0: i32) -> (i32, i32) {
    %c0_i32 = arith.constant 0 : i32
    %c0_i32_0 = arith.constant 0 : i32
    return %arg0, %c0_i32 : i32, i32
  }
  func.func @transform_18(%arg0: i32) -> (i32, i32) {
    %c0_i32 = arith.constant 0 : i32
    %c0_i32_0 = arith.constant 0 : i32
    return %arg0, %c0_i32 : i32, i32
  }
}

</mosaic_0001>

<sc_bundles>
// kernel: kernel.12.cloned.1.call-start
scs
__scs_entry_jumppad:
0x0: {  	(pc) =	sbr.rel $0x88, $3  }
0x1: {  	(tag) =	ssettag $0x0;
	lr =	simm.s32 $0x1  }
0x2: {  	[smem:$0x3F8D] =	sst lr;
	_ =	strace $0xD0000000  }
0x3: {  	_ = 	snop  }
0x4: {  	_ = 	snop  }
0x5: {  	_ = 	snop  }
0x6: {  	_ = 	snop  }
0x7: {  	_ = 	snop  }
__scs_overlays_trampoline_lowered:
0x8: {  	[smem:$0x3F9C] =	sst s0  }
0x9: {  	[smem:$0x3F9D] =	sst s1  }
0xa: {  	[smem:$0x3F9E] =	sst s2  }
0xb: {  	[smem:$0x3F9F] =	sst s3  }
0xc: {  	[smem:$0x3FA0] =	sst s4  }
0xd: {  	[smem:$0x3FA1] =	sst s5  }
0xe: {  	[smem:$0x3FA2] =	sst s6  }
0xf: {  	[smem:$0x3FA3] =	sst s7  }
0x10: {  	[smem:$0x3FA4] =	sst s8  }
0x11: {  	[smem:$0x3FA5] =	sst s9;
	s0 =	simm.s32 @!p0 $0x0  }
0x12: {  	s1 =	sld [smem:$0x3F8B];
	s0 =	simm.s32 @p0 $0x1  }
0x13: {  	[smem:$0x3FA6] =	sst s0;
	s0 =	simm.s32 @!p1 $0x0  }
0x14: {  	s2 =	sld [smem:$0x3F8A];
	s0 =	simm.s32 @p1 $0x1  }
0x15: {  	[smem:$0x3FA7] =	sst s0;
	s0 =	simm.s32 @!p2 $0x0  }
0x16: {  	s3 =	sld [smem:$0x3FDB];
	s0 =	simm.s32 @p2 $0x1  }
0x17: {  	s4 =	simm.s32 $0x1BF5;
	[smem:$0x3FA9] =	sst s0  }
0x18: {  	s0 =	sld [smem:$0x3F8C];
	_ =	swait.ge [sflag:s4], $0x0  }
0x19: {  	s7 =	sld [smem:$0x3F8D]  }
0x1a: {  	s8 =	sadd.s32 $0xFFFFE003, lr  }
0x1b: {  	s9 =	sadd.s32 $0xFFFFFEF7, lr;
	s5 =	simm.s32 $0xFFFFFFFF;
	p2 =	slt.u32 s8, $0xFFFFF086  }
0x1c: {  	p1 =	slt.u32 s9, $0xF7A;
	s5 =	simm.s32 @!p2 $0x0  }
0x1d: {  	s5 =	simm.s32 @p1 $0x1;
	p0 =	seq.s32 s7, s2  }
0x1e: {  	s7 =	smul.u32 @!p0 $0xF7A, s2;
	p2 =	seq.s32 @!p0 s5, $0x0  }
0x1f: {  	s9 =	smul.u32 $0xF7A, s1;
	s8 =	simm.s32 @!p0 $0x1BF5;
	p2 =	por !p2, p0  }
0x20: {  	[sflag:s8] =	ssyncset.s32 @!p0 $0xFFFFF086;
	s6 =	sadd.s32 @!p0 s3, s7;
	s7 =	simm.s32 @!p0 $0x108  }
0x21: {  	s3 =	sadd.s32 s3, s9;
	s6 =	sadd.s32 @!p0 $0x88, s6;
	s7 =	simm.s32 @p2 $0x1082  }
0x22: {  	[simem:s7], [sflag:s8] =	dma.local @!p0 [hbm:s6], $0xF7A  }
0x23: {  	s9 =	sor.u32 $0xD0000000, s2;
	s6 =	simm.s32 $0x108;
	_ =	swait.ge @!p0 [sflag:s8], $0x0  }
0x24: {  	s3 =	sadd.s32 $0x88, s3;
	s6 =	simm.s32 @!p1 $0x1082;
	[sflag:s4] =	ssyncset.s32 $0xFFFFF086  }
0x25: {  	[simem:s6], [sflag:s4] =	dma.local [hbm:s3], $0xF7A  }
0x26: {  	[smem:$0x3F8D] =	sst s1;
	(tag) =	ssettag s2;
	_ =	strace s9  }
0x27: {  	s1 =	sld [smem:$0x3F9D]  }
0x28: {  	s2 =	sld [smem:$0x3F9E]  }
0x29: {  	s4 =	sld [smem:$0x3FA0]  }
0x2a: {  	p0 =	seq.s32 s5, $0x0;
	s5 =	sld [smem:$0x3FA1]  }
0x2b: {  	s6 =	sld [smem:$0x3FA2]  }
0x2c: {  	s7 =	sld [smem:$0x3FA3]  }
0x2d: {  	s3 =	simm.s32 $0x108;
	s8 =	sld [smem:$0x3FA4]  }
0x2e: {  	s3 =	simm.s32 @!p0 $0x1082;
	s9 =	sld [smem:$0x3FA5]  }
0x2f: {  	lr =	sadd.s32 s0, s3;
	s0 =	sld [smem:$0x3F9C]  }
0x30: {  	s3 =	sld [smem:$0x3F9F]  }
0x31: {  	[smem:$0x3FA8] =	sst s10  }
0x32: {  	s10 =	sld [smem:$0x3FA6];
	_ =	sdelay $0x3  }
0x33: {  	p0 =	seq.s32 s10, $0x1;
	s10 =	sld [smem:$0x3FA8];
	_ =	sdelay $0x3  }
0x34: {  	[smem:$0x3FA8] =	sst s10  }
0x35: {  	s10 =	sld [smem:$0x3FA7];
	_ =	sdelay $0x3  }
0x36: {  	p1 =	seq.s32 s10, $0x1;
	s10 =	sld [smem:$0x3FA8];
	_ =	sdelay $0x3  }
0x37: {  	[smem:$0x3FA8] =	sst s10  }
0x38: {  	s10 =	sld [smem:$0x3FA9]  }
0x39: {  	_ = 	snop;
	(pc) =	sbr.ind lr, $3  }
0x3a: {  	_ = 	snop  }
0x3b: {  	_ = 	snop  }
0x3c: {  	p2 =	seq.s32 s10, $0x1;
	s10 =	sld [smem:$0x3FA8]  }
0x3d: {  	_ =	shalt  }
0x3e: {  	_ =	shalt  }
0x3f: {  	_ =	shalt  }
0x40: {  	_ =	shalt  }
0x41: {  	_ =	shalt  }
0x42: {  	_ =	shalt  }
0x43: {  	_ =	shalt  }
0x44: {  	_ =	shalt  }
0x45: {  	_ =	shalt  }
0x46: {  	_ =	shalt  }
0x47: {  	_ =	shalt  }
0x48: {  	_ =	shalt  }
0x49: {  	_ =	shalt  }
0x4a: {  	_ =	shalt  }
0x4b: {  	_ =	shalt  }
0x4c: {  	_ =	shalt  }
0x4d: {  	_ =	shalt  }
0x4e: {  	_ =	shalt  }
0x4f: {  	_ =	shalt  }
0x50: {  	_ =	shalt  }
0x51: {  	_ =	shalt  }
0x52: {  	_ =	shalt  }
0x53: {  	_ =	shalt  }
0x54: {  	_ =	shalt  }
0x55: {  	_ =	shalt  }
0x56: {  	_ =	shalt  }
0x57: {  	_ =	shalt  }
0x58: {  	_ =	shalt  }
0x59: {  	_ =	shalt  }
0x5a: {  	_ =	shalt  }
0x5b: {  	_ =	shalt  }
0x5c: {  	_ =	shalt  }
0x5d: {  	_ =	shalt  }
0x5e: {  	_ =	shalt  }
0x5f: {  	_ =	shalt  }
0x60: {  	_ =	shalt  }
0x61: {  	_ =	shalt  }
0x62: {  	_ =	shalt  }
0x63: {  	_ =	shalt  }
0x64: {  	_ =	shalt  }
0x65: {  	_ =	shalt  }
0x66: {  	_ =	shalt  }
0x67: {  	_ =	shalt  }
0x68: {  	_ =	shalt  }
0x69: {  	_ =	shalt  }
0x6a: {  	_ =	shalt  }
0x6b: {  	_ =	shalt  }
0x6c: {  	_ =	shalt  }
0x6d: {  	_ =	shalt  }
0x6e: {  	_ =	shalt  }
0x6f: {  	_ =	shalt  }
0x70: {  	_ =	shalt  }
0x71: {  	_ =	shalt  }
0x72: {  	_ =	shalt  }
0x73: {  	_ =	shalt  }
0x74: {  	_ =	shalt  }
0x75: {  	_ =	shalt  }
0x76: {  	_ =	shalt  }
0x77: {  	_ =	shalt  }
0x78: {  	_ =	shalt  }
0x79: {  	_ =	shalt  }
0x7a: {  	_ =	shalt  }
0x7b: {  	_ =	shalt  }
0x7c: {  	_ =	shalt  }
0x7d: {  	_ =	shalt  }
0x7e: {  	_ =	shalt  }
0x7f: {  	_ =	shalt  }
0x80: {  	_ =	shalt  }
0x81: {  	_ =	shalt  }
0x82: {  	_ =	shalt  }
0x83: {  	_ =	shalt  }
0x84: {  	_ =	shalt  }
0x85: {  	_ =	shalt  }
0x86: {  	_ =	shalt  }
0x87: {  	_ =	shalt  }
.Lfunc_end0:
.L_simem_size_0:
called_computation.1_lowered:
.L_overlay_start_0:
0x88: {  	s2 =	sld [smem:$0x3FD9]  }
0x89: {  	s3 =	sld [smem:$0x3FFE];
	_ =	sdelay $0x1  }
0x8a: {  	s1 =	srdreg.scid  }
0x8b: {  	s0 =	sand.u32 $0x1, s1  }
0x8c: {  	s15 =	sshll.u32 s0, $0xA;
	s2 =	sadd.s32 s3, s2  }
0x8d: {  	s2 =	sadd.s32 s2, s15  }
0x8e: {  	[smem:$0x3FB4] =	sst s2  }
0x8f: {  	_ = 	snop  }
0x90: {  	s2 =	sld [smem:$0x3FD0];
	_ =	sdelay $0x2  }
0x91: {  	s4 =	simm.s32 $0xB;
	s16 =	simm.s32 $0x10  }
0x92: {  	[smem:s16], [sflag:s4] =	dma.local [hbm:s2], $0x1  }
0x93: {  	_ =	swait.eq [sflag:s4], $0x1  }
0x94: {  	[sflag:s4] =	ssyncset.done $0x0  }
0x95: {  	s17 =	sld [smem:$0x10];
	[sflag:s4] =	ssyncadd.s32 $0xFFFFFFFF  }
0x96: {  	s18 =	sld [smem:$0x11];
	(tm) =	ssettm $0x1  }
0x97: {  	s19 =	sld [smem:$0x3FFB];
	_ =	sdelay $0x3  }
0x98: {  	_ =	strace s19  }
0x99: {  	s2 =	sld [smem:$0x3FFC];
	_ =	sdelay $0x3  }
0x9a: {  	_ =	strace s2  }
0x9b: {  	s2 =	sld [smem:$0x3FFD];
	_ =	sdelay $0x3  }
0x9c: {  	_ =	strace s2  }
0x9d: {  	_ =	strace $0x8FFFFFFF  }
0x9e: {  	s20 =	sld [smem:$0x3FDB];
	_ =	sdelay $0x1  }
0x9f: {  	s5 =	simm.s32 $_scs_section_size  }
0xa0: {  	s6 =	simm.s32 $_size__tile_overlayer_lowered;
	s7 =	simm.s32 $_tile_overlayer_lowered  }
0xa1: {  	s8 =	simm.s32 $0x1BFF;
	s21 =	sshll.u32 s7, $0x1;
	s5 =	sadd.s32 s5, s20  }
0xa2: {  	s22 =	simm.s32 $0x0;
	s6 =	sshll.u32 s6, $0x1;
	s7 =	sadd.s32 s21, s5  }
0xa3: {  	[timem:s22], [sflag:s8] =	dma.local [hbm:s7], s6  }
0xa4: {  	_ =	swait.ge [sflag:s8], s6  }
0xa5: {  	s6 =	ssub.s32 $0x0, s6;
	[sflag:s8] =	ssyncset.done $0x0  }
0xa6: {  	[sflag:s8] =	ssyncadd.s32 s6;
	_ =	sdelay $0x1  }
0xa7: {  	s23 =	simm.s32 $0x1B8B  }
0xa8: {  	_ =	swait.ge [sflag:s23], $0x1  }
0xa9: {  	[sflag:s23] =	ssyncset.done $0x0  }
0xaa: {  	[sflag:s23] =	ssyncadd.s32 $0xFFFFFFFF  }
0xab: {  	s6 =	sld [smem:$0x0]  }
0xac: {  	s7 =	sand.u32 $0xFFFFFFFE, s1  }
0xad: {  	p0 =	sne.s32 s1, s7  }
0xae: {  	s7 =	sshll.u32 @p0 s7, $0xE  }
0xaf: {  	s7 =	sadd.s32 @p0 $0x11B8D, s7;
	s8 =	sshll.u32 @p0 s6, $0x11  }
0xb0: {  	s7 =	sor.u32 @p0 s8, s7  }
0xb1: {  	[sflag:s7] =	ssyncadd.remote.s32 @p0 $0x1;
	_ =	sdelay $0x1  }
0xb2: {  	s7 =	simm.s32 @p0 $0x1B8D  }
0xb3: {  	_ =	swait.eq @p0 [sflag:s7], $0x1  }
0xb4: {  	[sflag:s7] =	ssyncadd.s32 @p0 $0xFFFFFFFF  }
0xb5: {  	s8 =	sshll.u32 @!p0 s1, $0xE  }
0xb6: {  	s8 =	sor.u32 @!p0 $0x4000, s8;
	s7 =	simm.s32 @!p0 $0x1B8D  }
0xb7: {  	s6 =	sshll.u32 @!p0 s6, $0x11;
	s8 =	sadd.s32 @!p0 $0x11B8D, s8;
	_ =	swait.eq @!p0 [sflag:s7], $0x1  }
0xb8: {  	s6 =	sor.u32 @!p0 s6, s8;
	[sflag:s7] =	ssyncadd.s32 @!p0 $0xFFFFFFFF  }
0xb9: {  	s25 =	simm.s32 $0x1B8E;
	s24 =	sld [smem:$0x3FFE];
	[sflag:s6] =	ssyncadd.remote.s32 @!p0 $0x1  }
0xba: {  	s26 =	simm.s32 $execute0_lowered;
	[smem:$0x3FD2] =	sst s25  }
0xbb: {  	s7 =	sshll.u32 s26, $0x1;
	_ =	strace $0x80000049;
	[dreg:$0x1] =	wrdreg $0xFFFFFFFF  }
0xbc: {  	s28 =	simm.s32 $_size_execute0_lowered;
	s5 =	sadd.s32 s5, s7;
	[dreg:$0x0] =	wrdreg $0x0  }
0xbd: {  	s7 =	sshll.u32 s28, $0x1;
	[dreg:$0x2] =	wrdreg s5  }
0xbe: {  	[dreg:$0x3] =	wrdreg s7  }
0xbf: {  	[dreg:$0x4] =	wrdreg $0xC0  }
0xc0: {  	_ =	task [dreg:s22], $0x5FFFF  }
0xc1: {  	[dreg:$0x1] =	wrdreg $0xFFFFFFFF  }
0xc2: {  	[dreg:$0x0] =	wrdreg $0x60  }
0xc3: {  	[dreg:$0x2] =	wrdreg s24  }
0xc4: {  	[dreg:$0x3] =	wrdreg s18  }
0xc5: {  	[dreg:$0x4] =	wrdreg s17  }
0xc6: {  	[dreg:$0x5] =	wrdreg $0x9  }
0xc7: {  	_ =	task.clear_ibuf [dreg:s22], $0x6FFFF;
	_ =	strace $0x90000049  }
0xc8: {  	s29 =	simm.s32 $0x9;
	_ =	strace $0x8000004B  }
0xc9: {  	_ =	swait.ge [sflag:s29], $0x1  }
0xca: {  	[sflag:s29] =	ssyncadd.s32 $0xFFFFFFFF  }
0xcb: {  	_ =	strace $0x9000004B  }
0xcc: {  	_ =	sfence  }
0xcd: {  	s30 =	sld [smem:$0x0];
	_ =	sdelay $0x2  }
0xce: {  	s31 =	sshll.u32 s1, $0xD;
	s1 =	sshrl.u32 s1, $0x2  }
0xcf: {  	s4 =	sand.u32 $0x4000, s31;
	s1 =	sadd.s32 s1, s30  }
0xd0: {  	s0 =	sor.u32 s4, s0;
	s1 =	sshll.u32 s1, $0x11  }
0xd1: {  	s0 =	sor.u32 s1, s0  }
0xd2: {  	s0 =	sadd.s32 $0x8F2B, s0  }
0xd3: {  	[sflag:s0] =	ssyncadd.remote.s32 $0x1  }
0xd4: {  	_ =	sfence.sel $0xFFFF  }
0xd5: {  	[dreg:$0x0] =	wrdreg $0xFFFFFFFF;
	(pc) =	sbr.abs _section_cstart, $3  }
0xd6: {  	[dreg:$0x1] =	wrdreg $0xFFFFFFFF  }
0xd7: {  	_ =	task.clear_ibuf [dreg:s22], $0x2FFFF;
	_ =	strace $0x9FFFFFFF  }
0xd8: {  	(tm) =	ssettm $0x7FFFFFFF  }
0xd9: {  	_ =	shalt  }
tec
execute0_lowered:
.L_overlay_start_1:
0x0: {  	(tag) =	ssettag $0x1  }
0x1: {  	s0 =	rddreg [dreg:$0x0]  }
0x2: {  	s1 =	srdreg.scid;
	s6 =	rddreg [dreg:$0x1]  }
0x3: {  	s7 =	rddreg [dreg:$0x2];
	s16 =	stileid.u32;
	s2 =	simm.s32 $0x0  }
0x4: {  	s28 =	simm.s32 $0x12800;
	s29 =	simm.s32 $0x12C00;
	s9 =	smul.u32 $0x28, s16  }
0x5: {  	s30 =	simm.s32 $0x13400;
	s31 =	simm.s32 $0x13800;
	s22 =	smul.u32 $0x14000, s16  }
0x6: {  	s1 =	sand.u32 $0x1, s1;
	[smem:$0x7FF] =	sst s2;
	s25 =	smul.u32 $0x1E000, s16  }
0x7: {  	s4 =	sadd.s32 $0xF200, s0;
	s12 =	sadd.s32 $0x6F2000, s0;
	s11 =	smul.u32 $0x280, s1  }
0x8: {  	s13 =	sadd.s32 $0x963000, s0;
	s3 =	sshll.u32 s1, $0x4;
	s20 =	smul.u32 $0x140000, s1  }
0x9: {  	s10 =	ssub.s32 $0x2, s1;
	s1 =	smul.u32 $0x1E0000, s1;
	s5 =	sor.u32 s16, s3  }
0xa: {  	_ =	strace $0x8000004A;
	s3 =	sadd.s32 $0x84600, s0;
	s8 =	smul.u32 $0x28, s5  }
0xb: {  	s14 =	sshrl.u32 s10, $0x1;
	s15 =	smul.u32 $0x280, s5;
	s9 =	sadd.s32 s9, s11  }
0xc: {  	s10 =	ssub.s32 s10, s14;
	s1 =	sadd.s32 s1, s13;
	s11 =	smul.u32 $0xC00, s9  }
0xd: {  	s21 =	smax.u32 s10, $0x1;
	s9 =	sshll.u32 s9, $0xB;
	s26 =	sadd.s32 s25, s1  }
0xe: {  	s25 =	simm.s32 $0x11C00;
	s1 =	simm.s32 $0x14400;
	s10 =	simm.s32 $0x16400  }
0xf: {  	s8 =	ssub.s32 $0x4E2, s8;
	s6 =	sadd.s32 s6, s15;
	[dreg:$0x6] =	wrdreg s21  }
0x10: {  	s19 =	sadd.s32 s7, s15;
	s24 =	sadd.s32 s9, s12;
	[dreg:$0xa] =	wrdreg s26  }
0x11: {  	s21 =	simm.s32 $0xA000;
	s26 =	simm.s32 $0x12000;
	s15 =	simm.s32 $0x14C00  }
0x12: {  	s9 =	simm.s32 $0x15C00;
	s5 =	smin.u32 s8, $0x28;
	[dreg:$0x4] =	wrdreg s6  }
0x13: {  	[dreg:$0x5] =	wrdreg s19;
	s8 =	sadd.s32 $0xF300, s0;
	s23 =	sadd.s32 s11, s13  }
.Ltmp0:
0x14: {  	s6 =	sadd.s32 s20, s12;
	s13 =	simm.s32 $0x0;
	(pc) =	sbr.rel .LBB2_1-.Ltmp0, $4  }
0x15: {  	s7 =	sadd.s32 $0xC00, s23;
	s0 =	sadd.s32 s22, s6;
	s22 =	simm.s32 $0x10800  }
0x16: {  	v2 =	vlaneseq.u32;
	s23 =	simm.s32 $0x11000;
	s6 =	simm.s32 $0x15000;
	[dreg:$0x7] =	wrdreg s7  }
0x17: {  	vm0 =	vmmov $0xffff;
	vm1 =	vmmov $0xff;
	v1 =	vshrl.u32 v2, $0x3;
	s7 =	sadd.s32 $0x800, s24;
	[dreg:$0x9] =	wrdreg s0;
	s24 =	simm.s32 $0x11400  }
0x18: {  	v0 =	vand.u32 $0x7, v2;
	v2 =	vor.u32 $0x8, v2;
	v1 =	vmul.u32 $0x8, v1;
	s0 =	simm.s32 $0x14000;
	[dreg:$0x8] =	wrdreg s7;
	s7 =	simm.s32 $0x15800  }
.LBB2_7:
0x19: {  	s11 =	simm.s32 $0x5  }
0x1a: {  	_ =	swait.ge [sflag:s11], $0x4000  }
0x1b: {  	[sflag:s11] =	ssyncset.done $0x0  }
0x1c: {  	s18 =	simm.s32 $0x7;
	[sflag:s11] =	ssyncadd.s32 $0xFFFFC000  }
0x1d: {  	_ =	swait.ge [sflag:s18], $0x6000  }
0x1e: {  	[sflag:s18] =	ssyncset.done $0x0  }
0x1f: {  	s19 =	simm.s32 $0x6;
	[sflag:s18] =	ssyncadd.s32 $0xFFFFA000  }
0x20: {  	_ =	swait.ge [sflag:s19], $0x4000  }
0x21: {  	[sflag:s19] =	ssyncset.done $0x0  }
0x22: {  	s12 =	simm.s32 $0x8;
	[sflag:s19] =	ssyncadd.s32 $0xFFFFC000  }
0x23: {  	_ =	swait.ge [sflag:s12], $0x6000  }
0x24: {  	s13 =	rddreg [dreg:$0xb]  }
0x25: {  	s20 =	rddreg [dreg:$0x6];
	s13 =	sadd.s32 $0x1, s13  }
0x26: {  	p0 =	sne.s32 s13, s20  }
.Ltmp1:
0x27: {  	_ = 	snop;
	(pc) =	sbr.rel @!p0 .LBB2_8-.Ltmp1, $3  }
0x28: {  	_ =	sdelay $0x1  }
0x29: {  	[sflag:s12] =	ssyncset.done $0x0  }
0x2a: {  	[sflag:s12] =	ssyncadd.s32 $0xFFFFA000  }
.LBB2_1:
0x2b: {  	[dreg:$0xb] =	wrdreg s13  }
0x2c: {  	s11 =	rddreg [dreg:$0x4];
	s12 =	simm.s32 $0x9  }
0x2d: {  	[tilespmem:s2], [sflag:$0x9] =	stream.linear.gather [hbm4b:s11+s2], $0x1400, $0x38;
	[tilespmem:$0x16800] =	vst v63  }
0x2e: {  	_ =	swait.ge [sflag:s12], $0x1400  }
0x2f: {  	[sflag:s12] =	ssyncset.done $0x0  }
0x30: {  	s20 =	simm.s32 $0x1400;
	s19 =	rddreg [dreg:$0x5];
	[sflag:s12] =	ssyncadd.s32 $0xFFFFEC00  }
0x31: {  	[tilespmem:s20], [sflag:$0x9] =	stream.linear.gather [hbm4b:s19+s2], $0x1400, $0x38;
	[tilespmem:$0x16800] =	vst v63  }
.Ltmp2:
0x32: {  	_ =	swait.ge [sflag:s12], $0x1400;
	(pc) =	sbr.rel .LBB2_2-.Ltmp2, $4  }
0x33: {  	s14 =	rddreg [dreg:$0xa]  }
0x34: {  	s13 =	simm.s32 $0x80;
	s16 =	rddreg [dreg:$0x9]  }
0x35: {  	s11 =	simm.s32 $0x1;
	[sflag:s12] =	ssyncset.done $0x0;
	s17 =	rddreg [dreg:$0x8]  }
0x36: {  	s18 =	rddreg [dreg:$0x7];
	[sflag:s12] =	ssyncadd.s32 $0xFFFFEC00;
	s12 =	simm.s32 $0x1480  }
.LBB2_6:
0x37: {  	s19 =	simm.s32 @!p0 $0x1  }
0x38: {  	_ =	swait.ge @!p0 [sflag:s19], $0x4000  }
0x39: {  	[sflag:s19] =	ssyncset.done @!p0 $0x0  }
0x3a: {  	s20 =	simm.s32 @!p0 $0x2800;
	[sflag:s19] =	ssyncadd.s32 @!p0 $0xFFFFC000;
	s19 =	simm.s32 @!p0 $0x0  }
0x3b: {  	[hbm4b:s16+s19] =	stream.linear.scatter @!p0 [tilespmem:s20], [sflag:$0x5], $0x4000, $0x38;
	[tilespmem:$0x16800] =	vst v63  }
0x3c: {  	s20 =	simm.s32 @!p0 $0x3  }
0x3d: {  	_ =	swait.ge @!p0 [sflag:s20], $0x6000  }
0x3e: {  	[sflag:s20] =	ssyncset.done @!p0 $0x0  }
0x3f: {  	[sflag:s20] =	ssyncadd.s32 @!p0 $0xFFFFA000;
	s20 =	simm.s32 @!p0 $0xA800  }
0x40: {  	[hbm4b:s14+s19] =	stream.linear.scatter @!p0 [tilespmem:s20], [sflag:$0x7], $0x6000, $0x38;
	[tilespmem:$0x16800] =	vst v63  }
0x41: {  	s19 =	simm.s32 @!p1 $0x2  }
0x42: {  	_ =	swait.ge @!p1 [sflag:s19], $0x4000  }
0x43: {  	s11 =	sadd.s32 $0x2, s11;
	[sflag:s19] =	ssyncset.done @!p1 $0x0  }
0x44: {  	s20 =	simm.s32 @!p1 $0x6800;
	[sflag:s19] =	ssyncadd.s32 @!p1 $0xFFFFC000;
	s19 =	simm.s32 @!p1 $0x0  }
0x45: {  	[hbm4b:s17+s19] =	stream.linear.scatter @!p1 [tilespmem:s20], [sflag:$0x6], $0x4000, $0x38;
	[tilespmem:$0x16800] =	vst v63  }
0x46: {  	p0 =	sne.s32 s11, $0x29;
	s20 =	simm.s32 @!p1 $0x4  }
.Ltmp3:
0x47: {  	_ =	swait.ge @!p1 [sflag:s20], $0x6000;
	(pc) =	sbr.rel @!p0 .LBB2_7-.Ltmp3, $4  }
0x48: {  	s12 =	sadd.s32 $0x100, s12;
	s13 =	sadd.s32 $0x100, s13;
	[sflag:s20] =	ssyncset.done @!p1 $0x0  }
0x49: {  	s16 =	sadd.s32 $0x1000, s16;
	[sflag:s20] =	ssyncadd.s32 @!p1 $0xFFFFA000;
	s20 =	simm.s32 @!p1 $0x10800  }
0x4a: {  	[hbm4b:s18+s19] =	stream.linear.scatter @!p1 [tilespmem:s20], [sflag:$0x8], $0x6000, $0x38;
	[tilespmem:$0x16800] =	vst v63  }
0x4b: {  	s14 =	sadd.s32 $0x1800, s14;
	s17 =	sadd.s32 $0x1000, s17;
	s18 =	sadd.s32 $0x1800, s18  }
.LBB2_2:
0x4c: {  	s19 =	sadd.s32 $0xFFFFFFFF, s11  }
0x4d: {  	p0 =	sge.u32 s19, s5  }
.Ltmp4:
0x4e: {  	_ = 	snop;
	(pc) =	sbr.rel @p0 .LBB2_4-.Ltmp4, $2  }
0x4f: {  	_ =	sdelay $0x2  }
0x50: {  	p2 =	seq.s32 s11, $0x1  }
0x51: {  	s19 =	simm.s32 @!p2 $0x5  }
0x52: {  	_ =	swait.ge @!p2 [sflag:s19], $0x4000  }
0x53: {  	[sflag:s19] =	ssyncset.done @!p2 $0x0  }
0x54: {  	[sflag:s19] =	ssyncadd.s32 @!p2 $0xFFFFC000;
	s19 =	simm.s32 @!p2 $0x7  }
0x55: {  	_ =	swait.ge @!p2 [sflag:s19], $0x6000  }
0x56: {  	[sflag:s19] =	ssyncset.done @!p2 $0x0  }
0x57: {  	[sflag:s19] =	ssyncadd.s32 @!p2 $0xFFFFA000  }
0x58: {  	v3 =	vld [tilespmem:s13+$0xFFFFFF80];
	_ =	sdelay $0x4  }
0x59: {  	v4 =	vshll.u32 v3, $0x1  }
0x5a: {  	v3 =	vand.u32 $0x7, v3;
	v4 =	vand.u32 $0xFFFFFFF0, v4  }
0x5b: {  	v3 =	vor.u32 v3, v4  }
0x5c: {  	v4 =	vperm.xlane v3, v0;
	_ =	sdelay $0x1  }
0x5d: {  	v3 =	vperm.xlane v3, v2;
	v4 =	vadd.s32 v1, v4;
	_ =	sdelay $0x1  }
0x5e: {  	v3 =	vadd.s32 v1, v3;
	_ =	sdelay $0x1  }
0x5f: {  	s20 =	simm.s32 $0x2800  }
0x60: {  	[tilespmem:s20], [sflag:$0x1] =	stream.indirect_vreg.gather [hbm4b:s3+s2], $0x80, v4, vm0, $0xb8;
	[tilespmem:$0x16800] =	vst v63  }
0x61: {  	s20 =	simm.s32 $0x3000  }
0x62: {  	[tilespmem:s20], [sflag:$0x1] =	stream.indirect_vreg.gather [hbm4b:s3+s2], $0x80, v3, vm0, $0xb8;
	[tilespmem:$0x16800] =	vst v63  }
0x63: {  	v3 =	vld [tilespmem:s13+$0xFFFFFF90];
	_ =	sdelay $0x4  }
0x64: {  	v57 =	vshll.u32 v3, $0x1  }
0x65: {  	v3 =	vand.u32 $0x7, v3;
	v4 =	vand.u32 $0xFFFFFFF0, v57  }
0x66: {  	v3 =	vor.u32 v3, v4  }
0x67: {  	v4 =	vperm.xlane v3, v0;
	_ =	sdelay $0x1  }
0x68: {  	v3 =	vperm.xlane v3, v2;
	v4 =	vadd.s32 v1, v4;
	_ =	sdelay $0x1  }
0x69: {  	v3 =	vadd.s32 v1, v3;
	_ =	sdelay $0x1  }
0x6a: {  	s20 =	simm.s32 $0x3800  }
0x6b: {  	[tilespmem:s20], [sflag:$0x1] =	stream.indirect_vreg.gather [hbm4b:s3+s2], $0x80, v4, vm0, $0xb8;
	[tilespmem:$0x16800] =	vst v63  }
0x6c: {  	s20 =	simm.s32 $0x4000  }
0x6d: {  	[tilespmem:s20], [sflag:$0x1] =	stream.indirect_vreg.gather [hbm4b:s3+s2], $0x80, v3, vm0, $0xb8;
	[tilespmem:$0x16800] =	vst v63  }
0x6e: {  	v3 =	vld [tilespmem:s13+$0xFFFFFFA0];
	_ =	sdelay $0x4  }
0x6f: {  	v58 =	vshll.u32 v3, $0x1  }
0x70: {  	v3 =	vand.u32 $0x7, v3;
	v4 =	vand.u32 $0xFFFFFFF0, v58  }
0x71: {  	v3 =	vor.u32 v3, v4  }
0x72: {  	v4 =	vperm.xlane v3, v0;
	_ =	sdelay $0x1  }
0x73: {  	v3 =	vperm.xlane v3, v2;
	v4 =	vadd.s32 v1, v4;
	_ =	sdelay $0x1  }
0x74: {  	v3 =	vadd.s32 v1, v3;
	_ =	sdelay $0x1  }
0x75: {  	s20 =	simm.s32 $0x4800  }
0x76: {  	[tilespmem:s20], [sflag:$0x1] =	stream.indirect_vreg.gather [hbm4b:s3+s2], $0x80, v4, vm0, $0xb8;
	[tilespmem:$0x16800] =	vst v63  }
0x77: {  	s20 =	simm.s32 $0x5000  }
0x78: {  	[tilespmem:s20], [sflag:$0x1] =	stream.indirect_vreg.gather [hbm4b:s3+s2], $0x80, v3, vm0, $0xb8;
	[tilespmem:$0x16800] =	vst v63  }
0x79: {  	v3 =	vld [tilespmem:s13+$0xFFFFFFB0];
	_ =	sdelay $0x4  }
0x7a: {  	v59 =	vshll.u32 v3, $0x1  }
0x7b: {  	v3 =	vand.u32 $0x7, v3;
	v4 =	vand.u32 $0xFFFFFFF0, v59  }
0x7c: {  	v3 =	vor.u32 v3, v4  }
0x7d: {  	v4 =	vperm.xlane v3, v0;
	_ =	sdelay $0x1  }
0x7e: {  	v3 =	vperm.xlane v3, v2;
	v4 =	vadd.s32 v1, v4;
	_ =	sdelay $0x1  }
0x7f: {  	v3 =	vadd.s32 v1, v3;
	_ =	sdelay $0x1  }
0x80: {  	s20 =	simm.s32 $0x5800  }
0x81: {  	[tilespmem:s20], [sflag:$0x1] =	stream.indirect_vreg.gather [hbm4b:s3+s2], $0x80, v4, vm0, $0xb8;
	[tilespmem:$0x16800] =	vst v63  }
0x82: {  	s20 =	simm.s32 $0x6000  }
0x83: {  	[tilespmem:s20], [sflag:$0x1] =	stream.indirect_vreg.gather [hbm4b:s3+s2], $0x80, v3, vm0, $0xb8;
	[tilespmem:$0x16800] =	vst v63  }
0x84: {  	v3 =	vld [tilespmem:s12+$0xFFFFFF80];
	_ =	sdelay $0x4  }
0x85: {  	v60 =	vshrl.u32 v3, $0x3  }
0x86: {  	v4 =	vmul.u32 $0x18, v60  }
0x87: {  	v3 =	vand.u32 $0x7, v3  }
0x88: {  	v3 =	vor.u32 v3, v4  }
0x89: {  	v4 =	vperm.xlane v3, v0;
	_ =	sdelay $0x1  }
0x8a: {  	v4 =	vadd.s32 v1, v4;
	_ =	sdelay $0x1  }
0x8b: {  	v3 =	vperm.xlane v3, v2;
	_ =	sdelay $0x1  }
0x8c: {  	s20 =	simm.s32 $0xA800;
	v3 =	vadd.s32 v1, v3  }
0x8d: {  	[tilespmem:s20], [sflag:$0x3] =	stream.indirect_vreg.gather [hbm4b:s4+s2], $0x80, v4, vm0, $0xb8;
	[tilespmem:$0x16800] =	vst v63  }
0x8e: {  	s20 =	simm.s32 $0xB000  }
0x8f: {  	[tilespmem:s20], [sflag:$0x3] =	stream.indirect_vreg.gather [hbm4b:s8+s2], $0x80, v4, vm1, $0xb8;
	[tilespmem:$0x16800] =	vst v63  }
0x90: {  	s20 =	simm.s32 $0xB400  }
0x91: {  	[tilespmem:s20], [sflag:$0x3] =	stream.indirect_vreg.gather [hbm4b:s4+s2], $0x80, v3, vm0, $0xb8;
	[tilespmem:$0x16800] =	vst v63  }
0x92: {  	s20 =	simm.s32 $0xBC00  }
0x93: {  	[tilespmem:s20], [sflag:$0x3] =	stream.indirect_vreg.gather [hbm4b:s8+s2], $0x80, v3, vm1, $0xb8;
	[tilespmem:$0x16800] =	vst v63  }
0x94: {  	v3 =	vld [tilespmem:s12+$0xFFFFFF90];
	_ =	sdelay $0x4  }
0x95: {  	v61 =	vshrl.u32 v3, $0x3  }
0x96: {  	v4 =	vmul.u32 $0x18, v61  }
0x97: {  	v3 =	vand.u32 $0x7, v3  }
0x98: {  	v3 =	vor.u32 v3, v4  }
0x99: {  	v4 =	vperm.xlane v3, v0;
	_ =	sdelay $0x1  }
0x9a: {  	v4 =	vadd.s32 v1, v4;
	_ =	sdelay $0x1  }
0x9b: {  	v3 =	vperm.xlane v3, v2;
	_ =	sdelay $0x1  }
0x9c: {  	s20 =	simm.s32 $0xC000;
	v3 =	vadd.s32 v1, v3  }
0x9d: {  	[tilespmem:s20], [sflag:$0x3] =	stream.indirect_vreg.gather [hbm4b:s4+s2], $0x80, v4, vm0, $0xb8;
	[tilespmem:$0x16800] =	vst v63  }
0x9e: {  	s20 =	simm.s32 $0xC800  }
0x9f: {  	[tilespmem:s20], [sflag:$0x3] =	stream.indirect_vreg.gather [hbm4b:s8+s2], $0x80, v4, vm1, $0xb8;
	[tilespmem:$0x16800] =	vst v63  }
0xa0: {  	s20 =	simm.s32 $0xCC00  }
0xa1: {  	[tilespmem:s20], [sflag:$0x3] =	stream.indirect_vreg.gather [hbm4b:s4+s2], $0x80, v3, vm0, $0xb8;
	[tilespmem:$0x16800] =	vst v63  }
0xa2: {  	s20 =	simm.s32 $0xD400  }
0xa3: {  	[tilespmem:s20], [sflag:$0x3] =	stream.indirect_vreg.gather [hbm4b:s8+s2], $0x80, v3, vm1, $0xb8;
	[tilespmem:$0x16800] =	vst v63  }
0xa4: {  	v3 =	vld [tilespmem:s12+$0xFFFFFFA0];
	_ =	sdelay $0x4  }
0xa5: {  	v62 =	vshrl.u32 v3, $0x3  }
0xa6: {  	v4 =	vmul.u32 $0x18, v62  }
0xa7: {  	v3 =	vand.u32 $0x7, v3  }
0xa8: {  	v3 =	vor.u32 v3, v4  }
0xa9: {  	v4 =	vperm.xlane v3, v0;
	_ =	sdelay $0x1  }
0xaa: {  	v4 =	vadd.s32 v1, v4;
	_ =	sdelay $0x1  }
0xab: {  	v3 =	vperm.xlane v3, v2;
	_ =	sdelay $0x1  }
0xac: {  	s20 =	simm.s32 $0xD800;
	v3 =	vadd.s32 v1, v3  }
0xad: {  	[tilespmem:s20], [sflag:$0x3] =	stream.indirect_vreg.gather [hbm4b:s4+s2], $0x80, v4, vm0, $0xb8;
	[tilespmem:$0x16800] =	vst v63  }
0xae: {  	s20 =	simm.s32 $0xE000  }
0xaf: {  	[tilespmem:s20], [sflag:$0x3] =	stream.indirect_vreg.gather [hbm4b:s8+s2], $0x80, v4, vm1, $0xb8;
	[tilespmem:$0x16800] =	vst v63  }
0xb0: {  	s20 =	simm.s32 $0xE400  }
0xb1: {  	[tilespmem:s20], [sflag:$0x3] =	stream.indirect_vreg.gather [hbm4b:s4+s2], $0x80, v3, vm0, $0xb8;
	[tilespmem:$0x16800] =	vst v63  }
0xb2: {  	s20 =	simm.s32 $0xEC00  }
0xb3: {  	[tilespmem:s20], [sflag:$0x3] =	stream.indirect_vreg.gather [hbm4b:s8+s2], $0x80, v3, vm1, $0xb8;
	[tilespmem:$0x16800] =	vst v63  }
0xb4: {  	v3 =	vld [tilespmem:s12+$0xFFFFFFB0];
	_ =	sdelay $0x4  }
0xb5: {  	v63 =	vshrl.u32 v3, $0x3  }
0xb6: {  	v4 =	vmul.u32 $0x18, v63  }
0xb7: {  	v3 =	vand.u32 $0x7, v3  }
0xb8: {  	v3 =	vor.u32 v3, v4  }
0xb9: {  	v4 =	vperm.xlane v3, v0;
	_ =	sdelay $0x1  }
0xba: {  	v4 =	vadd.s32 v1, v4;
	_ =	sdelay $0x1  }
0xbb: {  	v3 =	vperm.xlane v3, v2;
	_ =	sdelay $0x1  }
0xbc: {  	s20 =	simm.s32 $0xF000;
	v3 =	vadd.s32 v1, v3  }
0xbd: {  	[tilespmem:s20], [sflag:$0x3] =	stream.indirect_vreg.gather [hbm4b:s4+s2], $0x80, v4, vm0, $0xb8;
	[tilespmem:$0x16800] =	vst v63  }
0xbe: {  	s20 =	simm.s32 $0xF800  }
0xbf: {  	[tilespmem:s20], [sflag:$0x3] =	stream.indirect_vreg.gather [hbm4b:s8+s2], $0x80, v4, vm1, $0xb8;
	[tilespmem:$0x16800] =	vst v63  }
0xc0: {  	s20 =	simm.s32 $0xFC00  }
0xc1: {  	[tilespmem:s20], [sflag:$0x3] =	stream.indirect_vreg.gather [hbm4b:s4+s2], $0x80, v3, vm0, $0xb8;
	[tilespmem:$0x16800] =	vst v63  }
0xc2: {  	s20 =	simm.s32 $0x10400  }
0xc3: {  	[tilespmem:s20], [sflag:$0x3] =	stream.indirect_vreg.gather [hbm4b:s8+s2], $0x80, v3, vm1, $0xb8;
	[tilespmem:$0x16800] =	vst v63  }
.LBB2_4:
0xc4: {  	p1 =	sge.u32 s11, s5  }
.Ltmp5:
0xc5: {  	_ = 	snop;
	(pc) =	sbr.rel @p1 .LBB2_6-.Ltmp5, $1  }
0xc6: {  	_ =	sdelay $0x3  }
0xc7: {  	s19 =	simm.s32 @!p2 $0x6  }
0xc8: {  	_ =	swait.ge @!p2 [sflag:s19], $0x4000  }
0xc9: {  	[sflag:s19] =	ssyncset.done @!p2 $0x0  }
0xca: {  	[sflag:s19] =	ssyncadd.s32 @!p2 $0xFFFFC000;
	s19 =	simm.s32 @!p2 $0x8  }
0xcb: {  	_ =	swait.ge @!p2 [sflag:s19], $0x6000  }
0xcc: {  	[sflag:s19] =	ssyncset.done @!p2 $0x0  }
0xcd: {  	[sflag:s19] =	ssyncadd.s32 @!p2 $0xFFFFA000  }
0xce: {  	v3 =	vld [tilespmem:s13+$0x0];
	_ =	sdelay $0x4  }
0xcf: {  	v4 =	vshll.u32 v3, $0x1  }
0xd0: {  	v3 =	vand.u32 $0x7, v3;
	v4 =	vand.u32 $0xFFFFFFF0, v4  }
0xd1: {  	v3 =	vor.u32 v3, v4  }
0xd2: {  	v4 =	vperm.xlane v3, v0;
	_ =	sdelay $0x1  }
0xd3: {  	v3 =	vperm.xlane v3, v2;
	v4 =	vadd.s32 v1, v4;
	_ =	sdelay $0x1  }
0xd4: {  	v3 =	vadd.s32 v1, v3;
	_ =	sdelay $0x1  }
0xd5: {  	s20 =	simm.s32 $0x6800  }
0xd6: {  	[tilespmem:s20], [sflag:$0x2] =	stream.indirect_vreg.gather [hbm4b:s3+s2], $0x80, v4, vm0, $0xb8;
	[tilespmem:$0x16800] =	vst v63  }
0xd7: {  	s20 =	simm.s32 $0x7000  }
0xd8: {  	[tilespmem:s20], [sflag:$0x2] =	stream.indirect_vreg.gather [hbm4b:s3+s2], $0x80, v3, vm0, $0xb8;
	[tilespmem:$0x16800] =	vst v63  }
0xd9: {  	v3 =	vld [tilespmem:s13+$0x10];
	_ =	sdelay $0x4  }
0xda: {  	v57 =	vshll.u32 v3, $0x1  }
0xdb: {  	v3 =	vand.u32 $0x7, v3;
	v4 =	vand.u32 $0xFFFFFFF0, v57  }
0xdc: {  	v3 =	vor.u32 v3, v4  }
0xdd: {  	v4 =	vperm.xlane v3, v0;
	_ =	sdelay $0x1  }
0xde: {  	v3 =	vperm.xlane v3, v2;
	v4 =	vadd.s32 v1, v4;
	_ =	sdelay $0x1  }
0xdf: {  	v3 =	vadd.s32 v1, v3;
	_ =	sdelay $0x1  }
0xe0: {  	s20 =	simm.s32 $0x7800  }
0xe1: {  	[tilespmem:s20], [sflag:$0x2] =	stream.indirect_vreg.gather [hbm4b:s3+s2], $0x80, v4, vm0, $0xb8;
	[tilespmem:$0x16800] =	vst v63  }
0xe2: {  	s20 =	simm.s32 $0x8000  }
0xe3: {  	[tilespmem:s20], [sflag:$0x2] =	stream.indirect_vreg.gather [hbm4b:s3+s2], $0x80, v3, vm0, $0xb8;
	[tilespmem:$0x16800] =	vst v63  }
0xe4: {  	v3 =	vld [tilespmem:s13+$0x20];
	_ =	sdelay $0x4  }
0xe5: {  	v58 =	vshll.u32 v3, $0x1  }
0xe6: {  	v3 =	vand.u32 $0x7, v3;
	v4 =	vand.u32 $0xFFFFFFF0, v58  }
0xe7: {  	v3 =	vor.u32 v3, v4  }
0xe8: {  	v4 =	vperm.xlane v3, v0;
	_ =	sdelay $0x1  }
0xe9: {  	v3 =	vperm.xlane v3, v2;
	v4 =	vadd.s32 v1, v4;
	_ =	sdelay $0x1  }
0xea: {  	v3 =	vadd.s32 v1, v3;
	_ =	sdelay $0x1  }
0xeb: {  	s20 =	simm.s32 $0x8800  }
0xec: {  	[tilespmem:s20], [sflag:$0x2] =	stream.indirect_vreg.gather [hbm4b:s3+s2], $0x80, v4, vm0, $0xb8;
	[tilespmem:$0x16800] =	vst v63  }
0xed: {  	s20 =	simm.s32 $0x9000  }
0xee: {  	[tilespmem:s20], [sflag:$0x2] =	stream.indirect_vreg.gather [hbm4b:s3+s2], $0x80, v3, vm0, $0xb8;
	[tilespmem:$0x16800] =	vst v63  }
0xef: {  	v3 =	vld [tilespmem:s13+$0x30];
	_ =	sdelay $0x4  }
0xf0: {  	v59 =	vshll.u32 v3, $0x1  }
0xf1: {  	v3 =	vand.u32 $0x7, v3;
	v4 =	vand.u32 $0xFFFFFFF0, v59  }
0xf2: {  	v3 =	vor.u32 v3, v4  }
0xf3: {  	v4 =	vperm.xlane v3, v0;
	_ =	sdelay $0x1  }
0xf4: {  	v3 =	vperm.xlane v3, v2;
	v4 =	vadd.s32 v1, v4;
	_ =	sdelay $0x1  }
0xf5: {  	v3 =	vadd.s32 v1, v3;
	_ =	sdelay $0x1  }
0xf6: {  	s20 =	simm.s32 $0x9800  }
0xf7: {  	[tilespmem:s20], [sflag:$0x2] =	stream.indirect_vreg.gather [hbm4b:s3+s2], $0x80, v4, vm0, $0xb8;
	[tilespmem:$0x16800] =	vst v63  }
0xf8: {  	_ = 	snop  }
0xf9: {  	[tilespmem:s21], [sflag:$0x2] =	stream.indirect_vreg.gather [hbm4b:s3+s2], $0x80, v3, vm0, $0xb8;
	[tilespmem:$0x16800] =	vst v63  }
0xfa: {  	v3 =	vld [tilespmem:s12+$0x0];
	_ =	sdelay $0x4  }
0xfb: {  	v60 =	vshrl.u32 v3, $0x3  }
0xfc: {  	v4 =	vmul.u32 $0x18, v60  }
0xfd: {  	v3 =	vand.u32 $0x7, v3  }
0xfe: {  	v3 =	vor.u32 v3, v4  }
0xff: {  	v4 =	vperm.xlane v3, v0;
	_ =	sdelay $0x1  }
0x100: {  	v4 =	vadd.s32 v1, v4;
	_ =	sdelay $0x1  }
0x101: {  	v3 =	vperm.xlane v3, v2;
	_ =	sdelay $0x1  }
0x102: {  	v3 =	vadd.s32 v1, v3  }
0x103: {  	[tilespmem:s22], [sflag:$0x4] =	stream.indirect_vreg.gather [hbm4b:s4+s2], $0x80, v4, vm0, $0xb8;
	[tilespmem:$0x16800] =	vst v63  }
0x104: {  	_ = 	snop  }
0x105: {  	[tilespmem:s23], [sflag:$0x4] =	stream.indirect_vreg.gather [hbm4b:s8+s2], $0x80, v4, vm1, $0xb8;
	[tilespmem:$0x16800] =	vst v63  }
0x106: {  	_ = 	snop  }
0x107: {  	[tilespmem:s24], [sflag:$0x4] =	stream.indirect_vreg.gather [hbm4b:s4+s2], $0x80, v3, vm0, $0xb8;
	[tilespmem:$0x16800] =	vst v63  }
0x108: {  	_ = 	snop  }
0x109: {  	[tilespmem:s25], [sflag:$0x4] =	stream.indirect_vreg.gather [hbm4b:s8+s2], $0x80, v3, vm1, $0xb8;
	[tilespmem:$0x16800] =	vst v63  }
0x10a: {  	v3 =	vld [tilespmem:s12+$0x10];
	_ =	sdelay $0x4  }
0x10b: {  	v61 =	vshrl.u32 v3, $0x3  }
0x10c: {  	v4 =	vmul.u32 $0x18, v61  }
0x10d: {  	v3 =	vand.u32 $0x7, v3  }
0x10e: {  	v3 =	vor.u32 v3, v4  }
0x10f: {  	v4 =	vperm.xlane v3, v0;
	_ =	sdelay $0x1  }
0x110: {  	v4 =	vadd.s32 v1, v4;
	_ =	sdelay $0x1  }
0x111: {  	v3 =	vperm.xlane v3, v2;
	_ =	sdelay $0x1  }
0x112: {  	v3 =	vadd.s32 v1, v3  }
0x113: {  	[tilespmem:s26], [sflag:$0x4] =	stream.indirect_vreg.gather [hbm4b:s4+s2], $0x80, v4, vm0, $0xb8;
	[tilespmem:$0x16800] =	vst v63  }
0x114: {  	_ = 	snop  }
0x115: {  	[tilespmem:s28], [sflag:$0x4] =	stream.indirect_vreg.gather [hbm4b:s8+s2], $0x80, v4, vm1, $0xb8;
	[tilespmem:$0x16800] =	vst v63  }
0x116: {  	_ = 	snop  }
0x117: {  	[tilespmem:s29], [sflag:$0x4] =	stream.indirect_vreg.gather [hbm4b:s4+s2], $0x80, v3, vm0, $0xb8;
	[tilespmem:$0x16800] =	vst v63  }
0x118: {  	_ = 	snop  }
0x119: {  	[tilespmem:s30], [sflag:$0x4] =	stream.indirect_vreg.gather [hbm4b:s8+s2], $0x80, v3, vm1, $0xb8;
	[tilespmem:$0x16800] =	vst v63  }
0x11a: {  	v3 =	vld [tilespmem:s12+$0x20];
	_ =	sdelay $0x4  }
0x11b: {  	v62 =	vshrl.u32 v3, $0x3  }
0x11c: {  	v4 =	vmul.u32 $0x18, v62  }
0x11d: {  	v3 =	vand.u32 $0x7, v3  }
0x11e: {  	v3 =	vor.u32 v3, v4  }
0x11f: {  	v4 =	vperm.xlane v3, v0;
	_ =	sdelay $0x1  }
0x120: {  	v4 =	vadd.s32 v1, v4;
	_ =	sdelay $0x1  }
0x121: {  	v3 =	vperm.xlane v3, v2;
	_ =	sdelay $0x1  }
0x122: {  	v3 =	vadd.s32 v1, v3  }
0x123: {  	[tilespmem:s31], [sflag:$0x4] =	stream.indirect_vreg.gather [hbm4b:s4+s2], $0x80, v4, vm0, $0xb8;
	[tilespmem:$0x16800] =	vst v63  }
0x124: {  	_ = 	snop  }
0x125: {  	[tilespmem:s0], [sflag:$0x4] =	stream.indirect_vreg.gather [hbm4b:s8+s2], $0x80, v4, vm1, $0xb8;
	[tilespmem:$0x16800] =	vst v63  }
0x126: {  	_ = 	snop  }
0x127: {  	[tilespmem:s1], [sflag:$0x4] =	stream.indirect_vreg.gather [hbm4b:s4+s2], $0x80, v3, vm0, $0xb8;
	[tilespmem:$0x16800] =	vst v63  }
0x128: {  	_ = 	snop  }
0x129: {  	[tilespmem:s15], [sflag:$0x4] =	stream.indirect_vreg.gather [hbm4b:s8+s2], $0x80, v3, vm1, $0xb8;
	[tilespmem:$0x16800] =	vst v63  }
0x12a: {  	v3 =	vld [tilespmem:s12+$0x30];
	_ =	sdelay $0x4  }
0x12b: {  	v63 =	vshrl.u32 v3, $0x3  }
0x12c: {  	v4 =	vmul.u32 $0x18, v63  }
0x12d: {  	v3 =	vand.u32 $0x7, v3  }
0x12e: {  	v3 =	vor.u32 v3, v4  }
0x12f: {  	v4 =	vperm.xlane v3, v0;
	_ =	sdelay $0x1  }
0x130: {  	v4 =	vadd.s32 v1, v4;
	_ =	sdelay $0x2  }
0x131: {  	v3 =	vperm.xlane v3, v2;
	_ =	sdelay $0x1  }
0x132: {  	v3 =	vadd.s32 v1, v3;
	[tilespmem:s6], [sflag:$0x4] =	stream.indirect_vreg.gather [hbm4b:s4+s2], $0x80, v4, vm0, $0xb8;
	[tilespmem:$0x16800] =	vst v63  }
0x133: {  	_ = 	snop  }
0x134: {  	[tilespmem:s7], [sflag:$0x4] =	stream.indirect_vreg.gather [hbm4b:s8+s2], $0x80, v4, vm1, $0xb8;
	[tilespmem:$0x16800] =	vst v63  }
.Ltmp6:
0x135: {  	_ = 	snop;
	(pc) =	sbr.rel .LBB2_6-.Ltmp6, $4  }
0x136: {  	_ = 	snop  }
0x137: {  	[tilespmem:s9], [sflag:$0x4] =	stream.indirect_vreg.gather [hbm4b:s4+s2], $0x80, v3, vm0, $0xb8;
	[tilespmem:$0x16800] =	vst v63  }
0x138: {  	_ = 	snop  }
0x139: {  	[tilespmem:s10], [sflag:$0x4] =	stream.indirect_vreg.gather [hbm4b:s8+s2], $0x80, v3, vm1, $0xb8;
	[tilespmem:$0x16800] =	vst v63  }
.LBB2_8:
0x13a: {  	_ =	sfence.sel $0x180000  }
0x13b: {  	[bflag:$0x0] =	sbarrier.arrive $0xFFFF  }
0x13c: {  	_ =	strace $0x9000004A  }
0x13d: {  	s0 =	stileid.u32;
	[bflag:$0x2] =	sbarrier.arrive $0xFFFF  }
0x13e: {  	p0 =	sne.s32 s0, $0x0;
	s0 =	rddreg [dreg:$0x3]  }
0x13f: {  	s0 =	sadd.s32 @!p0 $0x100000, s0  }
0x140: {  	[sflag:s0] =	ssyncadd.tile.s32 @!p0 $0x1;
	_ =	shalt  }
.Lfunc_end2:
_tile_overlayer_lowered:
.L_overlay_start_2:
0x141: {  	(tag) =	ssettag $0x2  }
0x142: {  	s0 =	rddreg [dreg:$0x0];
	s2 =	stileid.u32  }
0x143: {  	s1 =	rddreg [dreg:$0x1];
	p0 =	sne.s32 s2, $0x0  }
0x144: {  	s3 =	rddreg [dreg:$0x2];
	[bflag:$0x3] =	sbarrier.arrive $0xFFFF;
	s2 =	simm.s32 @!p0 $0x1C09  }
0x145: {  	[timem:s3], [sflag:s2] =	dma.local @!p0 [hbm:s0], s1  }
0x146: {  	s0 =	simm.s32 @!p0 $0x9  }
0x147: {  	_ =	swait.ge @!p0 [sflag:s0], s1  }
0x148: {  	s1 =	ssub.s32 @!p0 $0x0, s1;
	[sflag:s0] =	ssyncset.done @!p0 $0x0  }
0x149: {  	[sflag:s0] =	ssyncadd.s32 @!p0 s1  }
0x14a: {  	[bflag:$0x3] =	sbarrier.arrive $0xFFFF  }
0x14b: {  	_ =	shalt  }

// kernel: kernel.15.cloned.1.call-start
scs
__scs_entry_jumppad:
0x0: {  	(pc) =	sbr.rel $0x88, $3  }
0x1: {  	(tag) =	ssettag $0x0;
	lr =	simm.s32 $0x1  }
0x2: {  	[smem:$0x3F8D] =	sst lr;
	_ =	strace $0xD0000000  }
0x3: {  	_ = 	snop  }
0x4: {  	_ = 	snop  }
0x5: {  	_ = 	snop  }
0x6: {  	_ = 	snop  }
0x7: {  	_ = 	snop  }
__scs_overlays_trampoline_lowered:
0x8: {  	[smem:$0x3F9C] =	sst s0  }
0x9: {  	[smem:$0x3F9D] =	sst s1  }
0xa: {  	[smem:$0x3F9E] =	sst s2  }
0xb: {  	[smem:$0x3F9F] =	sst s3  }
0xc: {  	[smem:$0x3FA0] =	sst s4  }
0xd: {  	[smem:$0x3FA1] =	sst s5  }
0xe: {  	[smem:$0x3FA2] =	sst s6  }
0xf: {  	[smem:$0x3FA3] =	sst s7  }
0x10: {  	[smem:$0x3FA4] =	sst s8  }
0x11: {  	[smem:$0x3FA5] =	sst s9;
	s0 =	simm.s32 @!p0 $0x0  }
0x12: {  	s1 =	sld [smem:$0x3F8B];
	s0 =	simm.s32 @p0 $0x1  }
0x13: {  	[smem:$0x3FA6] =	sst s0;
	s0 =	simm.s32 @!p1 $0x0  }
0x14: {  	s2 =	sld [smem:$0x3F8A];
	s0 =	simm.s32 @p1 $0x1  }
0x15: {  	[smem:$0x3FA7] =	sst s0;
	s0 =	simm.s32 @!p2 $0x0  }
0x16: {  	s3 =	sld [smem:$0x3FDB];
	s0 =	simm.s32 @p2 $0x1  }
0x17: {  	s4 =	simm.s32 $0x1BF5;
	[smem:$0x3FA9] =	sst s0  }
0x18: {  	s0 =	sld [smem:$0x3F8C];
	_ =	swait.ge [sflag:s4], $0x0  }
0x19: {  	s7 =	sld [smem:$0x3F8D]  }
0x1a: {  	s8 =	sadd.s32 $0xFFFFE003, lr  }
0x1b: {  	s9 =	sadd.s32 $0xFFFFFEF7, lr;
	s5 =	simm.s32 $0xFFFFFFFF;
	p2 =	slt.u32 s8, $0xFFFFF086  }
0x1c: {  	p1 =	slt.u32 s9, $0xF7A;
	s5 =	simm.s32 @!p2 $0x0  }
0x1d: {  	s5 =	simm.s32 @p1 $0x1;
	p0 =	seq.s32 s7, s2  }
0x1e: {  	s7 =	smul.u32 @!p0 $0xF7A, s2;
	p2 =	seq.s32 @!p0 s5, $0x0  }
0x1f: {  	s9 =	smul.u32 $0xF7A, s1;
	s8 =	simm.s32 @!p0 $0x1BF5;
	p2 =	por !p2, p0  }
0x20: {  	[sflag:s8] =	ssyncset.s32 @!p0 $0xFFFFF086;
	s6 =	sadd.s32 @!p0 s3, s7;
	s7 =	simm.s32 @!p0 $0x108  }
0x21: {  	s3 =	sadd.s32 s3, s9;
	s6 =	sadd.s32 @!p0 $0x88, s6;
	s7 =	simm.s32 @p2 $0x1082  }
0x22: {  	[simem:s7], [sflag:s8] =	dma.local @!p0 [hbm:s6], $0xF7A  }
0x23: {  	s9 =	sor.u32 $0xD0000000, s2;
	s6 =	simm.s32 $0x108;
	_ =	swait.ge @!p0 [sflag:s8], $0x0  }
0x24: {  	s3 =	sadd.s32 $0x88, s3;
	s6 =	simm.s32 @!p1 $0x1082;
	[sflag:s4] =	ssyncset.s32 $0xFFFFF086  }
0x25: {  	[simem:s6], [sflag:s4] =	dma.local [hbm:s3], $0xF7A  }
0x26: {  	[smem:$0x3F8D] =	sst s1;
	(tag) =	ssettag s2;
	_ =	strace s9  }
0x27: {  	s1 =	sld [smem:$0x3F9D]  }
0x28: {  	s2 =	sld [smem:$0x3F9E]  }
0x29: {  	s4 =	sld [smem:$0x3FA0]  }
0x2a: {  	p0 =	seq.s32 s5, $0x0;
	s5 =	sld [smem:$0x3FA1]  }
0x2b: {  	s6 =	sld [smem:$0x3FA2]  }
0x2c: {  	s7 =	sld [smem:$0x3FA3]  }
0x2d: {  	s3 =	simm.s32 $0x108;
	s8 =	sld [smem:$0x3FA4]  }
0x2e: {  	s3 =	simm.s32 @!p0 $0x1082;
	s9 =	sld [smem:$0x3FA5]  }
0x2f: {  	lr =	sadd.s32 s0, s3;
	s0 =	sld [smem:$0x3F9C]  }
0x30: {  	s3 =	sld [smem:$0x3F9F]  }
0x31: {  	[smem:$0x3FA8] =	sst s10  }
0x32: {  	s10 =	sld [smem:$0x3FA6];
	_ =	sdelay $0x3  }
0x33: {  	p0 =	seq.s32 s10, $0x1;
	s10 =	sld [smem:$0x3FA8];
	_ =	sdelay $0x3  }
0x34: {  	[smem:$0x3FA8] =	sst s10  }
0x35: {  	s10 =	sld [smem:$0x3FA7];
	_ =	sdelay $0x3  }
0x36: {  	p1 =	seq.s32 s10, $0x1;
	s10 =	sld [smem:$0x3FA8];
	_ =	sdelay $0x3  }
0x37: {  	[smem:$0x3FA8] =	sst s10  }
0x38: {  	s10 =	sld [smem:$0x3FA9]  }
0x39: {  	_ = 	snop;
	(pc) =	sbr.ind lr, $3  }
0x3a: {  	_ = 	snop  }
0x3b: {  	_ = 	snop  }
0x3c: {  	p2 =	seq.s32 s10, $0x1;
	s10 =	sld [smem:$0x3FA8]  }
0x3d: {  	_ =	shalt  }
0x3e: {  	_ =	shalt  }
0x3f: {  	_ =	shalt  }
0x40: {  	_ =	shalt  }
0x41: {  	_ =	shalt  }
0x42: {  	_ =	shalt  }
0x43: {  	_ =	shalt  }
0x44: {  	_ =	shalt  }
0x45: {  	_ =	shalt  }
0x46: {  	_ =	shalt  }
0x47: {  	_ =	shalt  }
0x48: {  	_ =	shalt  }
0x49: {  	_ =	shalt  }
0x4a: {  	_ =	shalt  }
0x4b: {  	_ =	shalt  }
0x4c: {  	_ =	shalt  }
0x4d: {  	_ =	shalt  }
0x4e: {  	_ =	shalt  }
0x4f: {  	_ =	shalt  }
0x50: {  	_ =	shalt  }
0x51: {  	_ =	shalt  }
0x52: {  	_ =	shalt  }
0x53: {  	_ =	shalt  }
0x54: {  	_ =	shalt  }
0x55: {  	_ =	shalt  }
0x56: {  	_ =	shalt  }
0x57: {  	_ =	shalt  }
0x58: {  	_ =	shalt  }
0x59: {  	_ =	shalt  }
0x5a: {  	_ =	shalt  }
0x5b: {  	_ =	shalt  }
0x5c: {  	_ =	shalt  }
0x5d: {  	_ =	shalt  }
0x5e: {  	_ =	shalt  }
0x5f: {  	_ =	shalt  }
0x60: {  	_ =	shalt  }
0x61: {  	_ =	shalt  }
0x62: {  	_ =	shalt  }
0x63: {  	_ =	shalt  }
0x64: {  	_ =	shalt  }
0x65: {  	_ =	shalt  }
0x66: {  	_ =	shalt  }
0x67: {  	_ =	shalt  }
0x68: {  	_ =	shalt  }
0x69: {  	_ =	shalt  }
0x6a: {  	_ =	shalt  }
0x6b: {  	_ =	shalt  }
0x6c: {  	_ =	shalt  }
0x6d: {  	_ =	shalt  }
0x6e: {  	_ =	shalt  }
0x6f: {  	_ =	shalt  }
0x70: {  	_ =	shalt  }
0x71: {  	_ =	shalt  }
0x72: {  	_ =	shalt  }
0x73: {  	_ =	shalt  }
0x74: {  	_ =	shalt  }
0x75: {  	_ =	shalt  }
0x76: {  	_ =	shalt  }
0x77: {  	_ =	shalt  }
0x78: {  	_ =	shalt  }
0x79: {  	_ =	shalt  }
0x7a: {  	_ =	shalt  }
0x7b: {  	_ =	shalt  }
0x7c: {  	_ =	shalt  }
0x7d: {  	_ =	shalt  }
0x7e: {  	_ =	shalt  }
0x7f: {  	_ =	shalt  }
0x80: {  	_ =	shalt  }
0x81: {  	_ =	shalt  }
0x82: {  	_ =	shalt  }
0x83: {  	_ =	shalt  }
0x84: {  	_ =	shalt  }
0x85: {  	_ =	shalt  }
0x86: {  	_ =	shalt  }
0x87: {  	_ =	shalt  }
.Lfunc_end0:
.L_simem_size_0:
called_computation.2_lowered:
.L_overlay_start_0:
0x88: {  	s2 =	sld [smem:$0x3FD9]  }
0x89: {  	s3 =	sld [smem:$0x3FFE];
	_ =	sdelay $0x1  }
0x8a: {  	s1 =	srdreg.scid  }
0x8b: {  	s0 =	sand.u32 $0x1, s1  }
0x8c: {  	s17 =	sshll.u32 s0, $0xA;
	s2 =	sadd.s32 s3, s2  }
0x8d: {  	s2 =	sadd.s32 s2, s17  }
0x8e: {  	[smem:$0x3FB4] =	sst s2  }
0x8f: {  	_ = 	snop  }
0x90: {  	s18 =	sld [smem:$0x3FC9]  }
0x91: {  	s4 =	sld [smem:$0x3FC8];
	(tm) =	ssettm $0x1  }
0x92: {  	s19 =	sld [smem:$0x3FFB];
	_ =	sdelay $0x3  }
0x93: {  	_ =	strace s19  }
0x94: {  	s2 =	sld [smem:$0x3FFC];
	_ =	sdelay $0x3  }
0x95: {  	_ =	strace s2  }
0x96: {  	s2 =	sld [smem:$0x3FFD];
	_ =	sdelay $0x3  }
0x97: {  	_ =	strace s2  }
0x98: {  	_ =	strace $0x8FFFFFFF  }
0x99: {  	s20 =	sld [smem:$0x3FDB];
	_ =	sdelay $0x1  }
0x9a: {  	s5 =	simm.s32 $_scs_section_size  }
0x9b: {  	s6 =	simm.s32 $_size__tile_overlayer_lowered;
	s7 =	simm.s32 $_tile_overlayer_lowered  }
0x9c: {  	s8 =	simm.s32 $0x1BFF;
	s21 =	sshll.u32 s7, $0x1;
	s5 =	sadd.s32 s5, s20  }
0x9d: {  	s22 =	simm.s32 $0x0;
	s6 =	sshll.u32 s6, $0x1;
	s7 =	sadd.s32 s21, s5  }
0x9e: {  	[timem:s22], [sflag:s8] =	dma.local [hbm:s7], s6  }
0x9f: {  	_ =	swait.ge [sflag:s8], s6  }
0xa0: {  	s6 =	ssub.s32 $0x0, s6;
	[sflag:s8] =	ssyncset.done $0x0  }
0xa1: {  	[sflag:s8] =	ssyncadd.s32 s6;
	_ =	sdelay $0x1  }
0xa2: {  	s23 =	simm.s32 $0x1B8B  }
0xa3: {  	_ =	swait.ge [sflag:s23], $0x1  }
0xa4: {  	[sflag:s23] =	ssyncset.done $0x0  }
0xa5: {  	[sflag:s23] =	ssyncadd.s32 $0xFFFFFFFF  }
0xa6: {  	s6 =	sld [smem:$0x0]  }
0xa7: {  	s7 =	sand.u32 $0xFFFFFFFE, s1  }
0xa8: {  	p0 =	sne.s32 s1, s7  }
0xa9: {  	s7 =	sshll.u32 @p0 s7, $0xE  }
0xaa: {  	s7 =	sadd.s32 @p0 $0x11B8D, s7;
	s8 =	sshll.u32 @p0 s6, $0x11  }
0xab: {  	s7 =	sor.u32 @p0 s8, s7  }
0xac: {  	[sflag:s7] =	ssyncadd.remote.s32 @p0 $0x1;
	_ =	sdelay $0x1  }
0xad: {  	s7 =	simm.s32 @p0 $0x1B8D  }
0xae: {  	_ =	swait.eq @p0 [sflag:s7], $0x1  }
0xaf: {  	[sflag:s7] =	ssyncadd.s32 @p0 $0xFFFFFFFF  }
0xb0: {  	s8 =	sshll.u32 @!p0 s1, $0xE  }
0xb1: {  	s8 =	sor.u32 @!p0 $0x4000, s8;
	s7 =	simm.s32 @!p0 $0x1B8D  }
0xb2: {  	s6 =	sshll.u32 @!p0 s6, $0x11;
	s8 =	sadd.s32 @!p0 $0x11B8D, s8;
	_ =	swait.eq @!p0 [sflag:s7], $0x1  }
0xb3: {  	s6 =	sor.u32 @!p0 s6, s8;
	[sflag:s7] =	ssyncadd.s32 @!p0 $0xFFFFFFFF  }
0xb4: {  	s25 =	simm.s32 $0x1B8E;
	s24 =	sld [smem:$0x3FFE];
	[sflag:s6] =	ssyncadd.remote.s32 @!p0 $0x1  }
0xb5: {  	s26 =	simm.s32 $execute0_lowered;
	[smem:$0x3FD2] =	sst s25  }
0xb6: {  	s7 =	sshll.u32 s26, $0x1;
	_ =	strace $0x8000004C;
	[dreg:$0x1] =	wrdreg $0xFFFFFFFF  }
0xb7: {  	s28 =	simm.s32 $_size_execute0_lowered;
	s5 =	sadd.s32 s5, s7;
	[dreg:$0x0] =	wrdreg $0x0  }
0xb8: {  	s7 =	sshll.u32 s28, $0x1;
	[dreg:$0x2] =	wrdreg s5  }
0xb9: {  	[dreg:$0x3] =	wrdreg s7  }
0xba: {  	[dreg:$0x4] =	wrdreg $0xC0  }
0xbb: {  	_ =	task [dreg:s22], $0x5FFFF  }
0xbc: {  	[dreg:$0x1] =	wrdreg $0xFFFFFFFF  }
0xbd: {  	[dreg:$0x0] =	wrdreg $0x60  }
0xbe: {  	[dreg:$0x2] =	wrdreg s24  }
0xbf: {  	[dreg:$0x3] =	wrdreg s18  }
0xc0: {  	[dreg:$0x4] =	wrdreg s4  }
0xc1: {  	[dreg:$0x5] =	wrdreg $0x94000  }
0xc2: {  	[dreg:$0x6] =	wrdreg $0xA  }
0xc3: {  	_ =	task.clear_ibuf [dreg:s22], $0x7FFFF;
	_ =	strace $0x9000004C  }
0xc4: {  	s29 =	simm.s32 $0xA;
	_ =	strace $0x8000004E  }
0xc5: {  	_ =	swait.ge [sflag:s29], $0x1  }
0xc6: {  	[sflag:s29] =	ssyncadd.s32 $0xFFFFFFFF  }
0xc7: {  	_ =	strace $0x9000004E  }
0xc8: {  	_ =	sfence  }
0xc9: {  	s30 =	sld [smem:$0x0];
	_ =	sdelay $0x2  }
0xca: {  	s31 =	sshll.u32 s1, $0xD;
	s1 =	sshrl.u32 s1, $0x2  }
0xcb: {  	s4 =	sand.u32 $0x4000, s31;
	s1 =	sadd.s32 s1, s30  }
0xcc: {  	s0 =	sor.u32 s4, s0;
	s1 =	sshll.u32 s1, $0x11  }
0xcd: {  	s0 =	sor.u32 s1, s0  }
0xce: {  	s0 =	sadd.s32 $0x8F2B, s0  }
0xcf: {  	[sflag:s0] =	ssyncadd.remote.s32 $0x1  }
0xd0: {  	_ =	sfence.sel $0xFFFF  }
0xd1: {  	[dreg:$0x0] =	wrdreg $0xFFFFFFFF;
	(pc) =	sbr.abs _section_cstart, $3  }
0xd2: {  	[dreg:$0x1] =	wrdreg $0xFFFFFFFF  }
0xd3: {  	_ =	task.clear_ibuf [dreg:s22], $0x2FFFF;
	_ =	strace $0x9FFFFFFF  }
0xd4: {  	(tm) =	ssettm $0x7FFFFFFF  }
0xd5: {  	_ =	shalt  }
tec
execute0_lowered:
.L_overlay_start_1:
0x0: {  	(tag) =	ssettag $0x1  }
0x1: {  	s0 =	rddreg [dreg:$0x0]  }
0x2: {  	s7 =	rddreg [dreg:$0x1]  }
0x3: {  	s9 =	rddreg [dreg:$0x2]  }
0x4: {  	s1 =	rddreg [dreg:$0x3];
	s3 =	simm.s32 $0x0  }
0x5: {  	s2 =	stileid.u32;
	s5 =	srdreg.scid;
	s28 =	simm.s32 $0x80  }
0x6: {  	s29 =	simm.s32 $0x2;
	s31 =	simm.s32 $0x3;
	s4 =	smul.u32 $0x280, s2  }
0x7: {  	[smem:$0x7FF] =	sst s3;
	s10 =	sadd.s32 $0x11F1000, s0;
	s6 =	smul.u32 $0x28, s2  }
0x8: {  	s11 =	sadd.s32 $0x1329800, s0;
	s5 =	sand.u32 $0x1, s5;
	s12 =	smul.u32 $0x2780, s2  }
0x9: {  	s14 =	smul.u32 $0x4F000, s2;
	s16 =	sadd.s32 $0x128400, s1;
	s17 =	sadd.s32 $0x25080, s7  }
0xa: {  	s19 =	smul.u32 $0x14000, s2;
	_ =	strace $0x8000004D;
	[dreg:$0x8] =	wrdreg s16  }
0xb: {  	s20 =	sadd.s32 $0xF7880, s0;
	s22 =	sadd.s32 $0x25080, s9;
	[dreg:$0x9] =	wrdreg s17  }
0xc: {  	p1 =	seq.s32 s2, $0xF;
	s26 =	ssub.s32 $0x2, s5;
	[dreg:$0xb] =	wrdreg s20  }
0xd: {  	p0 =	seq.s32 s5, $0x1;
	[dreg:$0xd] =	wrdreg s22;
	s8 =	sadd.s32 s4, s0  }
0xe: {  	s13 =	sshrl.u32 s26, $0x1;
	s6 =	ssub.s32 $0x271, s6;
	s15 =	sadd.s32 s12, s0  }
0xf: {  	s5 =	sshrl.u32 s14, $0x2;
	s14 =	sadd.s32 s7, s12;
	s21 =	sadd.s32 s9, s12  }
0x10: {  	s0 =	sadd.s32 $0x11EA80, s0;
	s24 =	sor.u32 $0x800, s19;
	[dreg:$0x7] =	wrdreg s14  }
0x11: {  	s25 =	sadd.s32 s10, s19;
	s7 =	simm.s32 $0x0;
	[dreg:$0xc] =	wrdreg s21  }
0x12: {  	s13 =	ssub.s32 s26, s13;
	s4 =	smin.u32 s6, $0x28;
	[dreg:$0xf] =	wrdreg s0  }
0x13: {  	s30 =	sadd.s32 $0x11EE800, s8;
	s8 =	sadd.s32 s5, s1;
	[dreg:$0x10] =	wrdreg s25  }
0x14: {  	s18 =	sadd.s32 $0xD2800, s15;
	s23 =	sadd.s32 $0xF9A00, s15;
	[dreg:$0x5] =	wrdreg s30  }
0x15: {  	s26 =	sadd.s32 s10, s24;
	s0 =	sadd.s32 s11, s24;
	[dreg:$0x6] =	wrdreg s8  }
.Ltmp0:
0x16: {  	s21 =	sadd.s32 $0x1000, s25;
	[dreg:$0xa] =	wrdreg s18;
	(pc) =	sbr.rel .LBB2_1-.Ltmp0, $4  }
0x17: {  	s24 =	simm.s32 $0x5;
	s25 =	simm.s32 $0x4000;
	[dreg:$0xe] =	wrdreg s23  }
0x18: {  	s16 =	smax.u32 s13, $0x1;
	[dreg:$0x11] =	wrdreg s26;
	s30 =	sadd.s32 s11, s19  }
0x19: {  	[dreg:$0x13] =	wrdreg s0;
	s23 =	simm.s32 $0x8000;
	s26 =	simm.s32 $0x1  }
0x1a: {  	s0 =	simm.s32 $0x4;
	[dreg:$0x12] =	wrdreg s30;
	s22 =	sadd.s32 $0x1000, s30  }
.LBB2_7:
0x1b: {  	[sflag:s17] =	ssyncset.done @!p3 $0x0  }
0x1c: {  	s2 =	simm.s32 @!p2 $0x3;
	[sflag:s17] =	ssyncadd.s32 @!p3 $0xFFFFC000  }
0x1d: {  	[spmem:s1] =	stream.indirect.scatter.add.f32 @!p3 [tilespmem:s15], [sflag:$0x4], $0x80, s18, s20, $0xb8;
	[tilespmem:$0x1CC80] =	vst v63  }
0x1e: {  	_ =	swait.ge @!p2 [sflag:s2], $0x4000  }
0x1f: {  	p3 =	sge.u32 s30, s4;
	[sflag:s2] =	ssyncset.done @!p2 $0x0  }
0x20: {  	s5 =	simm.s32 @!p2 $0x0;
	[sflag:s2] =	ssyncadd.s32 @!p2 $0xFFFFC000;
	s2 =	simm.s32 @!p3 $0x4  }
0x21: {  	[tilespmem:s5], [sflag:$0x1] =	stream.linear.gather @!p2 [hbm4b:s13+s5], $0x4000, $0x38;
	[tilespmem:$0x1CC80] =	vst v63  }
0x22: {  	_ =	swait.ge @!p3 [sflag:s2], $0x4000  }
0x23: {  	s14 =	simm.s32 @!p2 $0x1;
	s6 =	simm.s32 @!p3 $0x0;
	[sflag:s2] =	ssyncset.done @!p3 $0x0  }
0x24: {  	s8 =	simm.s32 @!p3 $0x4000;
	s13 =	sadd.s32 @!p3 $0x800, s13;
	[sflag:s2] =	ssyncadd.s32 @!p3 $0xFFFFC000  }
0x25: {  	[tilespmem:s8], [sflag:$0x2] =	stream.linear.gather @!p3 [hbm4b:s13+s6], $0x4000, $0x38;
	[tilespmem:$0x1CC80] =	vst v63  }
0x26: {  	_ =	swait.ge @!p2 [sflag:s14], $0x4000  }
0x27: {  	[sflag:s14] =	ssyncset.done @!p2 $0x0  }
0x28: {  	s2 =	simm.s32 @!p2 $0x80;
	s6 =	simm.s32 @!p3 $0x2;
	[sflag:s14] =	ssyncadd.s32 @!p2 $0xFFFFC000  }
0x29: {  	[spmem:s1] =	stream.indirect.scatter.add.f32 @!p2 [tilespmem:s5], [sflag:$0x3], $0x80, s12, s2, $0xb8;
	[tilespmem:$0x1CC80] =	vst v63  }
0x2a: {  	_ =	swait.ge @!p3 [sflag:s6], $0x4000  }
0x2b: {  	[sflag:s6] =	ssyncset.done @!p3 $0x0  }
0x2c: {  	s2 =	sadd.s32 @!p3 $0x80, s12;
	s5 =	simm.s32 @!p3 $0x80;
	[sflag:s6] =	ssyncadd.s32 @!p3 $0xFFFFC000  }
0x2d: {  	[spmem:s1] =	stream.indirect.scatter.add.f32 @!p3 [tilespmem:s8], [sflag:$0x4], $0x80, s2, s5, $0xb8;
	[tilespmem:$0x1CC80] =	vst v63  }
0x2e: {  	_ =	swait.ge [sflag:s31], $0x4000  }
0x2f: {  	[sflag:s31] =	ssyncset.done $0x0  }
0x30: {  	[sflag:s31] =	ssyncadd.s32 $0xFFFFC000  }
0x31: {  	_ =	swait.ge [sflag:s0], $0x4000  }
0x32: {  	[sflag:s0] =	ssyncset.done $0x0  }
0x33: {  	[sflag:s0] =	ssyncadd.s32 $0xFFFFC000  }
0x34: {  	[bflag:$0x0] =	sbarrier.arrive $0xFFFF  }
0x35: {  	s2 =	simm.s32 @p1 $0x1FC5;
	s5 =	rddreg [dreg:$0xf]  }
0x36: {  	[hbm:s5], [sflag:s2] =	dma.local @p1 [spmem:s11], $0x2080  }
0x37: {  	s2 =	simm.s32 @p1 $0x5  }
0x38: {  	_ =	swait.ge @p1 [sflag:s2], $0x2080  }
0x39: {  	[sflag:s2] =	ssyncset.done @p1 $0x0  }
0x3a: {  	[sflag:s2] =	ssyncadd.s32 @p1 $0xFFFFDF80;
	s2 =	rddreg [dreg:$0xe]  }
0x3b: {  	[hbm:s2], [sflag:s10] =	dma.local @!p1 [spmem:s9], $0x2780  }
0x3c: {  	s2 =	simm.s32 @!p1 $0x5  }
0x3d: {  	_ =	swait.ge @!p1 [sflag:s2], $0x2780  }
0x3e: {  	[sflag:s2] =	ssyncset.done @!p1 $0x0  }
0x3f: {  	[sflag:s2] =	ssyncadd.s32 @!p1 $0xFFFFD880  }
.LBB2_8:
0x40: {  	s7 =	sadd.s32 $0x1, s7  }
0x41: {  	p2 =	sne.s32 s7, s16  }
.Ltmp1:
0x42: {  	_ = 	snop;
	(pc) =	sbr.rel @!p2 .LBB2_9-.Ltmp1, $1  }
0x43: {  	_ =	sdelay $0x3  }
.LBB2_1:
0x44: {  	s2 =	rddreg [dreg:$0x5]  }
0x45: {  	[tilespmem:s23], [sflag:$0x5] =	stream.linear.gather [hbm4b:s2+s3], $0x1400, $0x38;
	[tilespmem:$0x1CC80] =	vst v63  }
.Ltmp2:
0x46: {  	_ = 	snop;
	(pc) =	sbr.rel @!p0 .LBB2_2-.Ltmp2, $4  }
0x47: {  	s2 =	stileid.u32;
	_ =	swait.ge [sflag:s24], $0x1400  }
0x48: {  	s10 =	sshll.u32 @!p1 s2, $0x6;
	s2 =	rddreg [dreg:$0x8]  }
0x49: {  	[sflag:s24] =	ssyncset.done $0x0;
	s11 =	sshrl.u32 @p1 s2, $0x3;
	s2 =	rddreg [dreg:$0x6]  }
0x4a: {  	s10 =	sor.u32 @!p1 $0x1C05, s10;
	[sflag:s24] =	ssyncadd.s32 $0xFFFFEC00;
	s9 =	sshrl.u32 @!p1 s2, $0x3  }
0x4b: {  	s2 =	simm.s32 @p1 $0x1FC5;
	s5 =	rddreg [dreg:$0xd]  }
0x4c: {  	[spmem:s11], [sflag:s2] =	dma.local @p1 [hbm:s5], $0x2080  }
0x4d: {  	s2 =	simm.s32 @p1 $0x5  }
0x4e: {  	_ =	swait.ge @p1 [sflag:s2], $0x2080  }
0x4f: {  	[sflag:s2] =	ssyncset.done @p1 $0x0  }
0x50: {  	[sflag:s2] =	ssyncadd.s32 @p1 $0xFFFFDF80;
	s2 =	rddreg [dreg:$0xc]  }
0x51: {  	[spmem:s9], [sflag:s10] =	dma.local @!p1 [hbm:s2], $0x2780  }
0x52: {  	s2 =	simm.s32 @!p1 $0x5  }
0x53: {  	_ =	swait.ge @!p1 [sflag:s2], $0x2780  }
0x54: {  	[sflag:s2] =	ssyncset.done @!p1 $0x0  }
0x55: {  	[sflag:s2] =	ssyncadd.s32 @!p1 $0xFFFFD880  }
0x56: {  	[bflag:$0x0] =	sbarrier.arrive $0xFFFF  }
0x57: {  	s18 =	rddreg [dreg:$0x12]  }
0x58: {  	[tilespmem:s3], [sflag:$0x1] =	stream.linear.gather [hbm4b:s18+s3], $0x4000, $0x38;
	[tilespmem:$0x1CC80] =	vst v63  }
0x59: {  	s19 =	rddreg [dreg:$0x13]  }
0x5a: {  	[tilespmem:s25], [sflag:$0x2] =	stream.linear.gather [hbm4b:s19+s3], $0x4000, $0x38;
	[tilespmem:$0x1CC80] =	vst v63  }
0x5b: {  	_ =	swait.ge [sflag:s26], $0x4000  }
0x5c: {  	[sflag:s26] =	ssyncset.done $0x0  }
0x5d: {  	[sflag:s26] =	ssyncadd.s32 $0xFFFFC000  }
0x5e: {  	[spmem:s1] =	stream.indirect.scatter.add.f32 [tilespmem:s3], [sflag:$0x3], $0x80, s23, s28, $0xb8;
	[tilespmem:$0x1CC80] =	vst v63  }
0x5f: {  	_ =	swait.ge [sflag:s29], $0x4000  }
0x60: {  	p2 =	sle.u32 s4, $0x2;
	[sflag:s29] =	ssyncset.done $0x0  }
0x61: {  	s20 =	simm.s32 $0x8080;
	s2 =	simm.s32 @!p2 $0x3;
	[sflag:s29] =	ssyncadd.s32 $0xFFFFC000  }
0x62: {  	[spmem:s1] =	stream.indirect.scatter.add.f32 [tilespmem:s25], [sflag:$0x4], $0x80, s20, s28, $0xb8;
	[tilespmem:$0x1CC80] =	vst v63  }
0x63: {  	_ =	swait.ge @!p2 [sflag:s2], $0x4000  }
0x64: {  	p3 =	sle.u32 s4, $0x3;
	[sflag:s2] =	ssyncset.done @!p2 $0x0  }
0x65: {  	s5 =	simm.s32 @!p2 $0x0;
	[sflag:s2] =	ssyncadd.s32 @!p2 $0xFFFFC000;
	s2 =	simm.s32 @!p3 $0x4  }
0x66: {  	[tilespmem:s5], [sflag:$0x1] =	stream.linear.gather @!p2 [hbm4b:s22+s5], $0x4000, $0x38;
	[tilespmem:$0x1CC80] =	vst v63  }
0x67: {  	s30 =	simm.s32 $0x5;
	s14 =	simm.s32 $0x7;
	_ =	swait.ge @!p3 [sflag:s2], $0x4000  }
0x68: {  	s6 =	simm.s32 @!p3 $0x0;
	s15 =	simm.s32 @!p3 $0x4000;
	[sflag:s2] =	ssyncset.done @!p3 $0x0  }
0x69: {  	s8 =	sadd.s32 @!p3 $0x800, s22;
	s12 =	simm.s32 @!p2 $0x1;
	[sflag:s2] =	ssyncadd.s32 @!p3 $0xFFFFC000  }
0x6a: {  	[tilespmem:s15], [sflag:$0x2] =	stream.linear.gather @!p3 [hbm4b:s8+s6], $0x4000, $0x38;
	[tilespmem:$0x1CC80] =	vst v63  }
0x6b: {  	s13 =	sadd.s32 $0x1000, s22;
	s17 =	simm.s32 @!p3 $0x2;
	_ =	swait.ge @!p2 [sflag:s12], $0x4000  }
0x6c: {  	s18 =	simm.s32 @!p3 $0x8180;
	s20 =	simm.s32 @!p3 $0x80;
	[sflag:s12] =	ssyncset.done @!p2 $0x0  }
0x6d: {  	s2 =	simm.s32 $0x8100;
	s6 =	simm.s32 @!p2 $0x80;
	[sflag:s12] =	ssyncadd.s32 @!p2 $0xFFFFC000  }
0x6e: {  	[spmem:s1] =	stream.indirect.scatter.add.f32 @!p2 [tilespmem:s5], [sflag:$0x3], $0x80, s2, s6, $0xb8;
	[tilespmem:$0x1CC80] =	vst v63  }
0x6f: {  	s12 =	simm.s32 $0x8200;
	p2 =	sle.u32 s4, $0x4;
	_ =	swait.ge @!p3 [sflag:s17], $0x4000  }
.LBB2_6:
0x70: {  	s2 =	simm.s32 @!p2 $0x3  }
0x71: {  	[sflag:s17] =	ssyncset.done @!p3 $0x0;
	s5 =	smov.u32 s14;
	s14 =	sadd.s32 $0x2, s14  }
0x72: {  	p4 =	sne.s32 s14, $0x29;
	[sflag:s17] =	ssyncadd.s32 @!p3 $0xFFFFC000  }
0x73: {  	[spmem:s1] =	stream.indirect.scatter.add.f32 @!p3 [tilespmem:s15], [sflag:$0x4], $0x80, s18, s20, $0xb8;
	[tilespmem:$0x1CC80] =	vst v63  }
0x74: {  	_ =	swait.ge @!p2 [sflag:s2], $0x4000  }
0x75: {  	s6 =	simm.s32 @!p2 $0x0;
	p3 =	sge.u32 s30, s4;
	[sflag:s2] =	ssyncset.done @!p2 $0x0  }
0x76: {  	s18 =	sadd.s32 @!p3 $0x80, s12;
	[sflag:s2] =	ssyncadd.s32 @!p2 $0xFFFFC000;
	s2 =	simm.s32 @!p3 $0x4  }
0x77: {  	[tilespmem:s6], [sflag:$0x1] =	stream.linear.gather @!p2 [hbm4b:s13+s6], $0x4000, $0x38;
	[tilespmem:$0x1CC80] =	vst v63  }
0x78: {  	s8 =	simm.s32 @!p3 $0x0;
	s15 =	simm.s32 @!p3 $0x4000;
	_ =	swait.ge @!p3 [sflag:s2], $0x4000  }
0x79: {  	s19 =	simm.s32 @!p2 $0x1;
	s17 =	sadd.s32 @!p3 $0x800, s13;
	[sflag:s2] =	ssyncset.done @!p3 $0x0  }
0x7a: {  	s30 =	smov.u32 s5;
	s20 =	simm.s32 @!p3 $0x80;
	[sflag:s2] =	ssyncadd.s32 @!p3 $0xFFFFC000  }
0x7b: {  	[tilespmem:s15], [sflag:$0x2] =	stream.linear.gather @!p3 [hbm4b:s17+s8], $0x4000, $0x38;
	[tilespmem:$0x1CC80] =	vst v63  }
.Ltmp3:
0x7c: {  	_ =	swait.ge @!p2 [sflag:s19], $0x4000;
	(pc) =	sbr.rel @p4 .LBB2_6-.Ltmp3, $4  }
0x7d: {  	s13 =	sadd.s32 $0x1000, s13;
	s2 =	simm.s32 @!p2 $0x80;
	[sflag:s19] =	ssyncset.done @!p2 $0x0  }
0x7e: {  	s5 =	sadd.s32 $0xFFFFFFFF, s30;
	s17 =	simm.s32 @!p3 $0x2;
	[sflag:s19] =	ssyncadd.s32 @!p2 $0xFFFFC000  }
0x7f: {  	[spmem:s1] =	stream.indirect.scatter.add.f32 @!p2 [tilespmem:s6], [sflag:$0x3], $0x80, s12, s2, $0xb8;
	[tilespmem:$0x1CC80] =	vst v63  }
0x80: {  	p2 =	sge.u32 s5, s4;
	s12 =	sadd.s32 $0x100, s12;
	_ =	swait.ge @!p3 [sflag:s17], $0x4000  }
.Ltmp4:
0x81: {  	_ = 	snop;
	(pc) =	sbr.rel .LBB2_7-.Ltmp4, $1  }
0x82: {  	_ =	sdelay $0x3  }
.LBB2_2:
0x83: {  	s12 =	simm.s32 @p1 $0x1FC5;
	s2 =	rddreg [dreg:$0x9]  }
0x84: {  	[spmem:s11], [sflag:s12] =	dma.local @p1 [hbm:s2], $0x2080  }
0x85: {  	s12 =	simm.s32 @p1 $0x5  }
0x86: {  	_ =	swait.ge @p1 [sflag:s12], $0x2080  }
0x87: {  	[sflag:s12] =	ssyncset.done @p1 $0x0  }
0x88: {  	s2 =	rddreg [dreg:$0x7];
	[sflag:s12] =	ssyncadd.s32 @p1 $0xFFFFDF80;
	s12 =	simm.s32 @!p1 $0x5  }
0x89: {  	[spmem:s9], [sflag:s10] =	dma.local @!p1 [hbm:s2], $0x2780  }
0x8a: {  	_ =	swait.ge @!p1 [sflag:s12], $0x2780  }
0x8b: {  	[sflag:s12] =	ssyncset.done @!p1 $0x0  }
0x8c: {  	[sflag:s12] =	ssyncadd.s32 @!p1 $0xFFFFD880  }
0x8d: {  	[bflag:$0x0] =	sbarrier.arrive $0xFFFF  }
0x8e: {  	s18 =	rddreg [dreg:$0x10]  }
0x8f: {  	[tilespmem:s3], [sflag:$0x1] =	stream.linear.gather [hbm4b:s18+s3], $0x4000, $0x38;
	[tilespmem:$0x1CC80] =	vst v63  }
0x90: {  	s19 =	rddreg [dreg:$0x11]  }
0x91: {  	[tilespmem:s25], [sflag:$0x2] =	stream.linear.gather [hbm4b:s19+s3], $0x4000, $0x38;
	[tilespmem:$0x1CC80] =	vst v63  }
0x92: {  	_ =	swait.ge [sflag:s26], $0x4000  }
0x93: {  	[sflag:s26] =	ssyncset.done $0x0  }
0x94: {  	[sflag:s26] =	ssyncadd.s32 $0xFFFFC000  }
0x95: {  	[spmem:s1] =	stream.indirect.scatter.add.f32 [tilespmem:s3], [sflag:$0x3], $0x80, s23, s28, $0xb8;
	[tilespmem:$0x1CC80] =	vst v63  }
0x96: {  	_ =	swait.ge [sflag:s29], $0x4000  }
0x97: {  	p2 =	sle.u32 s4, $0x2;
	[sflag:s29] =	ssyncset.done $0x0  }
0x98: {  	s20 =	simm.s32 $0x8080;
	s12 =	simm.s32 @!p2 $0x3;
	[sflag:s29] =	ssyncadd.s32 $0xFFFFC000  }
0x99: {  	[spmem:s1] =	stream.indirect.scatter.add.f32 [tilespmem:s25], [sflag:$0x4], $0x80, s20, s28, $0xb8;
	[tilespmem:$0x1CC80] =	vst v63  }
0x9a: {  	_ =	swait.ge @!p2 [sflag:s12], $0x4000  }
0x9b: {  	p3 =	sle.u32 s4, $0x3;
	[sflag:s12] =	ssyncset.done @!p2 $0x0  }
0x9c: {  	s13 =	simm.s32 @!p2 $0x0;
	[sflag:s12] =	ssyncadd.s32 @!p2 $0xFFFFC000;
	s12 =	simm.s32 @!p3 $0x4  }
0x9d: {  	[tilespmem:s13], [sflag:$0x1] =	stream.linear.gather @!p2 [hbm4b:s21+s13], $0x4000, $0x38;
	[tilespmem:$0x1CC80] =	vst v63  }
0x9e: {  	_ =	swait.ge @!p3 [sflag:s12], $0x4000  }
0x9f: {  	s14 =	simm.s32 @!p3 $0x0;
	s15 =	simm.s32 @!p3 $0x4000;
	[sflag:s12] =	ssyncset.done @!p3 $0x0  }
0xa0: {  	s17 =	sadd.s32 @!p3 $0x800, s21;
	s20 =	simm.s32 @!p2 $0x1;
	[sflag:s12] =	ssyncadd.s32 @!p3 $0xFFFFC000  }
0xa1: {  	[tilespmem:s15], [sflag:$0x2] =	stream.linear.gather @!p3 [hbm4b:s17+s14], $0x4000, $0x38;
	[tilespmem:$0x1CC80] =	vst v63  }
0xa2: {  	s30 =	simm.s32 $0x5;
	_ =	swait.ge @!p2 [sflag:s20], $0x4000  }
0xa3: {  	s18 =	simm.s32 @!p3 $0x8180;
	s12 =	simm.s32 $0x8100;
	[sflag:s20] =	ssyncset.done @!p2 $0x0  }
0xa4: {  	s14 =	simm.s32 $0x7;
	s17 =	simm.s32 @!p2 $0x80;
	[sflag:s20] =	ssyncadd.s32 @!p2 $0xFFFFC000  }
0xa5: {  	[spmem:s1] =	stream.indirect.scatter.add.f32 @!p2 [tilespmem:s13], [sflag:$0x3], $0x80, s12, s17, $0xb8;
	[tilespmem:$0x1CC80] =	vst v63  }
0xa6: {  	s20 =	simm.s32 @!p3 $0x80;
	s13 =	sadd.s32 $0x1000, s21;
	s17 =	simm.s32 @!p3 $0x2  }
0xa7: {  	p2 =	sle.u32 s4, $0x4;
	s12 =	simm.s32 $0x8200;
	_ =	swait.ge @!p3 [sflag:s17], $0x4000  }
.LBB2_3:
0xa8: {  	s19 =	simm.s32 @!p2 $0x3  }
0xa9: {  	[sflag:s17] =	ssyncset.done @!p3 $0x0;
	s2 =	smov.u32 s14;
	s14 =	sadd.s32 $0x2, s14  }
0xaa: {  	p4 =	sne.s32 s14, $0x29;
	[sflag:s17] =	ssyncadd.s32 @!p3 $0xFFFFC000  }
0xab: {  	[spmem:s1] =	stream.indirect.scatter.add.f32 @!p3 [tilespmem:s15], [sflag:$0x4], $0x80, s18, s20, $0xb8;
	[tilespmem:$0x1CC80] =	vst v63  }
0xac: {  	_ =	swait.ge @!p2 [sflag:s19], $0x4000  }
0xad: {  	s5 =	simm.s32 @!p2 $0x0;
	p3 =	sge.u32 s30, s4;
	[sflag:s19] =	ssyncset.done @!p2 $0x0  }
0xae: {  	s17 =	simm.s32 @!p3 $0x4;
	s18 =	sadd.s32 @!p3 $0x80, s12;
	[sflag:s19] =	ssyncadd.s32 @!p2 $0xFFFFC000  }
0xaf: {  	[tilespmem:s5], [sflag:$0x1] =	stream.linear.gather @!p2 [hbm4b:s13+s5], $0x4000, $0x38;
	[tilespmem:$0x1CC80] =	vst v63  }
0xb0: {  	s15 =	simm.s32 @!p3 $0x4000;
	s19 =	simm.s32 @!p3 $0x0;
	_ =	swait.ge @!p3 [sflag:s17], $0x4000  }
0xb1: {  	s8 =	simm.s32 @!p2 $0x1;
	s6 =	sadd.s32 @!p3 $0x800, s13;
	[sflag:s17] =	ssyncset.done @!p3 $0x0  }
0xb2: {  	s30 =	smov.u32 s2;
	s20 =	simm.s32 @!p3 $0x80;
	[sflag:s17] =	ssyncadd.s32 @!p3 $0xFFFFC000  }
0xb3: {  	[tilespmem:s15], [sflag:$0x2] =	stream.linear.gather @!p3 [hbm4b:s6+s19], $0x4000, $0x38;
	[tilespmem:$0x1CC80] =	vst v63  }
.Ltmp5:
0xb4: {  	_ =	swait.ge @!p2 [sflag:s8], $0x4000;
	(pc) =	sbr.rel @p4 .LBB2_3-.Ltmp5, $4  }
0xb5: {  	s2 =	simm.s32 @!p2 $0x80;
	s13 =	sadd.s32 $0x1000, s13;
	[sflag:s8] =	ssyncset.done @!p2 $0x0  }
0xb6: {  	s17 =	simm.s32 @!p3 $0x2;
	s6 =	sadd.s32 $0xFFFFFFFF, s30;
	[sflag:s8] =	ssyncadd.s32 @!p2 $0xFFFFC000  }
0xb7: {  	[spmem:s1] =	stream.indirect.scatter.add.f32 @!p2 [tilespmem:s5], [sflag:$0x3], $0x80, s12, s2, $0xb8;
	[tilespmem:$0x1CC80] =	vst v63  }
0xb8: {  	p2 =	sge.u32 s6, s4;
	s12 =	sadd.s32 $0x100, s12;
	_ =	swait.ge @!p3 [sflag:s17], $0x4000  }
0xb9: {  	[sflag:s17] =	ssyncset.done @!p3 $0x0  }
0xba: {  	s2 =	simm.s32 @!p2 $0x3;
	[sflag:s17] =	ssyncadd.s32 @!p3 $0xFFFFC000  }
0xbb: {  	[spmem:s1] =	stream.indirect.scatter.add.f32 @!p3 [tilespmem:s15], [sflag:$0x4], $0x80, s18, s20, $0xb8;
	[tilespmem:$0x1CC80] =	vst v63  }
0xbc: {  	_ =	swait.ge @!p2 [sflag:s2], $0x4000  }
0xbd: {  	p3 =	sge.u32 s30, s4;
	[sflag:s2] =	ssyncset.done @!p2 $0x0  }
0xbe: {  	s5 =	simm.s32 @!p2 $0x0;
	[sflag:s2] =	ssyncadd.s32 @!p2 $0xFFFFC000;
	s2 =	simm.s32 @!p3 $0x4  }
0xbf: {  	[tilespmem:s5], [sflag:$0x1] =	stream.linear.gather @!p2 [hbm4b:s13+s5], $0x4000, $0x38;
	[tilespmem:$0x1CC80] =	vst v63  }
0xc0: {  	_ =	swait.ge @!p3 [sflag:s2], $0x4000  }
0xc1: {  	s14 =	simm.s32 @!p2 $0x1;
	s6 =	simm.s32 @!p3 $0x0;
	[sflag:s2] =	ssyncset.done @!p3 $0x0  }
0xc2: {  	s8 =	simm.s32 @!p3 $0x4000;
	s13 =	sadd.s32 @!p3 $0x800, s13;
	[sflag:s2] =	ssyncadd.s32 @!p3 $0xFFFFC000  }
0xc3: {  	[tilespmem:s8], [sflag:$0x2] =	stream.linear.gather @!p3 [hbm4b:s13+s6], $0x4000, $0x38;
	[tilespmem:$0x1CC80] =	vst v63  }
0xc4: {  	_ =	swait.ge @!p2 [sflag:s14], $0x4000  }
0xc5: {  	[sflag:s14] =	ssyncset.done @!p2 $0x0  }
0xc6: {  	s2 =	simm.s32 @!p2 $0x80;
	s6 =	simm.s32 @!p3 $0x2;
	[sflag:s14] =	ssyncadd.s32 @!p2 $0xFFFFC000  }
0xc7: {  	[spmem:s1] =	stream.indirect.scatter.add.f32 @!p2 [tilespmem:s5], [sflag:$0x3], $0x80, s12, s2, $0xb8;
	[tilespmem:$0x1CC80] =	vst v63  }
0xc8: {  	_ =	swait.ge @!p3 [sflag:s6], $0x4000  }
0xc9: {  	[sflag:s6] =	ssyncset.done @!p3 $0x0  }
0xca: {  	s2 =	sadd.s32 @!p3 $0x80, s12;
	s5 =	simm.s32 @!p3 $0x80;
	[sflag:s6] =	ssyncadd.s32 @!p3 $0xFFFFC000  }
0xcb: {  	[spmem:s1] =	stream.indirect.scatter.add.f32 @!p3 [tilespmem:s8], [sflag:$0x4], $0x80, s2, s5, $0xb8;
	[tilespmem:$0x1CC80] =	vst v63  }
0xcc: {  	_ =	swait.ge [sflag:s31], $0x4000  }
0xcd: {  	[sflag:s31] =	ssyncset.done $0x0  }
0xce: {  	[sflag:s31] =	ssyncadd.s32 $0xFFFFC000  }
0xcf: {  	_ =	swait.ge [sflag:s0], $0x4000  }
0xd0: {  	[sflag:s0] =	ssyncset.done $0x0  }
0xd1: {  	[sflag:s0] =	ssyncadd.s32 $0xFFFFC000  }
0xd2: {  	[bflag:$0x0] =	sbarrier.arrive $0xFFFF  }
0xd3: {  	s2 =	simm.s32 @p1 $0x1FC5;
	s5 =	rddreg [dreg:$0xb]  }
0xd4: {  	[hbm:s5], [sflag:s2] =	dma.local @p1 [spmem:s11], $0x2080  }
0xd5: {  	s2 =	simm.s32 @p1 $0x5  }
0xd6: {  	_ =	swait.ge @p1 [sflag:s2], $0x2080  }
0xd7: {  	[sflag:s2] =	ssyncset.done @p1 $0x0  }
0xd8: {  	[sflag:s2] =	ssyncadd.s32 @p1 $0xFFFFDF80;
	s2 =	rddreg [dreg:$0xa]  }
0xd9: {  	[hbm:s2], [sflag:s10] =	dma.local @!p1 [spmem:s9], $0x2780  }
.Ltmp6:
0xda: {  	_ = 	snop;
	(pc) =	sbr.rel .LBB2_8-.Ltmp6, $4  }
0xdb: {  	s2 =	simm.s32 @!p1 $0x5  }
0xdc: {  	_ =	swait.ge @!p1 [sflag:s2], $0x2780  }
0xdd: {  	[sflag:s2] =	ssyncset.done @!p1 $0x0  }
0xde: {  	[sflag:s2] =	ssyncadd.s32 @!p1 $0xFFFFD880  }
.LBB2_9:
0xdf: {  	_ =	sfence.sel $0x180000  }
0xe0: {  	[bflag:$0x0] =	sbarrier.arrive $0xFFFF  }
0xe1: {  	_ =	strace $0x9000004D  }
0xe2: {  	s0 =	stileid.u32;
	[bflag:$0x2] =	sbarrier.arrive $0xFFFF  }
0xe3: {  	p0 =	sne.s32 s0, $0x0;
	s0 =	rddreg [dreg:$0x4]  }
0xe4: {  	s0 =	sadd.s32 @!p0 $0x100000, s0  }
0xe5: {  	[sflag:s0] =	ssyncadd.tile.s32 @!p0 $0x1;
	_ =	shalt  }
.Lfunc_end2:
_tile_overlayer_lowered:
.L_overlay_start_2:
0xe6: {  	(tag) =	ssettag $0x2  }
0xe7: {  	s0 =	rddreg [dreg:$0x0];
	s2 =	stileid.u32  }
0xe8: {  	s1 =	rddreg [dreg:$0x1];
	p0 =	sne.s32 s2, $0x0  }
0xe9: {  	s3 =	rddreg [dreg:$0x2];
	[bflag:$0x3] =	sbarrier.arrive $0xFFFF;
	s2 =	simm.s32 @!p0 $0x1C05  }
0xea: {  	[timem:s3], [sflag:s2] =	dma.local @!p0 [hbm:s0], s1  }
0xeb: {  	s0 =	simm.s32 @!p0 $0x5  }
0xec: {  	_ =	swait.ge @!p0 [sflag:s0], s1  }
0xed: {  	s1 =	ssub.s32 @!p0 $0x0, s1;
	[sflag:s0] =	ssyncset.done @!p0 $0x0  }
0xee: {  	[sflag:s0] =	ssyncadd.s32 @!p0 s1  }
0xef: {  	[bflag:$0x3] =	sbarrier.arrive $0xFFFF  }
0xf0: {  	_ =	shalt  }

// kernel: kernel.18.cloned.1.call-start
scs
__scs_entry_jumppad:
0x0: {  	(pc) =	sbr.rel $0x88, $3  }
0x1: {  	(tag) =	ssettag $0x0;
	lr =	simm.s32 $0x1  }
0x2: {  	[smem:$0x3F8D] =	sst lr;
	_ =	strace $0xD0000000  }
0x3: {  	_ = 	snop  }
0x4: {  	_ = 	snop  }
0x5: {  	_ = 	snop  }
0x6: {  	_ = 	snop  }
0x7: {  	_ = 	snop  }
__scs_overlays_trampoline_lowered:
0x8: {  	[smem:$0x3F9C] =	sst s0  }
0x9: {  	[smem:$0x3F9D] =	sst s1  }
0xa: {  	[smem:$0x3F9E] =	sst s2  }
0xb: {  	[smem:$0x3F9F] =	sst s3  }
0xc: {  	[smem:$0x3FA0] =	sst s4  }
0xd: {  	[smem:$0x3FA1] =	sst s5  }
0xe: {  	[smem:$0x3FA2] =	sst s6  }
0xf: {  	[smem:$0x3FA3] =	sst s7  }
0x10: {  	[smem:$0x3FA4] =	sst s8  }
0x11: {  	[smem:$0x3FA5] =	sst s9;
	s0 =	simm.s32 @!p0 $0x0  }
0x12: {  	s1 =	sld [smem:$0x3F8B];
	s0 =	simm.s32 @p0 $0x1  }
0x13: {  	[smem:$0x3FA6] =	sst s0;
	s0 =	simm.s32 @!p1 $0x0  }
0x14: {  	s2 =	sld [smem:$0x3F8A];
	s0 =	simm.s32 @p1 $0x1  }
0x15: {  	[smem:$0x3FA7] =	sst s0;
	s0 =	simm.s32 @!p2 $0x0  }
0x16: {  	s3 =	sld [smem:$0x3FDB];
	s0 =	simm.s32 @p2 $0x1  }
0x17: {  	s4 =	simm.s32 $0x1BF5;
	[smem:$0x3FA9] =	sst s0  }
0x18: {  	s0 =	sld [smem:$0x3F8C];
	_ =	swait.ge [sflag:s4], $0x0  }
0x19: {  	s7 =	sld [smem:$0x3F8D]  }
0x1a: {  	s8 =	sadd.s32 $0xFFFFE003, lr  }
0x1b: {  	s9 =	sadd.s32 $0xFFFFFEF7, lr;
	s5 =	simm.s32 $0xFFFFFFFF;
	p2 =	slt.u32 s8, $0xFFFFF086  }
0x1c: {  	p1 =	slt.u32 s9, $0xF7A;
	s5 =	simm.s32 @!p2 $0x0  }
0x1d: {  	s5 =	simm.s32 @p1 $0x1;
	p0 =	seq.s32 s7, s2  }
0x1e: {  	s7 =	smul.u32 @!p0 $0xF7A, s2;
	p2 =	seq.s32 @!p0 s5, $0x0  }
0x1f: {  	s9 =	smul.u32 $0xF7A, s1;
	s8 =	simm.s32 @!p0 $0x1BF5;
	p2 =	por !p2, p0  }
0x20: {  	[sflag:s8] =	ssyncset.s32 @!p0 $0xFFFFF086;
	s6 =	sadd.s32 @!p0 s3, s7;
	s7 =	simm.s32 @!p0 $0x108  }
0x21: {  	s3 =	sadd.s32 s3, s9;
	s6 =	sadd.s32 @!p0 $0x88, s6;
	s7 =	simm.s32 @p2 $0x1082  }
0x22: {  	[simem:s7], [sflag:s8] =	dma.local @!p0 [hbm:s6], $0xF7A  }
0x23: {  	s9 =	sor.u32 $0xD0000000, s2;
	s6 =	simm.s32 $0x108;
	_ =	swait.ge @!p0 [sflag:s8], $0x0  }
0x24: {  	s3 =	sadd.s32 $0x88, s3;
	s6 =	simm.s32 @!p1 $0x1082;
	[sflag:s4] =	ssyncset.s32 $0xFFFFF086  }
0x25: {  	[simem:s6], [sflag:s4] =	dma.local [hbm:s3], $0xF7A  }
0x26: {  	[smem:$0x3F8D] =	sst s1;
	(tag) =	ssettag s2;
	_ =	strace s9  }
0x27: {  	s1 =	sld [smem:$0x3F9D]  }
0x28: {  	s2 =	sld [smem:$0x3F9E]  }
0x29: {  	s4 =	sld [smem:$0x3FA0]  }
0x2a: {  	p0 =	seq.s32 s5, $0x0;
	s5 =	sld [smem:$0x3FA1]  }
0x2b: {  	s6 =	sld [smem:$0x3FA2]  }
0x2c: {  	s7 =	sld [smem:$0x3FA3]  }
0x2d: {  	s3 =	simm.s32 $0x108;
	s8 =	sld [smem:$0x3FA4]  }
0x2e: {  	s3 =	simm.s32 @!p0 $0x1082;
	s9 =	sld [smem:$0x3FA5]  }
0x2f: {  	lr =	sadd.s32 s0, s3;
	s0 =	sld [smem:$0x3F9C]  }
0x30: {  	s3 =	sld [smem:$0x3F9F]  }
0x31: {  	[smem:$0x3FA8] =	sst s10  }
0x32: {  	s10 =	sld [smem:$0x3FA6];
	_ =	sdelay $0x3  }
0x33: {  	p0 =	seq.s32 s10, $0x1;
	s10 =	sld [smem:$0x3FA8];
	_ =	sdelay $0x3  }
0x34: {  	[smem:$0x3FA8] =	sst s10  }
0x35: {  	s10 =	sld [smem:$0x3FA7];
	_ =	sdelay $0x3  }
0x36: {  	p1 =	seq.s32 s10, $0x1;
	s10 =	sld [smem:$0x3FA8];
	_ =	sdelay $0x3  }
0x37: {  	[smem:$0x3FA8] =	sst s10  }
0x38: {  	s10 =	sld [smem:$0x3FA9]  }
0x39: {  	_ = 	snop;
	(pc) =	sbr.ind lr, $3  }
0x3a: {  	_ = 	snop  }
0x3b: {  	_ = 	snop  }
0x3c: {  	p2 =	seq.s32 s10, $0x1;
	s10 =	sld [smem:$0x3FA8]  }
0x3d: {  	_ =	shalt  }
0x3e: {  	_ =	shalt  }
0x3f: {  	_ =	shalt  }
0x40: {  	_ =	shalt  }
0x41: {  	_ =	shalt  }
0x42: {  	_ =	shalt  }
0x43: {  	_ =	shalt  }
0x44: {  	_ =	shalt  }
0x45: {  	_ =	shalt  }
0x46: {  	_ =	shalt  }
0x47: {  	_ =	shalt  }
0x48: {  	_ =	shalt  }
0x49: {  	_ =	shalt  }
0x4a: {  	_ =	shalt  }
0x4b: {  	_ =	shalt  }
0x4c: {  	_ =	shalt  }
0x4d: {  	_ =	shalt  }
0x4e: {  	_ =	shalt  }
0x4f: {  	_ =	shalt  }
0x50: {  	_ =	shalt  }
0x51: {  	_ =	shalt  }
0x52: {  	_ =	shalt  }
0x53: {  	_ =	shalt  }
0x54: {  	_ =	shalt  }
0x55: {  	_ =	shalt  }
0x56: {  	_ =	shalt  }
0x57: {  	_ =	shalt  }
0x58: {  	_ =	shalt  }
0x59: {  	_ =	shalt  }
0x5a: {  	_ =	shalt  }
0x5b: {  	_ =	shalt  }
0x5c: {  	_ =	shalt  }
0x5d: {  	_ =	shalt  }
0x5e: {  	_ =	shalt  }
0x5f: {  	_ =	shalt  }
0x60: {  	_ =	shalt  }
0x61: {  	_ =	shalt  }
0x62: {  	_ =	shalt  }
0x63: {  	_ =	shalt  }
0x64: {  	_ =	shalt  }
0x65: {  	_ =	shalt  }
0x66: {  	_ =	shalt  }
0x67: {  	_ =	shalt  }
0x68: {  	_ =	shalt  }
0x69: {  	_ =	shalt  }
0x6a: {  	_ =	shalt  }
0x6b: {  	_ =	shalt  }
0x6c: {  	_ =	shalt  }
0x6d: {  	_ =	shalt  }
0x6e: {  	_ =	shalt  }
0x6f: {  	_ =	shalt  }
0x70: {  	_ =	shalt  }
0x71: {  	_ =	shalt  }
0x72: {  	_ =	shalt  }
0x73: {  	_ =	shalt  }
0x74: {  	_ =	shalt  }
0x75: {  	_ =	shalt  }
0x76: {  	_ =	shalt  }
0x77: {  	_ =	shalt  }
0x78: {  	_ =	shalt  }
0x79: {  	_ =	shalt  }
0x7a: {  	_ =	shalt  }
0x7b: {  	_ =	shalt  }
0x7c: {  	_ =	shalt  }
0x7d: {  	_ =	shalt  }
0x7e: {  	_ =	shalt  }
0x7f: {  	_ =	shalt  }
0x80: {  	_ =	shalt  }
0x81: {  	_ =	shalt  }
0x82: {  	_ =	shalt  }
0x83: {  	_ =	shalt  }
0x84: {  	_ =	shalt  }
0x85: {  	_ =	shalt  }
0x86: {  	_ =	shalt  }
0x87: {  	_ =	shalt  }
.Lfunc_end0:
.L_simem_size_0:
called_computation.3_lowered:
.L_overlay_start_0:
0x88: {  	s2 =	sld [smem:$0x3FD9]  }
0x89: {  	s3 =	sld [smem:$0x3FFE];
	_ =	sdelay $0x1  }
0x8a: {  	s1 =	srdreg.scid  }
0x8b: {  	s0 =	sand.u32 $0x1, s1  }
0x8c: {  	s14 =	sshll.u32 s0, $0xA;
	s2 =	sadd.s32 s3, s2  }
0x8d: {  	s2 =	sadd.s32 s2, s14  }
0x8e: {  	[smem:$0x3FB4] =	sst s2  }
0x8f: {  	_ = 	snop  }
0x90: {  	s2 =	sld [smem:$0x3FD0];
	_ =	sdelay $0x2  }
0x91: {  	s15 =	simm.s32 $0xB;
	s4 =	simm.s32 $0x10  }
0x92: {  	[smem:s4], [sflag:s15] =	dma.local [hbm:s2], $0x1  }
0x93: {  	_ =	swait.eq [sflag:s15], $0x1  }
0x94: {  	[sflag:s15] =	ssyncset.done $0x0  }
0x95: {  	s16 =	sld [smem:$0x10];
	[sflag:s15] =	ssyncadd.s32 $0xFFFFFFFF  }
0x96: {  	s17 =	sld [smem:$0x11];
	(tm) =	ssettm $0x1  }
0x97: {  	s18 =	sld [smem:$0x3FFB];
	_ =	sdelay $0x3  }
0x98: {  	_ =	strace s18  }
0x99: {  	s4 =	sld [smem:$0x3FFC];
	_ =	sdelay $0x3  }
0x9a: {  	_ =	strace s4  }
0x9b: {  	s4 =	sld [smem:$0x3FFD];
	_ =	sdelay $0x3  }
0x9c: {  	_ =	strace s4  }
0x9d: {  	_ =	strace $0x8FFFFFFF  }
0x9e: {  	s19 =	sld [smem:$0x3FDB];
	_ =	sdelay $0x1  }
0x9f: {  	s5 =	simm.s32 $_scs_section_size  }
0xa0: {  	s6 =	simm.s32 $_size__tile_overlayer_lowered;
	s7 =	simm.s32 $_tile_overlayer_lowered  }
0xa1: {  	s22 =	simm.s32 $0x1BFF;
	s21 =	sshll.u32 s7, $0x1;
	s4 =	sadd.s32 s5, s19  }
0xa2: {  	s8 =	simm.s32 $0x0;
	s20 =	sshll.u32 s6, $0x1;
	s6 =	sadd.s32 s21, s4  }
0xa3: {  	[timem:s8], [sflag:s22] =	dma.local [hbm:s6], s20  }
0xa4: {  	_ =	swait.ge [sflag:s22], s20  }
0xa5: {  	s5 =	ssub.s32 $0x0, s20;
	[sflag:s22] =	ssyncset.done $0x0  }
0xa6: {  	[sflag:s22] =	ssyncadd.s32 s5;
	_ =	sdelay $0x1  }
0xa7: {  	s23 =	simm.s32 $0x1B8B  }
0xa8: {  	_ =	swait.ge [sflag:s23], $0x1  }
0xa9: {  	[sflag:s23] =	ssyncset.done $0x0  }
0xaa: {  	s25 =	simm.s32 $0x1B8E;
	s24 =	sld [smem:$0x3FFE];
	[sflag:s23] =	ssyncadd.s32 $0xFFFFFFFF  }
0xab: {  	s26 =	simm.s32 $execute0_lowered;
	[smem:$0x3FD2] =	sst s25  }
0xac: {  	s6 =	sshll.u32 s26, $0x1;
	_ =	strace $0x8000004F;
	[dreg:$0x1] =	wrdreg $0xFFFFFFFF  }
0xad: {  	s28 =	simm.s32 $_size_execute0_lowered;
	s4 =	sadd.s32 s4, s6;
	[dreg:$0x0] =	wrdreg $0x0  }
0xae: {  	s6 =	sshll.u32 s28, $0x1;
	[dreg:$0x2] =	wrdreg s4  }
0xaf: {  	[dreg:$0x3] =	wrdreg s6  }
0xb0: {  	[dreg:$0x4] =	wrdreg $0xC0  }
0xb1: {  	_ =	task [dreg:s8], $0x5FFFF  }
0xb2: {  	[dreg:$0x1] =	wrdreg $0xFFFFFFFF  }
0xb3: {  	[dreg:$0x0] =	wrdreg $0x60  }
0xb4: {  	[dreg:$0x2] =	wrdreg s24  }
0xb5: {  	[dreg:$0x3] =	wrdreg s16  }
0xb6: {  	[dreg:$0x4] =	wrdreg s17  }
0xb7: {  	[dreg:$0x5] =	wrdreg $0x94000  }
0xb8: {  	[dreg:$0x6] =	wrdreg $0x9  }
0xb9: {  	_ =	task.clear_ibuf [dreg:s8], $0x7FFFF;
	_ =	strace $0x9000004F  }
0xba: {  	s29 =	simm.s32 $0x9;
	_ =	strace $0x80000051  }
0xbb: {  	_ =	swait.ge [sflag:s29], $0x1  }
0xbc: {  	[sflag:s29] =	ssyncadd.s32 $0xFFFFFFFF  }
0xbd: {  	_ =	strace $0x90000051  }
0xbe: {  	_ =	sfence  }
0xbf: {  	s30 =	sld [smem:$0x0];
	_ =	sdelay $0x2  }
0xc0: {  	s31 =	sshll.u32 s1, $0xD;
	s1 =	sshrl.u32 s1, $0x2  }
0xc1: {  	s3 =	sand.u32 $0x4000, s31;
	s1 =	sadd.s32 s1, s30  }
0xc2: {  	s0 =	sor.u32 s3, s0;
	s1 =	sshll.u32 s1, $0x11  }
0xc3: {  	s0 =	sor.u32 s1, s0  }
0xc4: {  	s0 =	sadd.s32 $0x8F2B, s0  }
0xc5: {  	[sflag:s0] =	ssyncadd.remote.s32 $0x1  }
0xc6: {  	_ =	sfence.sel $0xFFFF  }
0xc7: {  	[dreg:$0x0] =	wrdreg $0xFFFFFFFF;
	(pc) =	sbr.abs _section_cstart, $3  }
0xc8: {  	[dreg:$0x1] =	wrdreg $0xFFFFFFFF  }
0xc9: {  	_ =	task.clear_ibuf [dreg:s8], $0x2FFFF;
	_ =	strace $0x9FFFFFFF  }
0xca: {  	(tm) =	ssettm $0x7FFFFFFF  }
0xcb: {  	_ =	shalt  }
tec
execute0_lowered:
.L_overlay_start_1:
0x0: {  	(tag) =	ssettag $0x1  }
0x1: {  	s0 =	rddreg [dreg:$0x0]  }
0x2: {  	s7 =	rddreg [dreg:$0x1]  }
0x3: {  	s9 =	rddreg [dreg:$0x2]  }
0x4: {  	s1 =	rddreg [dreg:$0x3];
	s3 =	simm.s32 $0x0  }
0x5: {  	s2 =	stileid.u32;
	s4 =	srdreg.scid;
	s28 =	simm.s32 $0x80  }
0x6: {  	s29 =	simm.s32 $0x2;
	s31 =	simm.s32 $0x3;
	s11 =	smul.u32 $0x2780, s2  }
0x7: {  	[smem:$0x7FF] =	sst s3;
	s10 =	sadd.s32 $0x120C00, s0;
	s26 =	smul.u32 $0x28, s2  }
0x8: {  	s12 =	sadd.s32 $0x259400, s0;
	s5 =	sand.u32 $0x1, s4;
	s6 =	smul.u32 $0x280, s2  }
0x9: {  	s15 =	smul.u32 $0x4F000, s2;
	s16 =	sadd.s32 $0x128400, s1;
	s17 =	sadd.s32 $0xF7880, s0  }
0xa: {  	s19 =	smul.u32 $0x14000, s2;
	_ =	strace $0x80000050;
	[dreg:$0x8] =	wrdreg s16  }
0xb: {  	s20 =	sadd.s32 $0x25080, s7;
	s23 =	sadd.s32 $0x25080, s9;
	[dreg:$0x9] =	wrdreg s17  }
0xc: {  	p1 =	seq.s32 s2, $0xF;
	s8 =	ssub.s32 $0x2, s5;
	[dreg:$0xb] =	wrdreg s20  }
0xd: {  	p0 =	seq.s32 s5, $0x1;
	[dreg:$0xf] =	wrdreg s23;
	s23 =	simm.s32 $0x8000  }
0xe: {  	s13 =	sadd.s32 s11, s0;
	s14 =	sshrl.u32 s8, $0x1;
	s18 =	sadd.s32 s7, s11  }
0xf: {  	s6 =	sadd.s32 s6, s0;
	s0 =	sadd.s32 $0x11EA80, s0;
	[dreg:$0xa] =	wrdreg s18  }
0x10: {  	s4 =	ssub.s32 $0x271, s26;
	s22 =	sadd.s32 s9, s11;
	[dreg:$0xd] =	wrdreg s0  }
0x11: {  	s5 =	sshrl.u32 s15, $0x2;
	s25 =	sadd.s32 s10, s19;
	[dreg:$0xe] =	wrdreg s22  }
0x12: {  	s24 =	sor.u32 $0x800, s19;
	s30 =	sadd.s32 $0x5200, s6;
	[dreg:$0x10] =	wrdreg s25  }
0x13: {  	s14 =	ssub.s32 s8, s14;
	s8 =	sadd.s32 s5, s1;
	[dreg:$0x5] =	wrdreg s30  }
0x14: {  	s7 =	simm.s32 $0x0;
	s15 =	sadd.s32 $0xD2800, s13;
	[dreg:$0x6] =	wrdreg s8  }
0x15: {  	s4 =	smin.u32 s4, $0x28;
	s21 =	sadd.s32 $0xF9A00, s13;
	[dreg:$0x7] =	wrdreg s15  }
.Ltmp0:
0x16: {  	s26 =	sadd.s32 s10, s24;
	[dreg:$0xc] =	wrdreg s21;
	(pc) =	sbr.rel .LBB2_1-.Ltmp0, $4  }
0x17: {  	s0 =	sadd.s32 s12, s24;
	s24 =	simm.s32 $0x5;
	[dreg:$0x11] =	wrdreg s26  }
0x18: {  	s16 =	smax.u32 s14, $0x1;
	s30 =	sadd.s32 s12, s19;
	[dreg:$0x13] =	wrdreg s0  }
0x19: {  	s21 =	sadd.s32 $0x1000, s25;
	s25 =	simm.s32 $0x4000;
	s26 =	simm.s32 $0x1  }
0x1a: {  	s0 =	simm.s32 $0x4;
	[dreg:$0x12] =	wrdreg s30;
	s22 =	sadd.s32 $0x1000, s30  }
.LBB2_7:
0x1b: {  	[sflag:s17] =	ssyncset.done @!p3 $0x0  }
0x1c: {  	s2 =	simm.s32 @!p2 $0x3;
	[sflag:s17] =	ssyncadd.s32 @!p3 $0xFFFFC000  }
0x1d: {  	[spmem:s1] =	stream.indirect.scatter.add.f32 @!p3 [tilespmem:s15], [sflag:$0x4], $0x80, s18, s20, $0xb8;
	[tilespmem:$0x1CC80] =	vst v63  }
0x1e: {  	_ =	swait.ge @!p2 [sflag:s2], $0x4000  }
0x1f: {  	p3 =	sge.u32 s30, s4;
	[sflag:s2] =	ssyncset.done @!p2 $0x0  }
0x20: {  	s5 =	simm.s32 @!p2 $0x0;
	[sflag:s2] =	ssyncadd.s32 @!p2 $0xFFFFC000;
	s2 =	simm.s32 @!p3 $0x4  }
0x21: {  	[tilespmem:s5], [sflag:$0x1] =	stream.linear.gather @!p2 [hbm4b:s13+s5], $0x4000, $0x38;
	[tilespmem:$0x1CC80] =	vst v63  }
0x22: {  	_ =	swait.ge @!p3 [sflag:s2], $0x4000  }
0x23: {  	s14 =	simm.s32 @!p2 $0x1;
	s6 =	simm.s32 @!p3 $0x0;
	[sflag:s2] =	ssyncset.done @!p3 $0x0  }
0x24: {  	s8 =	simm.s32 @!p3 $0x4000;
	s13 =	sadd.s32 @!p3 $0x800, s13;
	[sflag:s2] =	ssyncadd.s32 @!p3 $0xFFFFC000  }
0x25: {  	[tilespmem:s8], [sflag:$0x2] =	stream.linear.gather @!p3 [hbm4b:s13+s6], $0x4000, $0x38;
	[tilespmem:$0x1CC80] =	vst v63  }
0x26: {  	_ =	swait.ge @!p2 [sflag:s14], $0x4000  }
0x27: {  	[sflag:s14] =	ssyncset.done @!p2 $0x0  }
0x28: {  	s2 =	simm.s32 @!p2 $0x80;
	s6 =	simm.s32 @!p3 $0x2;
	[sflag:s14] =	ssyncadd.s32 @!p2 $0xFFFFC000  }
0x29: {  	[spmem:s1] =	stream.indirect.scatter.add.f32 @!p2 [tilespmem:s5], [sflag:$0x3], $0x80, s12, s2, $0xb8;
	[tilespmem:$0x1CC80] =	vst v63  }
0x2a: {  	_ =	swait.ge @!p3 [sflag:s6], $0x4000  }
0x2b: {  	[sflag:s6] =	ssyncset.done @!p3 $0x0  }
0x2c: {  	s2 =	sadd.s32 @!p3 $0x80, s12;
	s5 =	simm.s32 @!p3 $0x80;
	[sflag:s6] =	ssyncadd.s32 @!p3 $0xFFFFC000  }
0x2d: {  	[spmem:s1] =	stream.indirect.scatter.add.f32 @!p3 [tilespmem:s8], [sflag:$0x4], $0x80, s2, s5, $0xb8;
	[tilespmem:$0x1CC80] =	vst v63  }
0x2e: {  	_ =	swait.ge [sflag:s31], $0x4000  }
0x2f: {  	[sflag:s31] =	ssyncset.done $0x0  }
0x30: {  	[sflag:s31] =	ssyncadd.s32 $0xFFFFC000  }
0x31: {  	_ =	swait.ge [sflag:s0], $0x4000  }
0x32: {  	[sflag:s0] =	ssyncset.done $0x0  }
0x33: {  	[sflag:s0] =	ssyncadd.s32 $0xFFFFC000  }
0x34: {  	[bflag:$0x0] =	sbarrier.arrive $0xFFFF  }
0x35: {  	s2 =	simm.s32 @p1 $0x1FC5;
	s5 =	rddreg [dreg:$0xf]  }
0x36: {  	[hbm:s5], [sflag:s2] =	dma.local @p1 [spmem:s11], $0x2080  }
0x37: {  	s2 =	simm.s32 @p1 $0x5  }
0x38: {  	_ =	swait.ge @p1 [sflag:s2], $0x2080  }
0x39: {  	[sflag:s2] =	ssyncset.done @p1 $0x0  }
0x3a: {  	[sflag:s2] =	ssyncadd.s32 @p1 $0xFFFFDF80;
	s2 =	rddreg [dreg:$0xe]  }
0x3b: {  	[hbm:s2], [sflag:s10] =	dma.local @!p1 [spmem:s9], $0x2780  }
0x3c: {  	s2 =	simm.s32 @!p1 $0x5  }
0x3d: {  	_ =	swait.ge @!p1 [sflag:s2], $0x2780  }
0x3e: {  	[sflag:s2] =	ssyncset.done @!p1 $0x0  }
0x3f: {  	[sflag:s2] =	ssyncadd.s32 @!p1 $0xFFFFD880  }
.LBB2_8:
0x40: {  	s7 =	sadd.s32 $0x1, s7  }
0x41: {  	p2 =	sne.s32 s7, s16  }
.Ltmp1:
0x42: {  	_ = 	snop;
	(pc) =	sbr.rel @!p2 .LBB2_9-.Ltmp1, $1  }
0x43: {  	_ =	sdelay $0x3  }
.LBB2_1:
0x44: {  	s2 =	rddreg [dreg:$0x5]  }
0x45: {  	[tilespmem:s23], [sflag:$0x5] =	stream.linear.gather [hbm4b:s2+s3], $0x1400, $0x38;
	[tilespmem:$0x1CC80] =	vst v63  }
.Ltmp2:
0x46: {  	_ = 	snop;
	(pc) =	sbr.rel @!p0 .LBB2_2-.Ltmp2, $4  }
0x47: {  	s2 =	stileid.u32;
	_ =	swait.ge [sflag:s24], $0x1400  }
0x48: {  	s10 =	sshll.u32 @!p1 s2, $0x6;
	s2 =	rddreg [dreg:$0x8]  }
0x49: {  	[sflag:s24] =	ssyncset.done $0x0;
	s11 =	sshrl.u32 @p1 s2, $0x3;
	s2 =	rddreg [dreg:$0x6]  }
0x4a: {  	s10 =	sor.u32 @!p1 $0x1C05, s10;
	[sflag:s24] =	ssyncadd.s32 $0xFFFFEC00;
	s9 =	sshrl.u32 @!p1 s2, $0x3  }
0x4b: {  	s2 =	simm.s32 @p1 $0x1FC5;
	s5 =	rddreg [dreg:$0xd]  }
0x4c: {  	[spmem:s11], [sflag:s2] =	dma.local @p1 [hbm:s5], $0x2080  }
0x4d: {  	s2 =	simm.s32 @p1 $0x5  }
0x4e: {  	_ =	swait.ge @p1 [sflag:s2], $0x2080  }
0x4f: {  	[sflag:s2] =	ssyncset.done @p1 $0x0  }
0x50: {  	[sflag:s2] =	ssyncadd.s32 @p1 $0xFFFFDF80;
	s2 =	rddreg [dreg:$0xc]  }
0x51: {  	[spmem:s9], [sflag:s10] =	dma.local @!p1 [hbm:s2], $0x2780  }
0x52: {  	s2 =	simm.s32 @!p1 $0x5  }
0x53: {  	_ =	swait.ge @!p1 [sflag:s2], $0x2780  }
0x54: {  	[sflag:s2] =	ssyncset.done @!p1 $0x0  }
0x55: {  	[sflag:s2] =	ssyncadd.s32 @!p1 $0xFFFFD880  }
0x56: {  	[bflag:$0x0] =	sbarrier.arrive $0xFFFF  }
0x57: {  	s18 =	rddreg [dreg:$0x12]  }
0x58: {  	[tilespmem:s3], [sflag:$0x1] =	stream.linear.gather [hbm4b:s18+s3], $0x4000, $0x38;
	[tilespmem:$0x1CC80] =	vst v63  }
0x59: {  	s19 =	rddreg [dreg:$0x13]  }
0x5a: {  	[tilespmem:s25], [sflag:$0x2] =	stream.linear.gather [hbm4b:s19+s3], $0x4000, $0x38;
	[tilespmem:$0x1CC80] =	vst v63  }
0x5b: {  	_ =	swait.ge [sflag:s26], $0x4000  }
0x5c: {  	[sflag:s26] =	ssyncset.done $0x0  }
0x5d: {  	[sflag:s26] =	ssyncadd.s32 $0xFFFFC000  }
0x5e: {  	[spmem:s1] =	stream.indirect.scatter.add.f32 [tilespmem:s3], [sflag:$0x3], $0x80, s23, s28, $0xb8;
	[tilespmem:$0x1CC80] =	vst v63  }
0x5f: {  	_ =	swait.ge [sflag:s29], $0x4000  }
0x60: {  	p2 =	sle.u32 s4, $0x2;
	[sflag:s29] =	ssyncset.done $0x0  }
0x61: {  	s20 =	simm.s32 $0x8080;
	s2 =	simm.s32 @!p2 $0x3;
	[sflag:s29] =	ssyncadd.s32 $0xFFFFC000  }
0x62: {  	[spmem:s1] =	stream.indirect.scatter.add.f32 [tilespmem:s25], [sflag:$0x4], $0x80, s20, s28, $0xb8;
	[tilespmem:$0x1CC80] =	vst v63  }
0x63: {  	_ =	swait.ge @!p2 [sflag:s2], $0x4000  }
0x64: {  	p3 =	sle.u32 s4, $0x3;
	[sflag:s2] =	ssyncset.done @!p2 $0x0  }
0x65: {  	s5 =	simm.s32 @!p2 $0x0;
	[sflag:s2] =	ssyncadd.s32 @!p2 $0xFFFFC000;
	s2 =	simm.s32 @!p3 $0x4  }
0x66: {  	[tilespmem:s5], [sflag:$0x1] =	stream.linear.gather @!p2 [hbm4b:s22+s5], $0x4000, $0x38;
	[tilespmem:$0x1CC80] =	vst v63  }
0x67: {  	s30 =	simm.s32 $0x5;
	s14 =	simm.s32 $0x7;
	_ =	swait.ge @!p3 [sflag:s2], $0x4000  }
0x68: {  	s6 =	simm.s32 @!p3 $0x0;
	s15 =	simm.s32 @!p3 $0x4000;
	[sflag:s2] =	ssyncset.done @!p3 $0x0  }
0x69: {  	s8 =	sadd.s32 @!p3 $0x800, s22;
	s12 =	simm.s32 @!p2 $0x1;
	[sflag:s2] =	ssyncadd.s32 @!p3 $0xFFFFC000  }
0x6a: {  	[tilespmem:s15], [sflag:$0x2] =	stream.linear.gather @!p3 [hbm4b:s8+s6], $0x4000, $0x38;
	[tilespmem:$0x1CC80] =	vst v63  }
0x6b: {  	s13 =	sadd.s32 $0x1000, s22;
	s17 =	simm.s32 @!p3 $0x2;
	_ =	swait.ge @!p2 [sflag:s12], $0x4000  }
0x6c: {  	s18 =	simm.s32 @!p3 $0x8180;
	s20 =	simm.s32 @!p3 $0x80;
	[sflag:s12] =	ssyncset.done @!p2 $0x0  }
0x6d: {  	s2 =	simm.s32 $0x8100;
	s6 =	simm.s32 @!p2 $0x80;
	[sflag:s12] =	ssyncadd.s32 @!p2 $0xFFFFC000  }
0x6e: {  	[spmem:s1] =	stream.indirect.scatter.add.f32 @!p2 [tilespmem:s5], [sflag:$0x3], $0x80, s2, s6, $0xb8;
	[tilespmem:$0x1CC80] =	vst v63  }
0x6f: {  	s12 =	simm.s32 $0x8200;
	p2 =	sle.u32 s4, $0x4;
	_ =	swait.ge @!p3 [sflag:s17], $0x4000  }
.LBB2_6:
0x70: {  	s2 =	simm.s32 @!p2 $0x3  }
0x71: {  	[sflag:s17] =	ssyncset.done @!p3 $0x0;
	s5 =	smov.u32 s14;
	s14 =	sadd.s32 $0x2, s14  }
0x72: {  	p4 =	sne.s32 s14, $0x29;
	[sflag:s17] =	ssyncadd.s32 @!p3 $0xFFFFC000  }
0x73: {  	[spmem:s1] =	stream.indirect.scatter.add.f32 @!p3 [tilespmem:s15], [sflag:$0x4], $0x80, s18, s20, $0xb8;
	[tilespmem:$0x1CC80] =	vst v63  }
0x74: {  	_ =	swait.ge @!p2 [sflag:s2], $0x4000  }
0x75: {  	s6 =	simm.s32 @!p2 $0x0;
	p3 =	sge.u32 s30, s4;
	[sflag:s2] =	ssyncset.done @!p2 $0x0  }
0x76: {  	s18 =	sadd.s32 @!p3 $0x80, s12;
	[sflag:s2] =	ssyncadd.s32 @!p2 $0xFFFFC000;
	s2 =	simm.s32 @!p3 $0x4  }
0x77: {  	[tilespmem:s6], [sflag:$0x1] =	stream.linear.gather @!p2 [hbm4b:s13+s6], $0x4000, $0x38;
	[tilespmem:$0x1CC80] =	vst v63  }
0x78: {  	s8 =	simm.s32 @!p3 $0x0;
	s15 =	simm.s32 @!p3 $0x4000;
	_ =	swait.ge @!p3 [sflag:s2], $0x4000  }
0x79: {  	s19 =	simm.s32 @!p2 $0x1;
	s17 =	sadd.s32 @!p3 $0x800, s13;
	[sflag:s2] =	ssyncset.done @!p3 $0x0  }
0x7a: {  	s30 =	smov.u32 s5;
	s20 =	simm.s32 @!p3 $0x80;
	[sflag:s2] =	ssyncadd.s32 @!p3 $0xFFFFC000  }
0x7b: {  	[tilespmem:s15], [sflag:$0x2] =	stream.linear.gather @!p3 [hbm4b:s17+s8], $0x4000, $0x38;
	[tilespmem:$0x1CC80] =	vst v63  }
.Ltmp3:
0x7c: {  	_ =	swait.ge @!p2 [sflag:s19], $0x4000;
	(pc) =	sbr.rel @p4 .LBB2_6-.Ltmp3, $4  }
0x7d: {  	s13 =	sadd.s32 $0x1000, s13;
	s2 =	simm.s32 @!p2 $0x80;
	[sflag:s19] =	ssyncset.done @!p2 $0x0  }
0x7e: {  	s5 =	sadd.s32 $0xFFFFFFFF, s30;
	s17 =	simm.s32 @!p3 $0x2;
	[sflag:s19] =	ssyncadd.s32 @!p2 $0xFFFFC000  }
0x7f: {  	[spmem:s1] =	stream.indirect.scatter.add.f32 @!p2 [tilespmem:s6], [sflag:$0x3], $0x80, s12, s2, $0xb8;
	[tilespmem:$0x1CC80] =	vst v63  }
0x80: {  	p2 =	sge.u32 s5, s4;
	s12 =	sadd.s32 $0x100, s12;
	_ =	swait.ge @!p3 [sflag:s17], $0x4000  }
.Ltmp4:
0x81: {  	_ = 	snop;
	(pc) =	sbr.rel .LBB2_7-.Ltmp4, $1  }
0x82: {  	_ =	sdelay $0x3  }
.LBB2_2:
0x83: {  	s12 =	simm.s32 @p1 $0x1FC5;
	s2 =	rddreg [dreg:$0x9]  }
0x84: {  	[spmem:s11], [sflag:s12] =	dma.local @p1 [hbm:s2], $0x2080  }
0x85: {  	s12 =	simm.s32 @p1 $0x5  }
0x86: {  	_ =	swait.ge @p1 [sflag:s12], $0x2080  }
0x87: {  	[sflag:s12] =	ssyncset.done @p1 $0x0  }
0x88: {  	s2 =	rddreg [dreg:$0x7];
	[sflag:s12] =	ssyncadd.s32 @p1 $0xFFFFDF80;
	s12 =	simm.s32 @!p1 $0x5  }
0x89: {  	[spmem:s9], [sflag:s10] =	dma.local @!p1 [hbm:s2], $0x2780  }
0x8a: {  	_ =	swait.ge @!p1 [sflag:s12], $0x2780  }
0x8b: {  	[sflag:s12] =	ssyncset.done @!p1 $0x0  }
0x8c: {  	[sflag:s12] =	ssyncadd.s32 @!p1 $0xFFFFD880  }
0x8d: {  	[bflag:$0x0] =	sbarrier.arrive $0xFFFF  }
0x8e: {  	s18 =	rddreg [dreg:$0x10]  }
0x8f: {  	[tilespmem:s3], [sflag:$0x1] =	stream.linear.gather [hbm4b:s18+s3], $0x4000, $0x38;
	[tilespmem:$0x1CC80] =	vst v63  }
0x90: {  	s19 =	rddreg [dreg:$0x11]  }
0x91: {  	[tilespmem:s25], [sflag:$0x2] =	stream.linear.gather [hbm4b:s19+s3], $0x4000, $0x38;
	[tilespmem:$0x1CC80] =	vst v63  }
0x92: {  	_ =	swait.ge [sflag:s26], $0x4000  }
0x93: {  	[sflag:s26] =	ssyncset.done $0x0  }
0x94: {  	[sflag:s26] =	ssyncadd.s32 $0xFFFFC000  }
0x95: {  	[spmem:s1] =	stream.indirect.scatter.add.f32 [tilespmem:s3], [sflag:$0x3], $0x80, s23, s28, $0xb8;
	[tilespmem:$0x1CC80] =	vst v63  }
0x96: {  	_ =	swait.ge [sflag:s29], $0x4000  }
0x97: {  	p2 =	sle.u32 s4, $0x2;
	[sflag:s29] =	ssyncset.done $0x0  }
0x98: {  	s20 =	simm.s32 $0x8080;
	s12 =	simm.s32 @!p2 $0x3;
	[sflag:s29] =	ssyncadd.s32 $0xFFFFC000  }
0x99: {  	[spmem:s1] =	stream.indirect.scatter.add.f32 [tilespmem:s25], [sflag:$0x4], $0x80, s20, s28, $0xb8;
	[tilespmem:$0x1CC80] =	vst v63  }
0x9a: {  	_ =	swait.ge @!p2 [sflag:s12], $0x4000  }
0x9b: {  	p3 =	sle.u32 s4, $0x3;
	[sflag:s12] =	ssyncset.done @!p2 $0x0  }
0x9c: {  	s13 =	simm.s32 @!p2 $0x0;
	[sflag:s12] =	ssyncadd.s32 @!p2 $0xFFFFC000;
	s12 =	simm.s32 @!p3 $0x4  }
0x9d: {  	[tilespmem:s13], [sflag:$0x1] =	stream.linear.gather @!p2 [hbm4b:s21+s13], $0x4000, $0x38;
	[tilespmem:$0x1CC80] =	vst v63  }
0x9e: {  	_ =	swait.ge @!p3 [sflag:s12], $0x4000  }
0x9f: {  	s14 =	simm.s32 @!p3 $0x0;
	s15 =	simm.s32 @!p3 $0x4000;
	[sflag:s12] =	ssyncset.done @!p3 $0x0  }
0xa0: {  	s17 =	sadd.s32 @!p3 $0x800, s21;
	s20 =	simm.s32 @!p2 $0x1;
	[sflag:s12] =	ssyncadd.s32 @!p3 $0xFFFFC000  }
0xa1: {  	[tilespmem:s15], [sflag:$0x2] =	stream.linear.gather @!p3 [hbm4b:s17+s14], $0x4000, $0x38;
	[tilespmem:$0x1CC80] =	vst v63  }
0xa2: {  	s30 =	simm.s32 $0x5;
	_ =	swait.ge @!p2 [sflag:s20], $0x4000  }
0xa3: {  	s18 =	simm.s32 @!p3 $0x8180;
	s12 =	simm.s32 $0x8100;
	[sflag:s20] =	ssyncset.done @!p2 $0x0  }
0xa4: {  	s14 =	simm.s32 $0x7;
	s17 =	simm.s32 @!p2 $0x80;
	[sflag:s20] =	ssyncadd.s32 @!p2 $0xFFFFC000  }
0xa5: {  	[spmem:s1] =	stream.indirect.scatter.add.f32 @!p2 [tilespmem:s13], [sflag:$0x3], $0x80, s12, s17, $0xb8;
	[tilespmem:$0x1CC80] =	vst v63  }
0xa6: {  	s20 =	simm.s32 @!p3 $0x80;
	s13 =	sadd.s32 $0x1000, s21;
	s17 =	simm.s32 @!p3 $0x2  }
0xa7: {  	p2 =	sle.u32 s4, $0x4;
	s12 =	simm.s32 $0x8200;
	_ =	swait.ge @!p3 [sflag:s17], $0x4000  }
.LBB2_3:
0xa8: {  	s19 =	simm.s32 @!p2 $0x3  }
0xa9: {  	[sflag:s17] =	ssyncset.done @!p3 $0x0;
	s2 =	smov.u32 s14;
	s14 =	sadd.s32 $0x2, s14  }
0xaa: {  	p4 =	sne.s32 s14, $0x29;
	[sflag:s17] =	ssyncadd.s32 @!p3 $0xFFFFC000  }
0xab: {  	[spmem:s1] =	stream.indirect.scatter.add.f32 @!p3 [tilespmem:s15], [sflag:$0x4], $0x80, s18, s20, $0xb8;
	[tilespmem:$0x1CC80] =	vst v63  }
0xac: {  	_ =	swait.ge @!p2 [sflag:s19], $0x4000  }
0xad: {  	s5 =	simm.s32 @!p2 $0x0;
	p3 =	sge.u32 s30, s4;
	[sflag:s19] =	ssyncset.done @!p2 $0x0  }
0xae: {  	s17 =	simm.s32 @!p3 $0x4;
	s18 =	sadd.s32 @!p3 $0x80, s12;
	[sflag:s19] =	ssyncadd.s32 @!p2 $0xFFFFC000  }
0xaf: {  	[tilespmem:s5], [sflag:$0x1] =	stream.linear.gather @!p2 [hbm4b:s13+s5], $0x4000, $0x38;
	[tilespmem:$0x1CC80] =	vst v63  }
0xb0: {  	s15 =	simm.s32 @!p3 $0x4000;
	s19 =	simm.s32 @!p3 $0x0;
	_ =	swait.ge @!p3 [sflag:s17], $0x4000  }
0xb1: {  	s8 =	simm.s32 @!p2 $0x1;
	s6 =	sadd.s32 @!p3 $0x800, s13;
	[sflag:s17] =	ssyncset.done @!p3 $0x0  }
0xb2: {  	s30 =	smov.u32 s2;
	s20 =	simm.s32 @!p3 $0x80;
	[sflag:s17] =	ssyncadd.s32 @!p3 $0xFFFFC000  }
0xb3: {  	[tilespmem:s15], [sflag:$0x2] =	stream.linear.gather @!p3 [hbm4b:s6+s19], $0x4000, $0x38;
	[tilespmem:$0x1CC80] =	vst v63  }
.Ltmp5:
0xb4: {  	_ =	swait.ge @!p2 [sflag:s8], $0x4000;
	(pc) =	sbr.rel @p4 .LBB2_3-.Ltmp5, $4  }
0xb5: {  	s2 =	simm.s32 @!p2 $0x80;
	s13 =	sadd.s32 $0x1000, s13;
	[sflag:s8] =	ssyncset.done @!p2 $0x0  }
0xb6: {  	s17 =	simm.s32 @!p3 $0x2;
	s6 =	sadd.s32 $0xFFFFFFFF, s30;
	[sflag:s8] =	ssyncadd.s32 @!p2 $0xFFFFC000  }
0xb7: {  	[spmem:s1] =	stream.indirect.scatter.add.f32 @!p2 [tilespmem:s5], [sflag:$0x3], $0x80, s12, s2, $0xb8;
	[tilespmem:$0x1CC80] =	vst v63  }
0xb8: {  	p2 =	sge.u32 s6, s4;
	s12 =	sadd.s32 $0x100, s12;
	_ =	swait.ge @!p3 [sflag:s17], $0x4000  }
0xb9: {  	[sflag:s17] =	ssyncset.done @!p3 $0x0  }
0xba: {  	s2 =	simm.s32 @!p2 $0x3;
	[sflag:s17] =	ssyncadd.s32 @!p3 $0xFFFFC000  }
0xbb: {  	[spmem:s1] =	stream.indirect.scatter.add.f32 @!p3 [tilespmem:s15], [sflag:$0x4], $0x80, s18, s20, $0xb8;
	[tilespmem:$0x1CC80] =	vst v63  }
0xbc: {  	_ =	swait.ge @!p2 [sflag:s2], $0x4000  }
0xbd: {  	p3 =	sge.u32 s30, s4;
	[sflag:s2] =	ssyncset.done @!p2 $0x0  }
0xbe: {  	s5 =	simm.s32 @!p2 $0x0;
	[sflag:s2] =	ssyncadd.s32 @!p2 $0xFFFFC000;
	s2 =	simm.s32 @!p3 $0x4  }
0xbf: {  	[tilespmem:s5], [sflag:$0x1] =	stream.linear.gather @!p2 [hbm4b:s13+s5], $0x4000, $0x38;
	[tilespmem:$0x1CC80] =	vst v63  }
0xc0: {  	_ =	swait.ge @!p3 [sflag:s2], $0x4000  }
0xc1: {  	s14 =	simm.s32 @!p2 $0x1;
	s6 =	simm.s32 @!p3 $0x0;
	[sflag:s2] =	ssyncset.done @!p3 $0x0  }
0xc2: {  	s8 =	simm.s32 @!p3 $0x4000;
	s13 =	sadd.s32 @!p3 $0x800, s13;
	[sflag:s2] =	ssyncadd.s32 @!p3 $0xFFFFC000  }
0xc3: {  	[tilespmem:s8], [sflag:$0x2] =	stream.linear.gather @!p3 [hbm4b:s13+s6], $0x4000, $0x38;
	[tilespmem:$0x1CC80] =	vst v63  }
0xc4: {  	_ =	swait.ge @!p2 [sflag:s14], $0x4000  }
0xc5: {  	[sflag:s14] =	ssyncset.done @!p2 $0x0  }
0xc6: {  	s2 =	simm.s32 @!p2 $0x80;
	s6 =	simm.s32 @!p3 $0x2;
	[sflag:s14] =	ssyncadd.s32 @!p2 $0xFFFFC000  }
0xc7: {  	[spmem:s1] =	stream.indirect.scatter.add.f32 @!p2 [tilespmem:s5], [sflag:$0x3], $0x80, s12, s2, $0xb8;
	[tilespmem:$0x1CC80] =	vst v63  }
0xc8: {  	_ =	swait.ge @!p3 [sflag:s6], $0x4000  }
0xc9: {  	[sflag:s6] =	ssyncset.done @!p3 $0x0  }
0xca: {  	s2 =	sadd.s32 @!p3 $0x80, s12;
	s5 =	simm.s32 @!p3 $0x80;
	[sflag:s6] =	ssyncadd.s32 @!p3 $0xFFFFC000  }
0xcb: {  	[spmem:s1] =	stream.indirect.scatter.add.f32 @!p3 [tilespmem:s8], [sflag:$0x4], $0x80, s2, s5, $0xb8;
	[tilespmem:$0x1CC80] =	vst v63  }
0xcc: {  	_ =	swait.ge [sflag:s31], $0x4000  }
0xcd: {  	[sflag:s31] =	ssyncset.done $0x0  }
0xce: {  	[sflag:s31] =	ssyncadd.s32 $0xFFFFC000  }
0xcf: {  	_ =	swait.ge [sflag:s0], $0x4000  }
0xd0: {  	[sflag:s0] =	ssyncset.done $0x0  }
0xd1: {  	[sflag:s0] =	ssyncadd.s32 $0xFFFFC000  }
0xd2: {  	[bflag:$0x0] =	sbarrier.arrive $0xFFFF  }
0xd3: {  	s2 =	simm.s32 @p1 $0x1FC5;
	s5 =	rddreg [dreg:$0xb]  }
0xd4: {  	[hbm:s5], [sflag:s2] =	dma.local @p1 [spmem:s11], $0x2080  }
0xd5: {  	s2 =	simm.s32 @p1 $0x5  }
0xd6: {  	_ =	swait.ge @p1 [sflag:s2], $0x2080  }
0xd7: {  	[sflag:s2] =	ssyncset.done @p1 $0x0  }
0xd8: {  	[sflag:s2] =	ssyncadd.s32 @p1 $0xFFFFDF80;
	s2 =	rddreg [dreg:$0xa]  }
0xd9: {  	[hbm:s2], [sflag:s10] =	dma.local @!p1 [spmem:s9], $0x2780  }
.Ltmp6:
0xda: {  	_ = 	snop;
	(pc) =	sbr.rel .LBB2_8-.Ltmp6, $4  }
0xdb: {  	s2 =	simm.s32 @!p1 $0x5  }
0xdc: {  	_ =	swait.ge @!p1 [sflag:s2], $0x2780  }
0xdd: {  	[sflag:s2] =	ssyncset.done @!p1 $0x0  }
0xde: {  	[sflag:s2] =	ssyncadd.s32 @!p1 $0xFFFFD880  }
.LBB2_9:
0xdf: {  	_ =	sfence.sel $0x180000  }
0xe0: {  	[bflag:$0x0] =	sbarrier.arrive $0xFFFF  }
0xe1: {  	_ =	strace $0x90000050  }
0xe2: {  	s0 =	stileid.u32;
	[bflag:$0x2] =	sbarrier.arrive $0xFFFF  }
0xe3: {  	p0 =	sne.s32 s0, $0x0;
	s0 =	rddreg [dreg:$0x4]  }
0xe4: {  	s0 =	sadd.s32 @!p0 $0x100000, s0  }
0xe5: {  	[sflag:s0] =	ssyncadd.tile.s32 @!p0 $0x1;
	_ =	shalt  }
.Lfunc_end2:
_tile_overlayer_lowered:
.L_overlay_start_2:
0xe6: {  	(tag) =	ssettag $0x2  }
0xe7: {  	s0 =	rddreg [dreg:$0x0];
	s2 =	stileid.u32  }
0xe8: {  	s1 =	rddreg [dreg:$0x1];
	p0 =	sne.s32 s2, $0x0  }
0xe9: {  	s3 =	rddreg [dreg:$0x2];
	[bflag:$0x3] =	sbarrier.arrive $0xFFFF;
	s2 =	simm.s32 @!p0 $0x1C05  }
0xea: {  	[timem:s3], [sflag:s2] =	dma.local @!p0 [hbm:s0], s1  }
0xeb: {  	s0 =	simm.s32 @!p0 $0x5  }
0xec: {  	_ =	swait.ge @!p0 [sflag:s0], s1  }
0xed: {  	s1 =	ssub.s32 @!p0 $0x0, s1;
	[sflag:s0] =	ssyncset.done @!p0 $0x0  }
0xee: {  	[sflag:s0] =	ssyncadd.s32 @!p0 s1  }
0xef: {  	[bflag:$0x3] =	sbarrier.arrive $0xFFFF  }
0xf0: {  	_ =	shalt  }

// kernel: kernel.9.cloned.1.call-start
scs
__scs_entry_jumppad:
0x0: {  	(pc) =	sbr.rel $0x88, $3  }
0x1: {  	(tag) =	ssettag $0x0;
	lr =	simm.s32 $0x1  }
0x2: {  	[smem:$0x3F8D] =	sst lr;
	_ =	strace $0xD0000000  }
0x3: {  	_ = 	snop  }
0x4: {  	_ = 	snop  }
0x5: {  	_ = 	snop  }
0x6: {  	_ = 	snop  }
0x7: {  	_ = 	snop  }
__scs_overlays_trampoline_lowered:
0x8: {  	[smem:$0x3F9C] =	sst s0  }
0x9: {  	[smem:$0x3F9D] =	sst s1  }
0xa: {  	[smem:$0x3F9E] =	sst s2  }
0xb: {  	[smem:$0x3F9F] =	sst s3  }
0xc: {  	[smem:$0x3FA0] =	sst s4  }
0xd: {  	[smem:$0x3FA1] =	sst s5  }
0xe: {  	[smem:$0x3FA2] =	sst s6  }
0xf: {  	[smem:$0x3FA3] =	sst s7  }
0x10: {  	[smem:$0x3FA4] =	sst s8  }
0x11: {  	[smem:$0x3FA5] =	sst s9;
	s0 =	simm.s32 @!p0 $0x0  }
0x12: {  	s1 =	sld [smem:$0x3F8B];
	s0 =	simm.s32 @p0 $0x1  }
0x13: {  	[smem:$0x3FA6] =	sst s0;
	s0 =	simm.s32 @!p1 $0x0  }
0x14: {  	s2 =	sld [smem:$0x3F8A];
	s0 =	simm.s32 @p1 $0x1  }
0x15: {  	[smem:$0x3FA7] =	sst s0;
	s0 =	simm.s32 @!p2 $0x0  }
0x16: {  	s3 =	sld [smem:$0x3FDB];
	s0 =	simm.s32 @p2 $0x1  }
0x17: {  	s4 =	simm.s32 $0x1BF5;
	[smem:$0x3FA9] =	sst s0  }
0x18: {  	s0 =	sld [smem:$0x3F8C];
	_ =	swait.ge [sflag:s4], $0x0  }
0x19: {  	s7 =	sld [smem:$0x3F8D]  }
0x1a: {  	s8 =	sadd.s32 $0xFFFFE003, lr  }
0x1b: {  	s9 =	sadd.s32 $0xFFFFFEF7, lr;
	s5 =	simm.s32 $0xFFFFFFFF;
	p2 =	slt.u32 s8, $0xFFFFF086  }
0x1c: {  	p1 =	slt.u32 s9, $0xF7A;
	s5 =	simm.s32 @!p2 $0x0  }
0x1d: {  	s5 =	simm.s32 @p1 $0x1;
	p0 =	seq.s32 s7, s2  }
0x1e: {  	s7 =	smul.u32 @!p0 $0xF7A, s2;
	p2 =	seq.s32 @!p0 s5, $0x0  }
0x1f: {  	s9 =	smul.u32 $0xF7A, s1;
	s8 =	simm.s32 @!p0 $0x1BF5;
	p2 =	por !p2, p0  }
0x20: {  	[sflag:s8] =	ssyncset.s32 @!p0 $0xFFFFF086;
	s6 =	sadd.s32 @!p0 s3, s7;
	s7 =	simm.s32 @!p0 $0x108  }
0x21: {  	s3 =	sadd.s32 s3, s9;
	s6 =	sadd.s32 @!p0 $0x88, s6;
	s7 =	simm.s32 @p2 $0x1082  }
0x22: {  	[simem:s7], [sflag:s8] =	dma.local @!p0 [hbm:s6], $0xF7A  }
0x23: {  	s9 =	sor.u32 $0xD0000000, s2;
	s6 =	simm.s32 $0x108;
	_ =	swait.ge @!p0 [sflag:s8], $0x0  }
0x24: {  	s3 =	sadd.s32 $0x88, s3;
	s6 =	simm.s32 @!p1 $0x1082;
	[sflag:s4] =	ssyncset.s32 $0xFFFFF086  }
0x25: {  	[simem:s6], [sflag:s4] =	dma.local [hbm:s3], $0xF7A  }
0x26: {  	[smem:$0x3F8D] =	sst s1;
	(tag) =	ssettag s2;
	_ =	strace s9  }
0x27: {  	s1 =	sld [smem:$0x3F9D]  }
0x28: {  	s2 =	sld [smem:$0x3F9E]  }
0x29: {  	s4 =	sld [smem:$0x3FA0]  }
0x2a: {  	p0 =	seq.s32 s5, $0x0;
	s5 =	sld [smem:$0x3FA1]  }
0x2b: {  	s6 =	sld [smem:$0x3FA2]  }
0x2c: {  	s7 =	sld [smem:$0x3FA3]  }
0x2d: {  	s3 =	simm.s32 $0x108;
	s8 =	sld [smem:$0x3FA4]  }
0x2e: {  	s3 =	simm.s32 @!p0 $0x1082;
	s9 =	sld [smem:$0x3FA5]  }
0x2f: {  	lr =	sadd.s32 s0, s3;
	s0 =	sld [smem:$0x3F9C]  }
0x30: {  	s3 =	sld [smem:$0x3F9F]  }
0x31: {  	[smem:$0x3FA8] =	sst s10  }
0x32: {  	s10 =	sld [smem:$0x3FA6];
	_ =	sdelay $0x3  }
0x33: {  	p0 =	seq.s32 s10, $0x1;
	s10 =	sld [smem:$0x3FA8];
	_ =	sdelay $0x3  }
0x34: {  	[smem:$0x3FA8] =	sst s10  }
0x35: {  	s10 =	sld [smem:$0x3FA7];
	_ =	sdelay $0x3  }
0x36: {  	p1 =	seq.s32 s10, $0x1;
	s10 =	sld [smem:$0x3FA8];
	_ =	sdelay $0x3  }
0x37: {  	[smem:$0x3FA8] =	sst s10  }
0x38: {  	s10 =	sld [smem:$0x3FA9]  }
0x39: {  	_ = 	snop;
	(pc) =	sbr.ind lr, $3  }
0x3a: {  	_ = 	snop  }
0x3b: {  	_ = 	snop  }
0x3c: {  	p2 =	seq.s32 s10, $0x1;
	s10 =	sld [smem:$0x3FA8]  }
0x3d: {  	_ =	shalt  }
0x3e: {  	_ =	shalt  }
0x3f: {  	_ =	shalt  }
0x40: {  	_ =	shalt  }
0x41: {  	_ =	shalt  }
0x42: {  	_ =	shalt  }
0x43: {  	_ =	shalt  }
0x44: {  	_ =	shalt  }
0x45: {  	_ =	shalt  }
0x46: {  	_ =	shalt  }
0x47: {  	_ =	shalt  }
0x48: {  	_ =	shalt  }
0x49: {  	_ =	shalt  }
0x4a: {  	_ =	shalt  }
0x4b: {  	_ =	shalt  }
0x4c: {  	_ =	shalt  }
0x4d: {  	_ =	shalt  }
0x4e: {  	_ =	shalt  }
0x4f: {  	_ =	shalt  }
0x50: {  	_ =	shalt  }
0x51: {  	_ =	shalt  }
0x52: {  	_ =	shalt  }
0x53: {  	_ =	shalt  }
0x54: {  	_ =	shalt  }
0x55: {  	_ =	shalt  }
0x56: {  	_ =	shalt  }
0x57: {  	_ =	shalt  }
0x58: {  	_ =	shalt  }
0x59: {  	_ =	shalt  }
0x5a: {  	_ =	shalt  }
0x5b: {  	_ =	shalt  }
0x5c: {  	_ =	shalt  }
0x5d: {  	_ =	shalt  }
0x5e: {  	_ =	shalt  }
0x5f: {  	_ =	shalt  }
0x60: {  	_ =	shalt  }
0x61: {  	_ =	shalt  }
0x62: {  	_ =	shalt  }
0x63: {  	_ =	shalt  }
0x64: {  	_ =	shalt  }
0x65: {  	_ =	shalt  }
0x66: {  	_ =	shalt  }
0x67: {  	_ =	shalt  }
0x68: {  	_ =	shalt  }
0x69: {  	_ =	shalt  }
0x6a: {  	_ =	shalt  }
0x6b: {  	_ =	shalt  }
0x6c: {  	_ =	shalt  }
0x6d: {  	_ =	shalt  }
0x6e: {  	_ =	shalt  }
0x6f: {  	_ =	shalt  }
0x70: {  	_ =	shalt  }
0x71: {  	_ =	shalt  }
0x72: {  	_ =	shalt  }
0x73: {  	_ =	shalt  }
0x74: {  	_ =	shalt  }
0x75: {  	_ =	shalt  }
0x76: {  	_ =	shalt  }
0x77: {  	_ =	shalt  }
0x78: {  	_ =	shalt  }
0x79: {  	_ =	shalt  }
0x7a: {  	_ =	shalt  }
0x7b: {  	_ =	shalt  }
0x7c: {  	_ =	shalt  }
0x7d: {  	_ =	shalt  }
0x7e: {  	_ =	shalt  }
0x7f: {  	_ =	shalt  }
0x80: {  	_ =	shalt  }
0x81: {  	_ =	shalt  }
0x82: {  	_ =	shalt  }
0x83: {  	_ =	shalt  }
0x84: {  	_ =	shalt  }
0x85: {  	_ =	shalt  }
0x86: {  	_ =	shalt  }
0x87: {  	_ =	shalt  }
.Lfunc_end0:
.L_simem_size_0:
called_computation_lowered:
.L_overlay_start_0:
0x88: {  	s2 =	sld [smem:$0x3FD9]  }
0x89: {  	s3 =	sld [smem:$0x3FFE];
	_ =	sdelay $0x1  }
0x8a: {  	s1 =	srdreg.scid  }
0x8b: {  	s0 =	sand.u32 $0x1, s1  }
0x8c: {  	s16 =	sshll.u32 s0, $0xA;
	s2 =	sadd.s32 s3, s2  }
0x8d: {  	s2 =	sadd.s32 s2, s16  }
0x8e: {  	[smem:$0x3FB4] =	sst s2  }
0x8f: {  	_ = 	snop  }
0x90: {  	(tm) =	ssettm $0x1  }
0x91: {  	s17 =	sld [smem:$0x3FFB];
	_ =	sdelay $0x3  }
0x92: {  	_ =	strace s17  }
0x93: {  	s2 =	sld [smem:$0x3FFC];
	_ =	sdelay $0x3  }
0x94: {  	_ =	strace s2  }
0x95: {  	s2 =	sld [smem:$0x3FFD];
	_ =	sdelay $0x3  }
0x96: {  	_ =	strace s2  }
0x97: {  	_ =	strace $0x8FFFFFFF  }
0x98: {  	s18 =	sld [smem:$0x3FDB];
	_ =	sdelay $0x1  }
0x99: {  	s19 =	simm.s32 $_scs_section_size  }
0x9a: {  	s4 =	simm.s32 $_size__tile_overlayer_lowered;
	s5 =	simm.s32 $_tile_overlayer_lowered  }
0x9b: {  	s22 =	simm.s32 $0x1BFF;
	s21 =	sshll.u32 s5, $0x1;
	s2 =	sadd.s32 s19, s18  }
0x9c: {  	s6 =	simm.s32 $0x0;
	s20 =	sshll.u32 s4, $0x1;
	s4 =	sadd.s32 s21, s2  }
0x9d: {  	[timem:s6], [sflag:s22] =	dma.local [hbm:s4], s20  }
0x9e: {  	_ =	swait.ge [sflag:s22], s20  }
0x9f: {  	s3 =	ssub.s32 $0x0, s20;
	[sflag:s22] =	ssyncset.done $0x0  }
0xa0: {  	[sflag:s22] =	ssyncadd.s32 s3;
	_ =	sdelay $0x1  }
0xa1: {  	s23 =	simm.s32 $0x1B8B  }
0xa2: {  	_ =	swait.ge [sflag:s23], $0x1  }
0xa3: {  	[sflag:s23] =	ssyncset.done $0x0  }
0xa4: {  	s25 =	simm.s32 $0x1B8E;
	s24 =	sld [smem:$0x3FFE];
	[sflag:s23] =	ssyncadd.s32 $0xFFFFFFFF  }
0xa5: {  	s26 =	simm.s32 $execute0_lowered;
	[smem:$0x3FD2] =	sst s25  }
0xa6: {  	s4 =	sshll.u32 s26, $0x1;
	_ =	strace $0x80000046;
	[dreg:$0x1] =	wrdreg $0xFFFFFFFF  }
0xa7: {  	s28 =	simm.s32 $_size_execute0_lowered;
	s2 =	sadd.s32 s2, s4;
	[dreg:$0x0] =	wrdreg $0x0  }
0xa8: {  	s4 =	sshll.u32 s28, $0x1;
	[dreg:$0x2] =	wrdreg s2  }
0xa9: {  	[dreg:$0x3] =	wrdreg s4  }
0xaa: {  	[dreg:$0x4] =	wrdreg $0xC0  }
0xab: {  	_ =	task [dreg:s6], $0x5FFFF  }
0xac: {  	[dreg:$0x1] =	wrdreg $0xFFFFFFFF  }
0xad: {  	[dreg:$0x0] =	wrdreg $0x60  }
0xae: {  	[dreg:$0x2] =	wrdreg s24  }
0xaf: {  	[dreg:$0x3] =	wrdreg $0xA  }
0xb0: {  	_ =	task.clear_ibuf [dreg:s6], $0x4FFFF;
	_ =	strace $0x90000046  }
0xb1: {  	s29 =	simm.s32 $0xA;
	_ =	strace $0x80000048  }
0xb2: {  	_ =	swait.ge [sflag:s29], $0x1  }
0xb3: {  	[sflag:s29] =	ssyncadd.s32 $0xFFFFFFFF  }
0xb4: {  	_ =	strace $0x90000048  }
0xb5: {  	_ =	sfence  }
0xb6: {  	s30 =	sld [smem:$0x0];
	_ =	sdelay $0x2  }
0xb7: {  	s31 =	sshll.u32 s1, $0xD;
	s1 =	sshrl.u32 s1, $0x2  }
0xb8: {  	s3 =	sand.u32 $0x4000, s31;
	s1 =	sadd.s32 s1, s30  }
0xb9: {  	s0 =	sor.u32 s3, s0;
	s1 =	sshll.u32 s1, $0x11  }
0xba: {  	s0 =	sor.u32 s1, s0  }
0xbb: {  	s0 =	sadd.s32 $0x8F2B, s0  }
0xbc: {  	[sflag:s0] =	ssyncadd.remote.s32 $0x1  }
0xbd: {  	_ =	sfence.sel $0xFFFF  }
0xbe: {  	[dreg:$0x0] =	wrdreg $0xFFFFFFFF;
	(pc) =	sbr.abs _section_cstart, $3  }
0xbf: {  	[dreg:$0x1] =	wrdreg $0xFFFFFFFF  }
0xc0: {  	_ =	task.clear_ibuf [dreg:s6], $0x2FFFF;
	_ =	strace $0x9FFFFFFF  }
0xc1: {  	(tm) =	ssettm $0x7FFFFFFF  }
tec
execute0_lowered:
.L_overlay_start_1:
0x0: {  	(tag) =	ssettag $0x1  }
0x1: {  	s0 =	srdreg.scid;
	s13 =	stileid.u32  }
0x2: {  	s6 =	rddreg [dreg:$0x0];
	s2 =	simm.s32 $0x0;
	s28 =	simm.s32 $0x12800  }
0x3: {  	s29 =	simm.s32 $0x12C00;
	s30 =	simm.s32 $0x13400;
	s7 =	smul.u32 $0x28, s13  }
0x4: {  	s31 =	simm.s32 $0x13800;
	s15 =	simm.s32 $0x14C00;
	s23 =	smul.u32 $0x14000, s13  }
0x5: {  	s0 =	sand.u32 $0x1, s0;
	[smem:$0x7FF] =	sst s2;
	s25 =	smul.u32 $0x1E000, s13  }
0x6: {  	s3 =	sadd.s32 $0x84600, s6;
	s4 =	sadd.s32 $0xF200, s6;
	s18 =	smul.u32 $0x280, s0  }
0x7: {  	s10 =	sadd.s32 $0x343800, s6;
	s1 =	sshll.u32 s0, $0x4;
	s21 =	smul.u32 $0x140000, s0  }
0x8: {  	s11 =	ssub.s32 $0x2, s0;
	s0 =	smul.u32 $0x1E0000, s0;
	s1 =	sor.u32 s13, s1  }
0x9: {  	s9 =	sadd.s32 $0xD2800, s6;
	_ =	strace $0x80000047;
	s5 =	smul.u32 $0x280, s1  }
0xa: {  	s12 =	sshrl.u32 s11, $0x1;
	s13 =	simm.s32 $0x0;
	s1 =	smul.u32 $0x28, s1  }
0xb: {  	s7 =	sadd.s32 s7, s18;
	s11 =	ssub.s32 s11, s12;
	s26 =	sadd.s32 s21, s9  }
0xc: {  	s0 =	sadd.s32 s0, s10;
	s21 =	simm.s32 $0xA000;
	s19 =	smul.u32 $0xC00, s7  }
0xd: {  	s22 =	smax.u32 s11, $0x1;
	s7 =	sshll.u32 s7, $0xB;
	s0 =	sadd.s32 s25, s0  }
0xe: {  	s25 =	simm.s32 $0x11C00;
	s8 =	sadd.s32 s5, s6;
	[dreg:$0x4] =	wrdreg s22  }
0xf: {  	s1 =	ssub.s32 $0x4E2, s1;
	s24 =	sadd.s32 s7, s9;
	[dreg:$0x8] =	wrdreg s0  }
0x10: {  	s22 =	simm.s32 $0x10800;
	s0 =	simm.s32 $0x14400;
	s7 =	simm.s32 $0x15800  }
0x11: {  	s9 =	simm.s32 $0x15C00;
	s5 =	smin.u32 s1, $0x28;
	s20 =	sadd.s32 $0x5200, s8  }
0x12: {  	s8 =	sadd.s32 $0xA200, s8;
	s1 =	sadd.s32 s19, s10;
	[dreg:$0x2] =	wrdreg s20  }
.Ltmp0:
0x13: {  	s10 =	simm.s32 $0x16400;
	[dreg:$0x3] =	wrdreg s8;
	(pc) =	sbr.rel .LBB2_1-.Ltmp0, $4  }
0x14: {  	s8 =	sadd.s32 $0xF300, s6;
	s1 =	sadd.s32 $0xC00, s1;
	s6 =	simm.s32 $0x15000  }
0x15: {  	v2 =	vlaneseq.u32;
	[dreg:$0x5] =	wrdreg s1;
	s1 =	sadd.s32 $0x800, s24;
	s24 =	simm.s32 $0x11400  }
0x16: {  	vm0 =	vmmov $0xffff;
	vm1 =	vmmov $0xff;
	v1 =	vshrl.u32 v2, $0x3;
	[dreg:$0x6] =	wrdreg s1;
	s1 =	sadd.s32 s23, s26;
	s23 =	simm.s32 $0x11000  }
0x17: {  	v0 =	vand.u32 $0x7, v2;
	v2 =	vor.u32 $0x8, v2;
	v1 =	vmul.u32 $0x8, v1;
	s26 =	simm.s32 $0x12000;
	[dreg:$0x7] =	wrdreg s1;
	s1 =	simm.s32 $0x14000  }
.LBB2_7:
0x18: {  	s11 =	simm.s32 $0x5  }
0x19: {  	_ =	swait.ge [sflag:s11], $0x4000  }
0x1a: {  	[sflag:s11] =	ssyncset.done $0x0  }
0x1b: {  	s18 =	simm.s32 $0x7;
	[sflag:s11] =	ssyncadd.s32 $0xFFFFC000  }
0x1c: {  	_ =	swait.ge [sflag:s18], $0x6000  }
0x1d: {  	[sflag:s18] =	ssyncset.done $0x0  }
0x1e: {  	s19 =	simm.s32 $0x6;
	[sflag:s18] =	ssyncadd.s32 $0xFFFFA000  }
0x1f: {  	_ =	swait.ge [sflag:s19], $0x4000  }
0x20: {  	[sflag:s19] =	ssyncset.done $0x0  }
0x21: {  	s12 =	simm.s32 $0x8;
	[sflag:s19] =	ssyncadd.s32 $0xFFFFC000  }
0x22: {  	_ =	swait.ge [sflag:s12], $0x6000  }
0x23: {  	s13 =	rddreg [dreg:$0x9]  }
0x24: {  	s20 =	rddreg [dreg:$0x4];
	s13 =	sadd.s32 $0x1, s13  }
0x25: {  	p0 =	sne.s32 s13, s20  }
.Ltmp1:
0x26: {  	_ = 	snop;
	(pc) =	sbr.rel @!p0 .LBB2_8-.Ltmp1, $3  }
0x27: {  	_ =	sdelay $0x1  }
0x28: {  	[sflag:s12] =	ssyncset.done $0x0  }
0x29: {  	[sflag:s12] =	ssyncadd.s32 $0xFFFFA000  }
.LBB2_1:
0x2a: {  	[dreg:$0x9] =	wrdreg s13  }
0x2b: {  	s11 =	rddreg [dreg:$0x2];
	s12 =	simm.s32 $0x9  }
0x2c: {  	[tilespmem:s2], [sflag:$0x9] =	stream.linear.gather [hbm4b:s11+s2], $0x1400, $0x38;
	[tilespmem:$0x16800] =	vst v63  }
0x2d: {  	_ =	swait.ge [sflag:s12], $0x1400  }
0x2e: {  	[sflag:s12] =	ssyncset.done $0x0  }
0x2f: {  	s20 =	simm.s32 $0x1400;
	s19 =	rddreg [dreg:$0x3];
	[sflag:s12] =	ssyncadd.s32 $0xFFFFEC00  }
0x30: {  	[tilespmem:s20], [sflag:$0x9] =	stream.linear.gather [hbm4b:s19+s2], $0x1400, $0x38;
	[tilespmem:$0x16800] =	vst v63  }
.Ltmp2:
0x31: {  	_ =	swait.ge [sflag:s12], $0x1400;
	(pc) =	sbr.rel .LBB2_2-.Ltmp2, $4  }
0x32: {  	s14 =	rddreg [dreg:$0x8]  }
0x33: {  	s13 =	simm.s32 $0x80;
	s16 =	rddreg [dreg:$0x7]  }
0x34: {  	s11 =	simm.s32 $0x1;
	[sflag:s12] =	ssyncset.done $0x0;
	s17 =	rddreg [dreg:$0x6]  }
0x35: {  	s18 =	rddreg [dreg:$0x5];
	[sflag:s12] =	ssyncadd.s32 $0xFFFFEC00;
	s12 =	simm.s32 $0x1480  }
.LBB2_6:
0x36: {  	s19 =	simm.s32 @!p0 $0x1  }
0x37: {  	_ =	swait.ge @!p0 [sflag:s19], $0x4000  }
0x38: {  	[sflag:s19] =	ssyncset.done @!p0 $0x0  }
0x39: {  	s20 =	simm.s32 @!p0 $0x2800;
	[sflag:s19] =	ssyncadd.s32 @!p0 $0xFFFFC000;
	s19 =	simm.s32 @!p0 $0x0  }
0x3a: {  	[hbm4b:s16+s19] =	stream.linear.scatter @!p0 [tilespmem:s20], [sflag:$0x5], $0x4000, $0x38;
	[tilespmem:$0x16800] =	vst v63  }
0x3b: {  	s20 =	simm.s32 @!p0 $0x3  }
0x3c: {  	_ =	swait.ge @!p0 [sflag:s20], $0x6000  }
0x3d: {  	[sflag:s20] =	ssyncset.done @!p0 $0x0  }
0x3e: {  	[sflag:s20] =	ssyncadd.s32 @!p0 $0xFFFFA000;
	s20 =	simm.s32 @!p0 $0xA800  }
0x3f: {  	[hbm4b:s14+s19] =	stream.linear.scatter @!p0 [tilespmem:s20], [sflag:$0x7], $0x6000, $0x38;
	[tilespmem:$0x16800] =	vst v63  }
0x40: {  	s19 =	simm.s32 @!p1 $0x2  }
0x41: {  	_ =	swait.ge @!p1 [sflag:s19], $0x4000  }
0x42: {  	s11 =	sadd.s32 $0x2, s11;
	[sflag:s19] =	ssyncset.done @!p1 $0x0  }
0x43: {  	s20 =	simm.s32 @!p1 $0x6800;
	[sflag:s19] =	ssyncadd.s32 @!p1 $0xFFFFC000;
	s19 =	simm.s32 @!p1 $0x0  }
0x44: {  	[hbm4b:s17+s19] =	stream.linear.scatter @!p1 [tilespmem:s20], [sflag:$0x6], $0x4000, $0x38;
	[tilespmem:$0x16800] =	vst v63  }
0x45: {  	p0 =	sne.s32 s11, $0x29;
	s20 =	simm.s32 @!p1 $0x4  }
.Ltmp3:
0x46: {  	_ =	swait.ge @!p1 [sflag:s20], $0x6000;
	(pc) =	sbr.rel @!p0 .LBB2_7-.Ltmp3, $4  }
0x47: {  	s12 =	sadd.s32 $0x100, s12;
	s13 =	sadd.s32 $0x100, s13;
	[sflag:s20] =	ssyncset.done @!p1 $0x0  }
0x48: {  	s16 =	sadd.s32 $0x1000, s16;
	[sflag:s20] =	ssyncadd.s32 @!p1 $0xFFFFA000;
	s20 =	simm.s32 @!p1 $0x10800  }
0x49: {  	[hbm4b:s18+s19] =	stream.linear.scatter @!p1 [tilespmem:s20], [sflag:$0x8], $0x6000, $0x38;
	[tilespmem:$0x16800] =	vst v63  }
0x4a: {  	s14 =	sadd.s32 $0x1800, s14;
	s17 =	sadd.s32 $0x1000, s17;
	s18 =	sadd.s32 $0x1800, s18  }
.LBB2_2:
0x4b: {  	s19 =	sadd.s32 $0xFFFFFFFF, s11  }
0x4c: {  	p0 =	sge.u32 s19, s5  }
.Ltmp4:
0x4d: {  	_ = 	snop;
	(pc) =	sbr.rel @p0 .LBB2_4-.Ltmp4, $2  }
0x4e: {  	_ =	sdelay $0x2  }
0x4f: {  	p2 =	seq.s32 s11, $0x1  }
0x50: {  	s19 =	simm.s32 @!p2 $0x5  }
0x51: {  	_ =	swait.ge @!p2 [sflag:s19], $0x4000  }
0x52: {  	[sflag:s19] =	ssyncset.done @!p2 $0x0  }
0x53: {  	[sflag:s19] =	ssyncadd.s32 @!p2 $0xFFFFC000;
	s19 =	simm.s32 @!p2 $0x7  }
0x54: {  	_ =	swait.ge @!p2 [sflag:s19], $0x6000  }
0x55: {  	[sflag:s19] =	ssyncset.done @!p2 $0x0  }
0x56: {  	[sflag:s19] =	ssyncadd.s32 @!p2 $0xFFFFA000  }
0x57: {  	v3 =	vld [tilespmem:s13+$0xFFFFFF80];
	_ =	sdelay $0x4  }
0x58: {  	v4 =	vshll.u32 v3, $0x1  }
0x59: {  	v3 =	vand.u32 $0x7, v3;
	v4 =	vand.u32 $0xFFFFFFF0, v4  }
0x5a: {  	v3 =	vor.u32 v3, v4  }
0x5b: {  	v4 =	vperm.xlane v3, v0;
	_ =	sdelay $0x1  }
0x5c: {  	v3 =	vperm.xlane v3, v2;
	v4 =	vadd.s32 v1, v4;
	_ =	sdelay $0x1  }
0x5d: {  	v3 =	vadd.s32 v1, v3;
	_ =	sdelay $0x1  }
0x5e: {  	s20 =	simm.s32 $0x2800  }
0x5f: {  	[tilespmem:s20], [sflag:$0x1] =	stream.indirect_vreg.gather [hbm4b:s3+s2], $0x80, v4, vm0, $0xb8;
	[tilespmem:$0x16800] =	vst v63  }
0x60: {  	s20 =	simm.s32 $0x3000  }
0x61: {  	[tilespmem:s20], [sflag:$0x1] =	stream.indirect_vreg.gather [hbm4b:s3+s2], $0x80, v3, vm0, $0xb8;
	[tilespmem:$0x16800] =	vst v63  }
0x62: {  	v3 =	vld [tilespmem:s13+$0xFFFFFF90];
	_ =	sdelay $0x4  }
0x63: {  	v57 =	vshll.u32 v3, $0x1  }
0x64: {  	v3 =	vand.u32 $0x7, v3;
	v4 =	vand.u32 $0xFFFFFFF0, v57  }
0x65: {  	v3 =	vor.u32 v3, v4  }
0x66: {  	v4 =	vperm.xlane v3, v0;
	_ =	sdelay $0x1  }
0x67: {  	v3 =	vperm.xlane v3, v2;
	v4 =	vadd.s32 v1, v4;
	_ =	sdelay $0x1  }
0x68: {  	v3 =	vadd.s32 v1, v3;
	_ =	sdelay $0x1  }
0x69: {  	s20 =	simm.s32 $0x3800  }
0x6a: {  	[tilespmem:s20], [sflag:$0x1] =	stream.indirect_vreg.gather [hbm4b:s3+s2], $0x80, v4, vm0, $0xb8;
	[tilespmem:$0x16800] =	vst v63  }
0x6b: {  	s20 =	simm.s32 $0x4000  }
0x6c: {  	[tilespmem:s20], [sflag:$0x1] =	stream.indirect_vreg.gather [hbm4b:s3+s2], $0x80, v3, vm0, $0xb8;
	[tilespmem:$0x16800] =	vst v63  }
0x6d: {  	v3 =	vld [tilespmem:s13+$0xFFFFFFA0];
	_ =	sdelay $0x4  }
0x6e: {  	v58 =	vshll.u32 v3, $0x1  }
0x6f: {  	v3 =	vand.u32 $0x7, v3;
	v4 =	vand.u32 $0xFFFFFFF0, v58  }
0x70: {  	v3 =	vor.u32 v3, v4  }
0x71: {  	v4 =	vperm.xlane v3, v0;
	_ =	sdelay $0x1  }
0x72: {  	v3 =	vperm.xlane v3, v2;
	v4 =	vadd.s32 v1, v4;
	_ =	sdelay $0x1  }
0x73: {  	v3 =	vadd.s32 v1, v3;
	_ =	sdelay $0x1  }
0x74: {  	s20 =	simm.s32 $0x4800  }
0x75: {  	[tilespmem:s20], [sflag:$0x1] =	stream.indirect_vreg.gather [hbm4b:s3+s2], $0x80, v4, vm0, $0xb8;
	[tilespmem:$0x16800] =	vst v63  }
0x76: {  	s20 =	simm.s32 $0x5000  }
0x77: {  	[tilespmem:s20], [sflag:$0x1] =	stream.indirect_vreg.gather [hbm4b:s3+s2], $0x80, v3, vm0, $0xb8;
	[tilespmem:$0x16800] =	vst v63  }
0x78: {  	v3 =	vld [tilespmem:s13+$0xFFFFFFB0];
	_ =	sdelay $0x4  }
0x79: {  	v59 =	vshll.u32 v3, $0x1  }
0x7a: {  	v3 =	vand.u32 $0x7, v3;
	v4 =	vand.u32 $0xFFFFFFF0, v59  }
0x7b: {  	v3 =	vor.u32 v3, v4  }
0x7c: {  	v4 =	vperm.xlane v3, v0;
	_ =	sdelay $0x1  }
0x7d: {  	v3 =	vperm.xlane v3, v2;
	v4 =	vadd.s32 v1, v4;
	_ =	sdelay $0x1  }
0x7e: {  	v3 =	vadd.s32 v1, v3;
	_ =	sdelay $0x1  }
0x7f: {  	s20 =	simm.s32 $0x5800  }
0x80: {  	[tilespmem:s20], [sflag:$0x1] =	stream.indirect_vreg.gather [hbm4b:s3+s2], $0x80, v4, vm0, $0xb8;
	[tilespmem:$0x16800] =	vst v63  }
0x81: {  	s20 =	simm.s32 $0x6000  }
0x82: {  	[tilespmem:s20], [sflag:$0x1] =	stream.indirect_vreg.gather [hbm4b:s3+s2], $0x80, v3, vm0, $0xb8;
	[tilespmem:$0x16800] =	vst v63  }
0x83: {  	v3 =	vld [tilespmem:s12+$0xFFFFFF80];
	_ =	sdelay $0x4  }
0x84: {  	v60 =	vshrl.u32 v3, $0x3  }
0x85: {  	v4 =	vmul.u32 $0x18, v60  }
0x86: {  	v3 =	vand.u32 $0x7, v3  }
0x87: {  	v3 =	vor.u32 v3, v4  }
0x88: {  	v4 =	vperm.xlane v3, v0;
	_ =	sdelay $0x1  }
0x89: {  	v4 =	vadd.s32 v1, v4;
	_ =	sdelay $0x1  }
0x8a: {  	v3 =	vperm.xlane v3, v2;
	_ =	sdelay $0x1  }
0x8b: {  	s20 =	simm.s32 $0xA800;
	v3 =	vadd.s32 v1, v3  }
0x8c: {  	[tilespmem:s20], [sflag:$0x3] =	stream.indirect_vreg.gather [hbm4b:s4+s2], $0x80, v4, vm0, $0xb8;
	[tilespmem:$0x16800] =	vst v63  }
0x8d: {  	s20 =	simm.s32 $0xB000  }
0x8e: {  	[tilespmem:s20], [sflag:$0x3] =	stream.indirect_vreg.gather [hbm4b:s8+s2], $0x80, v4, vm1, $0xb8;
	[tilespmem:$0x16800] =	vst v63  }
0x8f: {  	s20 =	simm.s32 $0xB400  }
0x90: {  	[tilespmem:s20], [sflag:$0x3] =	stream.indirect_vreg.gather [hbm4b:s4+s2], $0x80, v3, vm0, $0xb8;
	[tilespmem:$0x16800] =	vst v63  }
0x91: {  	s20 =	simm.s32 $0xBC00  }
0x92: {  	[tilespmem:s20], [sflag:$0x3] =	stream.indirect_vreg.gather [hbm4b:s8+s2], $0x80, v3, vm1, $0xb8;
	[tilespmem:$0x16800] =	vst v63  }
0x93: {  	v3 =	vld [tilespmem:s12+$0xFFFFFF90];
	_ =	sdelay $0x4  }
0x94: {  	v61 =	vshrl.u32 v3, $0x3  }
0x95: {  	v4 =	vmul.u32 $0x18, v61  }
0x96: {  	v3 =	vand.u32 $0x7, v3  }
0x97: {  	v3 =	vor.u32 v3, v4  }
0x98: {  	v4 =	vperm.xlane v3, v0;
	_ =	sdelay $0x1  }
0x99: {  	v4 =	vadd.s32 v1, v4;
	_ =	sdelay $0x1  }
0x9a: {  	v3 =	vperm.xlane v3, v2;
	_ =	sdelay $0x1  }
0x9b: {  	s20 =	simm.s32 $0xC000;
	v3 =	vadd.s32 v1, v3  }
0x9c: {  	[tilespmem:s20], [sflag:$0x3] =	stream.indirect_vreg.gather [hbm4b:s4+s2], $0x80, v4, vm0, $0xb8;
	[tilespmem:$0x16800] =	vst v63  }
0x9d: {  	s20 =	simm.s32 $0xC800  }
0x9e: {  	[tilespmem:s20], [sflag:$0x3] =	stream.indirect_vreg.gather [hbm4b:s8+s2], $0x80, v4, vm1, $0xb8;
	[tilespmem:$0x16800] =	vst v63  }
0x9f: {  	s20 =	simm.s32 $0xCC00  }
0xa0: {  	[tilespmem:s20], [sflag:$0x3] =	stream.indirect_vreg.gather [hbm4b:s4+s2], $0x80, v3, vm0, $0xb8;
	[tilespmem:$0x16800] =	vst v63  }
0xa1: {  	s20 =	simm.s32 $0xD400  }
0xa2: {  	[tilespmem:s20], [sflag:$0x3] =	stream.indirect_vreg.gather [hbm4b:s8+s2], $0x80, v3, vm1, $0xb8;
	[tilespmem:$0x16800] =	vst v63  }
0xa3: {  	v3 =	vld [tilespmem:s12+$0xFFFFFFA0];
	_ =	sdelay $0x4  }
0xa4: {  	v62 =	vshrl.u32 v3, $0x3  }
0xa5: {  	v4 =	vmul.u32 $0x18, v62  }
0xa6: {  	v3 =	vand.u32 $0x7, v3  }
0xa7: {  	v3 =	vor.u32 v3, v4  }
0xa8: {  	v4 =	vperm.xlane v3, v0;
	_ =	sdelay $0x1  }
0xa9: {  	v4 =	vadd.s32 v1, v4;
	_ =	sdelay $0x1  }
0xaa: {  	v3 =	vperm.xlane v3, v2;
	_ =	sdelay $0x1  }
0xab: {  	s20 =	simm.s32 $0xD800;
	v3 =	vadd.s32 v1, v3  }
0xac: {  	[tilespmem:s20], [sflag:$0x3] =	stream.indirect_vreg.gather [hbm4b:s4+s2], $0x80, v4, vm0, $0xb8;
	[tilespmem:$0x16800] =	vst v63  }
0xad: {  	s20 =	simm.s32 $0xE000  }
0xae: {  	[tilespmem:s20], [sflag:$0x3] =	stream.indirect_vreg.gather [hbm4b:s8+s2], $0x80, v4, vm1, $0xb8;
	[tilespmem:$0x16800] =	vst v63  }
0xaf: {  	s20 =	simm.s32 $0xE400  }
0xb0: {  	[tilespmem:s20], [sflag:$0x3] =	stream.indirect_vreg.gather [hbm4b:s4+s2], $0x80, v3, vm0, $0xb8;
	[tilespmem:$0x16800] =	vst v63  }
0xb1: {  	s20 =	simm.s32 $0xEC00  }
0xb2: {  	[tilespmem:s20], [sflag:$0x3] =	stream.indirect_vreg.gather [hbm4b:s8+s2], $0x80, v3, vm1, $0xb8;
	[tilespmem:$0x16800] =	vst v63  }
0xb3: {  	v3 =	vld [tilespmem:s12+$0xFFFFFFB0];
	_ =	sdelay $0x4  }
0xb4: {  	v63 =	vshrl.u32 v3, $0x3  }
0xb5: {  	v4 =	vmul.u32 $0x18, v63  }
0xb6: {  	v3 =	vand.u32 $0x7, v3  }
0xb7: {  	v3 =	vor.u32 v3, v4  }
0xb8: {  	v4 =	vperm.xlane v3, v0;
	_ =	sdelay $0x1  }
0xb9: {  	v4 =	vadd.s32 v1, v4;
	_ =	sdelay $0x1  }
0xba: {  	v3 =	vperm.xlane v3, v2;
	_ =	sdelay $0x1  }
0xbb: {  	s20 =	simm.s32 $0xF000;
	v3 =	vadd.s32 v1, v3  }
0xbc: {  	[tilespmem:s20], [sflag:$0x3] =	stream.indirect_vreg.gather [hbm4b:s4+s2], $0x80, v4, vm0, $0xb8;
	[tilespmem:$0x16800] =	vst v63  }
0xbd: {  	s20 =	simm.s32 $0xF800  }
0xbe: {  	[tilespmem:s20], [sflag:$0x3] =	stream.indirect_vreg.gather [hbm4b:s8+s2], $0x80, v4, vm1, $0xb8;
	[tilespmem:$0x16800] =	vst v63  }
0xbf: {  	s20 =	simm.s32 $0xFC00  }
0xc0: {  	[tilespmem:s20], [sflag:$0x3] =	stream.indirect_vreg.gather [hbm4b:s4+s2], $0x80, v3, vm0, $0xb8;
	[tilespmem:$0x16800] =	vst v63  }
0xc1: {  	s20 =	simm.s32 $0x10400  }
0xc2: {  	[tilespmem:s20], [sflag:$0x3] =	stream.indirect_vreg.gather [hbm4b:s8+s2], $0x80, v3, vm1, $0xb8;
	[tilespmem:$0x16800] =	vst v63  }
.LBB2_4:
0xc3: {  	p1 =	sge.u32 s11, s5  }
.Ltmp5:
0xc4: {  	_ = 	snop;
	(pc) =	sbr.rel @p1 .LBB2_6-.Ltmp5, $1  }
0xc5: {  	_ =	sdelay $0x3  }
0xc6: {  	s19 =	simm.s32 @!p2 $0x6  }
0xc7: {  	_ =	swait.ge @!p2 [sflag:s19], $0x4000  }
0xc8: {  	[sflag:s19] =	ssyncset.done @!p2 $0x0  }
0xc9: {  	[sflag:s19] =	ssyncadd.s32 @!p2 $0xFFFFC000;
	s19 =	simm.s32 @!p2 $0x8  }
0xca: {  	_ =	swait.ge @!p2 [sflag:s19], $0x6000  }
0xcb: {  	[sflag:s19] =	ssyncset.done @!p2 $0x0  }
0xcc: {  	[sflag:s19] =	ssyncadd.s32 @!p2 $0xFFFFA000  }
0xcd: {  	v3 =	vld [tilespmem:s13+$0x0];
	_ =	sdelay $0x4  }
0xce: {  	v4 =	vshll.u32 v3, $0x1  }
0xcf: {  	v3 =	vand.u32 $0x7, v3;
	v4 =	vand.u32 $0xFFFFFFF0, v4  }
0xd0: {  	v3 =	vor.u32 v3, v4  }
0xd1: {  	v4 =	vperm.xlane v3, v0;
	_ =	sdelay $0x1  }
0xd2: {  	v3 =	vperm.xlane v3, v2;
	v4 =	vadd.s32 v1, v4;
	_ =	sdelay $0x1  }
0xd3: {  	v3 =	vadd.s32 v1, v3;
	_ =	sdelay $0x1  }
0xd4: {  	s20 =	simm.s32 $0x6800  }
0xd5: {  	[tilespmem:s20], [sflag:$0x2] =	stream.indirect_vreg.gather [hbm4b:s3+s2], $0x80, v4, vm0, $0xb8;
	[tilespmem:$0x16800] =	vst v63  }
0xd6: {  	s20 =	simm.s32 $0x7000  }
0xd7: {  	[tilespmem:s20], [sflag:$0x2] =	stream.indirect_vreg.gather [hbm4b:s3+s2], $0x80, v3, vm0, $0xb8;
	[tilespmem:$0x16800] =	vst v63  }
0xd8: {  	v3 =	vld [tilespmem:s13+$0x10];
	_ =	sdelay $0x4  }
0xd9: {  	v57 =	vshll.u32 v3, $0x1  }
0xda: {  	v3 =	vand.u32 $0x7, v3;
	v4 =	vand.u32 $0xFFFFFFF0, v57  }
0xdb: {  	v3 =	vor.u32 v3, v4  }
0xdc: {  	v4 =	vperm.xlane v3, v0;
	_ =	sdelay $0x1  }
0xdd: {  	v3 =	vperm.xlane v3, v2;
	v4 =	vadd.s32 v1, v4;
	_ =	sdelay $0x1  }
0xde: {  	v3 =	vadd.s32 v1, v3;
	_ =	sdelay $0x1  }
0xdf: {  	s20 =	simm.s32 $0x7800  }
0xe0: {  	[tilespmem:s20], [sflag:$0x2] =	stream.indirect_vreg.gather [hbm4b:s3+s2], $0x80, v4, vm0, $0xb8;
	[tilespmem:$0x16800] =	vst v63  }
0xe1: {  	s20 =	simm.s32 $0x8000  }
0xe2: {  	[tilespmem:s20], [sflag:$0x2] =	stream.indirect_vreg.gather [hbm4b:s3+s2], $0x80, v3, vm0, $0xb8;
	[tilespmem:$0x16800] =	vst v63  }
0xe3: {  	v3 =	vld [tilespmem:s13+$0x20];
	_ =	sdelay $0x4  }
0xe4: {  	v58 =	vshll.u32 v3, $0x1  }
0xe5: {  	v3 =	vand.u32 $0x7, v3;
	v4 =	vand.u32 $0xFFFFFFF0, v58  }
0xe6: {  	v3 =	vor.u32 v3, v4  }
0xe7: {  	v4 =	vperm.xlane v3, v0;
	_ =	sdelay $0x1  }
0xe8: {  	v3 =	vperm.xlane v3, v2;
	v4 =	vadd.s32 v1, v4;
	_ =	sdelay $0x1  }
0xe9: {  	v3 =	vadd.s32 v1, v3;
	_ =	sdelay $0x1  }
0xea: {  	s20 =	simm.s32 $0x8800  }
0xeb: {  	[tilespmem:s20], [sflag:$0x2] =	stream.indirect_vreg.gather [hbm4b:s3+s2], $0x80, v4, vm0, $0xb8;
	[tilespmem:$0x16800] =	vst v63  }
0xec: {  	s20 =	simm.s32 $0x9000  }
0xed: {  	[tilespmem:s20], [sflag:$0x2] =	stream.indirect_vreg.gather [hbm4b:s3+s2], $0x80, v3, vm0, $0xb8;
	[tilespmem:$0x16800] =	vst v63  }
0xee: {  	v3 =	vld [tilespmem:s13+$0x30];
	_ =	sdelay $0x4  }
0xef: {  	v59 =	vshll.u32 v3, $0x1  }
0xf0: {  	v3 =	vand.u32 $0x7, v3;
	v4 =	vand.u32 $0xFFFFFFF0, v59  }
0xf1: {  	v3 =	vor.u32 v3, v4  }
0xf2: {  	v4 =	vperm.xlane v3, v0;
	_ =	sdelay $0x1  }
0xf3: {  	v3 =	vperm.xlane v3, v2;
	v4 =	vadd.s32 v1, v4;
	_ =	sdelay $0x1  }
0xf4: {  	v3 =	vadd.s32 v1, v3;
	_ =	sdelay $0x1  }
0xf5: {  	s20 =	simm.s32 $0x9800  }
0xf6: {  	[tilespmem:s20], [sflag:$0x2] =	stream.indirect_vreg.gather [hbm4b:s3+s2], $0x80, v4, vm0, $0xb8;
	[tilespmem:$0x16800] =	vst v63  }
0xf7: {  	_ = 	snop  }
0xf8: {  	[tilespmem:s21], [sflag:$0x2] =	stream.indirect_vreg.gather [hbm4b:s3+s2], $0x80, v3, vm0, $0xb8;
	[tilespmem:$0x16800] =	vst v63  }
0xf9: {  	v3 =	vld [tilespmem:s12+$0x0];
	_ =	sdelay $0x4  }
0xfa: {  	v60 =	vshrl.u32 v3, $0x3  }
0xfb: {  	v4 =	vmul.u32 $0x18, v60  }
0xfc: {  	v3 =	vand.u32 $0x7, v3  }
0xfd: {  	v3 =	vor.u32 v3, v4  }
0xfe: {  	v4 =	vperm.xlane v3, v0;
	_ =	sdelay $0x1  }
0xff: {  	v4 =	vadd.s32 v1, v4;
	_ =	sdelay $0x1  }
0x100: {  	v3 =	vperm.xlane v3, v2;
	_ =	sdelay $0x1  }
0x101: {  	v3 =	vadd.s32 v1, v3  }
0x102: {  	[tilespmem:s22], [sflag:$0x4] =	stream.indirect_vreg.gather [hbm4b:s4+s2], $0x80, v4, vm0, $0xb8;
	[tilespmem:$0x16800] =	vst v63  }
0x103: {  	_ = 	snop  }
0x104: {  	[tilespmem:s23], [sflag:$0x4] =	stream.indirect_vreg.gather [hbm4b:s8+s2], $0x80, v4, vm1, $0xb8;
	[tilespmem:$0x16800] =	vst v63  }
0x105: {  	_ = 	snop  }
0x106: {  	[tilespmem:s24], [sflag:$0x4] =	stream.indirect_vreg.gather [hbm4b:s4+s2], $0x80, v3, vm0, $0xb8;
	[tilespmem:$0x16800] =	vst v63  }
0x107: {  	_ = 	snop  }
0x108: {  	[tilespmem:s25], [sflag:$0x4] =	stream.indirect_vreg.gather [hbm4b:s8+s2], $0x80, v3, vm1, $0xb8;
	[tilespmem:$0x16800] =	vst v63  }
0x109: {  	v3 =	vld [tilespmem:s12+$0x10];
	_ =	sdelay $0x4  }
0x10a: {  	v61 =	vshrl.u32 v3, $0x3  }
0x10b: {  	v4 =	vmul.u32 $0x18, v61  }
0x10c: {  	v3 =	vand.u32 $0x7, v3  }
0x10d: {  	v3 =	vor.u32 v3, v4  }
0x10e: {  	v4 =	vperm.xlane v3, v0;
	_ =	sdelay $0x1  }
0x10f: {  	v4 =	vadd.s32 v1, v4;
	_ =	sdelay $0x1  }
0x110: {  	v3 =	vperm.xlane v3, v2;
	_ =	sdelay $0x1  }
0x111: {  	v3 =	vadd.s32 v1, v3  }
0x112: {  	[tilespmem:s26], [sflag:$0x4] =	stream.indirect_vreg.gather [hbm4b:s4+s2], $0x80, v4, vm0, $0xb8;
	[tilespmem:$0x16800] =	vst v63  }
0x113: {  	_ = 	snop  }
0x114: {  	[tilespmem:s28], [sflag:$0x4] =	stream.indirect_vreg.gather [hbm4b:s8+s2], $0x80, v4, vm1, $0xb8;
	[tilespmem:$0x16800] =	vst v63  }
0x115: {  	_ = 	snop  }
0x116: {  	[tilespmem:s29], [sflag:$0x4] =	stream.indirect_vreg.gather [hbm4b:s4+s2], $0x80, v3, vm0, $0xb8;
	[tilespmem:$0x16800] =	vst v63  }
0x117: {  	_ = 	snop  }
0x118: {  	[tilespmem:s30], [sflag:$0x4] =	stream.indirect_vreg.gather [hbm4b:s8+s2], $0x80, v3, vm1, $0xb8;
	[tilespmem:$0x16800] =	vst v63  }
0x119: {  	v3 =	vld [tilespmem:s12+$0x20];
	_ =	sdelay $0x4  }
0x11a: {  	v62 =	vshrl.u32 v3, $0x3  }
0x11b: {  	v4 =	vmul.u32 $0x18, v62  }
0x11c: {  	v3 =	vand.u32 $0x7, v3  }
0x11d: {  	v3 =	vor.u32 v3, v4  }
0x11e: {  	v4 =	vperm.xlane v3, v0;
	_ =	sdelay $0x1  }
0x11f: {  	v4 =	vadd.s32 v1, v4;
	_ =	sdelay $0x1  }
0x120: {  	v3 =	vperm.xlane v3, v2;
	_ =	sdelay $0x1  }
0x121: {  	v3 =	vadd.s32 v1, v3  }
0x122: {  	[tilespmem:s31], [sflag:$0x4] =	stream.indirect_vreg.gather [hbm4b:s4+s2], $0x80, v4, vm0, $0xb8;
	[tilespmem:$0x16800] =	vst v63  }
0x123: {  	_ = 	snop  }
0x124: {  	[tilespmem:s1], [sflag:$0x4] =	stream.indirect_vreg.gather [hbm4b:s8+s2], $0x80, v4, vm1, $0xb8;
	[tilespmem:$0x16800] =	vst v63  }
0x125: {  	_ = 	snop  }
0x126: {  	[tilespmem:s0], [sflag:$0x4] =	stream.indirect_vreg.gather [hbm4b:s4+s2], $0x80, v3, vm0, $0xb8;
	[tilespmem:$0x16800] =	vst v63  }
0x127: {  	_ = 	snop  }
0x128: {  	[tilespmem:s15], [sflag:$0x4] =	stream.indirect_vreg.gather [hbm4b:s8+s2], $0x80, v3, vm1, $0xb8;
	[tilespmem:$0x16800] =	vst v63  }
0x129: {  	v3 =	vld [tilespmem:s12+$0x30];
	_ =	sdelay $0x4  }
0x12a: {  	v63 =	vshrl.u32 v3, $0x3  }
0x12b: {  	v4 =	vmul.u32 $0x18, v63  }
0x12c: {  	v3 =	vand.u32 $0x7, v3  }
0x12d: {  	v3 =	vor.u32 v3, v4  }
0x12e: {  	v4 =	vperm.xlane v3, v0;
	_ =	sdelay $0x1  }
0x12f: {  	v4 =	vadd.s32 v1, v4;
	_ =	sdelay $0x2  }
0x130: {  	v3 =	vperm.xlane v3, v2;
	_ =	sdelay $0x1  }
0x131: {  	v3 =	vadd.s32 v1, v3;
	[tilespmem:s6], [sflag:$0x4] =	stream.indirect_vreg.gather [hbm4b:s4+s2], $0x80, v4, vm0, $0xb8;
	[tilespmem:$0x16800] =	vst v63  }
0x132: {  	_ = 	snop  }
0x133: {  	[tilespmem:s7], [sflag:$0x4] =	stream.indirect_vreg.gather [hbm4b:s8+s2], $0x80, v4, vm1, $0xb8;
	[tilespmem:$0x16800] =	vst v63  }
.Ltmp6:
0x134: {  	_ = 	snop;
	(pc) =	sbr.rel .LBB2_6-.Ltmp6, $4  }
0x135: {  	_ = 	snop  }
0x136: {  	[tilespmem:s9], [sflag:$0x4] =	stream.indirect_vreg.gather [hbm4b:s4+s2], $0x80, v3, vm0, $0xb8;
	[tilespmem:$0x16800] =	vst v63  }
0x137: {  	_ = 	snop  }
0x138: {  	[tilespmem:s10], [sflag:$0x4] =	stream.indirect_vreg.gather [hbm4b:s8+s2], $0x80, v3, vm1, $0xb8;
	[tilespmem:$0x16800] =	vst v63  }
.LBB2_8:
0x139: {  	_ =	sfence.sel $0x180000  }
0x13a: {  	[bflag:$0x0] =	sbarrier.arrive $0xFFFF  }
0x13b: {  	_ =	strace $0x90000047  }
0x13c: {  	s0 =	stileid.u32;
	[bflag:$0x2] =	sbarrier.arrive $0xFFFF  }
0x13d: {  	p0 =	sne.s32 s0, $0x0;
	s0 =	rddreg [dreg:$0x1]  }
0x13e: {  	s0 =	sadd.s32 @!p0 $0x100000, s0  }
0x13f: {  	[sflag:s0] =	ssyncadd.tile.s32 @!p0 $0x1;
	_ =	shalt  }
.Lfunc_end2:
_tile_overlayer_lowered:
.L_overlay_start_2:
0x140: {  	(tag) =	ssettag $0x2  }
0x141: {  	s0 =	rddreg [dreg:$0x0];
	s2 =	stileid.u32  }
0x142: {  	s1 =	rddreg [dreg:$0x1];
	p0 =	sne.s32 s2, $0x0  }
0x143: {  	s3 =	rddreg [dreg:$0x2];
	[bflag:$0x3] =	sbarrier.arrive $0xFFFF;
	s2 =	simm.s32 @!p0 $0x1C09  }
0x144: {  	[timem:s3], [sflag:s2] =	dma.local @!p0 [hbm:s0], s1  }
0x145: {  	s0 =	simm.s32 @!p0 $0x9  }
0x146: {  	_ =	swait.ge @!p0 [sflag:s0], s1  }
0x147: {  	s1 =	ssub.s32 @!p0 $0x0, s1;
	[sflag:s0] =	ssyncset.done @!p0 $0x0  }
0x148: {  	[sflag:s0] =	ssyncadd.s32 @!p0 s1  }
0x149: {  	[bflag:$0x3] =	sbarrier.arrive $0xFFFF  }
0x14a: {  	_ =	shalt  }

</sc_bundles>
